<compile_context>
chip_gen: v7x
topology: tpu7x:2x2x1
jax: 0.10.2.dev20260603
libtpu: 0.0.44.dev20260713+nightly
codegen_flags: <defaults>
</compile_context>

<pallas_src>
import dataclasses
import functools

import jax
import jax.numpy as jnp
from jax import lax
from jax.experimental import pallas as pl
from jax.experimental.pallas import tpu as pltpu
from jax.experimental.pallas import tpu_sc as plsc

N = 10000
E = 320000
G = 500
H = 128

NC = 2
NS = 16
NW = NC * NS
EPW = E // NW
CH = 80
CNTW = 16

_mesh = plsc.VectorSubcoreMesh(core_axis_name="c", subcore_axis_name="s")

_cp = pltpu.CompilerParams()
if "needs_layout_passes" in pltpu.CompilerParams.__dataclass_fields__:
    _cp = dataclasses.replace(_cp, needs_layout_passes=False)

NR = 80
L = 16
RB = 32


def _silu(x):
    return x * jax.nn.sigmoid(x)


def _prep_body(nf_ref, lat_ref, wa_ref, wb_ref, wip_ref, be1_ref,
               p_ref, q_ref, lb_ref):
    nf = nf_ref[...]
    p_ref[...] = jnp.dot(nf, wa_ref[...], preferred_element_type=jnp.float32)
    q_ref[...] = jnp.dot(nf, wb_ref[...], preferred_element_type=jnp.float32)
    x = lat_ref[...]
    lb = be1_ref[...]
    for i in range(3):
        for j in range(3):
            ip = jnp.sum(x[:, 3 * i:3 * i + 3] * x[:, 3 * j:3 * j + 3],
                         axis=1, keepdims=True)
            lb = lb + ip * wip_ref[3 * i + j:3 * i + j + 1, :]
    lb_ref[...] = jnp.broadcast_to(lb[:, None, :], (G, RB, H)).reshape(G * RB, H)


def _tc_prep(nf, lat9, wa, wb, wip, be1):
    return pl.pallas_call(
        _prep_body,
        out_shape=(
            jax.ShapeDtypeStruct((N, H), jnp.float32),
            jax.ShapeDtypeStruct((N, H), jnp.float32),
            jax.ShapeDtypeStruct((G * RB, H), jnp.float32),
        ),
    )(nf, lat9, wa, wb, wip, be1)


K = EPW // CH


@functools.partial(
    pl.kernel,
    mesh=_mesh,
    out_type=jax.ShapeDtypeStruct((E, H), jnp.float32),
    scratch_types=[
        pltpu.VMEM((CH,), jnp.int32), pltpu.VMEM((CH,), jnp.int32),
        pltpu.VMEM((CH,), jnp.int32), pltpu.VMEM((CH,), jnp.int32),
        pltpu.VMEM((CH,), jnp.int32), pltpu.VMEM((CH,), jnp.int32),
        pltpu.VMEM((CH, H), jnp.float32), pltpu.VMEM((CH, H), jnp.float32),
        pltpu.VMEM((CH, H), jnp.float32), pltpu.VMEM((CH, H), jnp.float32),
        pltpu.VMEM((CH, H), jnp.float32), pltpu.VMEM((CH, H), jnp.float32),
        pltpu.SemaphoreType.DMA, pltpu.SemaphoreType.DMA,
        pltpu.SemaphoreType.DMA, pltpu.SemaphoreType.DMA,
        pltpu.SemaphoreType.DMA, pltpu.SemaphoreType.DMA,
    ],
)
def _sc_gather(p_hbm, q_hbm, lb_hbm, src_hbm, dst_hbm, e2g_hbm, out_hbm,
               si0, si1, di0, di1, gi0, gi1,
               a0, a1, b0_, b1_, c0_, c1_,
               semi0, semi1, semg0, semg1, semo0, semo1):
    cid = lax.axis_index("c")
    sid = lax.axis_index("s")
    wid = sid * NC + cid
    base = wid * EPW
    si = (si0, si1)
    di = (di0, di1)
    gi = (gi0, gi1)
    av = (a0, a1)
    bv = (b0_, b1_)
    cv = (c0_, c1_)
    semi = (semi0, semi1)
    semg = (semg0, semg1)
    semo = (semo0, semo1)

    def issue_idx(c, par):
        o = base + c * CH
        pltpu.async_copy(src_hbm.at[pl.ds(o, CH)], si[par], semi[par])
        pltpu.async_copy(dst_hbm.at[pl.ds(o, CH)], di[par], semi[par])
        pltpu.async_copy(e2g_hbm.at[pl.ds(o, CH)], gi[par], semi[par])

    def wait_idx(c, par):
        o = base + c * CH
        pltpu.make_async_copy(src_hbm.at[pl.ds(o, CH)], si[par], semi[par]).wait()
        pltpu.make_async_copy(dst_hbm.at[pl.ds(o, CH)], di[par], semi[par]).wait()
        pltpu.make_async_copy(e2g_hbm.at[pl.ds(o, CH)], gi[par], semi[par]).wait()

    def spread_gi(par):
        for g in range(CH // L):
            vv = gi[par][pl.ds(g * L, L)]
            gi[par].at[pl.ds(g * L, L)][...] = (
                vv * RB + lax.iota(jnp.int32, L) + ((g % (RB // L)) * L))

    def issue_gather(par):
        pltpu.async_copy(p_hbm.at[si[par]], av[par], semg[par])
        pltpu.async_copy(q_hbm.at[di[par]], bv[par], semg[par])
        pltpu.async_copy(lb_hbm.at[gi[par]], cv[par], semg[par])

    def wait_gather(par):
        pltpu.make_async_copy(p_hbm.at[si[par]], av[par], semg[par]).wait()
        pltpu.make_async_copy(q_hbm.at[di[par]], bv[par], semg[par]).wait()
        pltpu.make_async_copy(lb_hbm.at[gi[par]], cv[par], semg[par]).wait()

    def do_adds(par):
        @pl.loop(0, CH, step=2)
        def _(r):
            for rr in range(2):
                for c in range(H // L):
                    slc = (pl.ds(r + rr, 1), pl.ds(c * L, L))
                    av[par].at[*slc][...] = (av[par].at[*slc][...]
                                             + bv[par].at[*slc][...]
                                             + cv[par].at[*slc][...])

    def issue_out(c, par):
        o = base + c * CH
        pltpu.async_copy(av[par], out_hbm.at[pl.ds(o, CH)], semo[par])

    def wait_out(c, par):
        o = base + c * CH
        pltpu.make_async_copy(av[par], out_hbm.at[pl.ds(o, CH)], semo[par]).wait()

    issue_idx(0, 0)
    wait_idx(0, 0)
    spread_gi(0)
    issue_gather(0)
    issue_idx(1, 1)

    @pl.loop(0, K - 1, step=2)
    def _(i):
        for par in range(2):
            c = i + par

            @pl.when(c >= 1)
            def _():
                wait_out(c - 1, 1 - par)

            wait_idx(c + 1, 1 - par)
            spread_gi(1 - par)
            issue_gather(1 - par)
            wait_gather(par)

            @pl.when(c <= K - 3)
            def _():
                issue_idx(c + 2, par)

            do_adds(par)
            issue_out(c, par)

    wait_out(K - 2, 1)
    wait_gather(0)
    do_adds(0)
    issue_out(K - 1, 0)
    wait_out(K - 1, 0)


BE = 2000


def _emlp_body(pre_ref, w2_ref, b2_ref, out_ref):
    e1 = _silu(pre_ref[...])
    e2 = jnp.dot(e1.astype(jnp.bfloat16), w2_ref[...].astype(jnp.bfloat16),
                 preferred_element_type=jnp.float32) + b2_ref[...]
    out_ref[...] = _silu(e2)


def _tc_edge_mlp(pre, w2, b2):
    return pl.pallas_call(
        _emlp_body,
        grid=(E // BE,),
        in_specs=[
            pl.BlockSpec((BE, H), lambda i: (i, 0)),
            pl.BlockSpec((H, H), lambda i: (0, 0)),
            pl.BlockSpec((1, H), lambda i: (0, 0)),
        ],
        out_specs=pl.BlockSpec((BE, H), lambda i: (i, 0)),
        out_shape=jax.ShapeDtypeStruct((E, H), jnp.float32),
    )(pre, w2, b2)


@functools.partial(
    pl.kernel,
    mesh=_mesh,
    compiler_params=_cp,
    out_type=(
        jax.ShapeDtypeStruct((NC, N, H), jnp.float32),
        jax.ShapeDtypeStruct((NC, NR, H), jnp.float32),
    ),
    scratch_types=[
        pltpu.VMEM_SHARED((N, H), jnp.float32),
        pltpu.VMEM_SHARED((NR, H), jnp.float32),
        pltpu.VMEM((CH,), jnp.int32), pltpu.VMEM((CH,), jnp.int32),
        pltpu.VMEM((CH,), jnp.int32), pltpu.VMEM((CH,), jnp.int32),
        pltpu.VMEM((CH,), jnp.int32), pltpu.VMEM((CH,), jnp.int32),
        pltpu.VMEM((CH, H), jnp.float32), pltpu.VMEM((CH, H), jnp.float32),
        pltpu.VMEM((CH, H), jnp.float32), pltpu.VMEM((CH, H), jnp.float32),
        pltpu.SemaphoreType.DMA, pltpu.SemaphoreType.DMA,
        pltpu.SemaphoreType.DMA, pltpu.SemaphoreType.DMA,
        pltpu.SemaphoreType.DMA, pltpu.SemaphoreType.DMA,
    ],
)
def _sc_scatter(ef_hbm, src_hbm, zs_hbm, sums_hbm, cnt_hbm,
                shared_s, shared_c, ix0, ix1, cx0, cx1, ln0, ln1,
                r0, r1, o0, o1,
                semin0, semin1, sems0, sems1, semc0, semc1):
    cid = lax.axis_index("c")
    sid = lax.axis_index("s")
    idx = (ix0, ix1)
    cidx = (cx0, cx1)
    lanes = (ln0, ln1)
    rows = (r0, r1)
    oh = (o0, o1)
    semin = (semin0, semin1)
    sems = (sems0, sems1)
    semc = (semc0, semc1)

    zrp = 624
    pltpu.sync_copy(zs_hbm.at[pl.ds(sid * zrp, zrp)],
                    shared_s.at[pl.ds(sid * zrp, zrp)])

    @pl.when(sid == 0)
    def _():
        ztail = NS * zrp
        pltpu.sync_copy(zs_hbm.at[pl.ds(ztail, N - ztail)],
                        shared_s.at[pl.ds(ztail, N - ztail)])
        pltpu.sync_copy(zs_hbm.at[pl.ds(0, NR)], shared_c)

    pltpu.sync_copy(zs_hbm.at[pl.ds(0, CH)], o0)
    pltpu.sync_copy(zs_hbm.at[pl.ds(0, CH)], o1)
    plsc.subcore_barrier()

    base = cid * (E // NC) + sid * EPW
    ones16 = jnp.full((L,), 1.0, jnp.float32)
    zeros16 = jnp.zeros((L,), jnp.float32)

    def issue_in(c, par):
        o = base + c * CH
        pltpu.async_copy(src_hbm.at[pl.ds(o, CH)], idx[par], semin[par])
        pltpu.async_copy(ef_hbm.at[pl.ds(o, CH)], rows[par], semin[par])

    def wait_in(c, par):
        o = base + c * CH
        pltpu.make_async_copy(src_hbm.at[pl.ds(o, CH)], idx[par], semin[par]).wait()
        pltpu.make_async_copy(ef_hbm.at[pl.ds(o, CH)], rows[par], semin[par]).wait()

    def chunk_body(c, par, last):
        if not last:
            issue_in(c + 1, 1 - par)
        wait_in(c, par)
        pltpu.sync_copy(rows[par], shared_s.at[idx[par]], add=True)
        for g in range(CH // L):
            v = idx[par][pl.ds(g * L, L)]
            row = lax.iota(jnp.int32, L) + (g * L)
            lane = lax.bitwise_and(v, 127)
            plsc.store_scatter(oh[par], [row, lane], ones16)
            cidx[par].at[pl.ds(g * L, L)][...] = lax.shift_right_logical(v, 7)
        pltpu.sync_copy(oh[par], shared_c.at[cidx[par]], add=True)
        for g in range(CH // L):
            v = idx[par][pl.ds(g * L, L)]
            row = lax.iota(jnp.int32, L) + (g * L)
            lane = lax.bitwise_and(v, 127)
            plsc.store_scatter(oh[par], [row, lane], zeros16)

    issue_in(0, 0)

    @pl.loop(0, K - 1, step=2)
    def _(i):
        for par in range(2):
            chunk_body(i + par, par, False)

    chunk_body(K - 1, 0, True)

    plsc.subcore_barrier()
    rp = 624
    pltpu.sync_copy(shared_s.at[pl.ds(sid * rp, rp)],
                    sums_hbm.at[cid, pl.ds(sid * rp, rp)])

    @pl.when(sid == 0)
    def _():
        tail = NS * rp
        pltpu.sync_copy(shared_s.at[pl.ds(tail, N - tail)],
                        sums_hbm.at[cid, pl.ds(tail, N - tail)])
        pltpu.sync_copy(shared_c, cnt_hbm.at[cid])


def _nmlp_body(nf_ref, s_ref, c_ref, w1a_ref, w1b_ref, b1_ref, w2_ref, b2_ref,
               out_ref):
    nf = nf_ref[...]
    s = s_ref[0] + s_ref[1]
    cpacked = c_ref[0] + c_ref[1]
    b = jnp.broadcast_to(cpacked[:, None, :], (NR, H, H)).reshape(NR * H, H)
    lane = lax.broadcasted_iota(jnp.int32, (NR * H, H), 1)
    rowm = lax.broadcasted_iota(jnp.int32, (NR * H, H), 0) % H
    cnt = jnp.sum(jnp.where(lane == rowm, b, 0.0), axis=1, keepdims=True)[:N]
    agg = s / jnp.maximum(cnt, 1.0)
    n1 = _silu(jnp.dot(nf.astype(jnp.bfloat16),
                       w1a_ref[...].astype(jnp.bfloat16),
                       preferred_element_type=jnp.float32)
               + jnp.dot(agg.astype(jnp.bfloat16),
                         w1b_ref[...].astype(jnp.bfloat16),
                         preferred_element_type=jnp.float32)
               + b1_ref[...])
    n2 = _silu(jnp.dot(n1.astype(jnp.bfloat16), w2_ref[...].astype(jnp.bfloat16),
                       preferred_element_type=jnp.float32)
               + b2_ref[...])
    out_ref[...] = nf + n2


def _tc_node_mlp(nf, sums, cnt, w1a, w1b, b1, w2, b2):
    return pl.pallas_call(
        _nmlp_body,
        out_shape=jax.ShapeDtypeStruct((N, H), jnp.float32),
    )(nf, sums, cnt, w1a, w1b, b1, w2, b2)


def kernel(node_features, frac_coords, lattices_rep, edge_index, edge2graph,
           num_atoms, W_e1, b_e1, W_e2, b_e2, W_n1, b_n1, W_n2, b_n2):
    del frac_coords, num_atoms
    lat9 = lattices_rep.reshape(G, 9)
    wa = W_e1[:H]
    wb = W_e1[H:2 * H]
    wip = W_e1[2 * H:]
    be1 = b_e1.reshape(1, H)
    src = edge_index[0]
    dst = edge_index[1]

    p, q, lb = _tc_prep(node_features, lat9, wa, wb, wip, be1)
    pre = _sc_gather(p, q, lb, src, dst, edge2graph)
    ef = _tc_edge_mlp(pre, W_e2, b_e2.reshape(1, H))

    zs = jnp.zeros((N, H), jnp.float32)
    sums, cnt = _sc_scatter(ef, src, zs)

    return _tc_node_mlp(node_features, sums, cnt,
                        W_n1[:H], W_n1[H:], b_n1.reshape(1, H),
                        W_n2, b_n2.reshape(1, H))

# --- scband reference (transcript-rebuilt; emitter-appended) ---
"""Pipeline reference for scband-csplayer-71657234367118 (READ-ONLY COPY).

The authoritative reference and input builder live on the scoring server;
editing this copy changes nothing except your own understanding.
"""

import jax, jax.numpy as jnp
import numpy as np

N = 10000
E = 320000
G = 500
H = 128
EDGE_IN = 2 * H + 9  # hi, hj, flattened lattice inner products (3x3)


def setup_inputs(seed: int = 0) -> dict:
    key = jax.random.key(seed)
    ks = jax.random.split(key, 16)
    node_features = jax.random.normal(ks[0], (N, H), dtype=jnp.float32)
    frac_coords = jax.random.uniform(ks[1], (N, 3), dtype=jnp.float32)
    lattices_rep = jax.random.normal(ks[2], (G, 3, 3), dtype=jnp.float32)
    edge_index = jax.random.randint(ks[3], (2, E), 0, N, dtype=jnp.int32)
    edge2graph = jnp.sort(jax.random.randint(ks[4], (E,), 0, G, dtype=jnp.int32))
    num_atoms = jax.random.randint(ks[5], (G,), 1, 20, dtype=jnp.int32)
    def lin(k, fan_in, fan_out):
        return jax.random.normal(k, (fan_in, fan_out), dtype=jnp.float32) * (1.0 / np.sqrt(fan_in))
    W_e1 = lin(ks[6], EDGE_IN, H); b_e1 = jnp.zeros((H,), jnp.float32)
    W_e2 = lin(ks[7], H, H);       b_e2 = jnp.zeros((H,), jnp.float32)
    W_n1 = lin(ks[8], 2 * H, H);   b_n1 = jnp.zeros((H,), jnp.float32)
    W_n2 = lin(ks[9], H, H);       b_n2 = jnp.zeros((H,), jnp.float32)
    return {
        'node_features': node_features, 'frac_coords': frac_coords,
        'lattices_rep': lattices_rep, 'edge_index': edge_index,
        'edge2graph': edge2graph, 'num_atoms': num_atoms,
        'W_e1': W_e1, 'b_e1': b_e1, 'W_e2': W_e2, 'b_e2': b_e2,
        'W_n1': W_n1, 'b_n1': b_n1, 'W_n2': W_n2, 'b_n2': b_n2,
    }


def reference(node_features, frac_coords, lattices_rep, edge_index, edge2graph,
              num_atoms, W_e1, b_e1, W_e2, b_e2, W_n1, b_n1, W_n2, b_n2):
    node_input = node_features
    src = edge_index[0]
    dst = edge_index[1]
    # edge model
    hi = jnp.take(node_features, src, axis=0)
    hj = jnp.take(node_features, dst, axis=0)
    # frac_diff computed in the torch forward (unused since dis_emb is None)
    frac_diff = jnp.mod(jnp.take(frac_coords, dst, axis=0) - jnp.take(frac_coords, src, axis=0), 1.0)
    del frac_diff
    # ip=True: lattice inner products
    lattice_ips = jnp.matmul(lattices_rep, jnp.swapaxes(lattices_rep, -1, -2))  # [G,3,3]
    lattice_ips_flat = lattice_ips.reshape(lattice_ips.shape[0], -1)  # [G,9]
    lattice_ips_edges = jnp.take(lattice_ips_flat, edge2graph, axis=0)  # [E,9]
    edges_input = jnp.concatenate([hi, hj, lattice_ips_edges], axis=1)  # [E, 2H+9]
    e = jax.nn.silu(edges_input @ W_e1 + b_e1)
    edge_features = jax.nn.silu(e @ W_e2 + b_e2)
    # node model: scatter-mean over source index
    sums = jax.ops.segment_sum(edge_features, src, num_segments=node_features.shape[0])
    cnt = jax.ops.segment_sum(jnp.ones((edge_features.shape[0], 1), jnp.float32), src,
                              num_segments=node_features.shape[0])
    agg = sums / jnp.maximum(cnt, 1.0)
    h = jnp.concatenate([node_features, agg], axis=1)
    n = jax.nn.silu(h @ W_n1 + b_n1)
    node_output = jax.nn.silu(n @ W_n2 + b_n2)
    return node_input + node_output

if __name__ == "__main__":
    import jax
    _d = setup_inputs()
    print(jax.jit(kernel)(*tuple(_d.values())))

</pallas_src>

<mosaic_0001>
#map = affine_map<(d0, d1) -> (0, 0)>
#map1 = affine_map<(d0, d1) -> (0)>
module attributes {stable_mosaic.version = 14 : i64} {
  func.func @_sc_gather(%arg0: i32, %arg1: i32, %arg2: memref<10000x128xf32, #tpu.memory_space<hbm>>, %arg3: memref<10000x128xf32, #tpu.memory_space<hbm>>, %arg4: memref<16000x128xf32, #tpu.memory_space<hbm>>, %arg5: memref<320000xi32, #tpu.memory_space<hbm>>, %arg6: memref<320000xi32, #tpu.memory_space<hbm>>, %arg7: memref<320000xi32, #tpu.memory_space<hbm>>, %arg8: memref<320000x128xf32, #tpu.memory_space<hbm>>, %arg9: memref<80xi32, #tpu.memory_space<vmem>>, %arg10: memref<80xi32, #tpu.memory_space<vmem>>, %arg11: memref<80xi32, #tpu.memory_space<vmem>>, %arg12: memref<80xi32, #tpu.memory_space<vmem>>, %arg13: memref<80xi32, #tpu.memory_space<vmem>>, %arg14: memref<80xi32, #tpu.memory_space<vmem>>, %arg15: memref<80x128xf32, #tpu.memory_space<vmem>>, %arg16: memref<80x128xf32, #tpu.memory_space<vmem>>, %arg17: memref<80x128xf32, #tpu.memory_space<vmem>>, %arg18: memref<80x128xf32, #tpu.memory_space<vmem>>, %arg19: memref<80x128xf32, #tpu.memory_space<vmem>>, %arg20: memref<80x128xf32, #tpu.memory_space<vmem>>, %arg21: memref<!tpu.dma_semaphore, #tpu.memory_space<semaphore_mem>>, %arg22: memref<!tpu.dma_semaphore, #tpu.memory_space<semaphore_mem>>, %arg23: memref<!tpu.dma_semaphore, #tpu.memory_space<semaphore_mem>>, %arg24: memref<!tpu.dma_semaphore, #tpu.memory_space<semaphore_mem>>, %arg25: memref<!tpu.dma_semaphore, #tpu.memory_space<semaphore_mem>>, %arg26: memref<!tpu.dma_semaphore, #tpu.memory_space<semaphore_mem>>) attributes {dimension_semantics = [#tpu.dimension_semantics<core_parallel>, #tpu.dimension_semantics<subcore_parallel>], iteration_bounds = array<i64: 2, 16>, scalar_prefetch = 0 : i64, scratch_operands = 18 : i64, tpu.core_type = #tpu.core_type<sc_vector_subcore>, window_params = [{transform_indices = #map}, {transform_indices = #map}, {transform_indices = #map}, {transform_indices = #map1}, {transform_indices = #map1}, {transform_indices = #map1}, {transform_indices = #map}]} {
    %mul3A = arith.constant 2 : i32
    %mul3A_0 = arith.muli %arg1, %mul3A : i32
    %add3A = arith.addi %mul3A_0, %arg0 : i32
    %mul3A_1 = arith.constant 10000 : i32
    %mul3A_2 = arith.muli %add3A, %mul3A_1 : i32
    %add3A_3 = arith.constant 0 : i32
    %add3A_4 = arith.addi %mul3A_2, %add3A_3 : i32
    %dma_start3A = tpu.memref_slice %arg5[%add3A_4] : memref<320000xi32, #tpu.memory_space<hbm>> -> memref<80xi32, #tpu.memory_space<hbm>>
    %dma_start3A_5 = tpu.memref_slice %arg5[%add3A_4] : memref<320000xi32, #tpu.memory_space<hbm>> -> memref<80xi32, #tpu.memory_space<hbm>>
    tpu.enqueue_dma source(%dma_start3A_5 : memref<80xi32, #tpu.memory_space<hbm>>) target(%arg9 : memref<80xi32, #tpu.memory_space<vmem>>) target_semaphore(%arg21 : memref<!tpu.dma_semaphore, #tpu.memory_space<semaphore_mem>>)
    %dma_start3A_6 = tpu.memref_slice %arg6[%add3A_4] : memref<320000xi32, #tpu.memory_space<hbm>> -> memref<80xi32, #tpu.memory_space<hbm>>
    %dma_start3A_7 = tpu.memref_slice %arg6[%add3A_4] : memref<320000xi32, #tpu.memory_space<hbm>> -> memref<80xi32, #tpu.memory_space<hbm>>
    tpu.enqueue_dma source(%dma_start3A_7 : memref<80xi32, #tpu.memory_space<hbm>>) target(%arg11 : memref<80xi32, #tpu.memory_space<vmem>>) target_semaphore(%arg21 : memref<!tpu.dma_semaphore, #tpu.memory_space<semaphore_mem>>)
    %dma_start3A_8 = tpu.memref_slice %arg7[%add3A_4] : memref<320000xi32, #tpu.memory_space<hbm>> -> memref<80xi32, #tpu.memory_space<hbm>>
    %dma_start3A_9 = tpu.memref_slice %arg7[%add3A_4] : memref<320000xi32, #tpu.memory_space<hbm>> -> memref<80xi32, #tpu.memory_space<hbm>>
    tpu.enqueue_dma source(%dma_start3A_9 : memref<80xi32, #tpu.memory_space<hbm>>) target(%arg13 : memref<80xi32, #tpu.memory_space<vmem>>) target_semaphore(%arg21 : memref<!tpu.dma_semaphore, #tpu.memory_space<semaphore_mem>>)
    %add3A_10 = arith.constant 0 : i32
    %add3A_11 = arith.addi %mul3A_2, %add3A_10 : i32
    %dma_wait3A = tpu.memref_slice %arg5[%add3A_11] : memref<320000xi32, #tpu.memory_space<hbm>> -> memref<80xi32, #tpu.memory_space<hbm>>
    %dma_wait3A_12 = tpu.memref_slice %arg5[%add3A_11] : memref<320000xi32, #tpu.memory_space<hbm>> -> memref<80xi32, #tpu.memory_space<hbm>>
    tpu.wait_dma2 semaphore(%arg21 : memref<!tpu.dma_semaphore, #tpu.memory_space<semaphore_mem>>) src(%dma_wait3A_12 : memref<80xi32, #tpu.memory_space<hbm>>) dst(%arg9 : memref<80xi32, #tpu.memory_space<vmem>>)
    %dma_wait3A_13 = tpu.memref_slice %arg6[%add3A_11] : memref<320000xi32, #tpu.memory_space<hbm>> -> memref<80xi32, #tpu.memory_space<hbm>>
    %dma_wait3A_14 = tpu.memref_slice %arg6[%add3A_11] : memref<320000xi32, #tpu.memory_space<hbm>> -> memref<80xi32, #tpu.memory_space<hbm>>
    tpu.wait_dma2 semaphore(%arg21 : memref<!tpu.dma_semaphore, #tpu.memory_space<semaphore_mem>>) src(%dma_wait3A_14 : memref<80xi32, #tpu.memory_space<hbm>>) dst(%arg11 : memref<80xi32, #tpu.memory_space<vmem>>)
    %dma_wait3A_15 = tpu.memref_slice %arg7[%add3A_11] : memref<320000xi32, #tpu.memory_space<hbm>> -> memref<80xi32, #tpu.memory_space<hbm>>
    %dma_wait3A_16 = tpu.memref_slice %arg7[%add3A_11] : memref<320000xi32, #tpu.memory_space<hbm>> -> memref<80xi32, #tpu.memory_space<hbm>>
    tpu.wait_dma2 semaphore(%arg21 : memref<!tpu.dma_semaphore, #tpu.memory_space<semaphore_mem>>) src(%dma_wait3A_16 : memref<80xi32, #tpu.memory_space<hbm>>) dst(%arg13 : memref<80xi32, #tpu.memory_space<vmem>>)
    %get3A = arith.constant 0 : index
    %get3A_17 = tpu.vector_load %arg13[%get3A] {strides = array<i32>} : memref<80xi32, #tpu.memory_space<vmem>>, vector<16xi32>,
    %get3A_18 = vector.shape_cast %get3A_17 : vector<16xi32> to vector<16xi32>
    %mul3A_19 = arith.constant 32 : i32
    %mul3A_20 = vector.broadcast %mul3A_19 : i32 to vector<16xi32>
    %mul3A_21 = arith.muli %get3A_18, %mul3A_20 : vector<16xi32>
    %iota3A = tpu.iota {dimensions = array<i32: 0>} : vector<16xi32>
    %add3A_22 = arith.addi %mul3A_21, %iota3A : vector<16xi32>
    %add3A_23 = arith.constant 0 : i32
    %add3A_24 = vector.broadcast %add3A_23 : i32 to vector<16xi32>
    %add3A_25 = arith.addi %add3A_22, %add3A_24 : vector<16xi32>
    %swap3A = arith.constant 0 : index
    %swap3A_26 = tpu.vector_load %arg13[%swap3A] {strides = array<i32>} : memref<80xi32, #tpu.memory_space<vmem>>, vector<16xi32>,
    %swap3A_27 = vector.shape_cast %swap3A_26 : vector<16xi32> to vector<16xi32>
    %swap3A_28 = vector.shape_cast %add3A_25 : vector<16xi32> to vector<16xi32>
    tpu.vector_store %arg13[%swap3A], %swap3A_28 {strides = array<i32>} : memref<80xi32, #tpu.memory_space<vmem>>, vector<16xi32>,
    %get3A_29 = arith.constant 16 : index
    %get3A_30 = tpu.vector_load %arg13[%get3A_29] {strides = array<i32>} : memref<80xi32, #tpu.memory_space<vmem>>, vector<16xi32>,
    %get3A_31 = vector.shape_cast %get3A_30 : vector<16xi32> to vector<16xi32>
    %mul3A_32 = arith.constant 32 : i32
    %mul3A_33 = vector.broadcast %mul3A_32 : i32 to vector<16xi32>
    %mul3A_34 = arith.muli %get3A_31, %mul3A_33 : vector<16xi32>
    %iota3A_35 = tpu.iota {dimensions = array<i32: 0>} : vector<16xi32>
    %add3A_36 = arith.addi %mul3A_34, %iota3A_35 : vector<16xi32>
    %add3A_37 = arith.constant 16 : i32
    %add3A_38 = vector.broadcast %add3A_37 : i32 to vector<16xi32>
    %add3A_39 = arith.addi %add3A_36, %add3A_38 : vector<16xi32>
    %swap3A_40 = arith.constant 16 : index
    %swap3A_41 = tpu.vector_load %arg13[%swap3A_40] {strides = array<i32>} : memref<80xi32, #tpu.memory_space<vmem>>, vector<16xi32>,
    %swap3A_42 = vector.shape_cast %swap3A_41 : vector<16xi32> to vector<16xi32>
    %swap3A_43 = vector.shape_cast %add3A_39 : vector<16xi32> to vector<16xi32>
    tpu.vector_store %arg13[%swap3A_40], %swap3A_43 {strides = array<i32>} : memref<80xi32, #tpu.memory_space<vmem>>, vector<16xi32>,
    %get3A_44 = arith.constant 32 : index
    %get3A_45 = tpu.vector_load %arg13[%get3A_44] {strides = array<i32>} : memref<80xi32, #tpu.memory_space<vmem>>, vector<16xi32>,
    %get3A_46 = vector.shape_cast %get3A_45 : vector<16xi32> to vector<16xi32>
    %mul3A_47 = arith.constant 32 : i32
    %mul3A_48 = vector.broadcast %mul3A_47 : i32 to vector<16xi32>
    %mul3A_49 = arith.muli %get3A_46, %mul3A_48 : vector<16xi32>
    %iota3A_50 = tpu.iota {dimensions = array<i32: 0>} : vector<16xi32>
    %add3A_51 = arith.addi %mul3A_49, %iota3A_50 : vector<16xi32>
    %add3A_52 = arith.constant 0 : i32
    %add3A_53 = vector.broadcast %add3A_52 : i32 to vector<16xi32>
    %add3A_54 = arith.addi %add3A_51, %add3A_53 : vector<16xi32>
    %swap3A_55 = arith.constant 32 : index
    %swap3A_56 = tpu.vector_load %arg13[%swap3A_55] {strides = array<i32>} : memref<80xi32, #tpu.memory_space<vmem>>, vector<16xi32>,
    %swap3A_57 = vector.shape_cast %swap3A_56 : vector<16xi32> to vector<16xi32>
    %swap3A_58 = vector.shape_cast %add3A_54 : vector<16xi32> to vector<16xi32>
    tpu.vector_store %arg13[%swap3A_55], %swap3A_58 {strides = array<i32>} : memref<80xi32, #tpu.memory_space<vmem>>, vector<16xi32>,
    %get3A_59 = arith.constant 48 : index
    %get3A_60 = tpu.vector_load %arg13[%get3A_59] {strides = array<i32>} : memref<80xi32, #tpu.memory_space<vmem>>, vector<16xi32>,
    %get3A_61 = vector.shape_cast %get3A_60 : vector<16xi32> to vector<16xi32>
    %mul3A_62 = arith.constant 32 : i32
    %mul3A_63 = vector.broadcast %mul3A_62 : i32 to vector<16xi32>
    %mul3A_64 = arith.muli %get3A_61, %mul3A_63 : vector<16xi32>
    %iota3A_65 = tpu.iota {dimensions = array<i32: 0>} : vector<16xi32>
    %add3A_66 = arith.addi %mul3A_64, %iota3A_65 : vector<16xi32>
    %add3A_67 = arith.constant 16 : i32
    %add3A_68 = vector.broadcast %add3A_67 : i32 to vector<16xi32>
    %add3A_69 = arith.addi %add3A_66, %add3A_68 : vector<16xi32>
    %swap3A_70 = arith.constant 48 : index
    %swap3A_71 = tpu.vector_load %arg13[%swap3A_70] {strides = array<i32>} : memref<80xi32, #tpu.memory_space<vmem>>, vector<16xi32>,
    %swap3A_72 = vector.shape_cast %swap3A_71 : vector<16xi32> to vector<16xi32>
    %swap3A_73 = vector.shape_cast %add3A_69 : vector<16xi32> to vector<16xi32>
    tpu.vector_store %arg13[%swap3A_70], %swap3A_73 {strides = array<i32>} : memref<80xi32, #tpu.memory_space<vmem>>, vector<16xi32>,
    %get3A_74 = arith.constant 64 : index
    %get3A_75 = tpu.vector_load %arg13[%get3A_74] {strides = array<i32>} : memref<80xi32, #tpu.memory_space<vmem>>, vector<16xi32>,
    %get3A_76 = vector.shape_cast %get3A_75 : vector<16xi32> to vector<16xi32>
    %mul3A_77 = arith.constant 32 : i32
    %mul3A_78 = vector.broadcast %mul3A_77 : i32 to vector<16xi32>
    %mul3A_79 = arith.muli %get3A_76, %mul3A_78 : vector<16xi32>
    %iota3A_80 = tpu.iota {dimensions = array<i32: 0>} : vector<16xi32>
    %add3A_81 = arith.addi %mul3A_79, %iota3A_80 : vector<16xi32>
    %add3A_82 = arith.constant 0 : i32
    %add3A_83 = vector.broadcast %add3A_82 : i32 to vector<16xi32>
    %add3A_84 = arith.addi %add3A_81, %add3A_83 : vector<16xi32>
    %swap3A_85 = arith.constant 64 : index
    %swap3A_86 = tpu.vector_load %arg13[%swap3A_85] {strides = array<i32>} : memref<80xi32, #tpu.memory_space<vmem>>, vector<16xi32>,
    %swap3A_87 = vector.shape_cast %swap3A_86 : vector<16xi32> to vector<16xi32>
    %swap3A_88 = vector.shape_cast %add3A_84 : vector<16xi32> to vector<16xi32>
    tpu.vector_store %arg13[%swap3A_85], %swap3A_88 {strides = array<i32>} : memref<80xi32, #tpu.memory_space<vmem>>, vector<16xi32>,
    %dma_start3A_89 = arith.constant 0 : i32
    %dma_start3A_90 = arith.constant 0 : i32
    %dma_start3A_91 = tpu.memref_slice %arg2[%dma_start3A_89, %dma_start3A_90] : memref<10000x128xf32, #tpu.memory_space<hbm>> -> memref<10000x128xf32, #tpu.memory_space<hbm>>
    tpu.enqueue_indirect_dma source(%dma_start3A_91 : memref<10000x128xf32, #tpu.memory_space<hbm>>) target(%arg15 : memref<80x128xf32, #tpu.memory_space<vmem>>) offsets(%arg9 : memref<80xi32, #tpu.memory_space<vmem>>) semaphore(%arg23 : memref<!tpu.dma_semaphore, #tpu.memory_space<semaphore_mem>>)
    %dma_start3A_92 = arith.constant 0 : i32
    %dma_start3A_93 = arith.constant 0 : i32
    %dma_start3A_94 = tpu.memref_slice %arg3[%dma_start3A_92, %dma_start3A_93] : memref<10000x128xf32, #tpu.memory_space<hbm>> -> memref<10000x128xf32, #tpu.memory_space<hbm>>
    tpu.enqueue_indirect_dma source(%dma_start3A_94 : memref<10000x128xf32, #tpu.memory_space<hbm>>) target(%arg17 : memref<80x128xf32, #tpu.memory_space<vmem>>) offsets(%arg11 : memref<80xi32, #tpu.memory_space<vmem>>) semaphore(%arg23 : memref<!tpu.dma_semaphore, #tpu.memory_space<semaphore_mem>>)
    %dma_start3A_95 = arith.constant 0 : i32
    %dma_start3A_96 = arith.constant 0 : i32
    %dma_start3A_97 = tpu.memref_slice %arg4[%dma_start3A_95, %dma_start3A_96] : memref<16000x128xf32, #tpu.memory_space<hbm>> -> memref<16000x128xf32, #tpu.memory_space<hbm>>
    tpu.enqueue_indirect_dma source(%dma_start3A_97 : memref<16000x128xf32, #tpu.memory_space<hbm>>) target(%arg19 : memref<80x128xf32, #tpu.memory_space<vmem>>) offsets(%arg13 : memref<80xi32, #tpu.memory_space<vmem>>) semaphore(%arg23 : memref<!tpu.dma_semaphore, #tpu.memory_space<semaphore_mem>>)
    %add3A_98 = arith.constant 80 : i32
    %add3A_99 = arith.addi %mul3A_2, %add3A_98 : i32
    %dma_start3A_100 = tpu.memref_slice %arg5[%add3A_99] : memref<320000xi32, #tpu.memory_space<hbm>> -> memref<80xi32, #tpu.memory_space<hbm>>
    %dma_start3A_101 = tpu.memref_slice %arg5[%add3A_99] : memref<320000xi32, #tpu.memory_space<hbm>> -> memref<80xi32, #tpu.memory_space<hbm>>
    tpu.enqueue_dma source(%dma_start3A_101 : memref<80xi32, #tpu.memory_space<hbm>>) target(%arg10 : memref<80xi32, #tpu.memory_space<vmem>>) target_semaphore(%arg22 : memref<!tpu.dma_semaphore, #tpu.memory_space<semaphore_mem>>)
    %dma_start3A_102 = tpu.memref_slice %arg6[%add3A_99] : memref<320000xi32, #tpu.memory_space<hbm>> -> memref<80xi32, #tpu.memory_space<hbm>>
    %dma_start3A_103 = tpu.memref_slice %arg6[%add3A_99] : memref<320000xi32, #tpu.memory_space<hbm>> -> memref<80xi32, #tpu.memory_space<hbm>>
    tpu.enqueue_dma source(%dma_start3A_103 : memref<80xi32, #tpu.memory_space<hbm>>) target(%arg12 : memref<80xi32, #tpu.memory_space<vmem>>) target_semaphore(%arg22 : memref<!tpu.dma_semaphore, #tpu.memory_space<semaphore_mem>>)
    %dma_start3A_104 = tpu.memref_slice %arg7[%add3A_99] : memref<320000xi32, #tpu.memory_space<hbm>> -> memref<80xi32, #tpu.memory_space<hbm>>
    %dma_start3A_105 = tpu.memref_slice %arg7[%add3A_99] : memref<320000xi32, #tpu.memory_space<hbm>> -> memref<80xi32, #tpu.memory_space<hbm>>
    tpu.enqueue_dma source(%dma_start3A_105 : memref<80xi32, #tpu.memory_space<hbm>>) target(%arg14 : memref<80xi32, #tpu.memory_space<vmem>>) target_semaphore(%arg22 : memref<!tpu.dma_semaphore, #tpu.memory_space<semaphore_mem>>)
    %scan3A = arith.constant 0 : i32
    %scan3A_106 = arith.constant 62 : i32
    %scan3A_107 = arith.addi %scan3A, %scan3A_106 : i32
    %scan3A_108 = arith.constant 1 : i32
    scf.for %scan3A_142 = %scan3A to %scan3A_107 step %scan3A_108  : i32 {
      %mul3A_143 = arith.constant 2 : i32
      %mul3A_144 = arith.muli %scan3A_142, %mul3A_143 : i32
      %add3A_145 = arith.constant 0 : i32
      %add3A_146 = arith.addi %add3A_145, %mul3A_144 : i32
      %add3A_147 = arith.constant 0 : i32
      %add3A_148 = arith.addi %add3A_146, %add3A_147 : i32
      %ge3A = arith.constant 1 : i32
      %ge3A_149 = arith.cmpi sge, %add3A_148, %ge3A : i32
      %convert_element_type3A = arith.extui %ge3A_149 : i1 to i32
      %cond3A = arith.constant 0 : i32
      %cond3A_150 = arith.cmpi ne, %convert_element_type3A, %cond3A : i32
      scf.if %cond3A_150 {
        %sub3A = arith.constant 1 : i32
        %sub3A_399 = arith.subi %add3A_148, %sub3A : i32
        %mul3A_400 = arith.constant 80 : i32
        %mul3A_401 = arith.muli %sub3A_399, %mul3A_400 : i32
        %add3A_402 = arith.addi %mul3A_2, %mul3A_401 : i32
        %dma_wait3A_403 = arith.constant 0 : i32
        %dma_wait3A_404 = tpu.memref_slice %arg8[%add3A_402, %dma_wait3A_403] : memref<320000x128xf32, #tpu.memory_space<hbm>> -> memref<80x128xf32, #tpu.memory_space<hbm>>
        %dma_wait3A_405 = arith.constant 0 : i32
        %dma_wait3A_406 = tpu.memref_slice %arg8[%add3A_402, %dma_wait3A_405] : memref<320000x128xf32, #tpu.memory_space<hbm>> -> memref<80x128xf32, #tpu.memory_space<hbm>>
        tpu.wait_dma2 semaphore(%arg26 : memref<!tpu.dma_semaphore, #tpu.memory_space<semaphore_mem>>) src(%arg16 : memref<80x128xf32, #tpu.memory_space<vmem>>) dst(%dma_wait3A_406 : memref<80x128xf32, #tpu.memory_space<hbm>>)
      } else {
      }
      %add3A_151 = arith.constant 1 : i32
      %add3A_152 = arith.addi %add3A_148, %add3A_151 : i32
      %mul3A_153 = arith.constant 80 : i32
      %mul3A_154 = arith.muli %add3A_152, %mul3A_153 : i32
      %add3A_155 = arith.addi %mul3A_2, %mul3A_154 : i32
      %dma_wait3A_156 = tpu.memref_slice %arg5[%add3A_155] : memref<320000xi32, #tpu.memory_space<hbm>> -> memref<80xi32, #tpu.memory_space<hbm>>
      %dma_wait3A_157 = tpu.memref_slice %arg5[%add3A_155] : memref<320000xi32, #tpu.memory_space<hbm>> -> memref<80xi32, #tpu.memory_space<hbm>>
      tpu.wait_dma2 semaphore(%arg22 : memref<!tpu.dma_semaphore, #tpu.memory_space<semaphore_mem>>) src(%dma_wait3A_157 : memref<80xi32, #tpu.memory_space<hbm>>) dst(%arg10 : memref<80xi32, #tpu.memory_space<vmem>>)
      %dma_wait3A_158 = tpu.memref_slice %arg6[%add3A_155] : memref<320000xi32, #tpu.memory_space<hbm>> -> memref<80xi32, #tpu.memory_space<hbm>>
      %dma_wait3A_159 = tpu.memref_slice %arg6[%add3A_155] : memref<320000xi32, #tpu.memory_space<hbm>> -> memref<80xi32, #tpu.memory_space<hbm>>
      tpu.wait_dma2 semaphore(%arg22 : memref<!tpu.dma_semaphore, #tpu.memory_space<semaphore_mem>>) src(%dma_wait3A_159 : memref<80xi32, #tpu.memory_space<hbm>>) dst(%arg12 : memref<80xi32, #tpu.memory_space<vmem>>)
      %dma_wait3A_160 = tpu.memref_slice %arg7[%add3A_155] : memref<320000xi32, #tpu.memory_space<hbm>> -> memref<80xi32, #tpu.memory_space<hbm>>
      %dma_wait3A_161 = tpu.memref_slice %arg7[%add3A_155] : memref<320000xi32, #tpu.memory_space<hbm>> -> memref<80xi32, #tpu.memory_space<hbm>>
      tpu.wait_dma2 semaphore(%arg22 : memref<!tpu.dma_semaphore, #tpu.memory_space<semaphore_mem>>) src(%dma_wait3A_161 : memref<80xi32, #tpu.memory_space<hbm>>) dst(%arg14 : memref<80xi32, #tpu.memory_space<vmem>>)
      %get3A_162 = arith.constant 0 : index
      %get3A_163 = tpu.vector_load %arg14[%get3A_162] {strides = array<i32>} : memref<80xi32, #tpu.memory_space<vmem>>, vector<16xi32>,
      %get3A_164 = vector.shape_cast %get3A_163 : vector<16xi32> to vector<16xi32>
      %mul3A_165 = arith.constant 32 : i32
      %mul3A_166 = vector.broadcast %mul3A_165 : i32 to vector<16xi32>
      %mul3A_167 = arith.muli %get3A_164, %mul3A_166 : vector<16xi32>
      %iota3A_168 = tpu.iota {dimensions = array<i32: 0>} : vector<16xi32>
      %add3A_169 = arith.addi %mul3A_167, %iota3A_168 : vector<16xi32>
      %add3A_170 = arith.constant 0 : i32
      %add3A_171 = vector.broadcast %add3A_170 : i32 to vector<16xi32>
      %add3A_172 = arith.addi %add3A_169, %add3A_171 : vector<16xi32>
      %swap3A_173 = arith.constant 0 : index
      %swap3A_174 = tpu.vector_load %arg14[%swap3A_173] {strides = array<i32>} : memref<80xi32, #tpu.memory_space<vmem>>, vector<16xi32>,
      %swap3A_175 = vector.shape_cast %swap3A_174 : vector<16xi32> to vector<16xi32>
      %swap3A_176 = vector.shape_cast %add3A_172 : vector<16xi32> to vector<16xi32>
      tpu.vector_store %arg14[%swap3A_173], %swap3A_176 {strides = array<i32>} : memref<80xi32, #tpu.memory_space<vmem>>, vector<16xi32>,
      %get3A_177 = arith.constant 16 : index
      %get3A_178 = tpu.vector_load %arg14[%get3A_177] {strides = array<i32>} : memref<80xi32, #tpu.memory_space<vmem>>, vector<16xi32>,
      %get3A_179 = vector.shape_cast %get3A_178 : vector<16xi32> to vector<16xi32>
      %mul3A_180 = arith.constant 32 : i32
      %mul3A_181 = vector.broadcast %mul3A_180 : i32 to vector<16xi32>
      %mul3A_182 = arith.muli %get3A_179, %mul3A_181 : vector<16xi32>
      %iota3A_183 = tpu.iota {dimensions = array<i32: 0>} : vector<16xi32>
      %add3A_184 = arith.addi %mul3A_182, %iota3A_183 : vector<16xi32>
      %add3A_185 = arith.constant 16 : i32
      %add3A_186 = vector.broadcast %add3A_185 : i32 to vector<16xi32>
      %add3A_187 = arith.addi %add3A_184, %add3A_186 : vector<16xi32>
      %swap3A_188 = arith.constant 16 : index
      %swap3A_189 = tpu.vector_load %arg14[%swap3A_188] {strides = array<i32>} : memref<80xi32, #tpu.memory_space<vmem>>, vector<16xi32>,
      %swap3A_190 = vector.shape_cast %swap3A_189 : vector<16xi32> to vector<16xi32>
      %swap3A_191 = vector.shape_cast %add3A_187 : vector<16xi32> to vector<16xi32>
      tpu.vector_store %arg14[%swap3A_188], %swap3A_191 {strides = array<i32>} : memref<80xi32, #tpu.memory_space<vmem>>, vector<16xi32>,
      %get3A_192 = arith.constant 32 : index
      %get3A_193 = tpu.vector_load %arg14[%get3A_192] {strides = array<i32>} : memref<80xi32, #tpu.memory_space<vmem>>, vector<16xi32>,
      %get3A_194 = vector.shape_cast %get3A_193 : vector<16xi32> to vector<16xi32>
      %mul3A_195 = arith.constant 32 : i32
      %mul3A_196 = vector.broadcast %mul3A_195 : i32 to vector<16xi32>
      %mul3A_197 = arith.muli %get3A_194, %mul3A_196 : vector<16xi32>
      %iota3A_198 = tpu.iota {dimensions = array<i32: 0>} : vector<16xi32>
      %add3A_199 = arith.addi %mul3A_197, %iota3A_198 : vector<16xi32>
      %add3A_200 = arith.constant 0 : i32
      %add3A_201 = vector.broadcast %add3A_200 : i32 to vector<16xi32>
      %add3A_202 = arith.addi %add3A_199, %add3A_201 : vector<16xi32>
      %swap3A_203 = arith.constant 32 : index
      %swap3A_204 = tpu.vector_load %arg14[%swap3A_203] {strides = array<i32>} : memref<80xi32, #tpu.memory_space<vmem>>, vector<16xi32>,
      %swap3A_205 = vector.shape_cast %swap3A_204 : vector<16xi32> to vector<16xi32>
      %swap3A_206 = vector.shape_cast %add3A_202 : vector<16xi32> to vector<16xi32>
      tpu.vector_store %arg14[%swap3A_203], %swap3A_206 {strides = array<i32>} : memref<80xi32, #tpu.memory_space<vmem>>, vector<16xi32>,
      %get3A_207 = arith.constant 48 : index
      %get3A_208 = tpu.vector_load %arg14[%get3A_207] {strides = array<i32>} : memref<80xi32, #tpu.memory_space<vmem>>, vector<16xi32>,
      %get3A_209 = vector.shape_cast %get3A_208 : vector<16xi32> to vector<16xi32>
      %mul3A_210 = arith.constant 32 : i32
      %mul3A_211 = vector.broadcast %mul3A_210 : i32 to vector<16xi32>
      %mul3A_212 = arith.muli %get3A_209, %mul3A_211 : vector<16xi32>
      %iota3A_213 = tpu.iota {dimensions = array<i32: 0>} : vector<16xi32>
      %add3A_214 = arith.addi %mul3A_212, %iota3A_213 : vector<16xi32>
      %add3A_215 = arith.constant 16 : i32
      %add3A_216 = vector.broadcast %add3A_215 : i32 to vector<16xi32>
      %add3A_217 = arith.addi %add3A_214, %add3A_216 : vector<16xi32>
      %swap3A_218 = arith.constant 48 : index
      %swap3A_219 = tpu.vector_load %arg14[%swap3A_218] {strides = array<i32>} : memref<80xi32, #tpu.memory_space<vmem>>, vector<16xi32>,
      %swap3A_220 = vector.shape_cast %swap3A_219 : vector<16xi32> to vector<16xi32>
      %swap3A_221 = vector.shape_cast %add3A_217 : vector<16xi32> to vector<16xi32>
      tpu.vector_store %arg14[%swap3A_218], %swap3A_221 {strides = array<i32>} : memref<80xi32, #tpu.memory_space<vmem>>, vector<16xi32>,
      %get3A_222 = arith.constant 64 : index
      %get3A_223 = tpu.vector_load %arg14[%get3A_222] {strides = array<i32>} : memref<80xi32, #tpu.memory_space<vmem>>, vector<16xi32>,
      %get3A_224 = vector.shape_cast %get3A_223 : vector<16xi32> to vector<16xi32>
      %mul3A_225 = arith.constant 32 : i32
      %mul3A_226 = vector.broadcast %mul3A_225 : i32 to vector<16xi32>
      %mul3A_227 = arith.muli %get3A_224, %mul3A_226 : vector<16xi32>
      %iota3A_228 = tpu.iota {dimensions = array<i32: 0>} : vector<16xi32>
      %add3A_229 = arith.addi %mul3A_227, %iota3A_228 : vector<16xi32>
      %add3A_230 = arith.constant 0 : i32
      %add3A_231 = vector.broadcast %add3A_230 : i32 to vector<16xi32>
      %add3A_232 = arith.addi %add3A_229, %add3A_231 : vector<16xi32>
      %swap3A_233 = arith.constant 64 : index
      %swap3A_234 = tpu.vector_load %arg14[%swap3A_233] {strides = array<i32>} : memref<80xi32, #tpu.memory_space<vmem>>, vector<16xi32>,
      %swap3A_235 = vector.shape_cast %swap3A_234 : vector<16xi32> to vector<16xi32>
      %swap3A_236 = vector.shape_cast %add3A_232 : vector<16xi32> to vector<16xi32>
      tpu.vector_store %arg14[%swap3A_233], %swap3A_236 {strides = array<i32>} : memref<80xi32, #tpu.memory_space<vmem>>, vector<16xi32>,
      %dma_start3A_237 = arith.constant 0 : i32
      %dma_start3A_238 = arith.constant 0 : i32
      %dma_start3A_239 = tpu.memref_slice %arg2[%dma_start3A_237, %dma_start3A_238] : memref<10000x128xf32, #tpu.memory_space<hbm>> -> memref<10000x128xf32, #tpu.memory_space<hbm>>
      tpu.enqueue_indirect_dma source(%dma_start3A_239 : memref<10000x128xf32, #tpu.memory_space<hbm>>) target(%arg16 : memref<80x128xf32, #tpu.memory_space<vmem>>) offsets(%arg10 : memref<80xi32, #tpu.memory_space<vmem>>) semaphore(%arg24 : memref<!tpu.dma_semaphore, #tpu.memory_space<semaphore_mem>>)
      %dma_start3A_240 = arith.constant 0 : i32
      %dma_start3A_241 = arith.constant 0 : i32
      %dma_start3A_242 = tpu.memref_slice %arg3[%dma_start3A_240, %dma_start3A_241] : memref<10000x128xf32, #tpu.memory_space<hbm>> -> memref<10000x128xf32, #tpu.memory_space<hbm>>
      tpu.enqueue_indirect_dma source(%dma_start3A_242 : memref<10000x128xf32, #tpu.memory_space<hbm>>) target(%arg18 : memref<80x128xf32, #tpu.memory_space<vmem>>) offsets(%arg12 : memref<80xi32, #tpu.memory_space<vmem>>) semaphore(%arg24 : memref<!tpu.dma_semaphore, #tpu.memory_space<semaphore_mem>>)
      %dma_start3A_243 = arith.constant 0 : i32
      %dma_start3A_244 = arith.constant 0 : i32
      %dma_start3A_245 = tpu.memref_slice %arg4[%dma_start3A_243, %dma_start3A_244] : memref<16000x128xf32, #tpu.memory_space<hbm>> -> memref<16000x128xf32, #tpu.memory_space<hbm>>
      tpu.enqueue_indirect_dma source(%dma_start3A_245 : memref<16000x128xf32, #tpu.memory_space<hbm>>) target(%arg20 : memref<80x128xf32, #tpu.memory_space<vmem>>) offsets(%arg14 : memref<80xi32, #tpu.memory_space<vmem>>) semaphore(%arg24 : memref<!tpu.dma_semaphore, #tpu.memory_space<semaphore_mem>>)
      %dma_wait3A_246 = arith.constant 0 : i32
      %dma_wait3A_247 = arith.constant 0 : i32
      %dma_wait3A_248 = tpu.memref_slice %arg2[%dma_wait3A_246, %dma_wait3A_247] : memref<10000x128xf32, #tpu.memory_space<hbm>> -> memref<10000x128xf32, #tpu.memory_space<hbm>>
      tpu.wait_indirect_dma semaphore(%arg23 : memref<!tpu.dma_semaphore, #tpu.memory_space<semaphore_mem>>) src(%dma_wait3A_248 : memref<10000x128xf32, #tpu.memory_space<hbm>>) dst(%arg15 : memref<80x128xf32, #tpu.memory_space<vmem>>)
      %dma_wait3A_249 = arith.constant 0 : i32
      %dma_wait3A_250 = arith.constant 0 : i32
      %dma_wait3A_251 = tpu.memref_slice %arg3[%dma_wait3A_249, %dma_wait3A_250] : memref<10000x128xf32, #tpu.memory_space<hbm>> -> memref<10000x128xf32, #tpu.memory_space<hbm>>
      tpu.wait_indirect_dma semaphore(%arg23 : memref<!tpu.dma_semaphore, #tpu.memory_space<semaphore_mem>>) src(%dma_wait3A_251 : memref<10000x128xf32, #tpu.memory_space<hbm>>) dst(%arg17 : memref<80x128xf32, #tpu.memory_space<vmem>>)
      %dma_wait3A_252 = arith.constant 0 : i32
      %dma_wait3A_253 = arith.constant 0 : i32
      %dma_wait3A_254 = tpu.memref_slice %arg4[%dma_wait3A_252, %dma_wait3A_253] : memref<16000x128xf32, #tpu.memory_space<hbm>> -> memref<16000x128xf32, #tpu.memory_space<hbm>>
      tpu.wait_indirect_dma semaphore(%arg23 : memref<!tpu.dma_semaphore, #tpu.memory_space<semaphore_mem>>) src(%dma_wait3A_254 : memref<16000x128xf32, #tpu.memory_space<hbm>>) dst(%arg19 : memref<80x128xf32, #tpu.memory_space<vmem>>)
      %le3A = arith.constant 122 : i32
      %le3A_255 = arith.cmpi sle, %add3A_148, %le3A : i32
      %convert_element_type3A_256 = arith.extui %le3A_255 : i1 to i32
      %cond3A_257 = arith.constant 0 : i32
      %cond3A_258 = arith.cmpi ne, %convert_element_type3A_256, %cond3A_257 : i32
      scf.if %cond3A_258 {
        %add3A_399 = arith.constant 2 : i32
        %add3A_400 = arith.addi %add3A_148, %add3A_399 : i32
        %mul3A_401 = arith.constant 80 : i32
        %mul3A_402 = arith.muli %add3A_400, %mul3A_401 : i32
        %add3A_403 = arith.addi %mul3A_2, %mul3A_402 : i32
        %dma_start3A_404 = tpu.memref_slice %arg5[%add3A_403] : memref<320000xi32, #tpu.memory_space<hbm>> -> memref<80xi32, #tpu.memory_space<hbm>>
        %dma_start3A_405 = tpu.memref_slice %arg5[%add3A_403] : memref<320000xi32, #tpu.memory_space<hbm>> -> memref<80xi32, #tpu.memory_space<hbm>>
        tpu.enqueue_dma source(%dma_start3A_405 : memref<80xi32, #tpu.memory_space<hbm>>) target(%arg9 : memref<80xi32, #tpu.memory_space<vmem>>) target_semaphore(%arg21 : memref<!tpu.dma_semaphore, #tpu.memory_space<semaphore_mem>>)
        %dma_start3A_406 = tpu.memref_slice %arg6[%add3A_403] : memref<320000xi32, #tpu.memory_space<hbm>> -> memref<80xi32, #tpu.memory_space<hbm>>
        %dma_start3A_407 = tpu.memref_slice %arg6[%add3A_403] : memref<320000xi32, #tpu.memory_space<hbm>> -> memref<80xi32, #tpu.memory_space<hbm>>
        tpu.enqueue_dma source(%dma_start3A_407 : memref<80xi32, #tpu.memory_space<hbm>>) target(%arg11 : memref<80xi32, #tpu.memory_space<vmem>>) target_semaphore(%arg21 : memref<!tpu.dma_semaphore, #tpu.memory_space<semaphore_mem>>)
        %dma_start3A_408 = tpu.memref_slice %arg7[%add3A_403] : memref<320000xi32, #tpu.memory_space<hbm>> -> memref<80xi32, #tpu.memory_space<hbm>>
        %dma_start3A_409 = tpu.memref_slice %arg7[%add3A_403] : memref<320000xi32, #tpu.memory_space<hbm>> -> memref<80xi32, #tpu.memory_space<hbm>>
        tpu.enqueue_dma source(%dma_start3A_409 : memref<80xi32, #tpu.memory_space<hbm>>) target(%arg13 : memref<80xi32, #tpu.memory_space<vmem>>) target_semaphore(%arg21 : memref<!tpu.dma_semaphore, #tpu.memory_space<semaphore_mem>>)
      } else {
      }
      %scan3A_259 = arith.constant 0 : i32
      %scan3A_260 = arith.constant 40 : i32
      %scan3A_261 = arith.addi %scan3A_259, %scan3A_260 : i32
      %scan3A_262 = arith.constant 1 : i32
      scf.for %scan3A_399 = %scan3A_259 to %scan3A_261 step %scan3A_262  : i32 {
        %mul3A_400 = arith.constant 2 : i32
        %mul3A_401 = arith.muli %scan3A_399, %mul3A_400 : i32
        %add3A_402 = arith.constant 0 : i32
        %add3A_403 = arith.addi %add3A_402, %mul3A_401 : i32
        %add3A_404 = arith.constant 0 : i32
        %add3A_405 = arith.addi %add3A_403, %add3A_404 : i32
        %get3A_406 = arith.index_cast %add3A_405 : i32 to index
        %get3A_407 = arith.constant 0 : index
        %get3A_408 = tpu.vector_load %arg15[%get3A_406, %get3A_407] {strides = array<i32>} : memref<80x128xf32, #tpu.memory_space<vmem>>, vector<1x16xf32>,
        %get3A_409 = vector.shape_cast %get3A_408 : vector<1x16xf32> to vector<1x16xf32>
        %get3A_410 = arith.index_cast %add3A_405 : i32 to index
        %get3A_411 = arith.constant 0 : index
        %get3A_412 = tpu.vector_load %arg17[%get3A_410, %get3A_411] {strides = array<i32>} : memref<80x128xf32, #tpu.memory_space<vmem>>, vector<1x16xf32>,
        %get3A_413 = vector.shape_cast %get3A_412 : vector<1x16xf32> to vector<1x16xf32>
        %add3A_414 = arith.addf %get3A_409, %get3A_413 : vector<1x16xf32>
        %get3A_415 = arith.index_cast %add3A_405 : i32 to index
        %get3A_416 = arith.constant 0 : index
        %get3A_417 = tpu.vector_load %arg19[%get3A_415, %get3A_416] {strides = array<i32>} : memref<80x128xf32, #tpu.memory_space<vmem>>, vector<1x16xf32>,
        %get3A_418 = vector.shape_cast %get3A_417 : vector<1x16xf32> to vector<1x16xf32>
        %add3A_419 = arith.addf %add3A_414, %get3A_418 : vector<1x16xf32>
        %swap3A_420 = arith.index_cast %add3A_405 : i32 to index
        %swap3A_421 = arith.constant 0 : index
        %swap3A_422 = tpu.vector_load %arg15[%swap3A_420, %swap3A_421] {strides = array<i32>} : memref<80x128xf32, #tpu.memory_space<vmem>>, vector<1x16xf32>,
        %swap3A_423 = vector.shape_cast %swap3A_422 : vector<1x16xf32> to vector<1x16xf32>
        %swap3A_424 = vector.shape_cast %add3A_419 : vector<1x16xf32> to vector<1x16xf32>
        tpu.vector_store %arg15[%swap3A_420, %swap3A_421], %swap3A_424 {strides = array<i32>} : memref<80x128xf32, #tpu.memory_space<vmem>>, vector<1x16xf32>,
        %add3A_425 = arith.constant 0 : i32
        %add3A_426 = arith.addi %add3A_403, %add3A_425 : i32
        %get3A_427 = arith.index_cast %add3A_426 : i32 to index
        %get3A_428 = arith.constant 16 : index
        %get3A_429 = tpu.vector_load %arg15[%get3A_427, %get3A_428] {strides = array<i32>} : memref<80x128xf32, #tpu.memory_space<vmem>>, vector<1x16xf32>,
        %get3A_430 = vector.shape_cast %get3A_429 : vector<1x16xf32> to vector<1x16xf32>
        %get3A_431 = arith.index_cast %add3A_426 : i32 to index
        %get3A_432 = arith.constant 16 : index
        %get3A_433 = tpu.vector_load %arg17[%get3A_431, %get3A_432] {strides = array<i32>} : memref<80x128xf32, #tpu.memory_space<vmem>>, vector<1x16xf32>,
        %get3A_434 = vector.shape_cast %get3A_433 : vector<1x16xf32> to vector<1x16xf32>
        %add3A_435 = arith.addf %get3A_430, %get3A_434 : vector<1x16xf32>
        %get3A_436 = arith.index_cast %add3A_426 : i32 to index
        %get3A_437 = arith.constant 16 : index
        %get3A_438 = tpu.vector_load %arg19[%get3A_436, %get3A_437] {strides = array<i32>} : memref<80x128xf32, #tpu.memory_space<vmem>>, vector<1x16xf32>,
        %get3A_439 = vector.shape_cast %get3A_438 : vector<1x16xf32> to vector<1x16xf32>
        %add3A_440 = arith.addf %add3A_435, %get3A_439 : vector<1x16xf32>
        %swap3A_441 = arith.index_cast %add3A_426 : i32 to index
        %swap3A_442 = arith.constant 16 : index
        %swap3A_443 = tpu.vector_load %arg15[%swap3A_441, %swap3A_442] {strides = array<i32>} : memref<80x128xf32, #tpu.memory_space<vmem>>, vector<1x16xf32>,
        %swap3A_444 = vector.shape_cast %swap3A_443 : vector<1x16xf32> to vector<1x16xf32>
        %swap3A_445 = vector.shape_cast %add3A_440 : vector<1x16xf32> to vector<1x16xf32>
        tpu.vector_store %arg15[%swap3A_441, %swap3A_442], %swap3A_445 {strides = array<i32>} : memref<80x128xf32, #tpu.memory_space<vmem>>, vector<1x16xf32>,
        %add3A_446 = arith.constant 0 : i32
        %add3A_447 = arith.addi %add3A_403, %add3A_446 : i32
        %get3A_448 = arith.index_cast %add3A_447 : i32 to index
        %get3A_449 = arith.constant 32 : index
        %get3A_450 = tpu.vector_load %arg15[%get3A_448, %get3A_449] {strides = array<i32>} : memref<80x128xf32, #tpu.memory_space<vmem>>, vector<1x16xf32>,
        %get3A_451 = vector.shape_cast %get3A_450 : vector<1x16xf32> to vector<1x16xf32>
        %get3A_452 = arith.index_cast %add3A_447 : i32 to index
        %get3A_453 = arith.constant 32 : index
        %get3A_454 = tpu.vector_load %arg17[%get3A_452, %get3A_453] {strides = array<i32>} : memref<80x128xf32, #tpu.memory_space<vmem>>, vector<1x16xf32>,
        %get3A_455 = vector.shape_cast %get3A_454 : vector<1x16xf32> to vector<1x16xf32>
        %add3A_456 = arith.addf %get3A_451, %get3A_455 : vector<1x16xf32>
        %get3A_457 = arith.index_cast %add3A_447 : i32 to index
        %get3A_458 = arith.constant 32 : index
        %get3A_459 = tpu.vector_load %arg19[%get3A_457, %get3A_458] {strides = array<i32>} : memref<80x128xf32, #tpu.memory_space<vmem>>, vector<1x16xf32>,
        %get3A_460 = vector.shape_cast %get3A_459 : vector<1x16xf32> to vector<1x16xf32>
        %add3A_461 = arith.addf %add3A_456, %get3A_460 : vector<1x16xf32>
        %swap3A_462 = arith.index_cast %add3A_447 : i32 to index
        %swap3A_463 = arith.constant 32 : index
        %swap3A_464 = tpu.vector_load %arg15[%swap3A_462, %swap3A_463] {strides = array<i32>} : memref<80x128xf32, #tpu.memory_space<vmem>>, vector<1x16xf32>,
        %swap3A_465 = vector.shape_cast %swap3A_464 : vector<1x16xf32> to vector<1x16xf32>
        %swap3A_466 = vector.shape_cast %add3A_461 : vector<1x16xf32> to vector<1x16xf32>
        tpu.vector_store %arg15[%swap3A_462, %swap3A_463], %swap3A_466 {strides = array<i32>} : memref<80x128xf32, #tpu.memory_space<vmem>>, vector<1x16xf32>,
        %add3A_467 = arith.constant 0 : i32
        %add3A_468 = arith.addi %add3A_403, %add3A_467 : i32
        %get3A_469 = arith.index_cast %add3A_468 : i32 to index
        %get3A_470 = arith.constant 48 : index
        %get3A_471 = tpu.vector_load %arg15[%get3A_469, %get3A_470] {strides = array<i32>} : memref<80x128xf32, #tpu.memory_space<vmem>>, vector<1x16xf32>,
        %get3A_472 = vector.shape_cast %get3A_471 : vector<1x16xf32> to vector<1x16xf32>
        %get3A_473 = arith.index_cast %add3A_468 : i32 to index
        %get3A_474 = arith.constant 48 : index
        %get3A_475 = tpu.vector_load %arg17[%get3A_473, %get3A_474] {strides = array<i32>} : memref<80x128xf32, #tpu.memory_space<vmem>>, vector<1x16xf32>,
        %get3A_476 = vector.shape_cast %get3A_475 : vector<1x16xf32> to vector<1x16xf32>
        %add3A_477 = arith.addf %get3A_472, %get3A_476 : vector<1x16xf32>
        %get3A_478 = arith.index_cast %add3A_468 : i32 to index
        %get3A_479 = arith.constant 48 : index
        %get3A_480 = tpu.vector_load %arg19[%get3A_478, %get3A_479] {strides = array<i32>} : memref<80x128xf32, #tpu.memory_space<vmem>>, vector<1x16xf32>,
        %get3A_481 = vector.shape_cast %get3A_480 : vector<1x16xf32> to vector<1x16xf32>
        %add3A_482 = arith.addf %add3A_477, %get3A_481 : vector<1x16xf32>
        %swap3A_483 = arith.index_cast %add3A_468 : i32 to index
        %swap3A_484 = arith.constant 48 : index
        %swap3A_485 = tpu.vector_load %arg15[%swap3A_483, %swap3A_484] {strides = array<i32>} : memref<80x128xf32, #tpu.memory_space<vmem>>, vector<1x16xf32>,
        %swap3A_486 = vector.shape_cast %swap3A_485 : vector<1x16xf32> to vector<1x16xf32>
        %swap3A_487 = vector.shape_cast %add3A_482 : vector<1x16xf32> to vector<1x16xf32>
        tpu.vector_store %arg15[%swap3A_483, %swap3A_484], %swap3A_487 {strides = array<i32>} : memref<80x128xf32, #tpu.memory_space<vmem>>, vector<1x16xf32>,
        %add3A_488 = arith.constant 0 : i32
        %add3A_489 = arith.addi %add3A_403, %add3A_488 : i32
        %get3A_490 = arith.index_cast %add3A_489 : i32 to index
        %get3A_491 = arith.constant 64 : index
        %get3A_492 = tpu.vector_load %arg15[%get3A_490, %get3A_491] {strides = array<i32>} : memref<80x128xf32, #tpu.memory_space<vmem>>, vector<1x16xf32>,
        %get3A_493 = vector.shape_cast %get3A_492 : vector<1x16xf32> to vector<1x16xf32>
        %get3A_494 = arith.index_cast %add3A_489 : i32 to index
        %get3A_495 = arith.constant 64 : index
        %get3A_496 = tpu.vector_load %arg17[%get3A_494, %get3A_495] {strides = array<i32>} : memref<80x128xf32, #tpu.memory_space<vmem>>, vector<1x16xf32>,
        %get3A_497 = vector.shape_cast %get3A_496 : vector<1x16xf32> to vector<1x16xf32>
        %add3A_498 = arith.addf %get3A_493, %get3A_497 : vector<1x16xf32>
        %get3A_499 = arith.index_cast %add3A_489 : i32 to index
        %get3A_500 = arith.constant 64 : index
        %get3A_501 = tpu.vector_load %arg19[%get3A_499, %get3A_500] {strides = array<i32>} : memref<80x128xf32, #tpu.memory_space<vmem>>, vector<1x16xf32>,
        %get3A_502 = vector.shape_cast %get3A_501 : vector<1x16xf32> to vector<1x16xf32>
        %add3A_503 = arith.addf %add3A_498, %get3A_502 : vector<1x16xf32>
        %swap3A_504 = arith.index_cast %add3A_489 : i32 to index
        %swap3A_505 = arith.constant 64 : index
        %swap3A_506 = tpu.vector_load %arg15[%swap3A_504, %swap3A_505] {strides = array<i32>} : memref<80x128xf32, #tpu.memory_space<vmem>>, vector<1x16xf32>,
        %swap3A_507 = vector.shape_cast %swap3A_506 : vector<1x16xf32> to vector<1x16xf32>
        %swap3A_508 = vector.shape_cast %add3A_503 : vector<1x16xf32> to vector<1x16xf32>
        tpu.vector_store %arg15[%swap3A_504, %swap3A_505], %swap3A_508 {strides = array<i32>} : memref<80x128xf32, #tpu.memory_space<vmem>>, vector<1x16xf32>,
        %add3A_509 = arith.constant 0 : i32
        %add3A_510 = arith.addi %add3A_403, %add3A_509 : i32
        %get3A_511 = arith.index_cast %add3A_510 : i32 to index
        %get3A_512 = arith.constant 80 : index
        %get3A_513 = tpu.vector_load %arg15[%get3A_511, %get3A_512] {strides = array<i32>} : memref<80x128xf32, #tpu.memory_space<vmem>>, vector<1x16xf32>,
        %get3A_514 = vector.shape_cast %get3A_513 : vector<1x16xf32> to vector<1x16xf32>
        %get3A_515 = arith.index_cast %add3A_510 : i32 to index
        %get3A_516 = arith.constant 80 : index
        %get3A_517 = tpu.vector_load %arg17[%get3A_515, %get3A_516] {strides = array<i32>} : memref<80x128xf32, #tpu.memory_space<vmem>>, vector<1x16xf32>,
        %get3A_518 = vector.shape_cast %get3A_517 : vector<1x16xf32> to vector<1x16xf32>
        %add3A_519 = arith.addf %get3A_514, %get3A_518 : vector<1x16xf32>
        %get3A_520 = arith.index_cast %add3A_510 : i32 to index
        %get3A_521 = arith.constant 80 : index
        %get3A_522 = tpu.vector_load %arg19[%get3A_520, %get3A_521] {strides = array<i32>} : memref<80x128xf32, #tpu.memory_space<vmem>>, vector<1x16xf32>,
        %get3A_523 = vector.shape_cast %get3A_522 : vector<1x16xf32> to vector<1x16xf32>
        %add3A_524 = arith.addf %add3A_519, %get3A_523 : vector<1x16xf32>
        %swap3A_525 = arith.index_cast %add3A_510 : i32 to index
        %swap3A_526 = arith.constant 80 : index
        %swap3A_527 = tpu.vector_load %arg15[%swap3A_525, %swap3A_526] {strides = array<i32>} : memref<80x128xf32, #tpu.memory_space<vmem>>, vector<1x16xf32>,
        %swap3A_528 = vector.shape_cast %swap3A_527 : vector<1x16xf32> to vector<1x16xf32>
        %swap3A_529 = vector.shape_cast %add3A_524 : vector<1x16xf32> to vector<1x16xf32>
        tpu.vector_store %arg15[%swap3A_525, %swap3A_526], %swap3A_529 {strides = array<i32>} : memref<80x128xf32, #tpu.memory_space<vmem>>, vector<1x16xf32>,
        %add3A_530 = arith.constant 0 : i32
        %add3A_531 = arith.addi %add3A_403, %add3A_530 : i32
        %get3A_532 = arith.index_cast %add3A_531 : i32 to index
        %get3A_533 = arith.constant 96 : index
        %get3A_534 = tpu.vector_load %arg15[%get3A_532, %get3A_533] {strides = array<i32>} : memref<80x128xf32, #tpu.memory_space<vmem>>, vector<1x16xf32>,
        %get3A_535 = vector.shape_cast %get3A_534 : vector<1x16xf32> to vector<1x16xf32>
        %get3A_536 = arith.index_cast %add3A_531 : i32 to index
        %get3A_537 = arith.constant 96 : index
        %get3A_538 = tpu.vector_load %arg17[%get3A_536, %get3A_537] {strides = array<i32>} : memref<80x128xf32, #tpu.memory_space<vmem>>, vector<1x16xf32>,
        %get3A_539 = vector.shape_cast %get3A_538 : vector<1x16xf32> to vector<1x16xf32>
        %add3A_540 = arith.addf %get3A_535, %get3A_539 : vector<1x16xf32>
        %get3A_541 = arith.index_cast %add3A_531 : i32 to index
        %get3A_542 = arith.constant 96 : index
        %get3A_543 = tpu.vector_load %arg19[%get3A_541, %get3A_542] {strides = array<i32>} : memref<80x128xf32, #tpu.memory_space<vmem>>, vector<1x16xf32>,
        %get3A_544 = vector.shape_cast %get3A_543 : vector<1x16xf32> to vector<1x16xf32>
        %add3A_545 = arith.addf %add3A_540, %get3A_544 : vector<1x16xf32>
        %swap3A_546 = arith.index_cast %add3A_531 : i32 to index
        %swap3A_547 = arith.constant 96 : index
        %swap3A_548 = tpu.vector_load %arg15[%swap3A_546, %swap3A_547] {strides = array<i32>} : memref<80x128xf32, #tpu.memory_space<vmem>>, vector<1x16xf32>,
        %swap3A_549 = vector.shape_cast %swap3A_548 : vector<1x16xf32> to vector<1x16xf32>
        %swap3A_550 = vector.shape_cast %add3A_545 : vector<1x16xf32> to vector<1x16xf32>
        tpu.vector_store %arg15[%swap3A_546, %swap3A_547], %swap3A_550 {strides = array<i32>} : memref<80x128xf32, #tpu.memory_space<vmem>>, vector<1x16xf32>,
        %add3A_551 = arith.constant 0 : i32
        %add3A_552 = arith.addi %add3A_403, %add3A_551 : i32
        %get3A_553 = arith.index_cast %add3A_552 : i32 to index
        %get3A_554 = arith.constant 112 : index
        %get3A_555 = tpu.vector_load %arg15[%get3A_553, %get3A_554] {strides = array<i32>} : memref<80x128xf32, #tpu.memory_space<vmem>>, vector<1x16xf32>,
        %get3A_556 = vector.shape_cast %get3A_555 : vector<1x16xf32> to vector<1x16xf32>
        %get3A_557 = arith.index_cast %add3A_552 : i32 to index
        %get3A_558 = arith.constant 112 : index
        %get3A_559 = tpu.vector_load %arg17[%get3A_557, %get3A_558] {strides = array<i32>} : memref<80x128xf32, #tpu.memory_space<vmem>>, vector<1x16xf32>,
        %get3A_560 = vector.shape_cast %get3A_559 : vector<1x16xf32> to vector<1x16xf32>
        %add3A_561 = arith.addf %get3A_556, %get3A_560 : vector<1x16xf32>
        %get3A_562 = arith.index_cast %add3A_552 : i32 to index
        %get3A_563 = arith.constant 112 : index
        %get3A_564 = tpu.vector_load %arg19[%get3A_562, %get3A_563] {strides = array<i32>} : memref<80x128xf32, #tpu.memory_space<vmem>>, vector<1x16xf32>,
        %get3A_565 = vector.shape_cast %get3A_564 : vector<1x16xf32> to vector<1x16xf32>
        %add3A_566 = arith.addf %add3A_561, %get3A_565 : vector<1x16xf32>
        %swap3A_567 = arith.index_cast %add3A_552 : i32 to index
        %swap3A_568 = arith.constant 112 : index
        %swap3A_569 = tpu.vector_load %arg15[%swap3A_567, %swap3A_568] {strides = array<i32>} : memref<80x128xf32, #tpu.memory_space<vmem>>, vector<1x16xf32>,
        %swap3A_570 = vector.shape_cast %swap3A_569 : vector<1x16xf32> to vector<1x16xf32>
        %swap3A_571 = vector.shape_cast %add3A_566 : vector<1x16xf32> to vector<1x16xf32>
        tpu.vector_store %arg15[%swap3A_567, %swap3A_568], %swap3A_571 {strides = array<i32>} : memref<80x128xf32, #tpu.memory_space<vmem>>, vector<1x16xf32>,
        %add3A_572 = arith.constant 1 : i32
        %add3A_573 = arith.addi %add3A_403, %add3A_572 : i32
        %get3A_574 = arith.index_cast %add3A_573 : i32 to index
        %get3A_575 = arith.constant 0 : index
        %get3A_576 = tpu.vector_load %arg15[%get3A_574, %get3A_575] {strides = array<i32>} : memref<80x128xf32, #tpu.memory_space<vmem>>, vector<1x16xf32>,
        %get3A_577 = vector.shape_cast %get3A_576 : vector<1x16xf32> to vector<1x16xf32>
        %get3A_578 = arith.index_cast %add3A_573 : i32 to index
        %get3A_579 = arith.constant 0 : index
        %get3A_580 = tpu.vector_load %arg17[%get3A_578, %get3A_579] {strides = array<i32>} : memref<80x128xf32, #tpu.memory_space<vmem>>, vector<1x16xf32>,
        %get3A_581 = vector.shape_cast %get3A_580 : vector<1x16xf32> to vector<1x16xf32>
        %add3A_582 = arith.addf %get3A_577, %get3A_581 : vector<1x16xf32>
        %get3A_583 = arith.index_cast %add3A_573 : i32 to index
        %get3A_584 = arith.constant 0 : index
        %get3A_585 = tpu.vector_load %arg19[%get3A_583, %get3A_584] {strides = array<i32>} : memref<80x128xf32, #tpu.memory_space<vmem>>, vector<1x16xf32>,
        %get3A_586 = vector.shape_cast %get3A_585 : vector<1x16xf32> to vector<1x16xf32>
        %add3A_587 = arith.addf %add3A_582, %get3A_586 : vector<1x16xf32>
        %swap3A_588 = arith.index_cast %add3A_573 : i32 to index
        %swap3A_589 = arith.constant 0 : index
        %swap3A_590 = tpu.vector_load %arg15[%swap3A_588, %swap3A_589] {strides = array<i32>} : memref<80x128xf32, #tpu.memory_space<vmem>>, vector<1x16xf32>,
        %swap3A_591 = vector.shape_cast %swap3A_590 : vector<1x16xf32> to vector<1x16xf32>
        %swap3A_592 = vector.shape_cast %add3A_587 : vector<1x16xf32> to vector<1x16xf32>
        tpu.vector_store %arg15[%swap3A_588, %swap3A_589], %swap3A_592 {strides = array<i32>} : memref<80x128xf32, #tpu.memory_space<vmem>>, vector<1x16xf32>,
        %add3A_593 = arith.constant 1 : i32
        %add3A_594 = arith.addi %add3A_403, %add3A_593 : i32
        %get3A_595 = arith.index_cast %add3A_594 : i32 to index
        %get3A_596 = arith.constant 16 : index
        %get3A_597 = tpu.vector_load %arg15[%get3A_595, %get3A_596] {strides = array<i32>} : memref<80x128xf32, #tpu.memory_space<vmem>>, vector<1x16xf32>,
        %get3A_598 = vector.shape_cast %get3A_597 : vector<1x16xf32> to vector<1x16xf32>
        %get3A_599 = arith.index_cast %add3A_594 : i32 to index
        %get3A_600 = arith.constant 16 : index
        %get3A_601 = tpu.vector_load %arg17[%get3A_599, %get3A_600] {strides = array<i32>} : memref<80x128xf32, #tpu.memory_space<vmem>>, vector<1x16xf32>,
        %get3A_602 = vector.shape_cast %get3A_601 : vector<1x16xf32> to vector<1x16xf32>
        %add3A_603 = arith.addf %get3A_598, %get3A_602 : vector<1x16xf32>
        %get3A_604 = arith.index_cast %add3A_594 : i32 to index
        %get3A_605 = arith.constant 16 : index
        %get3A_606 = tpu.vector_load %arg19[%get3A_604, %get3A_605] {strides = array<i32>} : memref<80x128xf32, #tpu.memory_space<vmem>>, vector<1x16xf32>,
        %get3A_607 = vector.shape_cast %get3A_606 : vector<1x16xf32> to vector<1x16xf32>
        %add3A_608 = arith.addf %add3A_603, %get3A_607 : vector<1x16xf32>
        %swap3A_609 = arith.index_cast %add3A_594 : i32 to index
        %swap3A_610 = arith.constant 16 : index
        %swap3A_611 = tpu.vector_load %arg15[%swap3A_609, %swap3A_610] {strides = array<i32>} : memref<80x128xf32, #tpu.memory_space<vmem>>, vector<1x16xf32>,
        %swap3A_612 = vector.shape_cast %swap3A_611 : vector<1x16xf32> to vector<1x16xf32>
        %swap3A_613 = vector.shape_cast %add3A_608 : vector<1x16xf32> to vector<1x16xf32>
        tpu.vector_store %arg15[%swap3A_609, %swap3A_610], %swap3A_613 {strides = array<i32>} : memref<80x128xf32, #tpu.memory_space<vmem>>, vector<1x16xf32>,
        %add3A_614 = arith.constant 1 : i32
        %add3A_615 = arith.addi %add3A_403, %add3A_614 : i32
        %get3A_616 = arith.index_cast %add3A_615 : i32 to index
        %get3A_617 = arith.constant 32 : index
        %get3A_618 = tpu.vector_load %arg15[%get3A_616, %get3A_617] {strides = array<i32>} : memref<80x128xf32, #tpu.memory_space<vmem>>, vector<1x16xf32>,
        %get3A_619 = vector.shape_cast %get3A_618 : vector<1x16xf32> to vector<1x16xf32>
        %get3A_620 = arith.index_cast %add3A_615 : i32 to index
        %get3A_621 = arith.constant 32 : index
        %get3A_622 = tpu.vector_load %arg17[%get3A_620, %get3A_621] {strides = array<i32>} : memref<80x128xf32, #tpu.memory_space<vmem>>, vector<1x16xf32>,
        %get3A_623 = vector.shape_cast %get3A_622 : vector<1x16xf32> to vector<1x16xf32>
        %add3A_624 = arith.addf %get3A_619, %get3A_623 : vector<1x16xf32>
        %get3A_625 = arith.index_cast %add3A_615 : i32 to index
        %get3A_626 = arith.constant 32 : index
        %get3A_627 = tpu.vector_load %arg19[%get3A_625, %get3A_626] {strides = array<i32>} : memref<80x128xf32, #tpu.memory_space<vmem>>, vector<1x16xf32>,
        %get3A_628 = vector.shape_cast %get3A_627 : vector<1x16xf32> to vector<1x16xf32>
        %add3A_629 = arith.addf %add3A_624, %get3A_628 : vector<1x16xf32>
        %swap3A_630 = arith.index_cast %add3A_615 : i32 to index
        %swap3A_631 = arith.constant 32 : index
        %swap3A_632 = tpu.vector_load %arg15[%swap3A_630, %swap3A_631] {strides = array<i32>} : memref<80x128xf32, #tpu.memory_space<vmem>>, vector<1x16xf32>,
        %swap3A_633 = vector.shape_cast %swap3A_632 : vector<1x16xf32> to vector<1x16xf32>
        %swap3A_634 = vector.shape_cast %add3A_629 : vector<1x16xf32> to vector<1x16xf32>
        tpu.vector_store %arg15[%swap3A_630, %swap3A_631], %swap3A_634 {strides = array<i32>} : memref<80x128xf32, #tpu.memory_space<vmem>>, vector<1x16xf32>,
        %add3A_635 = arith.constant 1 : i32
        %add3A_636 = arith.addi %add3A_403, %add3A_635 : i32
        %get3A_637 = arith.index_cast %add3A_636 : i32 to index
        %get3A_638 = arith.constant 48 : index
        %get3A_639 = tpu.vector_load %arg15[%get3A_637, %get3A_638] {strides = array<i32>} : memref<80x128xf32, #tpu.memory_space<vmem>>, vector<1x16xf32>,
        %get3A_640 = vector.shape_cast %get3A_639 : vector<1x16xf32> to vector<1x16xf32>
        %get3A_641 = arith.index_cast %add3A_636 : i32 to index
        %get3A_642 = arith.constant 48 : index
        %get3A_643 = tpu.vector_load %arg17[%get3A_641, %get3A_642] {strides = array<i32>} : memref<80x128xf32, #tpu.memory_space<vmem>>, vector<1x16xf32>,
        %get3A_644 = vector.shape_cast %get3A_643 : vector<1x16xf32> to vector<1x16xf32>
        %add3A_645 = arith.addf %get3A_640, %get3A_644 : vector<1x16xf32>
        %get3A_646 = arith.index_cast %add3A_636 : i32 to index
        %get3A_647 = arith.constant 48 : index
        %get3A_648 = tpu.vector_load %arg19[%get3A_646, %get3A_647] {strides = array<i32>} : memref<80x128xf32, #tpu.memory_space<vmem>>, vector<1x16xf32>,
        %get3A_649 = vector.shape_cast %get3A_648 : vector<1x16xf32> to vector<1x16xf32>
        %add3A_650 = arith.addf %add3A_645, %get3A_649 : vector<1x16xf32>
        %swap3A_651 = arith.index_cast %add3A_636 : i32 to index
        %swap3A_652 = arith.constant 48 : index
        %swap3A_653 = tpu.vector_load %arg15[%swap3A_651, %swap3A_652] {strides = array<i32>} : memref<80x128xf32, #tpu.memory_space<vmem>>, vector<1x16xf32>,
        %swap3A_654 = vector.shape_cast %swap3A_653 : vector<1x16xf32> to vector<1x16xf32>
        %swap3A_655 = vector.shape_cast %add3A_650 : vector<1x16xf32> to vector<1x16xf32>
        tpu.vector_store %arg15[%swap3A_651, %swap3A_652], %swap3A_655 {strides = array<i32>} : memref<80x128xf32, #tpu.memory_space<vmem>>, vector<1x16xf32>,
        %add3A_656 = arith.constant 1 : i32
        %add3A_657 = arith.addi %add3A_403, %add3A_656 : i32
        %get3A_658 = arith.index_cast %add3A_657 : i32 to index
        %get3A_659 = arith.constant 64 : index
        %get3A_660 = tpu.vector_load %arg15[%get3A_658, %get3A_659] {strides = array<i32>} : memref<80x128xf32, #tpu.memory_space<vmem>>, vector<1x16xf32>,
        %get3A_661 = vector.shape_cast %get3A_660 : vector<1x16xf32> to vector<1x16xf32>
        %get3A_662 = arith.index_cast %add3A_657 : i32 to index
        %get3A_663 = arith.constant 64 : index
        %get3A_664 = tpu.vector_load %arg17[%get3A_662, %get3A_663] {strides = array<i32>} : memref<80x128xf32, #tpu.memory_space<vmem>>, vector<1x16xf32>,
        %get3A_665 = vector.shape_cast %get3A_664 : vector<1x16xf32> to vector<1x16xf32>
        %add3A_666 = arith.addf %get3A_661, %get3A_665 : vector<1x16xf32>
        %get3A_667 = arith.index_cast %add3A_657 : i32 to index
        %get3A_668 = arith.constant 64 : index
        %get3A_669 = tpu.vector_load %arg19[%get3A_667, %get3A_668] {strides = array<i32>} : memref<80x128xf32, #tpu.memory_space<vmem>>, vector<1x16xf32>,
        %get3A_670 = vector.shape_cast %get3A_669 : vector<1x16xf32> to vector<1x16xf32>
        %add3A_671 = arith.addf %add3A_666, %get3A_670 : vector<1x16xf32>
        %swap3A_672 = arith.index_cast %add3A_657 : i32 to index
        %swap3A_673 = arith.constant 64 : index
        %swap3A_674 = tpu.vector_load %arg15[%swap3A_672, %swap3A_673] {strides = array<i32>} : memref<80x128xf32, #tpu.memory_space<vmem>>, vector<1x16xf32>,
        %swap3A_675 = vector.shape_cast %swap3A_674 : vector<1x16xf32> to vector<1x16xf32>
        %swap3A_676 = vector.shape_cast %add3A_671 : vector<1x16xf32> to vector<1x16xf32>
        tpu.vector_store %arg15[%swap3A_672, %swap3A_673], %swap3A_676 {strides = array<i32>} : memref<80x128xf32, #tpu.memory_space<vmem>>, vector<1x16xf32>,
        %add3A_677 = arith.constant 1 : i32
        %add3A_678 = arith.addi %add3A_403, %add3A_677 : i32
        %get3A_679 = arith.index_cast %add3A_678 : i32 to index
        %get3A_680 = arith.constant 80 : index
        %get3A_681 = tpu.vector_load %arg15[%get3A_679, %get3A_680] {strides = array<i32>} : memref<80x128xf32, #tpu.memory_space<vmem>>, vector<1x16xf32>,
        %get3A_682 = vector.shape_cast %get3A_681 : vector<1x16xf32> to vector<1x16xf32>
        %get3A_683 = arith.index_cast %add3A_678 : i32 to index
        %get3A_684 = arith.constant 80 : index
        %get3A_685 = tpu.vector_load %arg17[%get3A_683, %get3A_684] {strides = array<i32>} : memref<80x128xf32, #tpu.memory_space<vmem>>, vector<1x16xf32>,
        %get3A_686 = vector.shape_cast %get3A_685 : vector<1x16xf32> to vector<1x16xf32>
        %add3A_687 = arith.addf %get3A_682, %get3A_686 : vector<1x16xf32>
        %get3A_688 = arith.index_cast %add3A_678 : i32 to index
        %get3A_689 = arith.constant 80 : index
        %get3A_690 = tpu.vector_load %arg19[%get3A_688, %get3A_689] {strides = array<i32>} : memref<80x128xf32, #tpu.memory_space<vmem>>, vector<1x16xf32>,
        %get3A_691 = vector.shape_cast %get3A_690 : vector<1x16xf32> to vector<1x16xf32>
        %add3A_692 = arith.addf %add3A_687, %get3A_691 : vector<1x16xf32>
        %swap3A_693 = arith.index_cast %add3A_678 : i32 to index
        %swap3A_694 = arith.constant 80 : index
        %swap3A_695 = tpu.vector_load %arg15[%swap3A_693, %swap3A_694] {strides = array<i32>} : memref<80x128xf32, #tpu.memory_space<vmem>>, vector<1x16xf32>,
        %swap3A_696 = vector.shape_cast %swap3A_695 : vector<1x16xf32> to vector<1x16xf32>
        %swap3A_697 = vector.shape_cast %add3A_692 : vector<1x16xf32> to vector<1x16xf32>
        tpu.vector_store %arg15[%swap3A_693, %swap3A_694], %swap3A_697 {strides = array<i32>} : memref<80x128xf32, #tpu.memory_space<vmem>>, vector<1x16xf32>,
        %add3A_698 = arith.constant 1 : i32
        %add3A_699 = arith.addi %add3A_403, %add3A_698 : i32
        %get3A_700 = arith.index_cast %add3A_699 : i32 to index
        %get3A_701 = arith.constant 96 : index
        %get3A_702 = tpu.vector_load %arg15[%get3A_700, %get3A_701] {strides = array<i32>} : memref<80x128xf32, #tpu.memory_space<vmem>>, vector<1x16xf32>,
        %get3A_703 = vector.shape_cast %get3A_702 : vector<1x16xf32> to vector<1x16xf32>
        %get3A_704 = arith.index_cast %add3A_699 : i32 to index
        %get3A_705 = arith.constant 96 : index
        %get3A_706 = tpu.vector_load %arg17[%get3A_704, %get3A_705] {strides = array<i32>} : memref<80x128xf32, #tpu.memory_space<vmem>>, vector<1x16xf32>,
        %get3A_707 = vector.shape_cast %get3A_706 : vector<1x16xf32> to vector<1x16xf32>
        %add3A_708 = arith.addf %get3A_703, %get3A_707 : vector<1x16xf32>
        %get3A_709 = arith.index_cast %add3A_699 : i32 to index
        %get3A_710 = arith.constant 96 : index
        %get3A_711 = tpu.vector_load %arg19[%get3A_709, %get3A_710] {strides = array<i32>} : memref<80x128xf32, #tpu.memory_space<vmem>>, vector<1x16xf32>,
        %get3A_712 = vector.shape_cast %get3A_711 : vector<1x16xf32> to vector<1x16xf32>
        %add3A_713 = arith.addf %add3A_708, %get3A_712 : vector<1x16xf32>
        %swap3A_714 = arith.index_cast %add3A_699 : i32 to index
        %swap3A_715 = arith.constant 96 : index
        %swap3A_716 = tpu.vector_load %arg15[%swap3A_714, %swap3A_715] {strides = array<i32>} : memref<80x128xf32, #tpu.memory_space<vmem>>, vector<1x16xf32>,
        %swap3A_717 = vector.shape_cast %swap3A_716 : vector<1x16xf32> to vector<1x16xf32>
        %swap3A_718 = vector.shape_cast %add3A_713 : vector<1x16xf32> to vector<1x16xf32>
        tpu.vector_store %arg15[%swap3A_714, %swap3A_715], %swap3A_718 {strides = array<i32>} : memref<80x128xf32, #tpu.memory_space<vmem>>, vector<1x16xf32>,
        %add3A_719 = arith.constant 1 : i32
        %add3A_720 = arith.addi %add3A_403, %add3A_719 : i32
        %get3A_721 = arith.index_cast %add3A_720 : i32 to index
        %get3A_722 = arith.constant 112 : index
        %get3A_723 = tpu.vector_load %arg15[%get3A_721, %get3A_722] {strides = array<i32>} : memref<80x128xf32, #tpu.memory_space<vmem>>, vector<1x16xf32>,
        %get3A_724 = vector.shape_cast %get3A_723 : vector<1x16xf32> to vector<1x16xf32>
        %get3A_725 = arith.index_cast %add3A_720 : i32 to index
        %get3A_726 = arith.constant 112 : index
        %get3A_727 = tpu.vector_load %arg17[%get3A_725, %get3A_726] {strides = array<i32>} : memref<80x128xf32, #tpu.memory_space<vmem>>, vector<1x16xf32>,
        %get3A_728 = vector.shape_cast %get3A_727 : vector<1x16xf32> to vector<1x16xf32>
        %add3A_729 = arith.addf %get3A_724, %get3A_728 : vector<1x16xf32>
        %get3A_730 = arith.index_cast %add3A_720 : i32 to index
        %get3A_731 = arith.constant 112 : index
        %get3A_732 = tpu.vector_load %arg19[%get3A_730, %get3A_731] {strides = array<i32>} : memref<80x128xf32, #tpu.memory_space<vmem>>, vector<1x16xf32>,
        %get3A_733 = vector.shape_cast %get3A_732 : vector<1x16xf32> to vector<1x16xf32>
        %add3A_734 = arith.addf %add3A_729, %get3A_733 : vector<1x16xf32>
        %swap3A_735 = arith.index_cast %add3A_720 : i32 to index
        %swap3A_736 = arith.constant 112 : index
        %swap3A_737 = tpu.vector_load %arg15[%swap3A_735, %swap3A_736] {strides = array<i32>} : memref<80x128xf32, #tpu.memory_space<vmem>>, vector<1x16xf32>,
        %swap3A_738 = vector.shape_cast %swap3A_737 : vector<1x16xf32> to vector<1x16xf32>
        %swap3A_739 = vector.shape_cast %add3A_734 : vector<1x16xf32> to vector<1x16xf32>
        tpu.vector_store %arg15[%swap3A_735, %swap3A_736], %swap3A_739 {strides = array<i32>} : memref<80x128xf32, #tpu.memory_space<vmem>>, vector<1x16xf32>,
      }
      %scan3A_263 = arith.constant 40 : i32
      %mul3A_264 = arith.constant 80 : i32
      %mul3A_265 = arith.muli %add3A_148, %mul3A_264 : i32
      %add3A_266 = arith.addi %mul3A_2, %mul3A_265 : i32
      %dma_start3A_267 = arith.constant 0 : i32
      %dma_start3A_268 = tpu.memref_slice %arg8[%add3A_266, %dma_start3A_267] : memref<320000x128xf32, #tpu.memory_space<hbm>> -> memref<80x128xf32, #tpu.memory_space<hbm>>
      %dma_start3A_269 = arith.constant 0 : i32
      %dma_start3A_270 = tpu.memref_slice %arg8[%add3A_266, %dma_start3A_269] : memref<320000x128xf32, #tpu.memory_space<hbm>> -> memref<80x128xf32, #tpu.memory_space<hbm>>
      tpu.enqueue_dma source(%arg15 : memref<80x128xf32, #tpu.memory_space<vmem>>) target(%dma_start3A_270 : memref<80x128xf32, #tpu.memory_space<hbm>>) target_semaphore(%arg25 : memref<!tpu.dma_semaphore, #tpu.memory_space<semaphore_mem>>)
      %add3A_271 = arith.constant 1 : i32
      %add3A_272 = arith.addi %add3A_146, %add3A_271 : i32
      %ge3A_273 = arith.constant 1 : i32
      %ge3A_274 = arith.cmpi sge, %add3A_272, %ge3A_273 : i32
      %convert_element_type3A_275 = arith.extui %ge3A_274 : i1 to i32
      %cond3A_276 = arith.constant 0 : i32
      %cond3A_277 = arith.cmpi ne, %convert_element_type3A_275, %cond3A_276 : i32
      scf.if %cond3A_277 {
        %sub3A = arith.constant 1 : i32
        %sub3A_399 = arith.subi %add3A_272, %sub3A : i32
        %mul3A_400 = arith.constant 80 : i32
        %mul3A_401 = arith.muli %sub3A_399, %mul3A_400 : i32
        %add3A_402 = arith.addi %mul3A_2, %mul3A_401 : i32
        %dma_wait3A_403 = arith.constant 0 : i32
        %dma_wait3A_404 = tpu.memref_slice %arg8[%add3A_402, %dma_wait3A_403] : memref<320000x128xf32, #tpu.memory_space<hbm>> -> memref<80x128xf32, #tpu.memory_space<hbm>>
        %dma_wait3A_405 = arith.constant 0 : i32
        %dma_wait3A_406 = tpu.memref_slice %arg8[%add3A_402, %dma_wait3A_405] : memref<320000x128xf32, #tpu.memory_space<hbm>> -> memref<80x128xf32, #tpu.memory_space<hbm>>
        tpu.wait_dma2 semaphore(%arg25 : memref<!tpu.dma_semaphore, #tpu.memory_space<semaphore_mem>>) src(%arg15 : memref<80x128xf32, #tpu.memory_space<vmem>>) dst(%dma_wait3A_406 : memref<80x128xf32, #tpu.memory_space<hbm>>)
      } else {
      }
      %add3A_278 = arith.constant 1 : i32
      %add3A_279 = arith.addi %add3A_272, %add3A_278 : i32
      %mul3A_280 = arith.constant 80 : i32
      %mul3A_281 = arith.muli %add3A_279, %mul3A_280 : i32
      %add3A_282 = arith.addi %mul3A_2, %mul3A_281 : i32
      %dma_wait3A_283 = tpu.memref_slice %arg5[%add3A_282] : memref<320000xi32, #tpu.memory_space<hbm>> -> memref<80xi32, #tpu.memory_space<hbm>>
      %dma_wait3A_284 = tpu.memref_slice %arg5[%add3A_282] : memref<320000xi32, #tpu.memory_space<hbm>> -> memref<80xi32, #tpu.memory_space<hbm>>
      tpu.wait_dma2 semaphore(%arg21 : memref<!tpu.dma_semaphore, #tpu.memory_space<semaphore_mem>>) src(%dma_wait3A_284 : memref<80xi32, #tpu.memory_space<hbm>>) dst(%arg9 : memref<80xi32, #tpu.memory_space<vmem>>)
      %dma_wait3A_285 = tpu.memref_slice %arg6[%add3A_282] : memref<320000xi32, #tpu.memory_space<hbm>> -> memref<80xi32, #tpu.memory_space<hbm>>
      %dma_wait3A_286 = tpu.memref_slice %arg6[%add3A_282] : memref<320000xi32, #tpu.memory_space<hbm>> -> memref<80xi32, #tpu.memory_space<hbm>>
      tpu.wait_dma2 semaphore(%arg21 : memref<!tpu.dma_semaphore, #tpu.memory_space<semaphore_mem>>) src(%dma_wait3A_286 : memref<80xi32, #tpu.memory_space<hbm>>) dst(%arg11 : memref<80xi32, #tpu.memory_space<vmem>>)
      %dma_wait3A_287 = tpu.memref_slice %arg7[%add3A_282] : memref<320000xi32, #tpu.memory_space<hbm>> -> memref<80xi32, #tpu.memory_space<hbm>>
      %dma_wait3A_288 = tpu.memref_slice %arg7[%add3A_282] : memref<320000xi32, #tpu.memory_space<hbm>> -> memref<80xi32, #tpu.memory_space<hbm>>
      tpu.wait_dma2 semaphore(%arg21 : memref<!tpu.dma_semaphore, #tpu.memory_space<semaphore_mem>>) src(%dma_wait3A_288 : memref<80xi32, #tpu.memory_space<hbm>>) dst(%arg13 : memref<80xi32, #tpu.memory_space<vmem>>)
      %get3A_289 = arith.constant 0 : index
      %get3A_290 = tpu.vector_load %arg13[%get3A_289] {strides = array<i32>} : memref<80xi32, #tpu.memory_space<vmem>>, vector<16xi32>,
      %get3A_291 = vector.shape_cast %get3A_290 : vector<16xi32> to vector<16xi32>
      %mul3A_292 = arith.constant 32 : i32
      %mul3A_293 = vector.broadcast %mul3A_292 : i32 to vector<16xi32>
      %mul3A_294 = arith.muli %get3A_291, %mul3A_293 : vector<16xi32>
      %iota3A_295 = tpu.iota {dimensions = array<i32: 0>} : vector<16xi32>
      %add3A_296 = arith.addi %mul3A_294, %iota3A_295 : vector<16xi32>
      %add3A_297 = arith.constant 0 : i32
      %add3A_298 = vector.broadcast %add3A_297 : i32 to vector<16xi32>
      %add3A_299 = arith.addi %add3A_296, %add3A_298 : vector<16xi32>
      %swap3A_300 = arith.constant 0 : index
      %swap3A_301 = tpu.vector_load %arg13[%swap3A_300] {strides = array<i32>} : memref<80xi32, #tpu.memory_space<vmem>>, vector<16xi32>,
      %swap3A_302 = vector.shape_cast %swap3A_301 : vector<16xi32> to vector<16xi32>
      %swap3A_303 = vector.shape_cast %add3A_299 : vector<16xi32> to vector<16xi32>
      tpu.vector_store %arg13[%swap3A_300], %swap3A_303 {strides = array<i32>} : memref<80xi32, #tpu.memory_space<vmem>>, vector<16xi32>,
      %get3A_304 = arith.constant 16 : index
      %get3A_305 = tpu.vector_load %arg13[%get3A_304] {strides = array<i32>} : memref<80xi32, #tpu.memory_space<vmem>>, vector<16xi32>,
      %get3A_306 = vector.shape_cast %get3A_305 : vector<16xi32> to vector<16xi32>
      %mul3A_307 = arith.constant 32 : i32
      %mul3A_308 = vector.broadcast %mul3A_307 : i32 to vector<16xi32>
      %mul3A_309 = arith.muli %get3A_306, %mul3A_308 : vector<16xi32>
      %iota3A_310 = tpu.iota {dimensions = array<i32: 0>} : vector<16xi32>
      %add3A_311 = arith.addi %mul3A_309, %iota3A_310 : vector<16xi32>
      %add3A_312 = arith.constant 16 : i32
      %add3A_313 = vector.broadcast %add3A_312 : i32 to vector<16xi32>
      %add3A_314 = arith.addi %add3A_311, %add3A_313 : vector<16xi32>
      %swap3A_315 = arith.constant 16 : index
      %swap3A_316 = tpu.vector_load %arg13[%swap3A_315] {strides = array<i32>} : memref<80xi32, #tpu.memory_space<vmem>>, vector<16xi32>,
      %swap3A_317 = vector.shape_cast %swap3A_316 : vector<16xi32> to vector<16xi32>
      %swap3A_318 = vector.shape_cast %add3A_314 : vector<16xi32> to vector<16xi32>
      tpu.vector_store %arg13[%swap3A_315], %swap3A_318 {strides = array<i32>} : memref<80xi32, #tpu.memory_space<vmem>>, vector<16xi32>,
      %get3A_319 = arith.constant 32 : index
      %get3A_320 = tpu.vector_load %arg13[%get3A_319] {strides = array<i32>} : memref<80xi32, #tpu.memory_space<vmem>>, vector<16xi32>,
      %get3A_321 = vector.shape_cast %get3A_320 : vector<16xi32> to vector<16xi32>
      %mul3A_322 = arith.constant 32 : i32
      %mul3A_323 = vector.broadcast %mul3A_322 : i32 to vector<16xi32>
      %mul3A_324 = arith.muli %get3A_321, %mul3A_323 : vector<16xi32>
      %iota3A_325 = tpu.iota {dimensions = array<i32: 0>} : vector<16xi32>
      %add3A_326 = arith.addi %mul3A_324, %iota3A_325 : vector<16xi32>
      %add3A_327 = arith.constant 0 : i32
      %add3A_328 = vector.broadcast %add3A_327 : i32 to vector<16xi32>
      %add3A_329 = arith.addi %add3A_326, %add3A_328 : vector<16xi32>
      %swap3A_330 = arith.constant 32 : index
      %swap3A_331 = tpu.vector_load %arg13[%swap3A_330] {strides = array<i32>} : memref<80xi32, #tpu.memory_space<vmem>>, vector<16xi32>,
      %swap3A_332 = vector.shape_cast %swap3A_331 : vector<16xi32> to vector<16xi32>
      %swap3A_333 = vector.shape_cast %add3A_329 : vector<16xi32> to vector<16xi32>
      tpu.vector_store %arg13[%swap3A_330], %swap3A_333 {strides = array<i32>} : memref<80xi32, #tpu.memory_space<vmem>>, vector<16xi32>,
      %get3A_334 = arith.constant 48 : index
      %get3A_335 = tpu.vector_load %arg13[%get3A_334] {strides = array<i32>} : memref<80xi32, #tpu.memory_space<vmem>>, vector<16xi32>,
      %get3A_336 = vector.shape_cast %get3A_335 : vector<16xi32> to vector<16xi32>
      %mul3A_337 = arith.constant 32 : i32
      %mul3A_338 = vector.broadcast %mul3A_337 : i32 to vector<16xi32>
      %mul3A_339 = arith.muli %get3A_336, %mul3A_338 : vector<16xi32>
      %iota3A_340 = tpu.iota {dimensions = array<i32: 0>} : vector<16xi32>
      %add3A_341 = arith.addi %mul3A_339, %iota3A_340 : vector<16xi32>
      %add3A_342 = arith.constant 16 : i32
      %add3A_343 = vector.broadcast %add3A_342 : i32 to vector<16xi32>
      %add3A_344 = arith.addi %add3A_341, %add3A_343 : vector<16xi32>
      %swap3A_345 = arith.constant 48 : index
      %swap3A_346 = tpu.vector_load %arg13[%swap3A_345] {strides = array<i32>} : memref<80xi32, #tpu.memory_space<vmem>>, vector<16xi32>,
      %swap3A_347 = vector.shape_cast %swap3A_346 : vector<16xi32> to vector<16xi32>
      %swap3A_348 = vector.shape_cast %add3A_344 : vector<16xi32> to vector<16xi32>
      tpu.vector_store %arg13[%swap3A_345], %swap3A_348 {strides = array<i32>} : memref<80xi32, #tpu.memory_space<vmem>>, vector<16xi32>,
      %get3A_349 = arith.constant 64 : index
      %get3A_350 = tpu.vector_load %arg13[%get3A_349] {strides = array<i32>} : memref<80xi32, #tpu.memory_space<vmem>>, vector<16xi32>,
      %get3A_351 = vector.shape_cast %get3A_350 : vector<16xi32> to vector<16xi32>
      %mul3A_352 = arith.constant 32 : i32
      %mul3A_353 = vector.broadcast %mul3A_352 : i32 to vector<16xi32>
      %mul3A_354 = arith.muli %get3A_351, %mul3A_353 : vector<16xi32>
      %iota3A_355 = tpu.iota {dimensions = array<i32: 0>} : vector<16xi32>
      %add3A_356 = arith.addi %mul3A_354, %iota3A_355 : vector<16xi32>
      %add3A_357 = arith.constant 0 : i32
      %add3A_358 = vector.broadcast %add3A_357 : i32 to vector<16xi32>
      %add3A_359 = arith.addi %add3A_356, %add3A_358 : vector<16xi32>
      %swap3A_360 = arith.constant 64 : index
      %swap3A_361 = tpu.vector_load %arg13[%swap3A_360] {strides = array<i32>} : memref<80xi32, #tpu.memory_space<vmem>>, vector<16xi32>,
      %swap3A_362 = vector.shape_cast %swap3A_361 : vector<16xi32> to vector<16xi32>
      %swap3A_363 = vector.shape_cast %add3A_359 : vector<16xi32> to vector<16xi32>
      tpu.vector_store %arg13[%swap3A_360], %swap3A_363 {strides = array<i32>} : memref<80xi32, #tpu.memory_space<vmem>>, vector<16xi32>,
      %dma_start3A_364 = arith.constant 0 : i32
      %dma_start3A_365 = arith.constant 0 : i32
      %dma_start3A_366 = tpu.memref_slice %arg2[%dma_start3A_364, %dma_start3A_365] : memref<10000x128xf32, #tpu.memory_space<hbm>> -> memref<10000x128xf32, #tpu.memory_space<hbm>>
      tpu.enqueue_indirect_dma source(%dma_start3A_366 : memref<10000x128xf32, #tpu.memory_space<hbm>>) target(%arg15 : memref<80x128xf32, #tpu.memory_space<vmem>>) offsets(%arg9 : memref<80xi32, #tpu.memory_space<vmem>>) semaphore(%arg23 : memref<!tpu.dma_semaphore, #tpu.memory_space<semaphore_mem>>)
      %dma_start3A_367 = arith.constant 0 : i32
      %dma_start3A_368 = arith.constant 0 : i32
      %dma_start3A_369 = tpu.memref_slice %arg3[%dma_start3A_367, %dma_start3A_368] : memref<10000x128xf32, #tpu.memory_space<hbm>> -> memref<10000x128xf32, #tpu.memory_space<hbm>>
      tpu.enqueue_indirect_dma source(%dma_start3A_369 : memref<10000x128xf32, #tpu.memory_space<hbm>>) target(%arg17 : memref<80x128xf32, #tpu.memory_space<vmem>>) offsets(%arg11 : memref<80xi32, #tpu.memory_space<vmem>>) semaphore(%arg23 : memref<!tpu.dma_semaphore, #tpu.memory_space<semaphore_mem>>)
      %dma_start3A_370 = arith.constant 0 : i32
      %dma_start3A_371 = arith.constant 0 : i32
      %dma_start3A_372 = tpu.memref_slice %arg4[%dma_start3A_370, %dma_start3A_371] : memref<16000x128xf32, #tpu.memory_space<hbm>> -> memref<16000x128xf32, #tpu.memory_space<hbm>>
      tpu.enqueue_indirect_dma source(%dma_start3A_372 : memref<16000x128xf32, #tpu.memory_space<hbm>>) target(%arg19 : memref<80x128xf32, #tpu.memory_space<vmem>>) offsets(%arg13 : memref<80xi32, #tpu.memory_space<vmem>>) semaphore(%arg23 : memref<!tpu.dma_semaphore, #tpu.memory_space<semaphore_mem>>)
      %dma_wait3A_373 = arith.constant 0 : i32
      %dma_wait3A_374 = arith.constant 0 : i32
      %dma_wait3A_375 = tpu.memref_slice %arg2[%dma_wait3A_373, %dma_wait3A_374] : memref<10000x128xf32, #tpu.memory_space<hbm>> -> memref<10000x128xf32, #tpu.memory_space<hbm>>
      tpu.wait_indirect_dma semaphore(%arg24 : memref<!tpu.dma_semaphore, #tpu.memory_space<semaphore_mem>>) src(%dma_wait3A_375 : memref<10000x128xf32, #tpu.memory_space<hbm>>) dst(%arg16 : memref<80x128xf32, #tpu.memory_space<vmem>>)
      %dma_wait3A_376 = arith.constant 0 : i32
      %dma_wait3A_377 = arith.constant 0 : i32
      %dma_wait3A_378 = tpu.memref_slice %arg3[%dma_wait3A_376, %dma_wait3A_377] : memref<10000x128xf32, #tpu.memory_space<hbm>> -> memref<10000x128xf32, #tpu.memory_space<hbm>>
      tpu.wait_indirect_dma semaphore(%arg24 : memref<!tpu.dma_semaphore, #tpu.memory_space<semaphore_mem>>) src(%dma_wait3A_378 : memref<10000x128xf32, #tpu.memory_space<hbm>>) dst(%arg18 : memref<80x128xf32, #tpu.memory_space<vmem>>)
      %dma_wait3A_379 = arith.constant 0 : i32
      %dma_wait3A_380 = arith.constant 0 : i32
      %dma_wait3A_381 = tpu.memref_slice %arg4[%dma_wait3A_379, %dma_wait3A_380] : memref<16000x128xf32, #tpu.memory_space<hbm>> -> memref<16000x128xf32, #tpu.memory_space<hbm>>
      tpu.wait_indirect_dma semaphore(%arg24 : memref<!tpu.dma_semaphore, #tpu.memory_space<semaphore_mem>>) src(%dma_wait3A_381 : memref<16000x128xf32, #tpu.memory_space<hbm>>) dst(%arg20 : memref<80x128xf32, #tpu.memory_space<vmem>>)
      %le3A_382 = arith.constant 122 : i32
      %le3A_383 = arith.cmpi sle, %add3A_272, %le3A_382 : i32
      %convert_element_type3A_384 = arith.extui %le3A_383 : i1 to i32
      %cond3A_385 = arith.constant 0 : i32
      %cond3A_386 = arith.cmpi ne, %convert_element_type3A_384, %cond3A_385 : i32
      scf.if %cond3A_386 {
        %add3A_399 = arith.constant 2 : i32
        %add3A_400 = arith.addi %add3A_272, %add3A_399 : i32
        %mul3A_401 = arith.constant 80 : i32
        %mul3A_402 = arith.muli %add3A_400, %mul3A_401 : i32
        %add3A_403 = arith.addi %mul3A_2, %mul3A_402 : i32
        %dma_start3A_404 = tpu.memref_slice %arg5[%add3A_403] : memref<320000xi32, #tpu.memory_space<hbm>> -> memref<80xi32, #tpu.memory_space<hbm>>
        %dma_start3A_405 = tpu.memref_slice %arg5[%add3A_403] : memref<320000xi32, #tpu.memory_space<hbm>> -> memref<80xi32, #tpu.memory_space<hbm>>
        tpu.enqueue_dma source(%dma_start3A_405 : memref<80xi32, #tpu.memory_space<hbm>>) target(%arg10 : memref<80xi32, #tpu.memory_space<vmem>>) target_semaphore(%arg22 : memref<!tpu.dma_semaphore, #tpu.memory_space<semaphore_mem>>)
        %dma_start3A_406 = tpu.memref_slice %arg6[%add3A_403] : memref<320000xi32, #tpu.memory_space<hbm>> -> memref<80xi32, #tpu.memory_space<hbm>>
        %dma_start3A_407 = tpu.memref_slice %arg6[%add3A_403] : memref<320000xi32, #tpu.memory_space<hbm>> -> memref<80xi32, #tpu.memory_space<hbm>>
        tpu.enqueue_dma source(%dma_start3A_407 : memref<80xi32, #tpu.memory_space<hbm>>) target(%arg12 : memref<80xi32, #tpu.memory_space<vmem>>) target_semaphore(%arg22 : memref<!tpu.dma_semaphore, #tpu.memory_space<semaphore_mem>>)
        %dma_start3A_408 = tpu.memref_slice %arg7[%add3A_403] : memref<320000xi32, #tpu.memory_space<hbm>> -> memref<80xi32, #tpu.memory_space<hbm>>
        %dma_start3A_409 = tpu.memref_slice %arg7[%add3A_403] : memref<320000xi32, #tpu.memory_space<hbm>> -> memref<80xi32, #tpu.memory_space<hbm>>
        tpu.enqueue_dma source(%dma_start3A_409 : memref<80xi32, #tpu.memory_space<hbm>>) target(%arg14 : memref<80xi32, #tpu.memory_space<vmem>>) target_semaphore(%arg22 : memref<!tpu.dma_semaphore, #tpu.memory_space<semaphore_mem>>)
      } else {
      }
      %scan3A_387 = arith.constant 0 : i32
      %scan3A_388 = arith.constant 40 : i32
      %scan3A_389 = arith.addi %scan3A_387, %scan3A_388 : i32
      %scan3A_390 = arith.constant 1 : i32
      scf.for %scan3A_399 = %scan3A_387 to %scan3A_389 step %scan3A_390  : i32 {
        %mul3A_400 = arith.constant 2 : i32
        %mul3A_401 = arith.muli %scan3A_399, %mul3A_400 : i32
        %add3A_402 = arith.constant 0 : i32
        %add3A_403 = arith.addi %add3A_402, %mul3A_401 : i32
        %add3A_404 = arith.constant 0 : i32
        %add3A_405 = arith.addi %add3A_403, %add3A_404 : i32
        %get3A_406 = arith.index_cast %add3A_405 : i32 to index
        %get3A_407 = arith.constant 0 : index
        %get3A_408 = tpu.vector_load %arg16[%get3A_406, %get3A_407] {strides = array<i32>} : memref<80x128xf32, #tpu.memory_space<vmem>>, vector<1x16xf32>,
        %get3A_409 = vector.shape_cast %get3A_408 : vector<1x16xf32> to vector<1x16xf32>
        %get3A_410 = arith.index_cast %add3A_405 : i32 to index
        %get3A_411 = arith.constant 0 : index
        %get3A_412 = tpu.vector_load %arg18[%get3A_410, %get3A_411] {strides = array<i32>} : memref<80x128xf32, #tpu.memory_space<vmem>>, vector<1x16xf32>,
        %get3A_413 = vector.shape_cast %get3A_412 : vector<1x16xf32> to vector<1x16xf32>
        %add3A_414 = arith.addf %get3A_409, %get3A_413 : vector<1x16xf32>
        %get3A_415 = arith.index_cast %add3A_405 : i32 to index
        %get3A_416 = arith.constant 0 : index
        %get3A_417 = tpu.vector_load %arg20[%get3A_415, %get3A_416] {strides = array<i32>} : memref<80x128xf32, #tpu.memory_space<vmem>>, vector<1x16xf32>,
        %get3A_418 = vector.shape_cast %get3A_417 : vector<1x16xf32> to vector<1x16xf32>
        %add3A_419 = arith.addf %add3A_414, %get3A_418 : vector<1x16xf32>
        %swap3A_420 = arith.index_cast %add3A_405 : i32 to index
        %swap3A_421 = arith.constant 0 : index
        %swap3A_422 = tpu.vector_load %arg16[%swap3A_420, %swap3A_421] {strides = array<i32>} : memref<80x128xf32, #tpu.memory_space<vmem>>, vector<1x16xf32>,
        %swap3A_423 = vector.shape_cast %swap3A_422 : vector<1x16xf32> to vector<1x16xf32>
        %swap3A_424 = vector.shape_cast %add3A_419 : vector<1x16xf32> to vector<1x16xf32>
        tpu.vector_store %arg16[%swap3A_420, %swap3A_421], %swap3A_424 {strides = array<i32>} : memref<80x128xf32, #tpu.memory_space<vmem>>, vector<1x16xf32>,
        %add3A_425 = arith.constant 0 : i32
        %add3A_426 = arith.addi %add3A_403, %add3A_425 : i32
        %get3A_427 = arith.index_cast %add3A_426 : i32 to index
        %get3A_428 = arith.constant 16 : index
        %get3A_429 = tpu.vector_load %arg16[%get3A_427, %get3A_428] {strides = array<i32>} : memref<80x128xf32, #tpu.memory_space<vmem>>, vector<1x16xf32>,
        %get3A_430 = vector.shape_cast %get3A_429 : vector<1x16xf32> to vector<1x16xf32>
        %get3A_431 = arith.index_cast %add3A_426 : i32 to index
        %get3A_432 = arith.constant 16 : index
        %get3A_433 = tpu.vector_load %arg18[%get3A_431, %get3A_432] {strides = array<i32>} : memref<80x128xf32, #tpu.memory_space<vmem>>, vector<1x16xf32>,
        %get3A_434 = vector.shape_cast %get3A_433 : vector<1x16xf32> to vector<1x16xf32>
        %add3A_435 = arith.addf %get3A_430, %get3A_434 : vector<1x16xf32>
        %get3A_436 = arith.index_cast %add3A_426 : i32 to index
        %get3A_437 = arith.constant 16 : index
        %get3A_438 = tpu.vector_load %arg20[%get3A_436, %get3A_437] {strides = array<i32>} : memref<80x128xf32, #tpu.memory_space<vmem>>, vector<1x16xf32>,
        %get3A_439 = vector.shape_cast %get3A_438 : vector<1x16xf32> to vector<1x16xf32>
        %add3A_440 = arith.addf %add3A_435, %get3A_439 : vector<1x16xf32>
        %swap3A_441 = arith.index_cast %add3A_426 : i32 to index
        %swap3A_442 = arith.constant 16 : index
        %swap3A_443 = tpu.vector_load %arg16[%swap3A_441, %swap3A_442] {strides = array<i32>} : memref<80x128xf32, #tpu.memory_space<vmem>>, vector<1x16xf32>,
        %swap3A_444 = vector.shape_cast %swap3A_443 : vector<1x16xf32> to vector<1x16xf32>
        %swap3A_445 = vector.shape_cast %add3A_440 : vector<1x16xf32> to vector<1x16xf32>
        tpu.vector_store %arg16[%swap3A_441, %swap3A_442], %swap3A_445 {strides = array<i32>} : memref<80x128xf32, #tpu.memory_space<vmem>>, vector<1x16xf32>,
        %add3A_446 = arith.constant 0 : i32
        %add3A_447 = arith.addi %add3A_403, %add3A_446 : i32
        %get3A_448 = arith.index_cast %add3A_447 : i32 to index
        %get3A_449 = arith.constant 32 : index
        %get3A_450 = tpu.vector_load %arg16[%get3A_448, %get3A_449] {strides = array<i32>} : memref<80x128xf32, #tpu.memory_space<vmem>>, vector<1x16xf32>,
        %get3A_451 = vector.shape_cast %get3A_450 : vector<1x16xf32> to vector<1x16xf32>
        %get3A_452 = arith.index_cast %add3A_447 : i32 to index
        %get3A_453 = arith.constant 32 : index
        %get3A_454 = tpu.vector_load %arg18[%get3A_452, %get3A_453] {strides = array<i32>} : memref<80x128xf32, #tpu.memory_space<vmem>>, vector<1x16xf32>,
        %get3A_455 = vector.shape_cast %get3A_454 : vector<1x16xf32> to vector<1x16xf32>
        %add3A_456 = arith.addf %get3A_451, %get3A_455 : vector<1x16xf32>
        %get3A_457 = arith.index_cast %add3A_447 : i32 to index
        %get3A_458 = arith.constant 32 : index
        %get3A_459 = tpu.vector_load %arg20[%get3A_457, %get3A_458] {strides = array<i32>} : memref<80x128xf32, #tpu.memory_space<vmem>>, vector<1x16xf32>,
        %get3A_460 = vector.shape_cast %get3A_459 : vector<1x16xf32> to vector<1x16xf32>
        %add3A_461 = arith.addf %add3A_456, %get3A_460 : vector<1x16xf32>
        %swap3A_462 = arith.index_cast %add3A_447 : i32 to index
        %swap3A_463 = arith.constant 32 : index
        %swap3A_464 = tpu.vector_load %arg16[%swap3A_462, %swap3A_463] {strides = array<i32>} : memref<80x128xf32, #tpu.memory_space<vmem>>, vector<1x16xf32>,
        %swap3A_465 = vector.shape_cast %swap3A_464 : vector<1x16xf32> to vector<1x16xf32>
        %swap3A_466 = vector.shape_cast %add3A_461 : vector<1x16xf32> to vector<1x16xf32>
        tpu.vector_store %arg16[%swap3A_462, %swap3A_463], %swap3A_466 {strides = array<i32>} : memref<80x128xf32, #tpu.memory_space<vmem>>, vector<1x16xf32>,
        %add3A_467 = arith.constant 0 : i32
        %add3A_468 = arith.addi %add3A_403, %add3A_467 : i32
        %get3A_469 = arith.index_cast %add3A_468 : i32 to index
        %get3A_470 = arith.constant 48 : index
        %get3A_471 = tpu.vector_load %arg16[%get3A_469, %get3A_470] {strides = array<i32>} : memref<80x128xf32, #tpu.memory_space<vmem>>, vector<1x16xf32>,
        %get3A_472 = vector.shape_cast %get3A_471 : vector<1x16xf32> to vector<1x16xf32>
        %get3A_473 = arith.index_cast %add3A_468 : i32 to index
        %get3A_474 = arith.constant 48 : index
        %get3A_475 = tpu.vector_load %arg18[%get3A_473, %get3A_474] {strides = array<i32>} : memref<80x128xf32, #tpu.memory_space<vmem>>, vector<1x16xf32>,
        %get3A_476 = vector.shape_cast %get3A_475 : vector<1x16xf32> to vector<1x16xf32>
        %add3A_477 = arith.addf %get3A_472, %get3A_476 : vector<1x16xf32>
        %get3A_478 = arith.index_cast %add3A_468 : i32 to index
        %get3A_479 = arith.constant 48 : index
        %get3A_480 = tpu.vector_load %arg20[%get3A_478, %get3A_479] {strides = array<i32>} : memref<80x128xf32, #tpu.memory_space<vmem>>, vector<1x16xf32>,
        %get3A_481 = vector.shape_cast %get3A_480 : vector<1x16xf32> to vector<1x16xf32>
        %add3A_482 = arith.addf %add3A_477, %get3A_481 : vector<1x16xf32>
        %swap3A_483 = arith.index_cast %add3A_468 : i32 to index
        %swap3A_484 = arith.constant 48 : index
        %swap3A_485 = tpu.vector_load %arg16[%swap3A_483, %swap3A_484] {strides = array<i32>} : memref<80x128xf32, #tpu.memory_space<vmem>>, vector<1x16xf32>,
        %swap3A_486 = vector.shape_cast %swap3A_485 : vector<1x16xf32> to vector<1x16xf32>
        %swap3A_487 = vector.shape_cast %add3A_482 : vector<1x16xf32> to vector<1x16xf32>
        tpu.vector_store %arg16[%swap3A_483, %swap3A_484], %swap3A_487 {strides = array<i32>} : memref<80x128xf32, #tpu.memory_space<vmem>>, vector<1x16xf32>,
        %add3A_488 = arith.constant 0 : i32
        %add3A_489 = arith.addi %add3A_403, %add3A_488 : i32
        %get3A_490 = arith.index_cast %add3A_489 : i32 to index
        %get3A_491 = arith.constant 64 : index
        %get3A_492 = tpu.vector_load %arg16[%get3A_490, %get3A_491] {strides = array<i32>} : memref<80x128xf32, #tpu.memory_space<vmem>>, vector<1x16xf32>,
        %get3A_493 = vector.shape_cast %get3A_492 : vector<1x16xf32> to vector<1x16xf32>
        %get3A_494 = arith.index_cast %add3A_489 : i32 to index
        %get3A_495 = arith.constant 64 : index
        %get3A_496 = tpu.vector_load %arg18[%get3A_494, %get3A_495] {strides = array<i32>} : memref<80x128xf32, #tpu.memory_space<vmem>>, vector<1x16xf32>,
        %get3A_497 = vector.shape_cast %get3A_496 : vector<1x16xf32> to vector<1x16xf32>
        %add3A_498 = arith.addf %get3A_493, %get3A_497 : vector<1x16xf32>
        %get3A_499 = arith.index_cast %add3A_489 : i32 to index
        %get3A_500 = arith.constant 64 : index
        %get3A_501 = tpu.vector_load %arg20[%get3A_499, %get3A_500] {strides = array<i32>} : memref<80x128xf32, #tpu.memory_space<vmem>>, vector<1x16xf32>,
        %get3A_502 = vector.shape_cast %get3A_501 : vector<1x16xf32> to vector<1x16xf32>
        %add3A_503 = arith.addf %add3A_498, %get3A_502 : vector<1x16xf32>
        %swap3A_504 = arith.index_cast %add3A_489 : i32 to index
        %swap3A_505 = arith.constant 64 : index
        %swap3A_506 = tpu.vector_load %arg16[%swap3A_504, %swap3A_505] {strides = array<i32>} : memref<80x128xf32, #tpu.memory_space<vmem>>, vector<1x16xf32>,
        %swap3A_507 = vector.shape_cast %swap3A_506 : vector<1x16xf32> to vector<1x16xf32>
        %swap3A_508 = vector.shape_cast %add3A_503 : vector<1x16xf32> to vector<1x16xf32>
        tpu.vector_store %arg16[%swap3A_504, %swap3A_505], %swap3A_508 {strides = array<i32>} : memref<80x128xf32, #tpu.memory_space<vmem>>, vector<1x16xf32>,
        %add3A_509 = arith.constant 0 : i32
        %add3A_510 = arith.addi %add3A_403, %add3A_509 : i32
        %get3A_511 = arith.index_cast %add3A_510 : i32 to index
        %get3A_512 = arith.constant 80 : index
        %get3A_513 = tpu.vector_load %arg16[%get3A_511, %get3A_512] {strides = array<i32>} : memref<80x128xf32, #tpu.memory_space<vmem>>, vector<1x16xf32>,
        %get3A_514 = vector.shape_cast %get3A_513 : vector<1x16xf32> to vector<1x16xf32>
        %get3A_515 = arith.index_cast %add3A_510 : i32 to index
        %get3A_516 = arith.constant 80 : index
        %get3A_517 = tpu.vector_load %arg18[%get3A_515, %get3A_516] {strides = array<i32>} : memref<80x128xf32, #tpu.memory_space<vmem>>, vector<1x16xf32>,
        %get3A_518 = vector.shape_cast %get3A_517 : vector<1x16xf32> to vector<1x16xf32>
        %add3A_519 = arith.addf %get3A_514, %get3A_518 : vector<1x16xf32>
        %get3A_520 = arith.index_cast %add3A_510 : i32 to index
        %get3A_521 = arith.constant 80 : index
        %get3A_522 = tpu.vector_load %arg20[%get3A_520, %get3A_521] {strides = array<i32>} : memref<80x128xf32, #tpu.memory_space<vmem>>, vector<1x16xf32>,
        %get3A_523 = vector.shape_cast %get3A_522 : vector<1x16xf32> to vector<1x16xf32>
        %add3A_524 = arith.addf %add3A_519, %get3A_523 : vector<1x16xf32>
        %swap3A_525 = arith.index_cast %add3A_510 : i32 to index
        %swap3A_526 = arith.constant 80 : index
        %swap3A_527 = tpu.vector_load %arg16[%swap3A_525, %swap3A_526] {strides = array<i32>} : memref<80x128xf32, #tpu.memory_space<vmem>>, vector<1x16xf32>,
        %swap3A_528 = vector.shape_cast %swap3A_527 : vector<1x16xf32> to vector<1x16xf32>
        %swap3A_529 = vector.shape_cast %add3A_524 : vector<1x16xf32> to vector<1x16xf32>
        tpu.vector_store %arg16[%swap3A_525, %swap3A_526], %swap3A_529 {strides = array<i32>} : memref<80x128xf32, #tpu.memory_space<vmem>>, vector<1x16xf32>,
        %add3A_530 = arith.constant 0 : i32
        %add3A_531 = arith.addi %add3A_403, %add3A_530 : i32
        %get3A_532 = arith.index_cast %add3A_531 : i32 to index
        %get3A_533 = arith.constant 96 : index
        %get3A_534 = tpu.vector_load %arg16[%get3A_532, %get3A_533] {strides = array<i32>} : memref<80x128xf32, #tpu.memory_space<vmem>>, vector<1x16xf32>,
        %get3A_535 = vector.shape_cast %get3A_534 : vector<1x16xf32> to vector<1x16xf32>
        %get3A_536 = arith.index_cast %add3A_531 : i32 to index
        %get3A_537 = arith.constant 96 : index
        %get3A_538 = tpu.vector_load %arg18[%get3A_536, %get3A_537] {strides = array<i32>} : memref<80x128xf32, #tpu.memory_space<vmem>>, vector<1x16xf32>,
        %get3A_539 = vector.shape_cast %get3A_538 : vector<1x16xf32> to vector<1x16xf32>
        %add3A_540 = arith.addf %get3A_535, %get3A_539 : vector<1x16xf32>
        %get3A_541 = arith.index_cast %add3A_531 : i32 to index
        %get3A_542 = arith.constant 96 : index
        %get3A_543 = tpu.vector_load %arg20[%get3A_541, %get3A_542] {strides = array<i32>} : memref<80x128xf32, #tpu.memory_space<vmem>>, vector<1x16xf32>,
        %get3A_544 = vector.shape_cast %get3A_543 : vector<1x16xf32> to vector<1x16xf32>
        %add3A_545 = arith.addf %add3A_540, %get3A_544 : vector<1x16xf32>
        %swap3A_546 = arith.index_cast %add3A_531 : i32 to index
        %swap3A_547 = arith.constant 96 : index
        %swap3A_548 = tpu.vector_load %arg16[%swap3A_546, %swap3A_547] {strides = array<i32>} : memref<80x128xf32, #tpu.memory_space<vmem>>, vector<1x16xf32>,
        %swap3A_549 = vector.shape_cast %swap3A_548 : vector<1x16xf32> to vector<1x16xf32>
        %swap3A_550 = vector.shape_cast %add3A_545 : vector<1x16xf32> to vector<1x16xf32>
        tpu.vector_store %arg16[%swap3A_546, %swap3A_547], %swap3A_550 {strides = array<i32>} : memref<80x128xf32, #tpu.memory_space<vmem>>, vector<1x16xf32>,
        %add3A_551 = arith.constant 0 : i32
        %add3A_552 = arith.addi %add3A_403, %add3A_551 : i32
        %get3A_553 = arith.index_cast %add3A_552 : i32 to index
        %get3A_554 = arith.constant 112 : index
        %get3A_555 = tpu.vector_load %arg16[%get3A_553, %get3A_554] {strides = array<i32>} : memref<80x128xf32, #tpu.memory_space<vmem>>, vector<1x16xf32>,
        %get3A_556 = vector.shape_cast %get3A_555 : vector<1x16xf32> to vector<1x16xf32>
        %get3A_557 = arith.index_cast %add3A_552 : i32 to index
        %get3A_558 = arith.constant 112 : index
        %get3A_559 = tpu.vector_load %arg18[%get3A_557, %get3A_558] {strides = array<i32>} : memref<80x128xf32, #tpu.memory_space<vmem>>, vector<1x16xf32>,
        %get3A_560 = vector.shape_cast %get3A_559 : vector<1x16xf32> to vector<1x16xf32>
        %add3A_561 = arith.addf %get3A_556, %get3A_560 : vector<1x16xf32>
        %get3A_562 = arith.index_cast %add3A_552 : i32 to index
        %get3A_563 = arith.constant 112 : index
        %get3A_564 = tpu.vector_load %arg20[%get3A_562, %get3A_563] {strides = array<i32>} : memref<80x128xf32, #tpu.memory_space<vmem>>, vector<1x16xf32>,
        %get3A_565 = vector.shape_cast %get3A_564 : vector<1x16xf32> to vector<1x16xf32>
        %add3A_566 = arith.addf %add3A_561, %get3A_565 : vector<1x16xf32>
        %swap3A_567 = arith.index_cast %add3A_552 : i32 to index
        %swap3A_568 = arith.constant 112 : index
        %swap3A_569 = tpu.vector_load %arg16[%swap3A_567, %swap3A_568] {strides = array<i32>} : memref<80x128xf32, #tpu.memory_space<vmem>>, vector<1x16xf32>,
        %swap3A_570 = vector.shape_cast %swap3A_569 : vector<1x16xf32> to vector<1x16xf32>
        %swap3A_571 = vector.shape_cast %add3A_566 : vector<1x16xf32> to vector<1x16xf32>
        tpu.vector_store %arg16[%swap3A_567, %swap3A_568], %swap3A_571 {strides = array<i32>} : memref<80x128xf32, #tpu.memory_space<vmem>>, vector<1x16xf32>,
        %add3A_572 = arith.constant 1 : i32
        %add3A_573 = arith.addi %add3A_403, %add3A_572 : i32
        %get3A_574 = arith.index_cast %add3A_573 : i32 to index
        %get3A_575 = arith.constant 0 : index
        %get3A_576 = tpu.vector_load %arg16[%get3A_574, %get3A_575] {strides = array<i32>} : memref<80x128xf32, #tpu.memory_space<vmem>>, vector<1x16xf32>,
        %get3A_577 = vector.shape_cast %get3A_576 : vector<1x16xf32> to vector<1x16xf32>
        %get3A_578 = arith.index_cast %add3A_573 : i32 to index
        %get3A_579 = arith.constant 0 : index
        %get3A_580 = tpu.vector_load %arg18[%get3A_578, %get3A_579] {strides = array<i32>} : memref<80x128xf32, #tpu.memory_space<vmem>>, vector<1x16xf32>,
        %get3A_581 = vector.shape_cast %get3A_580 : vector<1x16xf32> to vector<1x16xf32>
        %add3A_582 = arith.addf %get3A_577, %get3A_581 : vector<1x16xf32>
        %get3A_583 = arith.index_cast %add3A_573 : i32 to index
        %get3A_584 = arith.constant 0 : index
        %get3A_585 = tpu.vector_load %arg20[%get3A_583, %get3A_584] {strides = array<i32>} : memref<80x128xf32, #tpu.memory_space<vmem>>, vector<1x16xf32>,
        %get3A_586 = vector.shape_cast %get3A_585 : vector<1x16xf32> to vector<1x16xf32>
        %add3A_587 = arith.addf %add3A_582, %get3A_586 : vector<1x16xf32>
        %swap3A_588 = arith.index_cast %add3A_573 : i32 to index
        %swap3A_589 = arith.constant 0 : index
        %swap3A_590 = tpu.vector_load %arg16[%swap3A_588, %swap3A_589] {strides = array<i32>} : memref<80x128xf32, #tpu.memory_space<vmem>>, vector<1x16xf32>,
        %swap3A_591 = vector.shape_cast %swap3A_590 : vector<1x16xf32> to vector<1x16xf32>
        %swap3A_592 = vector.shape_cast %add3A_587 : vector<1x16xf32> to vector<1x16xf32>
        tpu.vector_store %arg16[%swap3A_588, %swap3A_589], %swap3A_592 {strides = array<i32>} : memref<80x128xf32, #tpu.memory_space<vmem>>, vector<1x16xf32>,
        %add3A_593 = arith.constant 1 : i32
        %add3A_594 = arith.addi %add3A_403, %add3A_593 : i32
        %get3A_595 = arith.index_cast %add3A_594 : i32 to index
        %get3A_596 = arith.constant 16 : index
        %get3A_597 = tpu.vector_load %arg16[%get3A_595, %get3A_596] {strides = array<i32>} : memref<80x128xf32, #tpu.memory_space<vmem>>, vector<1x16xf32>,
        %get3A_598 = vector.shape_cast %get3A_597 : vector<1x16xf32> to vector<1x16xf32>
        %get3A_599 = arith.index_cast %add3A_594 : i32 to index
        %get3A_600 = arith.constant 16 : index
        %get3A_601 = tpu.vector_load %arg18[%get3A_599, %get3A_600] {strides = array<i32>} : memref<80x128xf32, #tpu.memory_space<vmem>>, vector<1x16xf32>,
        %get3A_602 = vector.shape_cast %get3A_601 : vector<1x16xf32> to vector<1x16xf32>
        %add3A_603 = arith.addf %get3A_598, %get3A_602 : vector<1x16xf32>
        %get3A_604 = arith.index_cast %add3A_594 : i32 to index
        %get3A_605 = arith.constant 16 : index
        %get3A_606 = tpu.vector_load %arg20[%get3A_604, %get3A_605] {strides = array<i32>} : memref<80x128xf32, #tpu.memory_space<vmem>>, vector<1x16xf32>,
        %get3A_607 = vector.shape_cast %get3A_606 : vector<1x16xf32> to vector<1x16xf32>
        %add3A_608 = arith.addf %add3A_603, %get3A_607 : vector<1x16xf32>
        %swap3A_609 = arith.index_cast %add3A_594 : i32 to index
        %swap3A_610 = arith.constant 16 : index
        %swap3A_611 = tpu.vector_load %arg16[%swap3A_609, %swap3A_610] {strides = array<i32>} : memref<80x128xf32, #tpu.memory_space<vmem>>, vector<1x16xf32>,
        %swap3A_612 = vector.shape_cast %swap3A_611 : vector<1x16xf32> to vector<1x16xf32>
        %swap3A_613 = vector.shape_cast %add3A_608 : vector<1x16xf32> to vector<1x16xf32>
        tpu.vector_store %arg16[%swap3A_609, %swap3A_610], %swap3A_613 {strides = array<i32>} : memref<80x128xf32, #tpu.memory_space<vmem>>, vector<1x16xf32>,
        %add3A_614 = arith.constant 1 : i32
        %add3A_615 = arith.addi %add3A_403, %add3A_614 : i32
        %get3A_616 = arith.index_cast %add3A_615 : i32 to index
        %get3A_617 = arith.constant 32 : index
        %get3A_618 = tpu.vector_load %arg16[%get3A_616, %get3A_617] {strides = array<i32>} : memref<80x128xf32, #tpu.memory_space<vmem>>, vector<1x16xf32>,
        %get3A_619 = vector.shape_cast %get3A_618 : vector<1x16xf32> to vector<1x16xf32>
        %get3A_620 = arith.index_cast %add3A_615 : i32 to index
        %get3A_621 = arith.constant 32 : index
        %get3A_622 = tpu.vector_load %arg18[%get3A_620, %get3A_621] {strides = array<i32>} : memref<80x128xf32, #tpu.memory_space<vmem>>, vector<1x16xf32>,
        %get3A_623 = vector.shape_cast %get3A_622 : vector<1x16xf32> to vector<1x16xf32>
        %add3A_624 = arith.addf %get3A_619, %get3A_623 : vector<1x16xf32>
        %get3A_625 = arith.index_cast %add3A_615 : i32 to index
        %get3A_626 = arith.constant 32 : index
        %get3A_627 = tpu.vector_load %arg20[%get3A_625, %get3A_626] {strides = array<i32>} : memref<80x128xf32, #tpu.memory_space<vmem>>, vector<1x16xf32>,
        %get3A_628 = vector.shape_cast %get3A_627 : vector<1x16xf32> to vector<1x16xf32>
        %add3A_629 = arith.addf %add3A_624, %get3A_628 : vector<1x16xf32>
        %swap3A_630 = arith.index_cast %add3A_615 : i32 to index
        %swap3A_631 = arith.constant 32 : index
        %swap3A_632 = tpu.vector_load %arg16[%swap3A_630, %swap3A_631] {strides = array<i32>} : memref<80x128xf32, #tpu.memory_space<vmem>>, vector<1x16xf32>,
        %swap3A_633 = vector.shape_cast %swap3A_632 : vector<1x16xf32> to vector<1x16xf32>
        %swap3A_634 = vector.shape_cast %add3A_629 : vector<1x16xf32> to vector<1x16xf32>
        tpu.vector_store %arg16[%swap3A_630, %swap3A_631], %swap3A_634 {strides = array<i32>} : memref<80x128xf32, #tpu.memory_space<vmem>>, vector<1x16xf32>,
        %add3A_635 = arith.constant 1 : i32
        %add3A_636 = arith.addi %add3A_403, %add3A_635 : i32
        %get3A_637 = arith.index_cast %add3A_636 : i32 to index
        %get3A_638 = arith.constant 48 : index
        %get3A_639 = tpu.vector_load %arg16[%get3A_637, %get3A_638] {strides = array<i32>} : memref<80x128xf32, #tpu.memory_space<vmem>>, vector<1x16xf32>,
        %get3A_640 = vector.shape_cast %get3A_639 : vector<1x16xf32> to vector<1x16xf32>
        %get3A_641 = arith.index_cast %add3A_636 : i32 to index
        %get3A_642 = arith.constant 48 : index
        %get3A_643 = tpu.vector_load %arg18[%get3A_641, %get3A_642] {strides = array<i32>} : memref<80x128xf32, #tpu.memory_space<vmem>>, vector<1x16xf32>,
        %get3A_644 = vector.shape_cast %get3A_643 : vector<1x16xf32> to vector<1x16xf32>
        %add3A_645 = arith.addf %get3A_640, %get3A_644 : vector<1x16xf32>
        %get3A_646 = arith.index_cast %add3A_636 : i32 to index
        %get3A_647 = arith.constant 48 : index
        %get3A_648 = tpu.vector_load %arg20[%get3A_646, %get3A_647] {strides = array<i32>} : memref<80x128xf32, #tpu.memory_space<vmem>>, vector<1x16xf32>,
        %get3A_649 = vector.shape_cast %get3A_648 : vector<1x16xf32> to vector<1x16xf32>
        %add3A_650 = arith.addf %add3A_645, %get3A_649 : vector<1x16xf32>
        %swap3A_651 = arith.index_cast %add3A_636 : i32 to index
        %swap3A_652 = arith.constant 48 : index
        %swap3A_653 = tpu.vector_load %arg16[%swap3A_651, %swap3A_652] {strides = array<i32>} : memref<80x128xf32, #tpu.memory_space<vmem>>, vector<1x16xf32>,
        %swap3A_654 = vector.shape_cast %swap3A_653 : vector<1x16xf32> to vector<1x16xf32>
        %swap3A_655 = vector.shape_cast %add3A_650 : vector<1x16xf32> to vector<1x16xf32>
        tpu.vector_store %arg16[%swap3A_651, %swap3A_652], %swap3A_655 {strides = array<i32>} : memref<80x128xf32, #tpu.memory_space<vmem>>, vector<1x16xf32>,
        %add3A_656 = arith.constant 1 : i32
        %add3A_657 = arith.addi %add3A_403, %add3A_656 : i32
        %get3A_658 = arith.index_cast %add3A_657 : i32 to index
        %get3A_659 = arith.constant 64 : index
        %get3A_660 = tpu.vector_load %arg16[%get3A_658, %get3A_659] {strides = array<i32>} : memref<80x128xf32, #tpu.memory_space<vmem>>, vector<1x16xf32>,
        %get3A_661 = vector.shape_cast %get3A_660 : vector<1x16xf32> to vector<1x16xf32>
        %get3A_662 = arith.index_cast %add3A_657 : i32 to index
        %get3A_663 = arith.constant 64 : index
        %get3A_664 = tpu.vector_load %arg18[%get3A_662, %get3A_663] {strides = array<i32>} : memref<80x128xf32, #tpu.memory_space<vmem>>, vector<1x16xf32>,
        %get3A_665 = vector.shape_cast %get3A_664 : vector<1x16xf32> to vector<1x16xf32>
        %add3A_666 = arith.addf %get3A_661, %get3A_665 : vector<1x16xf32>
        %get3A_667 = arith.index_cast %add3A_657 : i32 to index
        %get3A_668 = arith.constant 64 : index
        %get3A_669 = tpu.vector_load %arg20[%get3A_667, %get3A_668] {strides = array<i32>} : memref<80x128xf32, #tpu.memory_space<vmem>>, vector<1x16xf32>,
        %get3A_670 = vector.shape_cast %get3A_669 : vector<1x16xf32> to vector<1x16xf32>
        %add3A_671 = arith.addf %add3A_666, %get3A_670 : vector<1x16xf32>
        %swap3A_672 = arith.index_cast %add3A_657 : i32 to index
        %swap3A_673 = arith.constant 64 : index
        %swap3A_674 = tpu.vector_load %arg16[%swap3A_672, %swap3A_673] {strides = array<i32>} : memref<80x128xf32, #tpu.memory_space<vmem>>, vector<1x16xf32>,
        %swap3A_675 = vector.shape_cast %swap3A_674 : vector<1x16xf32> to vector<1x16xf32>
        %swap3A_676 = vector.shape_cast %add3A_671 : vector<1x16xf32> to vector<1x16xf32>
        tpu.vector_store %arg16[%swap3A_672, %swap3A_673], %swap3A_676 {strides = array<i32>} : memref<80x128xf32, #tpu.memory_space<vmem>>, vector<1x16xf32>,
        %add3A_677 = arith.constant 1 : i32
        %add3A_678 = arith.addi %add3A_403, %add3A_677 : i32
        %get3A_679 = arith.index_cast %add3A_678 : i32 to index
        %get3A_680 = arith.constant 80 : index
        %get3A_681 = tpu.vector_load %arg16[%get3A_679, %get3A_680] {strides = array<i32>} : memref<80x128xf32, #tpu.memory_space<vmem>>, vector<1x16xf32>,
        %get3A_682 = vector.shape_cast %get3A_681 : vector<1x16xf32> to vector<1x16xf32>
        %get3A_683 = arith.index_cast %add3A_678 : i32 to index
        %get3A_684 = arith.constant 80 : index
        %get3A_685 = tpu.vector_load %arg18[%get3A_683, %get3A_684] {strides = array<i32>} : memref<80x128xf32, #tpu.memory_space<vmem>>, vector<1x16xf32>,
        %get3A_686 = vector.shape_cast %get3A_685 : vector<1x16xf32> to vector<1x16xf32>
        %add3A_687 = arith.addf %get3A_682, %get3A_686 : vector<1x16xf32>
        %get3A_688 = arith.index_cast %add3A_678 : i32 to index
        %get3A_689 = arith.constant 80 : index
        %get3A_690 = tpu.vector_load %arg20[%get3A_688, %get3A_689] {strides = array<i32>} : memref<80x128xf32, #tpu.memory_space<vmem>>, vector<1x16xf32>,
        %get3A_691 = vector.shape_cast %get3A_690 : vector<1x16xf32> to vector<1x16xf32>
        %add3A_692 = arith.addf %add3A_687, %get3A_691 : vector<1x16xf32>
        %swap3A_693 = arith.index_cast %add3A_678 : i32 to index
        %swap3A_694 = arith.constant 80 : index
        %swap3A_695 = tpu.vector_load %arg16[%swap3A_693, %swap3A_694] {strides = array<i32>} : memref<80x128xf32, #tpu.memory_space<vmem>>, vector<1x16xf32>,
        %swap3A_696 = vector.shape_cast %swap3A_695 : vector<1x16xf32> to vector<1x16xf32>
        %swap3A_697 = vector.shape_cast %add3A_692 : vector<1x16xf32> to vector<1x16xf32>
        tpu.vector_store %arg16[%swap3A_693, %swap3A_694], %swap3A_697 {strides = array<i32>} : memref<80x128xf32, #tpu.memory_space<vmem>>, vector<1x16xf32>,
        %add3A_698 = arith.constant 1 : i32
        %add3A_699 = arith.addi %add3A_403, %add3A_698 : i32
        %get3A_700 = arith.index_cast %add3A_699 : i32 to index
        %get3A_701 = arith.constant 96 : index
        %get3A_702 = tpu.vector_load %arg16[%get3A_700, %get3A_701] {strides = array<i32>} : memref<80x128xf32, #tpu.memory_space<vmem>>, vector<1x16xf32>,
        %get3A_703 = vector.shape_cast %get3A_702 : vector<1x16xf32> to vector<1x16xf32>
        %get3A_704 = arith.index_cast %add3A_699 : i32 to index
        %get3A_705 = arith.constant 96 : index
        %get3A_706 = tpu.vector_load %arg18[%get3A_704, %get3A_705] {strides = array<i32>} : memref<80x128xf32, #tpu.memory_space<vmem>>, vector<1x16xf32>,
        %get3A_707 = vector.shape_cast %get3A_706 : vector<1x16xf32> to vector<1x16xf32>
        %add3A_708 = arith.addf %get3A_703, %get3A_707 : vector<1x16xf32>
        %get3A_709 = arith.index_cast %add3A_699 : i32 to index
        %get3A_710 = arith.constant 96 : index
        %get3A_711 = tpu.vector_load %arg20[%get3A_709, %get3A_710] {strides = array<i32>} : memref<80x128xf32, #tpu.memory_space<vmem>>, vector<1x16xf32>,
        %get3A_712 = vector.shape_cast %get3A_711 : vector<1x16xf32> to vector<1x16xf32>
        %add3A_713 = arith.addf %add3A_708, %get3A_712 : vector<1x16xf32>
        %swap3A_714 = arith.index_cast %add3A_699 : i32 to index
        %swap3A_715 = arith.constant 96 : index
        %swap3A_716 = tpu.vector_load %arg16[%swap3A_714, %swap3A_715] {strides = array<i32>} : memref<80x128xf32, #tpu.memory_space<vmem>>, vector<1x16xf32>,
        %swap3A_717 = vector.shape_cast %swap3A_716 : vector<1x16xf32> to vector<1x16xf32>
        %swap3A_718 = vector.shape_cast %add3A_713 : vector<1x16xf32> to vector<1x16xf32>
        tpu.vector_store %arg16[%swap3A_714, %swap3A_715], %swap3A_718 {strides = array<i32>} : memref<80x128xf32, #tpu.memory_space<vmem>>, vector<1x16xf32>,
        %add3A_719 = arith.constant 1 : i32
        %add3A_720 = arith.addi %add3A_403, %add3A_719 : i32
        %get3A_721 = arith.index_cast %add3A_720 : i32 to index
        %get3A_722 = arith.constant 112 : index
        %get3A_723 = tpu.vector_load %arg16[%get3A_721, %get3A_722] {strides = array<i32>} : memref<80x128xf32, #tpu.memory_space<vmem>>, vector<1x16xf32>,
        %get3A_724 = vector.shape_cast %get3A_723 : vector<1x16xf32> to vector<1x16xf32>
        %get3A_725 = arith.index_cast %add3A_720 : i32 to index
        %get3A_726 = arith.constant 112 : index
        %get3A_727 = tpu.vector_load %arg18[%get3A_725, %get3A_726] {strides = array<i32>} : memref<80x128xf32, #tpu.memory_space<vmem>>, vector<1x16xf32>,
        %get3A_728 = vector.shape_cast %get3A_727 : vector<1x16xf32> to vector<1x16xf32>
        %add3A_729 = arith.addf %get3A_724, %get3A_728 : vector<1x16xf32>
        %get3A_730 = arith.index_cast %add3A_720 : i32 to index
        %get3A_731 = arith.constant 112 : index
        %get3A_732 = tpu.vector_load %arg20[%get3A_730, %get3A_731] {strides = array<i32>} : memref<80x128xf32, #tpu.memory_space<vmem>>, vector<1x16xf32>,
        %get3A_733 = vector.shape_cast %get3A_732 : vector<1x16xf32> to vector<1x16xf32>
        %add3A_734 = arith.addf %add3A_729, %get3A_733 : vector<1x16xf32>
        %swap3A_735 = arith.index_cast %add3A_720 : i32 to index
        %swap3A_736 = arith.constant 112 : index
        %swap3A_737 = tpu.vector_load %arg16[%swap3A_735, %swap3A_736] {strides = array<i32>} : memref<80x128xf32, #tpu.memory_space<vmem>>, vector<1x16xf32>,
        %swap3A_738 = vector.shape_cast %swap3A_737 : vector<1x16xf32> to vector<1x16xf32>
        %swap3A_739 = vector.shape_cast %add3A_734 : vector<1x16xf32> to vector<1x16xf32>
        tpu.vector_store %arg16[%swap3A_735, %swap3A_736], %swap3A_739 {strides = array<i32>} : memref<80x128xf32, #tpu.memory_space<vmem>>, vector<1x16xf32>,
      }
      %scan3A_391 = arith.constant 40 : i32
      %mul3A_392 = arith.constant 80 : i32
      %mul3A_393 = arith.muli %add3A_272, %mul3A_392 : i32
      %add3A_394 = arith.addi %mul3A_2, %mul3A_393 : i32
      %dma_start3A_395 = arith.constant 0 : i32
      %dma_start3A_396 = tpu.memref_slice %arg8[%add3A_394, %dma_start3A_395] : memref<320000x128xf32, #tpu.memory_space<hbm>> -> memref<80x128xf32, #tpu.memory_space<hbm>>
      %dma_start3A_397 = arith.constant 0 : i32
      %dma_start3A_398 = tpu.memref_slice %arg8[%add3A_394, %dma_start3A_397] : memref<320000x128xf32, #tpu.memory_space<hbm>> -> memref<80x128xf32, #tpu.memory_space<hbm>>
      tpu.enqueue_dma source(%arg16 : memref<80x128xf32, #tpu.memory_space<vmem>>) target(%dma_start3A_398 : memref<80x128xf32, #tpu.memory_space<hbm>>) target_semaphore(%arg26 : memref<!tpu.dma_semaphore, #tpu.memory_space<semaphore_mem>>)
    }
    %scan3A_109 = arith.constant 62 : i32
    %add3A_110 = arith.constant 9840 : i32
    %add3A_111 = arith.addi %mul3A_2, %add3A_110 : i32
    %dma_wait3A_112 = arith.constant 0 : i32
    %dma_wait3A_113 = tpu.memref_slice %arg8[%add3A_111, %dma_wait3A_112] : memref<320000x128xf32, #tpu.memory_space<hbm>> -> memref<80x128xf32, #tpu.memory_space<hbm>>
    %dma_wait3A_114 = arith.constant 0 : i32
    %dma_wait3A_115 = tpu.memref_slice %arg8[%add3A_111, %dma_wait3A_114] : memref<320000x128xf32, #tpu.memory_space<hbm>> -> memref<80x128xf32, #tpu.memory_space<hbm>>
    tpu.wait_dma2 semaphore(%arg26 : memref<!tpu.dma_semaphore, #tpu.memory_space<semaphore_mem>>) src(%arg16 : memref<80x128xf32, #tpu.memory_space<vmem>>) dst(%dma_wait3A_115 : memref<80x128xf32, #tpu.memory_space<hbm>>)
    %dma_wait3A_116 = arith.constant 0 : i32
    %dma_wait3A_117 = arith.constant 0 : i32
    %dma_wait3A_118 = tpu.memref_slice %arg2[%dma_wait3A_116, %dma_wait3A_117] : memref<10000x128xf32, #tpu.memory_space<hbm>> -> memref<10000x128xf32, #tpu.memory_space<hbm>>
    tpu.wait_indirect_dma semaphore(%arg23 : memref<!tpu.dma_semaphore, #tpu.memory_space<semaphore_mem>>) src(%dma_wait3A_118 : memref<10000x128xf32, #tpu.memory_space<hbm>>) dst(%arg15 : memref<80x128xf32, #tpu.memory_space<vmem>>)
    %dma_wait3A_119 = arith.constant 0 : i32
    %dma_wait3A_120 = arith.constant 0 : i32
    %dma_wait3A_121 = tpu.memref_slice %arg3[%dma_wait3A_119, %dma_wait3A_120] : memref<10000x128xf32, #tpu.memory_space<hbm>> -> memref<10000x128xf32, #tpu.memory_space<hbm>>
    tpu.wait_indirect_dma semaphore(%arg23 : memref<!tpu.dma_semaphore, #tpu.memory_space<semaphore_mem>>) src(%dma_wait3A_121 : memref<10000x128xf32, #tpu.memory_space<hbm>>) dst(%arg17 : memref<80x128xf32, #tpu.memory_space<vmem>>)
    %dma_wait3A_122 = arith.constant 0 : i32
    %dma_wait3A_123 = arith.constant 0 : i32
    %dma_wait3A_124 = tpu.memref_slice %arg4[%dma_wait3A_122, %dma_wait3A_123] : memref<16000x128xf32, #tpu.memory_space<hbm>> -> memref<16000x128xf32, #tpu.memory_space<hbm>>
    tpu.wait_indirect_dma semaphore(%arg23 : memref<!tpu.dma_semaphore, #tpu.memory_space<semaphore_mem>>) src(%dma_wait3A_124 : memref<16000x128xf32, #tpu.memory_space<hbm>>) dst(%arg19 : memref<80x128xf32, #tpu.memory_space<vmem>>)
    %scan3A_125 = arith.constant 0 : i32
    %scan3A_126 = arith.constant 40 : i32
    %scan3A_127 = arith.addi %scan3A_125, %scan3A_126 : i32
    %scan3A_128 = arith.constant 1 : i32
    scf.for %scan3A_142 = %scan3A_125 to %scan3A_127 step %scan3A_128  : i32 {
      %mul3A_143 = arith.constant 2 : i32
      %mul3A_144 = arith.muli %scan3A_142, %mul3A_143 : i32
      %add3A_145 = arith.constant 0 : i32
      %add3A_146 = arith.addi %add3A_145, %mul3A_144 : i32
      %add3A_147 = arith.constant 0 : i32
      %add3A_148 = arith.addi %add3A_146, %add3A_147 : i32
      %get3A_149 = arith.index_cast %add3A_148 : i32 to index
      %get3A_150 = arith.constant 0 : index
      %get3A_151 = tpu.vector_load %arg15[%get3A_149, %get3A_150] {strides = array<i32>} : memref<80x128xf32, #tpu.memory_space<vmem>>, vector<1x16xf32>,
      %get3A_152 = vector.shape_cast %get3A_151 : vector<1x16xf32> to vector<1x16xf32>
      %get3A_153 = arith.index_cast %add3A_148 : i32 to index
      %get3A_154 = arith.constant 0 : index
      %get3A_155 = tpu.vector_load %arg17[%get3A_153, %get3A_154] {strides = array<i32>} : memref<80x128xf32, #tpu.memory_space<vmem>>, vector<1x16xf32>,
      %get3A_156 = vector.shape_cast %get3A_155 : vector<1x16xf32> to vector<1x16xf32>
      %add3A_157 = arith.addf %get3A_152, %get3A_156 : vector<1x16xf32>
      %get3A_158 = arith.index_cast %add3A_148 : i32 to index
      %get3A_159 = arith.constant 0 : index
      %get3A_160 = tpu.vector_load %arg19[%get3A_158, %get3A_159] {strides = array<i32>} : memref<80x128xf32, #tpu.memory_space<vmem>>, vector<1x16xf32>,
      %get3A_161 = vector.shape_cast %get3A_160 : vector<1x16xf32> to vector<1x16xf32>
      %add3A_162 = arith.addf %add3A_157, %get3A_161 : vector<1x16xf32>
      %swap3A_163 = arith.index_cast %add3A_148 : i32 to index
      %swap3A_164 = arith.constant 0 : index
      %swap3A_165 = tpu.vector_load %arg15[%swap3A_163, %swap3A_164] {strides = array<i32>} : memref<80x128xf32, #tpu.memory_space<vmem>>, vector<1x16xf32>,
      %swap3A_166 = vector.shape_cast %swap3A_165 : vector<1x16xf32> to vector<1x16xf32>
      %swap3A_167 = vector.shape_cast %add3A_162 : vector<1x16xf32> to vector<1x16xf32>
      tpu.vector_store %arg15[%swap3A_163, %swap3A_164], %swap3A_167 {strides = array<i32>} : memref<80x128xf32, #tpu.memory_space<vmem>>, vector<1x16xf32>,
      %add3A_168 = arith.constant 0 : i32
      %add3A_169 = arith.addi %add3A_146, %add3A_168 : i32
      %get3A_170 = arith.index_cast %add3A_169 : i32 to index
      %get3A_171 = arith.constant 16 : index
      %get3A_172 = tpu.vector_load %arg15[%get3A_170, %get3A_171] {strides = array<i32>} : memref<80x128xf32, #tpu.memory_space<vmem>>, vector<1x16xf32>,
      %get3A_173 = vector.shape_cast %get3A_172 : vector<1x16xf32> to vector<1x16xf32>
      %get3A_174 = arith.index_cast %add3A_169 : i32 to index
      %get3A_175 = arith.constant 16 : index
      %get3A_176 = tpu.vector_load %arg17[%get3A_174, %get3A_175] {strides = array<i32>} : memref<80x128xf32, #tpu.memory_space<vmem>>, vector<1x16xf32>,
      %get3A_177 = vector.shape_cast %get3A_176 : vector<1x16xf32> to vector<1x16xf32>
      %add3A_178 = arith.addf %get3A_173, %get3A_177 : vector<1x16xf32>
      %get3A_179 = arith.index_cast %add3A_169 : i32 to index
      %get3A_180 = arith.constant 16 : index
      %get3A_181 = tpu.vector_load %arg19[%get3A_179, %get3A_180] {strides = array<i32>} : memref<80x128xf32, #tpu.memory_space<vmem>>, vector<1x16xf32>,
      %get3A_182 = vector.shape_cast %get3A_181 : vector<1x16xf32> to vector<1x16xf32>
      %add3A_183 = arith.addf %add3A_178, %get3A_182 : vector<1x16xf32>
      %swap3A_184 = arith.index_cast %add3A_169 : i32 to index
      %swap3A_185 = arith.constant 16 : index
      %swap3A_186 = tpu.vector_load %arg15[%swap3A_184, %swap3A_185] {strides = array<i32>} : memref<80x128xf32, #tpu.memory_space<vmem>>, vector<1x16xf32>,
      %swap3A_187 = vector.shape_cast %swap3A_186 : vector<1x16xf32> to vector<1x16xf32>
      %swap3A_188 = vector.shape_cast %add3A_183 : vector<1x16xf32> to vector<1x16xf32>
      tpu.vector_store %arg15[%swap3A_184, %swap3A_185], %swap3A_188 {strides = array<i32>} : memref<80x128xf32, #tpu.memory_space<vmem>>, vector<1x16xf32>,
      %add3A_189 = arith.constant 0 : i32
      %add3A_190 = arith.addi %add3A_146, %add3A_189 : i32
      %get3A_191 = arith.index_cast %add3A_190 : i32 to index
      %get3A_192 = arith.constant 32 : index
      %get3A_193 = tpu.vector_load %arg15[%get3A_191, %get3A_192] {strides = array<i32>} : memref<80x128xf32, #tpu.memory_space<vmem>>, vector<1x16xf32>,
      %get3A_194 = vector.shape_cast %get3A_193 : vector<1x16xf32> to vector<1x16xf32>
      %get3A_195 = arith.index_cast %add3A_190 : i32 to index
      %get3A_196 = arith.constant 32 : index
      %get3A_197 = tpu.vector_load %arg17[%get3A_195, %get3A_196] {strides = array<i32>} : memref<80x128xf32, #tpu.memory_space<vmem>>, vector<1x16xf32>,
      %get3A_198 = vector.shape_cast %get3A_197 : vector<1x16xf32> to vector<1x16xf32>
      %add3A_199 = arith.addf %get3A_194, %get3A_198 : vector<1x16xf32>
      %get3A_200 = arith.index_cast %add3A_190 : i32 to index
      %get3A_201 = arith.constant 32 : index
      %get3A_202 = tpu.vector_load %arg19[%get3A_200, %get3A_201] {strides = array<i32>} : memref<80x128xf32, #tpu.memory_space<vmem>>, vector<1x16xf32>,
      %get3A_203 = vector.shape_cast %get3A_202 : vector<1x16xf32> to vector<1x16xf32>
      %add3A_204 = arith.addf %add3A_199, %get3A_203 : vector<1x16xf32>
      %swap3A_205 = arith.index_cast %add3A_190 : i32 to index
      %swap3A_206 = arith.constant 32 : index
      %swap3A_207 = tpu.vector_load %arg15[%swap3A_205, %swap3A_206] {strides = array<i32>} : memref<80x128xf32, #tpu.memory_space<vmem>>, vector<1x16xf32>,
      %swap3A_208 = vector.shape_cast %swap3A_207 : vector<1x16xf32> to vector<1x16xf32>
      %swap3A_209 = vector.shape_cast %add3A_204 : vector<1x16xf32> to vector<1x16xf32>
      tpu.vector_store %arg15[%swap3A_205, %swap3A_206], %swap3A_209 {strides = array<i32>} : memref<80x128xf32, #tpu.memory_space<vmem>>, vector<1x16xf32>,
      %add3A_210 = arith.constant 0 : i32
      %add3A_211 = arith.addi %add3A_146, %add3A_210 : i32
      %get3A_212 = arith.index_cast %add3A_211 : i32 to index
      %get3A_213 = arith.constant 48 : index
      %get3A_214 = tpu.vector_load %arg15[%get3A_212, %get3A_213] {strides = array<i32>} : memref<80x128xf32, #tpu.memory_space<vmem>>, vector<1x16xf32>,
      %get3A_215 = vector.shape_cast %get3A_214 : vector<1x16xf32> to vector<1x16xf32>
      %get3A_216 = arith.index_cast %add3A_211 : i32 to index
      %get3A_217 = arith.constant 48 : index
      %get3A_218 = tpu.vector_load %arg17[%get3A_216, %get3A_217] {strides = array<i32>} : memref<80x128xf32, #tpu.memory_space<vmem>>, vector<1x16xf32>,
      %get3A_219 = vector.shape_cast %get3A_218 : vector<1x16xf32> to vector<1x16xf32>
      %add3A_220 = arith.addf %get3A_215, %get3A_219 : vector<1x16xf32>
      %get3A_221 = arith.index_cast %add3A_211 : i32 to index
      %get3A_222 = arith.constant 48 : index
      %get3A_223 = tpu.vector_load %arg19[%get3A_221, %get3A_222] {strides = array<i32>} : memref<80x128xf32, #tpu.memory_space<vmem>>, vector<1x16xf32>,
      %get3A_224 = vector.shape_cast %get3A_223 : vector<1x16xf32> to vector<1x16xf32>
      %add3A_225 = arith.addf %add3A_220, %get3A_224 : vector<1x16xf32>
      %swap3A_226 = arith.index_cast %add3A_211 : i32 to index
      %swap3A_227 = arith.constant 48 : index
      %swap3A_228 = tpu.vector_load %arg15[%swap3A_226, %swap3A_227] {strides = array<i32>} : memref<80x128xf32, #tpu.memory_space<vmem>>, vector<1x16xf32>,
      %swap3A_229 = vector.shape_cast %swap3A_228 : vector<1x16xf32> to vector<1x16xf32>
      %swap3A_230 = vector.shape_cast %add3A_225 : vector<1x16xf32> to vector<1x16xf32>
      tpu.vector_store %arg15[%swap3A_226, %swap3A_227], %swap3A_230 {strides = array<i32>} : memref<80x128xf32, #tpu.memory_space<vmem>>, vector<1x16xf32>,
      %add3A_231 = arith.constant 0 : i32
      %add3A_232 = arith.addi %add3A_146, %add3A_231 : i32
      %get3A_233 = arith.index_cast %add3A_232 : i32 to index
      %get3A_234 = arith.constant 64 : index
      %get3A_235 = tpu.vector_load %arg15[%get3A_233, %get3A_234] {strides = array<i32>} : memref<80x128xf32, #tpu.memory_space<vmem>>, vector<1x16xf32>,
      %get3A_236 = vector.shape_cast %get3A_235 : vector<1x16xf32> to vector<1x16xf32>
      %get3A_237 = arith.index_cast %add3A_232 : i32 to index
      %get3A_238 = arith.constant 64 : index
      %get3A_239 = tpu.vector_load %arg17[%get3A_237, %get3A_238] {strides = array<i32>} : memref<80x128xf32, #tpu.memory_space<vmem>>, vector<1x16xf32>,
      %get3A_240 = vector.shape_cast %get3A_239 : vector<1x16xf32> to vector<1x16xf32>
      %add3A_241 = arith.addf %get3A_236, %get3A_240 : vector<1x16xf32>
      %get3A_242 = arith.index_cast %add3A_232 : i32 to index
      %get3A_243 = arith.constant 64 : index
      %get3A_244 = tpu.vector_load %arg19[%get3A_242, %get3A_243] {strides = array<i32>} : memref<80x128xf32, #tpu.memory_space<vmem>>, vector<1x16xf32>,
      %get3A_245 = vector.shape_cast %get3A_244 : vector<1x16xf32> to vector<1x16xf32>
      %add3A_246 = arith.addf %add3A_241, %get3A_245 : vector<1x16xf32>
      %swap3A_247 = arith.index_cast %add3A_232 : i32 to index
      %swap3A_248 = arith.constant 64 : index
      %swap3A_249 = tpu.vector_load %arg15[%swap3A_247, %swap3A_248] {strides = array<i32>} : memref<80x128xf32, #tpu.memory_space<vmem>>, vector<1x16xf32>,
      %swap3A_250 = vector.shape_cast %swap3A_249 : vector<1x16xf32> to vector<1x16xf32>
      %swap3A_251 = vector.shape_cast %add3A_246 : vector<1x16xf32> to vector<1x16xf32>
      tpu.vector_store %arg15[%swap3A_247, %swap3A_248], %swap3A_251 {strides = array<i32>} : memref<80x128xf32, #tpu.memory_space<vmem>>, vector<1x16xf32>,
      %add3A_252 = arith.constant 0 : i32
      %add3A_253 = arith.addi %add3A_146, %add3A_252 : i32
      %get3A_254 = arith.index_cast %add3A_253 : i32 to index
      %get3A_255 = arith.constant 80 : index
      %get3A_256 = tpu.vector_load %arg15[%get3A_254, %get3A_255] {strides = array<i32>} : memref<80x128xf32, #tpu.memory_space<vmem>>, vector<1x16xf32>,
      %get3A_257 = vector.shape_cast %get3A_256 : vector<1x16xf32> to vector<1x16xf32>
      %get3A_258 = arith.index_cast %add3A_253 : i32 to index
      %get3A_259 = arith.constant 80 : index
      %get3A_260 = tpu.vector_load %arg17[%get3A_258, %get3A_259] {strides = array<i32>} : memref<80x128xf32, #tpu.memory_space<vmem>>, vector<1x16xf32>,
      %get3A_261 = vector.shape_cast %get3A_260 : vector<1x16xf32> to vector<1x16xf32>
      %add3A_262 = arith.addf %get3A_257, %get3A_261 : vector<1x16xf32>
      %get3A_263 = arith.index_cast %add3A_253 : i32 to index
      %get3A_264 = arith.constant 80 : index
      %get3A_265 = tpu.vector_load %arg19[%get3A_263, %get3A_264] {strides = array<i32>} : memref<80x128xf32, #tpu.memory_space<vmem>>, vector<1x16xf32>,
      %get3A_266 = vector.shape_cast %get3A_265 : vector<1x16xf32> to vector<1x16xf32>
      %add3A_267 = arith.addf %add3A_262, %get3A_266 : vector<1x16xf32>
      %swap3A_268 = arith.index_cast %add3A_253 : i32 to index
      %swap3A_269 = arith.constant 80 : index
      %swap3A_270 = tpu.vector_load %arg15[%swap3A_268, %swap3A_269] {strides = array<i32>} : memref<80x128xf32, #tpu.memory_space<vmem>>, vector<1x16xf32>,
      %swap3A_271 = vector.shape_cast %swap3A_270 : vector<1x16xf32> to vector<1x16xf32>
      %swap3A_272 = vector.shape_cast %add3A_267 : vector<1x16xf32> to vector<1x16xf32>
      tpu.vector_store %arg15[%swap3A_268, %swap3A_269], %swap3A_272 {strides = array<i32>} : memref<80x128xf32, #tpu.memory_space<vmem>>, vector<1x16xf32>,
      %add3A_273 = arith.constant 0 : i32
      %add3A_274 = arith.addi %add3A_146, %add3A_273 : i32
      %get3A_275 = arith.index_cast %add3A_274 : i32 to index
      %get3A_276 = arith.constant 96 : index
      %get3A_277 = tpu.vector_load %arg15[%get3A_275, %get3A_276] {strides = array<i32>} : memref<80x128xf32, #tpu.memory_space<vmem>>, vector<1x16xf32>,
      %get3A_278 = vector.shape_cast %get3A_277 : vector<1x16xf32> to vector<1x16xf32>
      %get3A_279 = arith.index_cast %add3A_274 : i32 to index
      %get3A_280 = arith.constant 96 : index
      %get3A_281 = tpu.vector_load %arg17[%get3A_279, %get3A_280] {strides = array<i32>} : memref<80x128xf32, #tpu.memory_space<vmem>>, vector<1x16xf32>,
      %get3A_282 = vector.shape_cast %get3A_281 : vector<1x16xf32> to vector<1x16xf32>
      %add3A_283 = arith.addf %get3A_278, %get3A_282 : vector<1x16xf32>
      %get3A_284 = arith.index_cast %add3A_274 : i32 to index
      %get3A_285 = arith.constant 96 : index
      %get3A_286 = tpu.vector_load %arg19[%get3A_284, %get3A_285] {strides = array<i32>} : memref<80x128xf32, #tpu.memory_space<vmem>>, vector<1x16xf32>,
      %get3A_287 = vector.shape_cast %get3A_286 : vector<1x16xf32> to vector<1x16xf32>
      %add3A_288 = arith.addf %add3A_283, %get3A_287 : vector<1x16xf32>
      %swap3A_289 = arith.index_cast %add3A_274 : i32 to index
      %swap3A_290 = arith.constant 96 : index
      %swap3A_291 = tpu.vector_load %arg15[%swap3A_289, %swap3A_290] {strides = array<i32>} : memref<80x128xf32, #tpu.memory_space<vmem>>, vector<1x16xf32>,
      %swap3A_292 = vector.shape_cast %swap3A_291 : vector<1x16xf32> to vector<1x16xf32>
      %swap3A_293 = vector.shape_cast %add3A_288 : vector<1x16xf32> to vector<1x16xf32>
      tpu.vector_store %arg15[%swap3A_289, %swap3A_290], %swap3A_293 {strides = array<i32>} : memref<80x128xf32, #tpu.memory_space<vmem>>, vector<1x16xf32>,
      %add3A_294 = arith.constant 0 : i32
      %add3A_295 = arith.addi %add3A_146, %add3A_294 : i32
      %get3A_296 = arith.index_cast %add3A_295 : i32 to index
      %get3A_297 = arith.constant 112 : index
      %get3A_298 = tpu.vector_load %arg15[%get3A_296, %get3A_297] {strides = array<i32>} : memref<80x128xf32, #tpu.memory_space<vmem>>, vector<1x16xf32>,
      %get3A_299 = vector.shape_cast %get3A_298 : vector<1x16xf32> to vector<1x16xf32>
      %get3A_300 = arith.index_cast %add3A_295 : i32 to index
      %get3A_301 = arith.constant 112 : index
      %get3A_302 = tpu.vector_load %arg17[%get3A_300, %get3A_301] {strides = array<i32>} : memref<80x128xf32, #tpu.memory_space<vmem>>, vector<1x16xf32>,
      %get3A_303 = vector.shape_cast %get3A_302 : vector<1x16xf32> to vector<1x16xf32>
      %add3A_304 = arith.addf %get3A_299, %get3A_303 : vector<1x16xf32>
      %get3A_305 = arith.index_cast %add3A_295 : i32 to index
      %get3A_306 = arith.constant 112 : index
      %get3A_307 = tpu.vector_load %arg19[%get3A_305, %get3A_306] {strides = array<i32>} : memref<80x128xf32, #tpu.memory_space<vmem>>, vector<1x16xf32>,
      %get3A_308 = vector.shape_cast %get3A_307 : vector<1x16xf32> to vector<1x16xf32>
      %add3A_309 = arith.addf %add3A_304, %get3A_308 : vector<1x16xf32>
      %swap3A_310 = arith.index_cast %add3A_295 : i32 to index
      %swap3A_311 = arith.constant 112 : index
      %swap3A_312 = tpu.vector_load %arg15[%swap3A_310, %swap3A_311] {strides = array<i32>} : memref<80x128xf32, #tpu.memory_space<vmem>>, vector<1x16xf32>,
      %swap3A_313 = vector.shape_cast %swap3A_312 : vector<1x16xf32> to vector<1x16xf32>
      %swap3A_314 = vector.shape_cast %add3A_309 : vector<1x16xf32> to vector<1x16xf32>
      tpu.vector_store %arg15[%swap3A_310, %swap3A_311], %swap3A_314 {strides = array<i32>} : memref<80x128xf32, #tpu.memory_space<vmem>>, vector<1x16xf32>,
      %add3A_315 = arith.constant 1 : i32
      %add3A_316 = arith.addi %add3A_146, %add3A_315 : i32
      %get3A_317 = arith.index_cast %add3A_316 : i32 to index
      %get3A_318 = arith.constant 0 : index
      %get3A_319 = tpu.vector_load %arg15[%get3A_317, %get3A_318] {strides = array<i32>} : memref<80x128xf32, #tpu.memory_space<vmem>>, vector<1x16xf32>,
      %get3A_320 = vector.shape_cast %get3A_319 : vector<1x16xf32> to vector<1x16xf32>
      %get3A_321 = arith.index_cast %add3A_316 : i32 to index
      %get3A_322 = arith.constant 0 : index
      %get3A_323 = tpu.vector_load %arg17[%get3A_321, %get3A_322] {strides = array<i32>} : memref<80x128xf32, #tpu.memory_space<vmem>>, vector<1x16xf32>,
      %get3A_324 = vector.shape_cast %get3A_323 : vector<1x16xf32> to vector<1x16xf32>
      %add3A_325 = arith.addf %get3A_320, %get3A_324 : vector<1x16xf32>
      %get3A_326 = arith.index_cast %add3A_316 : i32 to index
      %get3A_327 = arith.constant 0 : index
      %get3A_328 = tpu.vector_load %arg19[%get3A_326, %get3A_327] {strides = array<i32>} : memref<80x128xf32, #tpu.memory_space<vmem>>, vector<1x16xf32>,
      %get3A_329 = vector.shape_cast %get3A_328 : vector<1x16xf32> to vector<1x16xf32>
      %add3A_330 = arith.addf %add3A_325, %get3A_329 : vector<1x16xf32>
      %swap3A_331 = arith.index_cast %add3A_316 : i32 to index
      %swap3A_332 = arith.constant 0 : index
      %swap3A_333 = tpu.vector_load %arg15[%swap3A_331, %swap3A_332] {strides = array<i32>} : memref<80x128xf32, #tpu.memory_space<vmem>>, vector<1x16xf32>,
      %swap3A_334 = vector.shape_cast %swap3A_333 : vector<1x16xf32> to vector<1x16xf32>
      %swap3A_335 = vector.shape_cast %add3A_330 : vector<1x16xf32> to vector<1x16xf32>
      tpu.vector_store %arg15[%swap3A_331, %swap3A_332], %swap3A_335 {strides = array<i32>} : memref<80x128xf32, #tpu.memory_space<vmem>>, vector<1x16xf32>,
      %add3A_336 = arith.constant 1 : i32
      %add3A_337 = arith.addi %add3A_146, %add3A_336 : i32
      %get3A_338 = arith.index_cast %add3A_337 : i32 to index
      %get3A_339 = arith.constant 16 : index
      %get3A_340 = tpu.vector_load %arg15[%get3A_338, %get3A_339] {strides = array<i32>} : memref<80x128xf32, #tpu.memory_space<vmem>>, vector<1x16xf32>,
      %get3A_341 = vector.shape_cast %get3A_340 : vector<1x16xf32> to vector<1x16xf32>
      %get3A_342 = arith.index_cast %add3A_337 : i32 to index
      %get3A_343 = arith.constant 16 : index
      %get3A_344 = tpu.vector_load %arg17[%get3A_342, %get3A_343] {strides = array<i32>} : memref<80x128xf32, #tpu.memory_space<vmem>>, vector<1x16xf32>,
      %get3A_345 = vector.shape_cast %get3A_344 : vector<1x16xf32> to vector<1x16xf32>
      %add3A_346 = arith.addf %get3A_341, %get3A_345 : vector<1x16xf32>
      %get3A_347 = arith.index_cast %add3A_337 : i32 to index
      %get3A_348 = arith.constant 16 : index
      %get3A_349 = tpu.vector_load %arg19[%get3A_347, %get3A_348] {strides = array<i32>} : memref<80x128xf32, #tpu.memory_space<vmem>>, vector<1x16xf32>,
      %get3A_350 = vector.shape_cast %get3A_349 : vector<1x16xf32> to vector<1x16xf32>
      %add3A_351 = arith.addf %add3A_346, %get3A_350 : vector<1x16xf32>
      %swap3A_352 = arith.index_cast %add3A_337 : i32 to index
      %swap3A_353 = arith.constant 16 : index
      %swap3A_354 = tpu.vector_load %arg15[%swap3A_352, %swap3A_353] {strides = array<i32>} : memref<80x128xf32, #tpu.memory_space<vmem>>, vector<1x16xf32>,
      %swap3A_355 = vector.shape_cast %swap3A_354 : vector<1x16xf32> to vector<1x16xf32>
      %swap3A_356 = vector.shape_cast %add3A_351 : vector<1x16xf32> to vector<1x16xf32>
      tpu.vector_store %arg15[%swap3A_352, %swap3A_353], %swap3A_356 {strides = array<i32>} : memref<80x128xf32, #tpu.memory_space<vmem>>, vector<1x16xf32>,
      %add3A_357 = arith.constant 1 : i32
      %add3A_358 = arith.addi %add3A_146, %add3A_357 : i32
      %get3A_359 = arith.index_cast %add3A_358 : i32 to index
      %get3A_360 = arith.constant 32 : index
      %get3A_361 = tpu.vector_load %arg15[%get3A_359, %get3A_360] {strides = array<i32>} : memref<80x128xf32, #tpu.memory_space<vmem>>, vector<1x16xf32>,
      %get3A_362 = vector.shape_cast %get3A_361 : vector<1x16xf32> to vector<1x16xf32>
      %get3A_363 = arith.index_cast %add3A_358 : i32 to index
      %get3A_364 = arith.constant 32 : index
      %get3A_365 = tpu.vector_load %arg17[%get3A_363, %get3A_364] {strides = array<i32>} : memref<80x128xf32, #tpu.memory_space<vmem>>, vector<1x16xf32>,
      %get3A_366 = vector.shape_cast %get3A_365 : vector<1x16xf32> to vector<1x16xf32>
      %add3A_367 = arith.addf %get3A_362, %get3A_366 : vector<1x16xf32>
      %get3A_368 = arith.index_cast %add3A_358 : i32 to index
      %get3A_369 = arith.constant 32 : index
      %get3A_370 = tpu.vector_load %arg19[%get3A_368, %get3A_369] {strides = array<i32>} : memref<80x128xf32, #tpu.memory_space<vmem>>, vector<1x16xf32>,
      %get3A_371 = vector.shape_cast %get3A_370 : vector<1x16xf32> to vector<1x16xf32>
      %add3A_372 = arith.addf %add3A_367, %get3A_371 : vector<1x16xf32>
      %swap3A_373 = arith.index_cast %add3A_358 : i32 to index
      %swap3A_374 = arith.constant 32 : index
      %swap3A_375 = tpu.vector_load %arg15[%swap3A_373, %swap3A_374] {strides = array<i32>} : memref<80x128xf32, #tpu.memory_space<vmem>>, vector<1x16xf32>,
      %swap3A_376 = vector.shape_cast %swap3A_375 : vector<1x16xf32> to vector<1x16xf32>
      %swap3A_377 = vector.shape_cast %add3A_372 : vector<1x16xf32> to vector<1x16xf32>
      tpu.vector_store %arg15[%swap3A_373, %swap3A_374], %swap3A_377 {strides = array<i32>} : memref<80x128xf32, #tpu.memory_space<vmem>>, vector<1x16xf32>,
      %add3A_378 = arith.constant 1 : i32
      %add3A_379 = arith.addi %add3A_146, %add3A_378 : i32
      %get3A_380 = arith.index_cast %add3A_379 : i32 to index
      %get3A_381 = arith.constant 48 : index
      %get3A_382 = tpu.vector_load %arg15[%get3A_380, %get3A_381] {strides = array<i32>} : memref<80x128xf32, #tpu.memory_space<vmem>>, vector<1x16xf32>,
      %get3A_383 = vector.shape_cast %get3A_382 : vector<1x16xf32> to vector<1x16xf32>
      %get3A_384 = arith.index_cast %add3A_379 : i32 to index
      %get3A_385 = arith.constant 48 : index
      %get3A_386 = tpu.vector_load %arg17[%get3A_384, %get3A_385] {strides = array<i32>} : memref<80x128xf32, #tpu.memory_space<vmem>>, vector<1x16xf32>,
      %get3A_387 = vector.shape_cast %get3A_386 : vector<1x16xf32> to vector<1x16xf32>
      %add3A_388 = arith.addf %get3A_383, %get3A_387 : vector<1x16xf32>
      %get3A_389 = arith.index_cast %add3A_379 : i32 to index
      %get3A_390 = arith.constant 48 : index
      %get3A_391 = tpu.vector_load %arg19[%get3A_389, %get3A_390] {strides = array<i32>} : memref<80x128xf32, #tpu.memory_space<vmem>>, vector<1x16xf32>,
      %get3A_392 = vector.shape_cast %get3A_391 : vector<1x16xf32> to vector<1x16xf32>
      %add3A_393 = arith.addf %add3A_388, %get3A_392 : vector<1x16xf32>
      %swap3A_394 = arith.index_cast %add3A_379 : i32 to index
      %swap3A_395 = arith.constant 48 : index
      %swap3A_396 = tpu.vector_load %arg15[%swap3A_394, %swap3A_395] {strides = array<i32>} : memref<80x128xf32, #tpu.memory_space<vmem>>, vector<1x16xf32>,
      %swap3A_397 = vector.shape_cast %swap3A_396 : vector<1x16xf32> to vector<1x16xf32>
      %swap3A_398 = vector.shape_cast %add3A_393 : vector<1x16xf32> to vector<1x16xf32>
      tpu.vector_store %arg15[%swap3A_394, %swap3A_395], %swap3A_398 {strides = array<i32>} : memref<80x128xf32, #tpu.memory_space<vmem>>, vector<1x16xf32>,
      %add3A_399 = arith.constant 1 : i32
      %add3A_400 = arith.addi %add3A_146, %add3A_399 : i32
      %get3A_401 = arith.index_cast %add3A_400 : i32 to index
      %get3A_402 = arith.constant 64 : index
      %get3A_403 = tpu.vector_load %arg15[%get3A_401, %get3A_402] {strides = array<i32>} : memref<80x128xf32, #tpu.memory_space<vmem>>, vector<1x16xf32>,
      %get3A_404 = vector.shape_cast %get3A_403 : vector<1x16xf32> to vector<1x16xf32>
      %get3A_405 = arith.index_cast %add3A_400 : i32 to index
      %get3A_406 = arith.constant 64 : index
      %get3A_407 = tpu.vector_load %arg17[%get3A_405, %get3A_406] {strides = array<i32>} : memref<80x128xf32, #tpu.memory_space<vmem>>, vector<1x16xf32>,
      %get3A_408 = vector.shape_cast %get3A_407 : vector<1x16xf32> to vector<1x16xf32>
      %add3A_409 = arith.addf %get3A_404, %get3A_408 : vector<1x16xf32>
      %get3A_410 = arith.index_cast %add3A_400 : i32 to index
      %get3A_411 = arith.constant 64 : index
      %get3A_412 = tpu.vector_load %arg19[%get3A_410, %get3A_411] {strides = array<i32>} : memref<80x128xf32, #tpu.memory_space<vmem>>, vector<1x16xf32>,
      %get3A_413 = vector.shape_cast %get3A_412 : vector<1x16xf32> to vector<1x16xf32>
      %add3A_414 = arith.addf %add3A_409, %get3A_413 : vector<1x16xf32>
      %swap3A_415 = arith.index_cast %add3A_400 : i32 to index
      %swap3A_416 = arith.constant 64 : index
      %swap3A_417 = tpu.vector_load %arg15[%swap3A_415, %swap3A_416] {strides = array<i32>} : memref<80x128xf32, #tpu.memory_space<vmem>>, vector<1x16xf32>,
      %swap3A_418 = vector.shape_cast %swap3A_417 : vector<1x16xf32> to vector<1x16xf32>
      %swap3A_419 = vector.shape_cast %add3A_414 : vector<1x16xf32> to vector<1x16xf32>
      tpu.vector_store %arg15[%swap3A_415, %swap3A_416], %swap3A_419 {strides = array<i32>} : memref<80x128xf32, #tpu.memory_space<vmem>>, vector<1x16xf32>,
      %add3A_420 = arith.constant 1 : i32
      %add3A_421 = arith.addi %add3A_146, %add3A_420 : i32
      %get3A_422 = arith.index_cast %add3A_421 : i32 to index
      %get3A_423 = arith.constant 80 : index
      %get3A_424 = tpu.vector_load %arg15[%get3A_422, %get3A_423] {strides = array<i32>} : memref<80x128xf32, #tpu.memory_space<vmem>>, vector<1x16xf32>,
      %get3A_425 = vector.shape_cast %get3A_424 : vector<1x16xf32> to vector<1x16xf32>
      %get3A_426 = arith.index_cast %add3A_421 : i32 to index
      %get3A_427 = arith.constant 80 : index
      %get3A_428 = tpu.vector_load %arg17[%get3A_426, %get3A_427] {strides = array<i32>} : memref<80x128xf32, #tpu.memory_space<vmem>>, vector<1x16xf32>,
      %get3A_429 = vector.shape_cast %get3A_428 : vector<1x16xf32> to vector<1x16xf32>
      %add3A_430 = arith.addf %get3A_425, %get3A_429 : vector<1x16xf32>
      %get3A_431 = arith.index_cast %add3A_421 : i32 to index
      %get3A_432 = arith.constant 80 : index
      %get3A_433 = tpu.vector_load %arg19[%get3A_431, %get3A_432] {strides = array<i32>} : memref<80x128xf32, #tpu.memory_space<vmem>>, vector<1x16xf32>,
      %get3A_434 = vector.shape_cast %get3A_433 : vector<1x16xf32> to vector<1x16xf32>
      %add3A_435 = arith.addf %add3A_430, %get3A_434 : vector<1x16xf32>
      %swap3A_436 = arith.index_cast %add3A_421 : i32 to index
      %swap3A_437 = arith.constant 80 : index
      %swap3A_438 = tpu.vector_load %arg15[%swap3A_436, %swap3A_437] {strides = array<i32>} : memref<80x128xf32, #tpu.memory_space<vmem>>, vector<1x16xf32>,
      %swap3A_439 = vector.shape_cast %swap3A_438 : vector<1x16xf32> to vector<1x16xf32>
      %swap3A_440 = vector.shape_cast %add3A_435 : vector<1x16xf32> to vector<1x16xf32>
      tpu.vector_store %arg15[%swap3A_436, %swap3A_437], %swap3A_440 {strides = array<i32>} : memref<80x128xf32, #tpu.memory_space<vmem>>, vector<1x16xf32>,
      %add3A_441 = arith.constant 1 : i32
      %add3A_442 = arith.addi %add3A_146, %add3A_441 : i32
      %get3A_443 = arith.index_cast %add3A_442 : i32 to index
      %get3A_444 = arith.constant 96 : index
      %get3A_445 = tpu.vector_load %arg15[%get3A_443, %get3A_444] {strides = array<i32>} : memref<80x128xf32, #tpu.memory_space<vmem>>, vector<1x16xf32>,
      %get3A_446 = vector.shape_cast %get3A_445 : vector<1x16xf32> to vector<1x16xf32>
      %get3A_447 = arith.index_cast %add3A_442 : i32 to index
      %get3A_448 = arith.constant 96 : index
      %get3A_449 = tpu.vector_load %arg17[%get3A_447, %get3A_448] {strides = array<i32>} : memref<80x128xf32, #tpu.memory_space<vmem>>, vector<1x16xf32>,
      %get3A_450 = vector.shape_cast %get3A_449 : vector<1x16xf32> to vector<1x16xf32>
      %add3A_451 = arith.addf %get3A_446, %get3A_450 : vector<1x16xf32>
      %get3A_452 = arith.index_cast %add3A_442 : i32 to index
      %get3A_453 = arith.constant 96 : index
      %get3A_454 = tpu.vector_load %arg19[%get3A_452, %get3A_453] {strides = array<i32>} : memref<80x128xf32, #tpu.memory_space<vmem>>, vector<1x16xf32>,
      %get3A_455 = vector.shape_cast %get3A_454 : vector<1x16xf32> to vector<1x16xf32>
      %add3A_456 = arith.addf %add3A_451, %get3A_455 : vector<1x16xf32>
      %swap3A_457 = arith.index_cast %add3A_442 : i32 to index
      %swap3A_458 = arith.constant 96 : index
      %swap3A_459 = tpu.vector_load %arg15[%swap3A_457, %swap3A_458] {strides = array<i32>} : memref<80x128xf32, #tpu.memory_space<vmem>>, vector<1x16xf32>,
      %swap3A_460 = vector.shape_cast %swap3A_459 : vector<1x16xf32> to vector<1x16xf32>
      %swap3A_461 = vector.shape_cast %add3A_456 : vector<1x16xf32> to vector<1x16xf32>
      tpu.vector_store %arg15[%swap3A_457, %swap3A_458], %swap3A_461 {strides = array<i32>} : memref<80x128xf32, #tpu.memory_space<vmem>>, vector<1x16xf32>,
      %add3A_462 = arith.constant 1 : i32
      %add3A_463 = arith.addi %add3A_146, %add3A_462 : i32
      %get3A_464 = arith.index_cast %add3A_463 : i32 to index
      %get3A_465 = arith.constant 112 : index
      %get3A_466 = tpu.vector_load %arg15[%get3A_464, %get3A_465] {strides = array<i32>} : memref<80x128xf32, #tpu.memory_space<vmem>>, vector<1x16xf32>,
      %get3A_467 = vector.shape_cast %get3A_466 : vector<1x16xf32> to vector<1x16xf32>
      %get3A_468 = arith.index_cast %add3A_463 : i32 to index
      %get3A_469 = arith.constant 112 : index
      %get3A_470 = tpu.vector_load %arg17[%get3A_468, %get3A_469] {strides = array<i32>} : memref<80x128xf32, #tpu.memory_space<vmem>>, vector<1x16xf32>,
      %get3A_471 = vector.shape_cast %get3A_470 : vector<1x16xf32> to vector<1x16xf32>
      %add3A_472 = arith.addf %get3A_467, %get3A_471 : vector<1x16xf32>
      %get3A_473 = arith.index_cast %add3A_463 : i32 to index
      %get3A_474 = arith.constant 112 : index
      %get3A_475 = tpu.vector_load %arg19[%get3A_473, %get3A_474] {strides = array<i32>} : memref<80x128xf32, #tpu.memory_space<vmem>>, vector<1x16xf32>,
      %get3A_476 = vector.shape_cast %get3A_475 : vector<1x16xf32> to vector<1x16xf32>
      %add3A_477 = arith.addf %add3A_472, %get3A_476 : vector<1x16xf32>
      %swap3A_478 = arith.index_cast %add3A_463 : i32 to index
      %swap3A_479 = arith.constant 112 : index
      %swap3A_480 = tpu.vector_load %arg15[%swap3A_478, %swap3A_479] {strides = array<i32>} : memref<80x128xf32, #tpu.memory_space<vmem>>, vector<1x16xf32>,
      %swap3A_481 = vector.shape_cast %swap3A_480 : vector<1x16xf32> to vector<1x16xf32>
      %swap3A_482 = vector.shape_cast %add3A_477 : vector<1x16xf32> to vector<1x16xf32>
      tpu.vector_store %arg15[%swap3A_478, %swap3A_479], %swap3A_482 {strides = array<i32>} : memref<80x128xf32, #tpu.memory_space<vmem>>, vector<1x16xf32>,
    }
    %scan3A_129 = arith.constant 40 : i32
    %add3A_130 = arith.constant 9920 : i32
    %add3A_131 = arith.addi %mul3A_2, %add3A_130 : i32
    %dma_start3A_132 = arith.constant 0 : i32
    %dma_start3A_133 = tpu.memref_slice %arg8[%add3A_131, %dma_start3A_132] : memref<320000x128xf32, #tpu.memory_space<hbm>> -> memref<80x128xf32, #tpu.memory_space<hbm>>
    %dma_start3A_134 = arith.constant 0 : i32
    %dma_start3A_135 = tpu.memref_slice %arg8[%add3A_131, %dma_start3A_134] : memref<320000x128xf32, #tpu.memory_space<hbm>> -> memref<80x128xf32, #tpu.memory_space<hbm>>
    tpu.enqueue_dma source(%arg15 : memref<80x128xf32, #tpu.memory_space<vmem>>) target(%dma_start3A_135 : memref<80x128xf32, #tpu.memory_space<hbm>>) target_semaphore(%arg25 : memref<!tpu.dma_semaphore, #tpu.memory_space<semaphore_mem>>)
    %add3A_136 = arith.constant 9920 : i32
    %add3A_137 = arith.addi %mul3A_2, %add3A_136 : i32
    %dma_wait3A_138 = arith.constant 0 : i32
    %dma_wait3A_139 = tpu.memref_slice %arg8[%add3A_137, %dma_wait3A_138] : memref<320000x128xf32, #tpu.memory_space<hbm>> -> memref<80x128xf32, #tpu.memory_space<hbm>>
    %dma_wait3A_140 = arith.constant 0 : i32
    %dma_wait3A_141 = tpu.memref_slice %arg8[%add3A_137, %dma_wait3A_140] : memref<320000x128xf32, #tpu.memory_space<hbm>> -> memref<80x128xf32, #tpu.memory_space<hbm>>
    tpu.wait_dma2 semaphore(%arg25 : memref<!tpu.dma_semaphore, #tpu.memory_space<semaphore_mem>>) src(%arg15 : memref<80x128xf32, #tpu.memory_space<vmem>>) dst(%dma_wait3A_141 : memref<80x128xf32, #tpu.memory_space<hbm>>)
    return
  }
}

#map = affine_map<(d0, d1) -> (0, 0)>
#map1 = affine_map<(d0, d1) -> (0)>
#map2 = affine_map<(d0, d1) -> (0, 0, 0)>
module attributes {stable_mosaic.version = 14 : i64} {
  func.func @_sc_scatter(%arg0: i32, %arg1: i32, %arg2: memref<320000x128xf32, #tpu.memory_space<hbm>>, %arg3: memref<320000xi32, #tpu.memory_space<hbm>>, %arg4: memref<10000x128xf32, #tpu.memory_space<hbm>>, %arg5: memref<2x10000x128xf32, #tpu.memory_space<hbm>>, %arg6: memref<2x80x128xf32, #tpu.memory_space<hbm>>, %arg7: memref<10000x128xf32, #tpu.memory_space<vmem_shared>>, %arg8: memref<80x128xf32, #tpu.memory_space<vmem_shared>>, %arg9: memref<80xi32, #tpu.memory_space<vmem>>, %arg10: memref<80xi32, #tpu.memory_space<vmem>>, %arg11: memref<80xi32, #tpu.memory_space<vmem>>, %arg12: memref<80xi32, #tpu.memory_space<vmem>>, %arg13: memref<80xi32, #tpu.memory_space<vmem>>, %arg14: memref<80xi32, #tpu.memory_space<vmem>>, %arg15: memref<80x128xf32, #tpu.memory_space<vmem>>, %arg16: memref<80x128xf32, #tpu.memory_space<vmem>>, %arg17: memref<80x128xf32, #tpu.memory_space<vmem>>, %arg18: memref<80x128xf32, #tpu.memory_space<vmem>>, %arg19: memref<!tpu.dma_semaphore, #tpu.memory_space<semaphore_mem>>, %arg20: memref<!tpu.dma_semaphore, #tpu.memory_space<semaphore_mem>>, %arg21: memref<!tpu.dma_semaphore, #tpu.memory_space<semaphore_mem>>, %arg22: memref<!tpu.dma_semaphore, #tpu.memory_space<semaphore_mem>>, %arg23: memref<!tpu.dma_semaphore, #tpu.memory_space<semaphore_mem>>, %arg24: memref<!tpu.dma_semaphore, #tpu.memory_space<semaphore_mem>>) attributes {dimension_semantics = [#tpu.dimension_semantics<core_parallel>, #tpu.dimension_semantics<subcore_parallel>], iteration_bounds = array<i64: 2, 16>, scalar_prefetch = 0 : i64, scratch_operands = 18 : i64, tpu.core_type = #tpu.core_type<sc_vector_subcore>, window_params = [{transform_indices = #map}, {transform_indices = #map1}, {transform_indices = #map}, {transform_indices = #map2}, {transform_indices = #map2}]} {
    %mul3A = arith.constant 624 : i32
    %mul3A_0 = arith.muli %arg1, %mul3A : i32
    %mul3A_1 = arith.constant 624 : i32
    %mul3A_2 = arith.muli %arg1, %mul3A_1 : i32
    "tpu.region"() ({
      %run_scoped3A = tpu.sem_alloc : memref<!tpu.dma_semaphore, #tpu.memory_space<semaphore_mem>>
      %dma_start3A_170 = arith.constant 0 : i32
      %dma_start3A_171 = tpu.memref_slice %arg7[%mul3A_2, %dma_start3A_170] : memref<10000x128xf32, #tpu.memory_space<vmem_shared>> -> memref<624x128xf32, #tpu.memory_space<vmem_shared>>
      %dma_start3A_172 = arith.constant 0 : i32
      %dma_start3A_173 = tpu.memref_slice %arg4[%mul3A_0, %dma_start3A_172] : memref<10000x128xf32, #tpu.memory_space<hbm>> -> memref<624x128xf32, #tpu.memory_space<hbm>>
      tpu.enqueue_dma source(%dma_start3A_173 : memref<624x128xf32, #tpu.memory_space<hbm>>) target(%dma_start3A_171 : memref<624x128xf32, #tpu.memory_space<vmem_shared>>) target_semaphore(%run_scoped3A : memref<!tpu.dma_semaphore, #tpu.memory_space<semaphore_mem>>)
      %dma_wait3A_174 = arith.constant 0 : i32
      %dma_wait3A_175 = tpu.memref_slice %arg7[%mul3A_2, %dma_wait3A_174] : memref<10000x128xf32, #tpu.memory_space<vmem_shared>> -> memref<624x128xf32, #tpu.memory_space<vmem_shared>>
      %dma_wait3A_176 = arith.constant 0 : i32
      %dma_wait3A_177 = tpu.memref_slice %arg4[%mul3A_0, %dma_wait3A_176] : memref<10000x128xf32, #tpu.memory_space<hbm>> -> memref<624x128xf32, #tpu.memory_space<hbm>>
      tpu.wait_dma2 semaphore(%run_scoped3A : memref<!tpu.dma_semaphore, #tpu.memory_space<semaphore_mem>>) src(%dma_wait3A_177 : memref<624x128xf32, #tpu.memory_space<hbm>>) dst(%dma_wait3A_175 : memref<624x128xf32, #tpu.memory_space<vmem_shared>>)
      tpu.yield
    }) : () -> ()
    %eq3A = arith.constant 0 : i32
    %eq3A_3 = arith.cmpi eq, %arg1, %eq3A : i32
    %convert_element_type3A = arith.extui %eq3A_3 : i1 to i32
    %cond3A = arith.constant 0 : i32
    %cond3A_4 = arith.cmpi ne, %convert_element_type3A, %cond3A : i32
    scf.if %cond3A_4 {
      "tpu.region"() ({
        %run_scoped3A = tpu.sem_alloc : memref<!tpu.dma_semaphore, #tpu.memory_space<semaphore_mem>>
        %dma_start3A_170 = arith.constant 9984 : i32
        %dma_start3A_171 = arith.constant 0 : i32
        %dma_start3A_172 = tpu.memref_slice %arg7[%dma_start3A_170, %dma_start3A_171] : memref<10000x128xf32, #tpu.memory_space<vmem_shared>> -> memref<16x128xf32, #tpu.memory_space<vmem_shared>>
        %dma_start3A_173 = arith.constant 9984 : i32
        %dma_start3A_174 = arith.constant 0 : i32
        %dma_start3A_175 = tpu.memref_slice %arg4[%dma_start3A_173, %dma_start3A_174] : memref<10000x128xf32, #tpu.memory_space<hbm>> -> memref<16x128xf32, #tpu.memory_space<hbm>>
        tpu.enqueue_dma source(%dma_start3A_175 : memref<16x128xf32, #tpu.memory_space<hbm>>) target(%dma_start3A_172 : memref<16x128xf32, #tpu.memory_space<vmem_shared>>) target_semaphore(%run_scoped3A : memref<!tpu.dma_semaphore, #tpu.memory_space<semaphore_mem>>)
        %dma_wait3A_176 = arith.constant 9984 : i32
        %dma_wait3A_177 = arith.constant 0 : i32
        %dma_wait3A_178 = tpu.memref_slice %arg7[%dma_wait3A_176, %dma_wait3A_177] : memref<10000x128xf32, #tpu.memory_space<vmem_shared>> -> memref<16x128xf32, #tpu.memory_space<vmem_shared>>
        %dma_wait3A_179 = arith.constant 9984 : i32
        %dma_wait3A_180 = arith.constant 0 : i32
        %dma_wait3A_181 = tpu.memref_slice %arg4[%dma_wait3A_179, %dma_wait3A_180] : memref<10000x128xf32, #tpu.memory_space<hbm>> -> memref<16x128xf32, #tpu.memory_space<hbm>>
        tpu.wait_dma2 semaphore(%run_scoped3A : memref<!tpu.dma_semaphore, #tpu.memory_space<semaphore_mem>>) src(%dma_wait3A_181 : memref<16x128xf32, #tpu.memory_space<hbm>>) dst(%dma_wait3A_178 : memref<16x128xf32, #tpu.memory_space<vmem_shared>>)
        tpu.yield
      }) : () -> ()
      "tpu.region"() ({
        %run_scoped3A = tpu.sem_alloc : memref<!tpu.dma_semaphore, #tpu.memory_space<semaphore_mem>>
        %dma_start3A_170 = arith.constant 0 : i32
        %dma_start3A_171 = arith.constant 0 : i32
        %dma_start3A_172 = tpu.memref_slice %arg4[%dma_start3A_170, %dma_start3A_171] : memref<10000x128xf32, #tpu.memory_space<hbm>> -> memref<80x128xf32, #tpu.memory_space<hbm>>
        tpu.enqueue_dma source(%dma_start3A_172 : memref<80x128xf32, #tpu.memory_space<hbm>>) target(%arg8 : memref<80x128xf32, #tpu.memory_space<vmem_shared>>) target_semaphore(%run_scoped3A : memref<!tpu.dma_semaphore, #tpu.memory_space<semaphore_mem>>)
        %dma_wait3A_173 = arith.constant 0 : i32
        %dma_wait3A_174 = arith.constant 0 : i32
        %dma_wait3A_175 = tpu.memref_slice %arg4[%dma_wait3A_173, %dma_wait3A_174] : memref<10000x128xf32, #tpu.memory_space<hbm>> -> memref<80x128xf32, #tpu.memory_space<hbm>>
        tpu.wait_dma2 semaphore(%run_scoped3A : memref<!tpu.dma_semaphore, #tpu.memory_space<semaphore_mem>>) src(%dma_wait3A_175 : memref<80x128xf32, #tpu.memory_space<hbm>>) dst(%arg8 : memref<80x128xf32, #tpu.memory_space<vmem_shared>>)
        tpu.yield
      }) : () -> ()
    } else {
    }
    "tpu.region"() ({
      %run_scoped3A = tpu.sem_alloc : memref<!tpu.dma_semaphore, #tpu.memory_space<semaphore_mem>>
      %dma_start3A_170 = arith.constant 0 : i32
      %dma_start3A_171 = arith.constant 0 : i32
      %dma_start3A_172 = tpu.memref_slice %arg4[%dma_start3A_170, %dma_start3A_171] : memref<10000x128xf32, #tpu.memory_space<hbm>> -> memref<80x128xf32, #tpu.memory_space<hbm>>
      %dma_start3A_173 = arith.constant 0 : i32
      %dma_start3A_174 = arith.constant 0 : i32
      %dma_start3A_175 = tpu.memref_slice %arg4[%dma_start3A_173, %dma_start3A_174] : memref<10000x128xf32, #tpu.memory_space<hbm>> -> memref<80x128xf32, #tpu.memory_space<hbm>>
      tpu.enqueue_dma source(%dma_start3A_175 : memref<80x128xf32, #tpu.memory_space<hbm>>) target(%arg17 : memref<80x128xf32, #tpu.memory_space<vmem>>) target_semaphore(%run_scoped3A : memref<!tpu.dma_semaphore, #tpu.memory_space<semaphore_mem>>)
      %dma_wait3A_176 = arith.constant 0 : i32
      %dma_wait3A_177 = arith.constant 0 : i32
      %dma_wait3A_178 = tpu.memref_slice %arg4[%dma_wait3A_176, %dma_wait3A_177] : memref<10000x128xf32, #tpu.memory_space<hbm>> -> memref<80x128xf32, #tpu.memory_space<hbm>>
      %dma_wait3A_179 = arith.constant 0 : i32
      %dma_wait3A_180 = arith.constant 0 : i32
      %dma_wait3A_181 = tpu.memref_slice %arg4[%dma_wait3A_179, %dma_wait3A_180] : memref<10000x128xf32, #tpu.memory_space<hbm>> -> memref<80x128xf32, #tpu.memory_space<hbm>>
      tpu.wait_dma2 semaphore(%run_scoped3A : memref<!tpu.dma_semaphore, #tpu.memory_space<semaphore_mem>>) src(%dma_wait3A_181 : memref<80x128xf32, #tpu.memory_space<hbm>>) dst(%arg17 : memref<80x128xf32, #tpu.memory_space<vmem>>)
      tpu.yield
    }) : () -> ()
    "tpu.region"() ({
      %run_scoped3A = tpu.sem_alloc : memref<!tpu.dma_semaphore, #tpu.memory_space<semaphore_mem>>
      %dma_start3A_170 = arith.constant 0 : i32
      %dma_start3A_171 = arith.constant 0 : i32
      %dma_start3A_172 = tpu.memref_slice %arg4[%dma_start3A_170, %dma_start3A_171] : memref<10000x128xf32, #tpu.memory_space<hbm>> -> memref<80x128xf32, #tpu.memory_space<hbm>>
      %dma_start3A_173 = arith.constant 0 : i32
      %dma_start3A_174 = arith.constant 0 : i32
      %dma_start3A_175 = tpu.memref_slice %arg4[%dma_start3A_173, %dma_start3A_174] : memref<10000x128xf32, #tpu.memory_space<hbm>> -> memref<80x128xf32, #tpu.memory_space<hbm>>
      tpu.enqueue_dma source(%dma_start3A_175 : memref<80x128xf32, #tpu.memory_space<hbm>>) target(%arg18 : memref<80x128xf32, #tpu.memory_space<vmem>>) target_semaphore(%run_scoped3A : memref<!tpu.dma_semaphore, #tpu.memory_space<semaphore_mem>>)
      %dma_wait3A_176 = arith.constant 0 : i32
      %dma_wait3A_177 = arith.constant 0 : i32
      %dma_wait3A_178 = tpu.memref_slice %arg4[%dma_wait3A_176, %dma_wait3A_177] : memref<10000x128xf32, #tpu.memory_space<hbm>> -> memref<80x128xf32, #tpu.memory_space<hbm>>
      %dma_wait3A_179 = arith.constant 0 : i32
      %dma_wait3A_180 = arith.constant 0 : i32
      %dma_wait3A_181 = tpu.memref_slice %arg4[%dma_wait3A_179, %dma_wait3A_180] : memref<10000x128xf32, #tpu.memory_space<hbm>> -> memref<80x128xf32, #tpu.memory_space<hbm>>
      tpu.wait_dma2 semaphore(%run_scoped3A : memref<!tpu.dma_semaphore, #tpu.memory_space<semaphore_mem>>) src(%dma_wait3A_181 : memref<80x128xf32, #tpu.memory_space<hbm>>) dst(%arg18 : memref<80x128xf32, #tpu.memory_space<vmem>>)
      tpu.yield
    }) : () -> ()
    %barrier3A = arith.constant 0 : index
    tpu.barrier barrier_id(%barrier3A)
    %mul3A_5 = arith.constant 160000 : i32
    %mul3A_6 = arith.muli %arg0, %mul3A_5 : i32
    %mul3A_7 = arith.constant 10000 : i32
    %mul3A_8 = arith.muli %arg1, %mul3A_7 : i32
    %add3A = arith.addi %mul3A_6, %mul3A_8 : i32
    %broadcast_in_dim3A = arith.constant 1.000000e+00 : f32
    %broadcast_in_dim3A_9 = vector.broadcast %broadcast_in_dim3A : f32 to vector<16xf32>
    %broadcast_in_dim3A_10 = arith.constant 0.000000e+00 : f32
    %broadcast_in_dim3A_11 = vector.broadcast %broadcast_in_dim3A_10 : f32 to vector<16xf32>
    %add3A_12 = arith.constant 0 : i32
    %add3A_13 = arith.addi %add3A, %add3A_12 : i32
    %dma_start3A = tpu.memref_slice %arg3[%add3A_13] : memref<320000xi32, #tpu.memory_space<hbm>> -> memref<80xi32, #tpu.memory_space<hbm>>
    %dma_start3A_14 = tpu.memref_slice %arg3[%add3A_13] : memref<320000xi32, #tpu.memory_space<hbm>> -> memref<80xi32, #tpu.memory_space<hbm>>
    tpu.enqueue_dma source(%dma_start3A_14 : memref<80xi32, #tpu.memory_space<hbm>>) target(%arg9 : memref<80xi32, #tpu.memory_space<vmem>>) target_semaphore(%arg19 : memref<!tpu.dma_semaphore, #tpu.memory_space<semaphore_mem>>)
    %dma_start3A_15 = arith.constant 0 : i32
    %dma_start3A_16 = tpu.memref_slice %arg2[%add3A_13, %dma_start3A_15] : memref<320000x128xf32, #tpu.memory_space<hbm>> -> memref<80x128xf32, #tpu.memory_space<hbm>>
    %dma_start3A_17 = arith.constant 0 : i32
    %dma_start3A_18 = tpu.memref_slice %arg2[%add3A_13, %dma_start3A_17] : memref<320000x128xf32, #tpu.memory_space<hbm>> -> memref<80x128xf32, #tpu.memory_space<hbm>>
    tpu.enqueue_dma source(%dma_start3A_18 : memref<80x128xf32, #tpu.memory_space<hbm>>) target(%arg15 : memref<80x128xf32, #tpu.memory_space<vmem>>) target_semaphore(%arg19 : memref<!tpu.dma_semaphore, #tpu.memory_space<semaphore_mem>>)
    %scan3A = arith.constant 0 : i32
    %scan3A_19 = arith.constant 62 : i32
    %scan3A_20 = arith.addi %scan3A, %scan3A_19 : i32
    %scan3A_21 = arith.constant 1 : i32
    scf.for %scan3A_170 = %scan3A to %scan3A_20 step %scan3A_21  : i32 {
      %mul3A_171 = arith.constant 2 : i32
      %mul3A_172 = arith.muli %scan3A_170, %mul3A_171 : i32
      %add3A_173 = arith.constant 0 : i32
      %add3A_174 = arith.addi %add3A_173, %mul3A_172 : i32
      %add3A_175 = arith.constant 0 : i32
      %add3A_176 = arith.addi %add3A_174, %add3A_175 : i32
      %add3A_177 = arith.constant 1 : i32
      %add3A_178 = arith.addi %add3A_176, %add3A_177 : i32
      %mul3A_179 = arith.constant 80 : i32
      %mul3A_180 = arith.muli %add3A_178, %mul3A_179 : i32
      %add3A_181 = arith.addi %add3A, %mul3A_180 : i32
      %dma_start3A_182 = tpu.memref_slice %arg3[%add3A_181] : memref<320000xi32, #tpu.memory_space<hbm>> -> memref<80xi32, #tpu.memory_space<hbm>>
      %dma_start3A_183 = tpu.memref_slice %arg3[%add3A_181] : memref<320000xi32, #tpu.memory_space<hbm>> -> memref<80xi32, #tpu.memory_space<hbm>>
      tpu.enqueue_dma source(%dma_start3A_183 : memref<80xi32, #tpu.memory_space<hbm>>) target(%arg10 : memref<80xi32, #tpu.memory_space<vmem>>) target_semaphore(%arg20 : memref<!tpu.dma_semaphore, #tpu.memory_space<semaphore_mem>>)
      %dma_start3A_184 = arith.constant 0 : i32
      %dma_start3A_185 = tpu.memref_slice %arg2[%add3A_181, %dma_start3A_184] : memref<320000x128xf32, #tpu.memory_space<hbm>> -> memref<80x128xf32, #tpu.memory_space<hbm>>
      %dma_start3A_186 = arith.constant 0 : i32
      %dma_start3A_187 = tpu.memref_slice %arg2[%add3A_181, %dma_start3A_186] : memref<320000x128xf32, #tpu.memory_space<hbm>> -> memref<80x128xf32, #tpu.memory_space<hbm>>
      tpu.enqueue_dma source(%dma_start3A_187 : memref<80x128xf32, #tpu.memory_space<hbm>>) target(%arg16 : memref<80x128xf32, #tpu.memory_space<vmem>>) target_semaphore(%arg20 : memref<!tpu.dma_semaphore, #tpu.memory_space<semaphore_mem>>)
      %mul3A_188 = arith.constant 80 : i32
      %mul3A_189 = arith.muli %add3A_176, %mul3A_188 : i32
      %add3A_190 = arith.addi %add3A, %mul3A_189 : i32
      %dma_wait3A_191 = tpu.memref_slice %arg3[%add3A_190] : memref<320000xi32, #tpu.memory_space<hbm>> -> memref<80xi32, #tpu.memory_space<hbm>>
      %dma_wait3A_192 = tpu.memref_slice %arg3[%add3A_190] : memref<320000xi32, #tpu.memory_space<hbm>> -> memref<80xi32, #tpu.memory_space<hbm>>
      tpu.wait_dma2 semaphore(%arg19 : memref<!tpu.dma_semaphore, #tpu.memory_space<semaphore_mem>>) src(%dma_wait3A_192 : memref<80xi32, #tpu.memory_space<hbm>>) dst(%arg9 : memref<80xi32, #tpu.memory_space<vmem>>)
      %dma_wait3A_193 = arith.constant 0 : i32
      %dma_wait3A_194 = tpu.memref_slice %arg2[%add3A_190, %dma_wait3A_193] : memref<320000x128xf32, #tpu.memory_space<hbm>> -> memref<80x128xf32, #tpu.memory_space<hbm>>
      %dma_wait3A_195 = arith.constant 0 : i32
      %dma_wait3A_196 = tpu.memref_slice %arg2[%add3A_190, %dma_wait3A_195] : memref<320000x128xf32, #tpu.memory_space<hbm>> -> memref<80x128xf32, #tpu.memory_space<hbm>>
      tpu.wait_dma2 semaphore(%arg19 : memref<!tpu.dma_semaphore, #tpu.memory_space<semaphore_mem>>) src(%dma_wait3A_196 : memref<80x128xf32, #tpu.memory_space<hbm>>) dst(%arg15 : memref<80x128xf32, #tpu.memory_space<vmem>>)
      "tpu.region"() ({
        %run_scoped3A = tpu.sem_alloc : memref<!tpu.dma_semaphore, #tpu.memory_space<semaphore_mem>>
        %dma_start3A_489 = arith.constant 0 : i32
        %dma_start3A_490 = arith.constant 0 : i32
        %dma_start3A_491 = tpu.memref_slice %arg7[%dma_start3A_489, %dma_start3A_490] : memref<10000x128xf32, #tpu.memory_space<vmem_shared>> -> memref<10000x128xf32, #tpu.memory_space<vmem_shared>>
        tpu.enqueue_indirect_dma source(%arg15 : memref<80x128xf32, #tpu.memory_space<vmem>>) target(%dma_start3A_491 : memref<10000x128xf32, #tpu.memory_space<vmem_shared>>) offsets(%arg9 : memref<80xi32, #tpu.memory_space<vmem>>) semaphore(%run_scoped3A : memref<!tpu.dma_semaphore, #tpu.memory_space<semaphore_mem>>) {add = true}
        %dma_wait3A_492 = arith.constant 0 : i32
        %dma_wait3A_493 = arith.constant 0 : i32
        %dma_wait3A_494 = tpu.memref_slice %arg7[%dma_wait3A_492, %dma_wait3A_493] : memref<10000x128xf32, #tpu.memory_space<vmem_shared>> -> memref<10000x128xf32, #tpu.memory_space<vmem_shared>>
        tpu.wait_indirect_dma semaphore(%run_scoped3A : memref<!tpu.dma_semaphore, #tpu.memory_space<semaphore_mem>>) src(%arg15 : memref<80x128xf32, #tpu.memory_space<vmem>>) dst(%dma_wait3A_494 : memref<10000x128xf32, #tpu.memory_space<vmem_shared>>)
        tpu.yield
      }) : () -> ()
      %get3A_197 = arith.constant 0 : index
      %get3A_198 = tpu.vector_load %arg9[%get3A_197] {strides = array<i32>} : memref<80xi32, #tpu.memory_space<vmem>>, vector<16xi32>,
      %get3A_199 = vector.shape_cast %get3A_198 : vector<16xi32> to vector<16xi32>
      %iota3A_200 = tpu.iota {dimensions = array<i32: 0>} : vector<16xi32>
      %add3A_201 = arith.constant 0 : i32
      %add3A_202 = vector.broadcast %add3A_201 : i32 to vector<16xi32>
      %add3A_203 = arith.addi %iota3A_200, %add3A_202 : vector<16xi32>
      %and3A_204 = arith.constant 127 : i32
      %and3A_205 = vector.broadcast %and3A_204 : i32 to vector<16xi32>
      %and3A_206 = arith.andi %get3A_199, %and3A_205 : vector<16xi32>
      tpu.vector_store_idx %arg17[%add3A_203, %and3A_206], %broadcast_in_dim3A_9 : memref<80x128xf32, #tpu.memory_space<vmem>>[vector<16xi32>, vector<16xi32>], vector<16xf32>,
      %shift_right_logical3A_207 = arith.constant 7 : i32
      %shift_right_logical3A_208 = vector.broadcast %shift_right_logical3A_207 : i32 to vector<16xi32>
      %shift_right_logical3A_209 = arith.shrui %get3A_199, %shift_right_logical3A_208 : vector<16xi32>
      %swap3A_210 = arith.constant 0 : index
      %swap3A_211 = tpu.vector_load %arg11[%swap3A_210] {strides = array<i32>} : memref<80xi32, #tpu.memory_space<vmem>>, vector<16xi32>,
      %swap3A_212 = vector.shape_cast %swap3A_211 : vector<16xi32> to vector<16xi32>
      %swap3A_213 = vector.shape_cast %shift_right_logical3A_209 : vector<16xi32> to vector<16xi32>
      tpu.vector_store %arg11[%swap3A_210], %swap3A_213 {strides = array<i32>} : memref<80xi32, #tpu.memory_space<vmem>>, vector<16xi32>,
      %get3A_214 = arith.constant 16 : index
      %get3A_215 = tpu.vector_load %arg9[%get3A_214] {strides = array<i32>} : memref<80xi32, #tpu.memory_space<vmem>>, vector<16xi32>,
      %get3A_216 = vector.shape_cast %get3A_215 : vector<16xi32> to vector<16xi32>
      %iota3A_217 = tpu.iota {dimensions = array<i32: 0>} : vector<16xi32>
      %add3A_218 = arith.constant 16 : i32
      %add3A_219 = vector.broadcast %add3A_218 : i32 to vector<16xi32>
      %add3A_220 = arith.addi %iota3A_217, %add3A_219 : vector<16xi32>
      %and3A_221 = arith.constant 127 : i32
      %and3A_222 = vector.broadcast %and3A_221 : i32 to vector<16xi32>
      %and3A_223 = arith.andi %get3A_216, %and3A_222 : vector<16xi32>
      tpu.vector_store_idx %arg17[%add3A_220, %and3A_223], %broadcast_in_dim3A_9 : memref<80x128xf32, #tpu.memory_space<vmem>>[vector<16xi32>, vector<16xi32>], vector<16xf32>,
      %shift_right_logical3A_224 = arith.constant 7 : i32
      %shift_right_logical3A_225 = vector.broadcast %shift_right_logical3A_224 : i32 to vector<16xi32>
      %shift_right_logical3A_226 = arith.shrui %get3A_216, %shift_right_logical3A_225 : vector<16xi32>
      %swap3A_227 = arith.constant 16 : index
      %swap3A_228 = tpu.vector_load %arg11[%swap3A_227] {strides = array<i32>} : memref<80xi32, #tpu.memory_space<vmem>>, vector<16xi32>,
      %swap3A_229 = vector.shape_cast %swap3A_228 : vector<16xi32> to vector<16xi32>
      %swap3A_230 = vector.shape_cast %shift_right_logical3A_226 : vector<16xi32> to vector<16xi32>
      tpu.vector_store %arg11[%swap3A_227], %swap3A_230 {strides = array<i32>} : memref<80xi32, #tpu.memory_space<vmem>>, vector<16xi32>,
      %get3A_231 = arith.constant 32 : index
      %get3A_232 = tpu.vector_load %arg9[%get3A_231] {strides = array<i32>} : memref<80xi32, #tpu.memory_space<vmem>>, vector<16xi32>,
      %get3A_233 = vector.shape_cast %get3A_232 : vector<16xi32> to vector<16xi32>
      %iota3A_234 = tpu.iota {dimensions = array<i32: 0>} : vector<16xi32>
      %add3A_235 = arith.constant 32 : i32
      %add3A_236 = vector.broadcast %add3A_235 : i32 to vector<16xi32>
      %add3A_237 = arith.addi %iota3A_234, %add3A_236 : vector<16xi32>
      %and3A_238 = arith.constant 127 : i32
      %and3A_239 = vector.broadcast %and3A_238 : i32 to vector<16xi32>
      %and3A_240 = arith.andi %get3A_233, %and3A_239 : vector<16xi32>
      tpu.vector_store_idx %arg17[%add3A_237, %and3A_240], %broadcast_in_dim3A_9 : memref<80x128xf32, #tpu.memory_space<vmem>>[vector<16xi32>, vector<16xi32>], vector<16xf32>,
      %shift_right_logical3A_241 = arith.constant 7 : i32
      %shift_right_logical3A_242 = vector.broadcast %shift_right_logical3A_241 : i32 to vector<16xi32>
      %shift_right_logical3A_243 = arith.shrui %get3A_233, %shift_right_logical3A_242 : vector<16xi32>
      %swap3A_244 = arith.constant 32 : index
      %swap3A_245 = tpu.vector_load %arg11[%swap3A_244] {strides = array<i32>} : memref<80xi32, #tpu.memory_space<vmem>>, vector<16xi32>,
      %swap3A_246 = vector.shape_cast %swap3A_245 : vector<16xi32> to vector<16xi32>
      %swap3A_247 = vector.shape_cast %shift_right_logical3A_243 : vector<16xi32> to vector<16xi32>
      tpu.vector_store %arg11[%swap3A_244], %swap3A_247 {strides = array<i32>} : memref<80xi32, #tpu.memory_space<vmem>>, vector<16xi32>,
      %get3A_248 = arith.constant 48 : index
      %get3A_249 = tpu.vector_load %arg9[%get3A_248] {strides = array<i32>} : memref<80xi32, #tpu.memory_space<vmem>>, vector<16xi32>,
      %get3A_250 = vector.shape_cast %get3A_249 : vector<16xi32> to vector<16xi32>
      %iota3A_251 = tpu.iota {dimensions = array<i32: 0>} : vector<16xi32>
      %add3A_252 = arith.constant 48 : i32
      %add3A_253 = vector.broadcast %add3A_252 : i32 to vector<16xi32>
      %add3A_254 = arith.addi %iota3A_251, %add3A_253 : vector<16xi32>
      %and3A_255 = arith.constant 127 : i32
      %and3A_256 = vector.broadcast %and3A_255 : i32 to vector<16xi32>
      %and3A_257 = arith.andi %get3A_250, %and3A_256 : vector<16xi32>
      tpu.vector_store_idx %arg17[%add3A_254, %and3A_257], %broadcast_in_dim3A_9 : memref<80x128xf32, #tpu.memory_space<vmem>>[vector<16xi32>, vector<16xi32>], vector<16xf32>,
      %shift_right_logical3A_258 = arith.constant 7 : i32
      %shift_right_logical3A_259 = vector.broadcast %shift_right_logical3A_258 : i32 to vector<16xi32>
      %shift_right_logical3A_260 = arith.shrui %get3A_250, %shift_right_logical3A_259 : vector<16xi32>
      %swap3A_261 = arith.constant 48 : index
      %swap3A_262 = tpu.vector_load %arg11[%swap3A_261] {strides = array<i32>} : memref<80xi32, #tpu.memory_space<vmem>>, vector<16xi32>,
      %swap3A_263 = vector.shape_cast %swap3A_262 : vector<16xi32> to vector<16xi32>
      %swap3A_264 = vector.shape_cast %shift_right_logical3A_260 : vector<16xi32> to vector<16xi32>
      tpu.vector_store %arg11[%swap3A_261], %swap3A_264 {strides = array<i32>} : memref<80xi32, #tpu.memory_space<vmem>>, vector<16xi32>,
      %get3A_265 = arith.constant 64 : index
      %get3A_266 = tpu.vector_load %arg9[%get3A_265] {strides = array<i32>} : memref<80xi32, #tpu.memory_space<vmem>>, vector<16xi32>,
      %get3A_267 = vector.shape_cast %get3A_266 : vector<16xi32> to vector<16xi32>
      %iota3A_268 = tpu.iota {dimensions = array<i32: 0>} : vector<16xi32>
      %add3A_269 = arith.constant 64 : i32
      %add3A_270 = vector.broadcast %add3A_269 : i32 to vector<16xi32>
      %add3A_271 = arith.addi %iota3A_268, %add3A_270 : vector<16xi32>
      %and3A_272 = arith.constant 127 : i32
      %and3A_273 = vector.broadcast %and3A_272 : i32 to vector<16xi32>
      %and3A_274 = arith.andi %get3A_267, %and3A_273 : vector<16xi32>
      tpu.vector_store_idx %arg17[%add3A_271, %and3A_274], %broadcast_in_dim3A_9 : memref<80x128xf32, #tpu.memory_space<vmem>>[vector<16xi32>, vector<16xi32>], vector<16xf32>,
      %shift_right_logical3A_275 = arith.constant 7 : i32
      %shift_right_logical3A_276 = vector.broadcast %shift_right_logical3A_275 : i32 to vector<16xi32>
      %shift_right_logical3A_277 = arith.shrui %get3A_267, %shift_right_logical3A_276 : vector<16xi32>
      %swap3A_278 = arith.constant 64 : index
      %swap3A_279 = tpu.vector_load %arg11[%swap3A_278] {strides = array<i32>} : memref<80xi32, #tpu.memory_space<vmem>>, vector<16xi32>,
      %swap3A_280 = vector.shape_cast %swap3A_279 : vector<16xi32> to vector<16xi32>
      %swap3A_281 = vector.shape_cast %shift_right_logical3A_277 : vector<16xi32> to vector<16xi32>
      tpu.vector_store %arg11[%swap3A_278], %swap3A_281 {strides = array<i32>} : memref<80xi32, #tpu.memory_space<vmem>>, vector<16xi32>,
      "tpu.region"() ({
        %run_scoped3A = tpu.sem_alloc : memref<!tpu.dma_semaphore, #tpu.memory_space<semaphore_mem>>
        %dma_start3A_489 = arith.constant 0 : i32
        %dma_start3A_490 = arith.constant 0 : i32
        %dma_start3A_491 = tpu.memref_slice %arg8[%dma_start3A_489, %dma_start3A_490] : memref<80x128xf32, #tpu.memory_space<vmem_shared>> -> memref<80x128xf32, #tpu.memory_space<vmem_shared>>
        tpu.enqueue_indirect_dma source(%arg17 : memref<80x128xf32, #tpu.memory_space<vmem>>) target(%dma_start3A_491 : memref<80x128xf32, #tpu.memory_space<vmem_shared>>) offsets(%arg11 : memref<80xi32, #tpu.memory_space<vmem>>) semaphore(%run_scoped3A : memref<!tpu.dma_semaphore, #tpu.memory_space<semaphore_mem>>) {add = true}
        %dma_wait3A_492 = arith.constant 0 : i32
        %dma_wait3A_493 = arith.constant 0 : i32
        %dma_wait3A_494 = tpu.memref_slice %arg8[%dma_wait3A_492, %dma_wait3A_493] : memref<80x128xf32, #tpu.memory_space<vmem_shared>> -> memref<80x128xf32, #tpu.memory_space<vmem_shared>>
        tpu.wait_indirect_dma semaphore(%run_scoped3A : memref<!tpu.dma_semaphore, #tpu.memory_space<semaphore_mem>>) src(%arg17 : memref<80x128xf32, #tpu.memory_space<vmem>>) dst(%dma_wait3A_494 : memref<80x128xf32, #tpu.memory_space<vmem_shared>>)
        tpu.yield
      }) : () -> ()
      %get3A_282 = arith.constant 0 : index
      %get3A_283 = tpu.vector_load %arg9[%get3A_282] {strides = array<i32>} : memref<80xi32, #tpu.memory_space<vmem>>, vector<16xi32>,
      %get3A_284 = vector.shape_cast %get3A_283 : vector<16xi32> to vector<16xi32>
      %iota3A_285 = tpu.iota {dimensions = array<i32: 0>} : vector<16xi32>
      %add3A_286 = arith.constant 0 : i32
      %add3A_287 = vector.broadcast %add3A_286 : i32 to vector<16xi32>
      %add3A_288 = arith.addi %iota3A_285, %add3A_287 : vector<16xi32>
      %and3A_289 = arith.constant 127 : i32
      %and3A_290 = vector.broadcast %and3A_289 : i32 to vector<16xi32>
      %and3A_291 = arith.andi %get3A_284, %and3A_290 : vector<16xi32>
      tpu.vector_store_idx %arg17[%add3A_288, %and3A_291], %broadcast_in_dim3A_11 : memref<80x128xf32, #tpu.memory_space<vmem>>[vector<16xi32>, vector<16xi32>], vector<16xf32>,
      %get3A_292 = arith.constant 16 : index
      %get3A_293 = tpu.vector_load %arg9[%get3A_292] {strides = array<i32>} : memref<80xi32, #tpu.memory_space<vmem>>, vector<16xi32>,
      %get3A_294 = vector.shape_cast %get3A_293 : vector<16xi32> to vector<16xi32>
      %iota3A_295 = tpu.iota {dimensions = array<i32: 0>} : vector<16xi32>
      %add3A_296 = arith.constant 16 : i32
      %add3A_297 = vector.broadcast %add3A_296 : i32 to vector<16xi32>
      %add3A_298 = arith.addi %iota3A_295, %add3A_297 : vector<16xi32>
      %and3A_299 = arith.constant 127 : i32
      %and3A_300 = vector.broadcast %and3A_299 : i32 to vector<16xi32>
      %and3A_301 = arith.andi %get3A_294, %and3A_300 : vector<16xi32>
      tpu.vector_store_idx %arg17[%add3A_298, %and3A_301], %broadcast_in_dim3A_11 : memref<80x128xf32, #tpu.memory_space<vmem>>[vector<16xi32>, vector<16xi32>], vector<16xf32>,
      %get3A_302 = arith.constant 32 : index
      %get3A_303 = tpu.vector_load %arg9[%get3A_302] {strides = array<i32>} : memref<80xi32, #tpu.memory_space<vmem>>, vector<16xi32>,
      %get3A_304 = vector.shape_cast %get3A_303 : vector<16xi32> to vector<16xi32>
      %iota3A_305 = tpu.iota {dimensions = array<i32: 0>} : vector<16xi32>
      %add3A_306 = arith.constant 32 : i32
      %add3A_307 = vector.broadcast %add3A_306 : i32 to vector<16xi32>
      %add3A_308 = arith.addi %iota3A_305, %add3A_307 : vector<16xi32>
      %and3A_309 = arith.constant 127 : i32
      %and3A_310 = vector.broadcast %and3A_309 : i32 to vector<16xi32>
      %and3A_311 = arith.andi %get3A_304, %and3A_310 : vector<16xi32>
      tpu.vector_store_idx %arg17[%add3A_308, %and3A_311], %broadcast_in_dim3A_11 : memref<80x128xf32, #tpu.memory_space<vmem>>[vector<16xi32>, vector<16xi32>], vector<16xf32>,
      %get3A_312 = arith.constant 48 : index
      %get3A_313 = tpu.vector_load %arg9[%get3A_312] {strides = array<i32>} : memref<80xi32, #tpu.memory_space<vmem>>, vector<16xi32>,
      %get3A_314 = vector.shape_cast %get3A_313 : vector<16xi32> to vector<16xi32>
      %iota3A_315 = tpu.iota {dimensions = array<i32: 0>} : vector<16xi32>
      %add3A_316 = arith.constant 48 : i32
      %add3A_317 = vector.broadcast %add3A_316 : i32 to vector<16xi32>
      %add3A_318 = arith.addi %iota3A_315, %add3A_317 : vector<16xi32>
      %and3A_319 = arith.constant 127 : i32
      %and3A_320 = vector.broadcast %and3A_319 : i32 to vector<16xi32>
      %and3A_321 = arith.andi %get3A_314, %and3A_320 : vector<16xi32>
      tpu.vector_store_idx %arg17[%add3A_318, %and3A_321], %broadcast_in_dim3A_11 : memref<80x128xf32, #tpu.memory_space<vmem>>[vector<16xi32>, vector<16xi32>], vector<16xf32>,
      %get3A_322 = arith.constant 64 : index
      %get3A_323 = tpu.vector_load %arg9[%get3A_322] {strides = array<i32>} : memref<80xi32, #tpu.memory_space<vmem>>, vector<16xi32>,
      %get3A_324 = vector.shape_cast %get3A_323 : vector<16xi32> to vector<16xi32>
      %iota3A_325 = tpu.iota {dimensions = array<i32: 0>} : vector<16xi32>
      %add3A_326 = arith.constant 64 : i32
      %add3A_327 = vector.broadcast %add3A_326 : i32 to vector<16xi32>
      %add3A_328 = arith.addi %iota3A_325, %add3A_327 : vector<16xi32>
      %and3A_329 = arith.constant 127 : i32
      %and3A_330 = vector.broadcast %and3A_329 : i32 to vector<16xi32>
      %and3A_331 = arith.andi %get3A_324, %and3A_330 : vector<16xi32>
      tpu.vector_store_idx %arg17[%add3A_328, %and3A_331], %broadcast_in_dim3A_11 : memref<80x128xf32, #tpu.memory_space<vmem>>[vector<16xi32>, vector<16xi32>], vector<16xf32>,
      %add3A_332 = arith.constant 1 : i32
      %add3A_333 = arith.addi %add3A_174, %add3A_332 : i32
      %add3A_334 = arith.constant 1 : i32
      %add3A_335 = arith.addi %add3A_333, %add3A_334 : i32
      %mul3A_336 = arith.constant 80 : i32
      %mul3A_337 = arith.muli %add3A_335, %mul3A_336 : i32
      %add3A_338 = arith.addi %add3A, %mul3A_337 : i32
      %dma_start3A_339 = tpu.memref_slice %arg3[%add3A_338] : memref<320000xi32, #tpu.memory_space<hbm>> -> memref<80xi32, #tpu.memory_space<hbm>>
      %dma_start3A_340 = tpu.memref_slice %arg3[%add3A_338] : memref<320000xi32, #tpu.memory_space<hbm>> -> memref<80xi32, #tpu.memory_space<hbm>>
      tpu.enqueue_dma source(%dma_start3A_340 : memref<80xi32, #tpu.memory_space<hbm>>) target(%arg9 : memref<80xi32, #tpu.memory_space<vmem>>) target_semaphore(%arg19 : memref<!tpu.dma_semaphore, #tpu.memory_space<semaphore_mem>>)
      %dma_start3A_341 = arith.constant 0 : i32
      %dma_start3A_342 = tpu.memref_slice %arg2[%add3A_338, %dma_start3A_341] : memref<320000x128xf32, #tpu.memory_space<hbm>> -> memref<80x128xf32, #tpu.memory_space<hbm>>
      %dma_start3A_343 = arith.constant 0 : i32
      %dma_start3A_344 = tpu.memref_slice %arg2[%add3A_338, %dma_start3A_343] : memref<320000x128xf32, #tpu.memory_space<hbm>> -> memref<80x128xf32, #tpu.memory_space<hbm>>
      tpu.enqueue_dma source(%dma_start3A_344 : memref<80x128xf32, #tpu.memory_space<hbm>>) target(%arg15 : memref<80x128xf32, #tpu.memory_space<vmem>>) target_semaphore(%arg19 : memref<!tpu.dma_semaphore, #tpu.memory_space<semaphore_mem>>)
      %mul3A_345 = arith.constant 80 : i32
      %mul3A_346 = arith.muli %add3A_333, %mul3A_345 : i32
      %add3A_347 = arith.addi %add3A, %mul3A_346 : i32
      %dma_wait3A_348 = tpu.memref_slice %arg3[%add3A_347] : memref<320000xi32, #tpu.memory_space<hbm>> -> memref<80xi32, #tpu.memory_space<hbm>>
      %dma_wait3A_349 = tpu.memref_slice %arg3[%add3A_347] : memref<320000xi32, #tpu.memory_space<hbm>> -> memref<80xi32, #tpu.memory_space<hbm>>
      tpu.wait_dma2 semaphore(%arg20 : memref<!tpu.dma_semaphore, #tpu.memory_space<semaphore_mem>>) src(%dma_wait3A_349 : memref<80xi32, #tpu.memory_space<hbm>>) dst(%arg10 : memref<80xi32, #tpu.memory_space<vmem>>)
      %dma_wait3A_350 = arith.constant 0 : i32
      %dma_wait3A_351 = tpu.memref_slice %arg2[%add3A_347, %dma_wait3A_350] : memref<320000x128xf32, #tpu.memory_space<hbm>> -> memref<80x128xf32, #tpu.memory_space<hbm>>
      %dma_wait3A_352 = arith.constant 0 : i32
      %dma_wait3A_353 = tpu.memref_slice %arg2[%add3A_347, %dma_wait3A_352] : memref<320000x128xf32, #tpu.memory_space<hbm>> -> memref<80x128xf32, #tpu.memory_space<hbm>>
      tpu.wait_dma2 semaphore(%arg20 : memref<!tpu.dma_semaphore, #tpu.memory_space<semaphore_mem>>) src(%dma_wait3A_353 : memref<80x128xf32, #tpu.memory_space<hbm>>) dst(%arg16 : memref<80x128xf32, #tpu.memory_space<vmem>>)
      "tpu.region"() ({
        %run_scoped3A = tpu.sem_alloc : memref<!tpu.dma_semaphore, #tpu.memory_space<semaphore_mem>>
        %dma_start3A_489 = arith.constant 0 : i32
        %dma_start3A_490 = arith.constant 0 : i32
        %dma_start3A_491 = tpu.memref_slice %arg7[%dma_start3A_489, %dma_start3A_490] : memref<10000x128xf32, #tpu.memory_space<vmem_shared>> -> memref<10000x128xf32, #tpu.memory_space<vmem_shared>>
        tpu.enqueue_indirect_dma source(%arg16 : memref<80x128xf32, #tpu.memory_space<vmem>>) target(%dma_start3A_491 : memref<10000x128xf32, #tpu.memory_space<vmem_shared>>) offsets(%arg10 : memref<80xi32, #tpu.memory_space<vmem>>) semaphore(%run_scoped3A : memref<!tpu.dma_semaphore, #tpu.memory_space<semaphore_mem>>) {add = true}
        %dma_wait3A_492 = arith.constant 0 : i32
        %dma_wait3A_493 = arith.constant 0 : i32
        %dma_wait3A_494 = tpu.memref_slice %arg7[%dma_wait3A_492, %dma_wait3A_493] : memref<10000x128xf32, #tpu.memory_space<vmem_shared>> -> memref<10000x128xf32, #tpu.memory_space<vmem_shared>>
        tpu.wait_indirect_dma semaphore(%run_scoped3A : memref<!tpu.dma_semaphore, #tpu.memory_space<semaphore_mem>>) src(%arg16 : memref<80x128xf32, #tpu.memory_space<vmem>>) dst(%dma_wait3A_494 : memref<10000x128xf32, #tpu.memory_space<vmem_shared>>)
        tpu.yield
      }) : () -> ()
      %get3A_354 = arith.constant 0 : index
      %get3A_355 = tpu.vector_load %arg10[%get3A_354] {strides = array<i32>} : memref<80xi32, #tpu.memory_space<vmem>>, vector<16xi32>,
      %get3A_356 = vector.shape_cast %get3A_355 : vector<16xi32> to vector<16xi32>
      %iota3A_357 = tpu.iota {dimensions = array<i32: 0>} : vector<16xi32>
      %add3A_358 = arith.constant 0 : i32
      %add3A_359 = vector.broadcast %add3A_358 : i32 to vector<16xi32>
      %add3A_360 = arith.addi %iota3A_357, %add3A_359 : vector<16xi32>
      %and3A_361 = arith.constant 127 : i32
      %and3A_362 = vector.broadcast %and3A_361 : i32 to vector<16xi32>
      %and3A_363 = arith.andi %get3A_356, %and3A_362 : vector<16xi32>
      tpu.vector_store_idx %arg18[%add3A_360, %and3A_363], %broadcast_in_dim3A_9 : memref<80x128xf32, #tpu.memory_space<vmem>>[vector<16xi32>, vector<16xi32>], vector<16xf32>,
      %shift_right_logical3A_364 = arith.constant 7 : i32
      %shift_right_logical3A_365 = vector.broadcast %shift_right_logical3A_364 : i32 to vector<16xi32>
      %shift_right_logical3A_366 = arith.shrui %get3A_356, %shift_right_logical3A_365 : vector<16xi32>
      %swap3A_367 = arith.constant 0 : index
      %swap3A_368 = tpu.vector_load %arg12[%swap3A_367] {strides = array<i32>} : memref<80xi32, #tpu.memory_space<vmem>>, vector<16xi32>,
      %swap3A_369 = vector.shape_cast %swap3A_368 : vector<16xi32> to vector<16xi32>
      %swap3A_370 = vector.shape_cast %shift_right_logical3A_366 : vector<16xi32> to vector<16xi32>
      tpu.vector_store %arg12[%swap3A_367], %swap3A_370 {strides = array<i32>} : memref<80xi32, #tpu.memory_space<vmem>>, vector<16xi32>,
      %get3A_371 = arith.constant 16 : index
      %get3A_372 = tpu.vector_load %arg10[%get3A_371] {strides = array<i32>} : memref<80xi32, #tpu.memory_space<vmem>>, vector<16xi32>,
      %get3A_373 = vector.shape_cast %get3A_372 : vector<16xi32> to vector<16xi32>
      %iota3A_374 = tpu.iota {dimensions = array<i32: 0>} : vector<16xi32>
      %add3A_375 = arith.constant 16 : i32
      %add3A_376 = vector.broadcast %add3A_375 : i32 to vector<16xi32>
      %add3A_377 = arith.addi %iota3A_374, %add3A_376 : vector<16xi32>
      %and3A_378 = arith.constant 127 : i32
      %and3A_379 = vector.broadcast %and3A_378 : i32 to vector<16xi32>
      %and3A_380 = arith.andi %get3A_373, %and3A_379 : vector<16xi32>
      tpu.vector_store_idx %arg18[%add3A_377, %and3A_380], %broadcast_in_dim3A_9 : memref<80x128xf32, #tpu.memory_space<vmem>>[vector<16xi32>, vector<16xi32>], vector<16xf32>,
      %shift_right_logical3A_381 = arith.constant 7 : i32
      %shift_right_logical3A_382 = vector.broadcast %shift_right_logical3A_381 : i32 to vector<16xi32>
      %shift_right_logical3A_383 = arith.shrui %get3A_373, %shift_right_logical3A_382 : vector<16xi32>
      %swap3A_384 = arith.constant 16 : index
      %swap3A_385 = tpu.vector_load %arg12[%swap3A_384] {strides = array<i32>} : memref<80xi32, #tpu.memory_space<vmem>>, vector<16xi32>,
      %swap3A_386 = vector.shape_cast %swap3A_385 : vector<16xi32> to vector<16xi32>
      %swap3A_387 = vector.shape_cast %shift_right_logical3A_383 : vector<16xi32> to vector<16xi32>
      tpu.vector_store %arg12[%swap3A_384], %swap3A_387 {strides = array<i32>} : memref<80xi32, #tpu.memory_space<vmem>>, vector<16xi32>,
      %get3A_388 = arith.constant 32 : index
      %get3A_389 = tpu.vector_load %arg10[%get3A_388] {strides = array<i32>} : memref<80xi32, #tpu.memory_space<vmem>>, vector<16xi32>,
      %get3A_390 = vector.shape_cast %get3A_389 : vector<16xi32> to vector<16xi32>
      %iota3A_391 = tpu.iota {dimensions = array<i32: 0>} : vector<16xi32>
      %add3A_392 = arith.constant 32 : i32
      %add3A_393 = vector.broadcast %add3A_392 : i32 to vector<16xi32>
      %add3A_394 = arith.addi %iota3A_391, %add3A_393 : vector<16xi32>
      %and3A_395 = arith.constant 127 : i32
      %and3A_396 = vector.broadcast %and3A_395 : i32 to vector<16xi32>
      %and3A_397 = arith.andi %get3A_390, %and3A_396 : vector<16xi32>
      tpu.vector_store_idx %arg18[%add3A_394, %and3A_397], %broadcast_in_dim3A_9 : memref<80x128xf32, #tpu.memory_space<vmem>>[vector<16xi32>, vector<16xi32>], vector<16xf32>,
      %shift_right_logical3A_398 = arith.constant 7 : i32
      %shift_right_logical3A_399 = vector.broadcast %shift_right_logical3A_398 : i32 to vector<16xi32>
      %shift_right_logical3A_400 = arith.shrui %get3A_390, %shift_right_logical3A_399 : vector<16xi32>
      %swap3A_401 = arith.constant 32 : index
      %swap3A_402 = tpu.vector_load %arg12[%swap3A_401] {strides = array<i32>} : memref<80xi32, #tpu.memory_space<vmem>>, vector<16xi32>,
      %swap3A_403 = vector.shape_cast %swap3A_402 : vector<16xi32> to vector<16xi32>
      %swap3A_404 = vector.shape_cast %shift_right_logical3A_400 : vector<16xi32> to vector<16xi32>
      tpu.vector_store %arg12[%swap3A_401], %swap3A_404 {strides = array<i32>} : memref<80xi32, #tpu.memory_space<vmem>>, vector<16xi32>,
      %get3A_405 = arith.constant 48 : index
      %get3A_406 = tpu.vector_load %arg10[%get3A_405] {strides = array<i32>} : memref<80xi32, #tpu.memory_space<vmem>>, vector<16xi32>,
      %get3A_407 = vector.shape_cast %get3A_406 : vector<16xi32> to vector<16xi32>
      %iota3A_408 = tpu.iota {dimensions = array<i32: 0>} : vector<16xi32>
      %add3A_409 = arith.constant 48 : i32
      %add3A_410 = vector.broadcast %add3A_409 : i32 to vector<16xi32>
      %add3A_411 = arith.addi %iota3A_408, %add3A_410 : vector<16xi32>
      %and3A_412 = arith.constant 127 : i32
      %and3A_413 = vector.broadcast %and3A_412 : i32 to vector<16xi32>
      %and3A_414 = arith.andi %get3A_407, %and3A_413 : vector<16xi32>
      tpu.vector_store_idx %arg18[%add3A_411, %and3A_414], %broadcast_in_dim3A_9 : memref<80x128xf32, #tpu.memory_space<vmem>>[vector<16xi32>, vector<16xi32>], vector<16xf32>,
      %shift_right_logical3A_415 = arith.constant 7 : i32
      %shift_right_logical3A_416 = vector.broadcast %shift_right_logical3A_415 : i32 to vector<16xi32>
      %shift_right_logical3A_417 = arith.shrui %get3A_407, %shift_right_logical3A_416 : vector<16xi32>
      %swap3A_418 = arith.constant 48 : index
      %swap3A_419 = tpu.vector_load %arg12[%swap3A_418] {strides = array<i32>} : memref<80xi32, #tpu.memory_space<vmem>>, vector<16xi32>,
      %swap3A_420 = vector.shape_cast %swap3A_419 : vector<16xi32> to vector<16xi32>
      %swap3A_421 = vector.shape_cast %shift_right_logical3A_417 : vector<16xi32> to vector<16xi32>
      tpu.vector_store %arg12[%swap3A_418], %swap3A_421 {strides = array<i32>} : memref<80xi32, #tpu.memory_space<vmem>>, vector<16xi32>,
      %get3A_422 = arith.constant 64 : index
      %get3A_423 = tpu.vector_load %arg10[%get3A_422] {strides = array<i32>} : memref<80xi32, #tpu.memory_space<vmem>>, vector<16xi32>,
      %get3A_424 = vector.shape_cast %get3A_423 : vector<16xi32> to vector<16xi32>
      %iota3A_425 = tpu.iota {dimensions = array<i32: 0>} : vector<16xi32>
      %add3A_426 = arith.constant 64 : i32
      %add3A_427 = vector.broadcast %add3A_426 : i32 to vector<16xi32>
      %add3A_428 = arith.addi %iota3A_425, %add3A_427 : vector<16xi32>
      %and3A_429 = arith.constant 127 : i32
      %and3A_430 = vector.broadcast %and3A_429 : i32 to vector<16xi32>
      %and3A_431 = arith.andi %get3A_424, %and3A_430 : vector<16xi32>
      tpu.vector_store_idx %arg18[%add3A_428, %and3A_431], %broadcast_in_dim3A_9 : memref<80x128xf32, #tpu.memory_space<vmem>>[vector<16xi32>, vector<16xi32>], vector<16xf32>,
      %shift_right_logical3A_432 = arith.constant 7 : i32
      %shift_right_logical3A_433 = vector.broadcast %shift_right_logical3A_432 : i32 to vector<16xi32>
      %shift_right_logical3A_434 = arith.shrui %get3A_424, %shift_right_logical3A_433 : vector<16xi32>
      %swap3A_435 = arith.constant 64 : index
      %swap3A_436 = tpu.vector_load %arg12[%swap3A_435] {strides = array<i32>} : memref<80xi32, #tpu.memory_space<vmem>>, vector<16xi32>,
      %swap3A_437 = vector.shape_cast %swap3A_436 : vector<16xi32> to vector<16xi32>
      %swap3A_438 = vector.shape_cast %shift_right_logical3A_434 : vector<16xi32> to vector<16xi32>
      tpu.vector_store %arg12[%swap3A_435], %swap3A_438 {strides = array<i32>} : memref<80xi32, #tpu.memory_space<vmem>>, vector<16xi32>,
      "tpu.region"() ({
        %run_scoped3A = tpu.sem_alloc : memref<!tpu.dma_semaphore, #tpu.memory_space<semaphore_mem>>
        %dma_start3A_489 = arith.constant 0 : i32
        %dma_start3A_490 = arith.constant 0 : i32
        %dma_start3A_491 = tpu.memref_slice %arg8[%dma_start3A_489, %dma_start3A_490] : memref<80x128xf32, #tpu.memory_space<vmem_shared>> -> memref<80x128xf32, #tpu.memory_space<vmem_shared>>
        tpu.enqueue_indirect_dma source(%arg18 : memref<80x128xf32, #tpu.memory_space<vmem>>) target(%dma_start3A_491 : memref<80x128xf32, #tpu.memory_space<vmem_shared>>) offsets(%arg12 : memref<80xi32, #tpu.memory_space<vmem>>) semaphore(%run_scoped3A : memref<!tpu.dma_semaphore, #tpu.memory_space<semaphore_mem>>) {add = true}
        %dma_wait3A_492 = arith.constant 0 : i32
        %dma_wait3A_493 = arith.constant 0 : i32
        %dma_wait3A_494 = tpu.memref_slice %arg8[%dma_wait3A_492, %dma_wait3A_493] : memref<80x128xf32, #tpu.memory_space<vmem_shared>> -> memref<80x128xf32, #tpu.memory_space<vmem_shared>>
        tpu.wait_indirect_dma semaphore(%run_scoped3A : memref<!tpu.dma_semaphore, #tpu.memory_space<semaphore_mem>>) src(%arg18 : memref<80x128xf32, #tpu.memory_space<vmem>>) dst(%dma_wait3A_494 : memref<80x128xf32, #tpu.memory_space<vmem_shared>>)
        tpu.yield
      }) : () -> ()
      %get3A_439 = arith.constant 0 : index
      %get3A_440 = tpu.vector_load %arg10[%get3A_439] {strides = array<i32>} : memref<80xi32, #tpu.memory_space<vmem>>, vector<16xi32>,
      %get3A_441 = vector.shape_cast %get3A_440 : vector<16xi32> to vector<16xi32>
      %iota3A_442 = tpu.iota {dimensions = array<i32: 0>} : vector<16xi32>
      %add3A_443 = arith.constant 0 : i32
      %add3A_444 = vector.broadcast %add3A_443 : i32 to vector<16xi32>
      %add3A_445 = arith.addi %iota3A_442, %add3A_444 : vector<16xi32>
      %and3A_446 = arith.constant 127 : i32
      %and3A_447 = vector.broadcast %and3A_446 : i32 to vector<16xi32>
      %and3A_448 = arith.andi %get3A_441, %and3A_447 : vector<16xi32>
      tpu.vector_store_idx %arg18[%add3A_445, %and3A_448], %broadcast_in_dim3A_11 : memref<80x128xf32, #tpu.memory_space<vmem>>[vector<16xi32>, vector<16xi32>], vector<16xf32>,
      %get3A_449 = arith.constant 16 : index
      %get3A_450 = tpu.vector_load %arg10[%get3A_449] {strides = array<i32>} : memref<80xi32, #tpu.memory_space<vmem>>, vector<16xi32>,
      %get3A_451 = vector.shape_cast %get3A_450 : vector<16xi32> to vector<16xi32>
      %iota3A_452 = tpu.iota {dimensions = array<i32: 0>} : vector<16xi32>
      %add3A_453 = arith.constant 16 : i32
      %add3A_454 = vector.broadcast %add3A_453 : i32 to vector<16xi32>
      %add3A_455 = arith.addi %iota3A_452, %add3A_454 : vector<16xi32>
      %and3A_456 = arith.constant 127 : i32
      %and3A_457 = vector.broadcast %and3A_456 : i32 to vector<16xi32>
      %and3A_458 = arith.andi %get3A_451, %and3A_457 : vector<16xi32>
      tpu.vector_store_idx %arg18[%add3A_455, %and3A_458], %broadcast_in_dim3A_11 : memref<80x128xf32, #tpu.memory_space<vmem>>[vector<16xi32>, vector<16xi32>], vector<16xf32>,
      %get3A_459 = arith.constant 32 : index
      %get3A_460 = tpu.vector_load %arg10[%get3A_459] {strides = array<i32>} : memref<80xi32, #tpu.memory_space<vmem>>, vector<16xi32>,
      %get3A_461 = vector.shape_cast %get3A_460 : vector<16xi32> to vector<16xi32>
      %iota3A_462 = tpu.iota {dimensions = array<i32: 0>} : vector<16xi32>
      %add3A_463 = arith.constant 32 : i32
      %add3A_464 = vector.broadcast %add3A_463 : i32 to vector<16xi32>
      %add3A_465 = arith.addi %iota3A_462, %add3A_464 : vector<16xi32>
      %and3A_466 = arith.constant 127 : i32
      %and3A_467 = vector.broadcast %and3A_466 : i32 to vector<16xi32>
      %and3A_468 = arith.andi %get3A_461, %and3A_467 : vector<16xi32>
      tpu.vector_store_idx %arg18[%add3A_465, %and3A_468], %broadcast_in_dim3A_11 : memref<80x128xf32, #tpu.memory_space<vmem>>[vector<16xi32>, vector<16xi32>], vector<16xf32>,
      %get3A_469 = arith.constant 48 : index
      %get3A_470 = tpu.vector_load %arg10[%get3A_469] {strides = array<i32>} : memref<80xi32, #tpu.memory_space<vmem>>, vector<16xi32>,
      %get3A_471 = vector.shape_cast %get3A_470 : vector<16xi32> to vector<16xi32>
      %iota3A_472 = tpu.iota {dimensions = array<i32: 0>} : vector<16xi32>
      %add3A_473 = arith.constant 48 : i32
      %add3A_474 = vector.broadcast %add3A_473 : i32 to vector<16xi32>
      %add3A_475 = arith.addi %iota3A_472, %add3A_474 : vector<16xi32>
      %and3A_476 = arith.constant 127 : i32
      %and3A_477 = vector.broadcast %and3A_476 : i32 to vector<16xi32>
      %and3A_478 = arith.andi %get3A_471, %and3A_477 : vector<16xi32>
      tpu.vector_store_idx %arg18[%add3A_475, %and3A_478], %broadcast_in_dim3A_11 : memref<80x128xf32, #tpu.memory_space<vmem>>[vector<16xi32>, vector<16xi32>], vector<16xf32>,
      %get3A_479 = arith.constant 64 : index
      %get3A_480 = tpu.vector_load %arg10[%get3A_479] {strides = array<i32>} : memref<80xi32, #tpu.memory_space<vmem>>, vector<16xi32>,
      %get3A_481 = vector.shape_cast %get3A_480 : vector<16xi32> to vector<16xi32>
      %iota3A_482 = tpu.iota {dimensions = array<i32: 0>} : vector<16xi32>
      %add3A_483 = arith.constant 64 : i32
      %add3A_484 = vector.broadcast %add3A_483 : i32 to vector<16xi32>
      %add3A_485 = arith.addi %iota3A_482, %add3A_484 : vector<16xi32>
      %and3A_486 = arith.constant 127 : i32
      %and3A_487 = vector.broadcast %and3A_486 : i32 to vector<16xi32>
      %and3A_488 = arith.andi %get3A_481, %and3A_487 : vector<16xi32>
      tpu.vector_store_idx %arg18[%add3A_485, %and3A_488], %broadcast_in_dim3A_11 : memref<80x128xf32, #tpu.memory_space<vmem>>[vector<16xi32>, vector<16xi32>], vector<16xf32>,
    }
    %scan3A_22 = arith.constant 62 : i32
    %add3A_23 = arith.constant 9920 : i32
    %add3A_24 = arith.addi %add3A, %add3A_23 : i32
    %dma_wait3A = tpu.memref_slice %arg3[%add3A_24] : memref<320000xi32, #tpu.memory_space<hbm>> -> memref<80xi32, #tpu.memory_space<hbm>>
    %dma_wait3A_25 = tpu.memref_slice %arg3[%add3A_24] : memref<320000xi32, #tpu.memory_space<hbm>> -> memref<80xi32, #tpu.memory_space<hbm>>
    tpu.wait_dma2 semaphore(%arg19 : memref<!tpu.dma_semaphore, #tpu.memory_space<semaphore_mem>>) src(%dma_wait3A_25 : memref<80xi32, #tpu.memory_space<hbm>>) dst(%arg9 : memref<80xi32, #tpu.memory_space<vmem>>)
    %dma_wait3A_26 = arith.constant 0 : i32
    %dma_wait3A_27 = tpu.memref_slice %arg2[%add3A_24, %dma_wait3A_26] : memref<320000x128xf32, #tpu.memory_space<hbm>> -> memref<80x128xf32, #tpu.memory_space<hbm>>
    %dma_wait3A_28 = arith.constant 0 : i32
    %dma_wait3A_29 = tpu.memref_slice %arg2[%add3A_24, %dma_wait3A_28] : memref<320000x128xf32, #tpu.memory_space<hbm>> -> memref<80x128xf32, #tpu.memory_space<hbm>>
    tpu.wait_dma2 semaphore(%arg19 : memref<!tpu.dma_semaphore, #tpu.memory_space<semaphore_mem>>) src(%dma_wait3A_29 : memref<80x128xf32, #tpu.memory_space<hbm>>) dst(%arg15 : memref<80x128xf32, #tpu.memory_space<vmem>>)
    "tpu.region"() ({
      %run_scoped3A = tpu.sem_alloc : memref<!tpu.dma_semaphore, #tpu.memory_space<semaphore_mem>>
      %dma_start3A_170 = arith.constant 0 : i32
      %dma_start3A_171 = arith.constant 0 : i32
      %dma_start3A_172 = tpu.memref_slice %arg7[%dma_start3A_170, %dma_start3A_171] : memref<10000x128xf32, #tpu.memory_space<vmem_shared>> -> memref<10000x128xf32, #tpu.memory_space<vmem_shared>>
      tpu.enqueue_indirect_dma source(%arg15 : memref<80x128xf32, #tpu.memory_space<vmem>>) target(%dma_start3A_172 : memref<10000x128xf32, #tpu.memory_space<vmem_shared>>) offsets(%arg9 : memref<80xi32, #tpu.memory_space<vmem>>) semaphore(%run_scoped3A : memref<!tpu.dma_semaphore, #tpu.memory_space<semaphore_mem>>) {add = true}
      %dma_wait3A_173 = arith.constant 0 : i32
      %dma_wait3A_174 = arith.constant 0 : i32
      %dma_wait3A_175 = tpu.memref_slice %arg7[%dma_wait3A_173, %dma_wait3A_174] : memref<10000x128xf32, #tpu.memory_space<vmem_shared>> -> memref<10000x128xf32, #tpu.memory_space<vmem_shared>>
      tpu.wait_indirect_dma semaphore(%run_scoped3A : memref<!tpu.dma_semaphore, #tpu.memory_space<semaphore_mem>>) src(%arg15 : memref<80x128xf32, #tpu.memory_space<vmem>>) dst(%dma_wait3A_175 : memref<10000x128xf32, #tpu.memory_space<vmem_shared>>)
      tpu.yield
    }) : () -> ()
    %get3A = arith.constant 0 : index
    %get3A_30 = tpu.vector_load %arg9[%get3A] {strides = array<i32>} : memref<80xi32, #tpu.memory_space<vmem>>, vector<16xi32>,
    %get3A_31 = vector.shape_cast %get3A_30 : vector<16xi32> to vector<16xi32>
    %iota3A = tpu.iota {dimensions = array<i32: 0>} : vector<16xi32>
    %add3A_32 = arith.constant 0 : i32
    %add3A_33 = vector.broadcast %add3A_32 : i32 to vector<16xi32>
    %add3A_34 = arith.addi %iota3A, %add3A_33 : vector<16xi32>
    %and3A = arith.constant 127 : i32
    %and3A_35 = vector.broadcast %and3A : i32 to vector<16xi32>
    %and3A_36 = arith.andi %get3A_31, %and3A_35 : vector<16xi32>
    tpu.vector_store_idx %arg17[%add3A_34, %and3A_36], %broadcast_in_dim3A_9 : memref<80x128xf32, #tpu.memory_space<vmem>>[vector<16xi32>, vector<16xi32>], vector<16xf32>,
    %shift_right_logical3A = arith.constant 7 : i32
    %shift_right_logical3A_37 = vector.broadcast %shift_right_logical3A : i32 to vector<16xi32>
    %shift_right_logical3A_38 = arith.shrui %get3A_31, %shift_right_logical3A_37 : vector<16xi32>
    %swap3A = arith.constant 0 : index
    %swap3A_39 = tpu.vector_load %arg11[%swap3A] {strides = array<i32>} : memref<80xi32, #tpu.memory_space<vmem>>, vector<16xi32>,
    %swap3A_40 = vector.shape_cast %swap3A_39 : vector<16xi32> to vector<16xi32>
    %swap3A_41 = vector.shape_cast %shift_right_logical3A_38 : vector<16xi32> to vector<16xi32>
    tpu.vector_store %arg11[%swap3A], %swap3A_41 {strides = array<i32>} : memref<80xi32, #tpu.memory_space<vmem>>, vector<16xi32>,
    %get3A_42 = arith.constant 16 : index
    %get3A_43 = tpu.vector_load %arg9[%get3A_42] {strides = array<i32>} : memref<80xi32, #tpu.memory_space<vmem>>, vector<16xi32>,
    %get3A_44 = vector.shape_cast %get3A_43 : vector<16xi32> to vector<16xi32>
    %iota3A_45 = tpu.iota {dimensions = array<i32: 0>} : vector<16xi32>
    %add3A_46 = arith.constant 16 : i32
    %add3A_47 = vector.broadcast %add3A_46 : i32 to vector<16xi32>
    %add3A_48 = arith.addi %iota3A_45, %add3A_47 : vector<16xi32>
    %and3A_49 = arith.constant 127 : i32
    %and3A_50 = vector.broadcast %and3A_49 : i32 to vector<16xi32>
    %and3A_51 = arith.andi %get3A_44, %and3A_50 : vector<16xi32>
    tpu.vector_store_idx %arg17[%add3A_48, %and3A_51], %broadcast_in_dim3A_9 : memref<80x128xf32, #tpu.memory_space<vmem>>[vector<16xi32>, vector<16xi32>], vector<16xf32>,
    %shift_right_logical3A_52 = arith.constant 7 : i32
    %shift_right_logical3A_53 = vector.broadcast %shift_right_logical3A_52 : i32 to vector<16xi32>
    %shift_right_logical3A_54 = arith.shrui %get3A_44, %shift_right_logical3A_53 : vector<16xi32>
    %swap3A_55 = arith.constant 16 : index
    %swap3A_56 = tpu.vector_load %arg11[%swap3A_55] {strides = array<i32>} : memref<80xi32, #tpu.memory_space<vmem>>, vector<16xi32>,
    %swap3A_57 = vector.shape_cast %swap3A_56 : vector<16xi32> to vector<16xi32>
    %swap3A_58 = vector.shape_cast %shift_right_logical3A_54 : vector<16xi32> to vector<16xi32>
    tpu.vector_store %arg11[%swap3A_55], %swap3A_58 {strides = array<i32>} : memref<80xi32, #tpu.memory_space<vmem>>, vector<16xi32>,
    %get3A_59 = arith.constant 32 : index
    %get3A_60 = tpu.vector_load %arg9[%get3A_59] {strides = array<i32>} : memref<80xi32, #tpu.memory_space<vmem>>, vector<16xi32>,
    %get3A_61 = vector.shape_cast %get3A_60 : vector<16xi32> to vector<16xi32>
    %iota3A_62 = tpu.iota {dimensions = array<i32: 0>} : vector<16xi32>
    %add3A_63 = arith.constant 32 : i32
    %add3A_64 = vector.broadcast %add3A_63 : i32 to vector<16xi32>
    %add3A_65 = arith.addi %iota3A_62, %add3A_64 : vector<16xi32>
    %and3A_66 = arith.constant 127 : i32
    %and3A_67 = vector.broadcast %and3A_66 : i32 to vector<16xi32>
    %and3A_68 = arith.andi %get3A_61, %and3A_67 : vector<16xi32>
    tpu.vector_store_idx %arg17[%add3A_65, %and3A_68], %broadcast_in_dim3A_9 : memref<80x128xf32, #tpu.memory_space<vmem>>[vector<16xi32>, vector<16xi32>], vector<16xf32>,
    %shift_right_logical3A_69 = arith.constant 7 : i32
    %shift_right_logical3A_70 = vector.broadcast %shift_right_logical3A_69 : i32 to vector<16xi32>
    %shift_right_logical3A_71 = arith.shrui %get3A_61, %shift_right_logical3A_70 : vector<16xi32>
    %swap3A_72 = arith.constant 32 : index
    %swap3A_73 = tpu.vector_load %arg11[%swap3A_72] {strides = array<i32>} : memref<80xi32, #tpu.memory_space<vmem>>, vector<16xi32>,
    %swap3A_74 = vector.shape_cast %swap3A_73 : vector<16xi32> to vector<16xi32>
    %swap3A_75 = vector.shape_cast %shift_right_logical3A_71 : vector<16xi32> to vector<16xi32>
    tpu.vector_store %arg11[%swap3A_72], %swap3A_75 {strides = array<i32>} : memref<80xi32, #tpu.memory_space<vmem>>, vector<16xi32>,
    %get3A_76 = arith.constant 48 : index
    %get3A_77 = tpu.vector_load %arg9[%get3A_76] {strides = array<i32>} : memref<80xi32, #tpu.memory_space<vmem>>, vector<16xi32>,
    %get3A_78 = vector.shape_cast %get3A_77 : vector<16xi32> to vector<16xi32>
    %iota3A_79 = tpu.iota {dimensions = array<i32: 0>} : vector<16xi32>
    %add3A_80 = arith.constant 48 : i32
    %add3A_81 = vector.broadcast %add3A_80 : i32 to vector<16xi32>
    %add3A_82 = arith.addi %iota3A_79, %add3A_81 : vector<16xi32>
    %and3A_83 = arith.constant 127 : i32
    %and3A_84 = vector.broadcast %and3A_83 : i32 to vector<16xi32>
    %and3A_85 = arith.andi %get3A_78, %and3A_84 : vector<16xi32>
    tpu.vector_store_idx %arg17[%add3A_82, %and3A_85], %broadcast_in_dim3A_9 : memref<80x128xf32, #tpu.memory_space<vmem>>[vector<16xi32>, vector<16xi32>], vector<16xf32>,
    %shift_right_logical3A_86 = arith.constant 7 : i32
    %shift_right_logical3A_87 = vector.broadcast %shift_right_logical3A_86 : i32 to vector<16xi32>
    %shift_right_logical3A_88 = arith.shrui %get3A_78, %shift_right_logical3A_87 : vector<16xi32>
    %swap3A_89 = arith.constant 48 : index
    %swap3A_90 = tpu.vector_load %arg11[%swap3A_89] {strides = array<i32>} : memref<80xi32, #tpu.memory_space<vmem>>, vector<16xi32>,
    %swap3A_91 = vector.shape_cast %swap3A_90 : vector<16xi32> to vector<16xi32>
    %swap3A_92 = vector.shape_cast %shift_right_logical3A_88 : vector<16xi32> to vector<16xi32>
    tpu.vector_store %arg11[%swap3A_89], %swap3A_92 {strides = array<i32>} : memref<80xi32, #tpu.memory_space<vmem>>, vector<16xi32>,
    %get3A_93 = arith.constant 64 : index
    %get3A_94 = tpu.vector_load %arg9[%get3A_93] {strides = array<i32>} : memref<80xi32, #tpu.memory_space<vmem>>, vector<16xi32>,
    %get3A_95 = vector.shape_cast %get3A_94 : vector<16xi32> to vector<16xi32>
    %iota3A_96 = tpu.iota {dimensions = array<i32: 0>} : vector<16xi32>
    %add3A_97 = arith.constant 64 : i32
    %add3A_98 = vector.broadcast %add3A_97 : i32 to vector<16xi32>
    %add3A_99 = arith.addi %iota3A_96, %add3A_98 : vector<16xi32>
    %and3A_100 = arith.constant 127 : i32
    %and3A_101 = vector.broadcast %and3A_100 : i32 to vector<16xi32>
    %and3A_102 = arith.andi %get3A_95, %and3A_101 : vector<16xi32>
    tpu.vector_store_idx %arg17[%add3A_99, %and3A_102], %broadcast_in_dim3A_9 : memref<80x128xf32, #tpu.memory_space<vmem>>[vector<16xi32>, vector<16xi32>], vector<16xf32>,
    %shift_right_logical3A_103 = arith.constant 7 : i32
    %shift_right_logical3A_104 = vector.broadcast %shift_right_logical3A_103 : i32 to vector<16xi32>
    %shift_right_logical3A_105 = arith.shrui %get3A_95, %shift_right_logical3A_104 : vector<16xi32>
    %swap3A_106 = arith.constant 64 : index
    %swap3A_107 = tpu.vector_load %arg11[%swap3A_106] {strides = array<i32>} : memref<80xi32, #tpu.memory_space<vmem>>, vector<16xi32>,
    %swap3A_108 = vector.shape_cast %swap3A_107 : vector<16xi32> to vector<16xi32>
    %swap3A_109 = vector.shape_cast %shift_right_logical3A_105 : vector<16xi32> to vector<16xi32>
    tpu.vector_store %arg11[%swap3A_106], %swap3A_109 {strides = array<i32>} : memref<80xi32, #tpu.memory_space<vmem>>, vector<16xi32>,
    "tpu.region"() ({
      %run_scoped3A = tpu.sem_alloc : memref<!tpu.dma_semaphore, #tpu.memory_space<semaphore_mem>>
      %dma_start3A_170 = arith.constant 0 : i32
      %dma_start3A_171 = arith.constant 0 : i32
      %dma_start3A_172 = tpu.memref_slice %arg8[%dma_start3A_170, %dma_start3A_171] : memref<80x128xf32, #tpu.memory_space<vmem_shared>> -> memref<80x128xf32, #tpu.memory_space<vmem_shared>>
      tpu.enqueue_indirect_dma source(%arg17 : memref<80x128xf32, #tpu.memory_space<vmem>>) target(%dma_start3A_172 : memref<80x128xf32, #tpu.memory_space<vmem_shared>>) offsets(%arg11 : memref<80xi32, #tpu.memory_space<vmem>>) semaphore(%run_scoped3A : memref<!tpu.dma_semaphore, #tpu.memory_space<semaphore_mem>>) {add = true}
      %dma_wait3A_173 = arith.constant 0 : i32
      %dma_wait3A_174 = arith.constant 0 : i32
      %dma_wait3A_175 = tpu.memref_slice %arg8[%dma_wait3A_173, %dma_wait3A_174] : memref<80x128xf32, #tpu.memory_space<vmem_shared>> -> memref<80x128xf32, #tpu.memory_space<vmem_shared>>
      tpu.wait_indirect_dma semaphore(%run_scoped3A : memref<!tpu.dma_semaphore, #tpu.memory_space<semaphore_mem>>) src(%arg17 : memref<80x128xf32, #tpu.memory_space<vmem>>) dst(%dma_wait3A_175 : memref<80x128xf32, #tpu.memory_space<vmem_shared>>)
      tpu.yield
    }) : () -> ()
    %get3A_110 = arith.constant 0 : index
    %get3A_111 = tpu.vector_load %arg9[%get3A_110] {strides = array<i32>} : memref<80xi32, #tpu.memory_space<vmem>>, vector<16xi32>,
    %get3A_112 = vector.shape_cast %get3A_111 : vector<16xi32> to vector<16xi32>
    %iota3A_113 = tpu.iota {dimensions = array<i32: 0>} : vector<16xi32>
    %add3A_114 = arith.constant 0 : i32
    %add3A_115 = vector.broadcast %add3A_114 : i32 to vector<16xi32>
    %add3A_116 = arith.addi %iota3A_113, %add3A_115 : vector<16xi32>
    %and3A_117 = arith.constant 127 : i32
    %and3A_118 = vector.broadcast %and3A_117 : i32 to vector<16xi32>
    %and3A_119 = arith.andi %get3A_112, %and3A_118 : vector<16xi32>
    tpu.vector_store_idx %arg17[%add3A_116, %and3A_119], %broadcast_in_dim3A_11 : memref<80x128xf32, #tpu.memory_space<vmem>>[vector<16xi32>, vector<16xi32>], vector<16xf32>,
    %get3A_120 = arith.constant 16 : index
    %get3A_121 = tpu.vector_load %arg9[%get3A_120] {strides = array<i32>} : memref<80xi32, #tpu.memory_space<vmem>>, vector<16xi32>,
    %get3A_122 = vector.shape_cast %get3A_121 : vector<16xi32> to vector<16xi32>
    %iota3A_123 = tpu.iota {dimensions = array<i32: 0>} : vector<16xi32>
    %add3A_124 = arith.constant 16 : i32
    %add3A_125 = vector.broadcast %add3A_124 : i32 to vector<16xi32>
    %add3A_126 = arith.addi %iota3A_123, %add3A_125 : vector<16xi32>
    %and3A_127 = arith.constant 127 : i32
    %and3A_128 = vector.broadcast %and3A_127 : i32 to vector<16xi32>
    %and3A_129 = arith.andi %get3A_122, %and3A_128 : vector<16xi32>
    tpu.vector_store_idx %arg17[%add3A_126, %and3A_129], %broadcast_in_dim3A_11 : memref<80x128xf32, #tpu.memory_space<vmem>>[vector<16xi32>, vector<16xi32>], vector<16xf32>,
    %get3A_130 = arith.constant 32 : index
    %get3A_131 = tpu.vector_load %arg9[%get3A_130] {strides = array<i32>} : memref<80xi32, #tpu.memory_space<vmem>>, vector<16xi32>,
    %get3A_132 = vector.shape_cast %get3A_131 : vector<16xi32> to vector<16xi32>
    %iota3A_133 = tpu.iota {dimensions = array<i32: 0>} : vector<16xi32>
    %add3A_134 = arith.constant 32 : i32
    %add3A_135 = vector.broadcast %add3A_134 : i32 to vector<16xi32>
    %add3A_136 = arith.addi %iota3A_133, %add3A_135 : vector<16xi32>
    %and3A_137 = arith.constant 127 : i32
    %and3A_138 = vector.broadcast %and3A_137 : i32 to vector<16xi32>
    %and3A_139 = arith.andi %get3A_132, %and3A_138 : vector<16xi32>
    tpu.vector_store_idx %arg17[%add3A_136, %and3A_139], %broadcast_in_dim3A_11 : memref<80x128xf32, #tpu.memory_space<vmem>>[vector<16xi32>, vector<16xi32>], vector<16xf32>,
    %get3A_140 = arith.constant 48 : index
    %get3A_141 = tpu.vector_load %arg9[%get3A_140] {strides = array<i32>} : memref<80xi32, #tpu.memory_space<vmem>>, vector<16xi32>,
    %get3A_142 = vector.shape_cast %get3A_141 : vector<16xi32> to vector<16xi32>
    %iota3A_143 = tpu.iota {dimensions = array<i32: 0>} : vector<16xi32>
    %add3A_144 = arith.constant 48 : i32
    %add3A_145 = vector.broadcast %add3A_144 : i32 to vector<16xi32>
    %add3A_146 = arith.addi %iota3A_143, %add3A_145 : vector<16xi32>
    %and3A_147 = arith.constant 127 : i32
    %and3A_148 = vector.broadcast %and3A_147 : i32 to vector<16xi32>
    %and3A_149 = arith.andi %get3A_142, %and3A_148 : vector<16xi32>
    tpu.vector_store_idx %arg17[%add3A_146, %and3A_149], %broadcast_in_dim3A_11 : memref<80x128xf32, #tpu.memory_space<vmem>>[vector<16xi32>, vector<16xi32>], vector<16xf32>,
    %get3A_150 = arith.constant 64 : index
    %get3A_151 = tpu.vector_load %arg9[%get3A_150] {strides = array<i32>} : memref<80xi32, #tpu.memory_space<vmem>>, vector<16xi32>,
    %get3A_152 = vector.shape_cast %get3A_151 : vector<16xi32> to vector<16xi32>
    %iota3A_153 = tpu.iota {dimensions = array<i32: 0>} : vector<16xi32>
    %add3A_154 = arith.constant 64 : i32
    %add3A_155 = vector.broadcast %add3A_154 : i32 to vector<16xi32>
    %add3A_156 = arith.addi %iota3A_153, %add3A_155 : vector<16xi32>
    %and3A_157 = arith.constant 127 : i32
    %and3A_158 = vector.broadcast %and3A_157 : i32 to vector<16xi32>
    %and3A_159 = arith.andi %get3A_152, %and3A_158 : vector<16xi32>
    tpu.vector_store_idx %arg17[%add3A_156, %and3A_159], %broadcast_in_dim3A_11 : memref<80x128xf32, #tpu.memory_space<vmem>>[vector<16xi32>, vector<16xi32>], vector<16xf32>,
    %barrier3A_160 = arith.constant 0 : index
    tpu.barrier barrier_id(%barrier3A_160)
    %mul3A_161 = arith.constant 624 : i32
    %mul3A_162 = arith.muli %arg1, %mul3A_161 : i32
    %mul3A_163 = arith.constant 624 : i32
    %mul3A_164 = arith.muli %arg1, %mul3A_163 : i32
    "tpu.region"() ({
      %run_scoped3A = tpu.sem_alloc : memref<!tpu.dma_semaphore, #tpu.memory_space<semaphore_mem>>
      %dma_start3A_170 = arith.constant 0 : i32
      %dma_start3A_171 = tpu.memref_slice %arg5[%arg0, %mul3A_164, %dma_start3A_170] : memref<2x10000x128xf32, #tpu.memory_space<hbm>> -> memref<1x624x128xf32, #tpu.memory_space<hbm>>
      %dma_start3A_172 = tpu.memref_squeeze %dma_start3A_171 : memref<1x624x128xf32, #tpu.memory_space<hbm>> -> memref<624x128xf32, #tpu.memory_space<hbm>>
      %dma_start3A_173 = arith.constant 0 : i32
      %dma_start3A_174 = tpu.memref_slice %arg7[%mul3A_162, %dma_start3A_173] : memref<10000x128xf32, #tpu.memory_space<vmem_shared>> -> memref<624x128xf32, #tpu.memory_space<vmem_shared>>
      tpu.enqueue_dma source(%dma_start3A_174 : memref<624x128xf32, #tpu.memory_space<vmem_shared>>) target(%dma_start3A_172 : memref<624x128xf32, #tpu.memory_space<hbm>>) target_semaphore(%run_scoped3A : memref<!tpu.dma_semaphore, #tpu.memory_space<semaphore_mem>>)
      %dma_wait3A_175 = arith.constant 0 : i32
      %dma_wait3A_176 = tpu.memref_slice %arg5[%arg0, %mul3A_164, %dma_wait3A_175] : memref<2x10000x128xf32, #tpu.memory_space<hbm>> -> memref<1x624x128xf32, #tpu.memory_space<hbm>>
      %dma_wait3A_177 = tpu.memref_squeeze %dma_wait3A_176 : memref<1x624x128xf32, #tpu.memory_space<hbm>> -> memref<624x128xf32, #tpu.memory_space<hbm>>
      %dma_wait3A_178 = arith.constant 0 : i32
      %dma_wait3A_179 = tpu.memref_slice %arg7[%mul3A_162, %dma_wait3A_178] : memref<10000x128xf32, #tpu.memory_space<vmem_shared>> -> memref<624x128xf32, #tpu.memory_space<vmem_shared>>
      tpu.wait_dma2 semaphore(%run_scoped3A : memref<!tpu.dma_semaphore, #tpu.memory_space<semaphore_mem>>) src(%dma_wait3A_179 : memref<624x128xf32, #tpu.memory_space<vmem_shared>>) dst(%dma_wait3A_177 : memref<624x128xf32, #tpu.memory_space<hbm>>)
      tpu.yield
    }) : () -> ()
    %eq3A_165 = arith.constant 0 : i32
    %eq3A_166 = arith.cmpi eq, %arg1, %eq3A_165 : i32
    %convert_element_type3A_167 = arith.extui %eq3A_166 : i1 to i32
    %cond3A_168 = arith.constant 0 : i32
    %cond3A_169 = arith.cmpi ne, %convert_element_type3A_167, %cond3A_168 : i32
    scf.if %cond3A_169 {
      "tpu.region"() ({
        %run_scoped3A = tpu.sem_alloc : memref<!tpu.dma_semaphore, #tpu.memory_space<semaphore_mem>>
        %dma_start3A_170 = arith.constant 9984 : i32
        %dma_start3A_171 = arith.constant 0 : i32
        %dma_start3A_172 = tpu.memref_slice %arg5[%arg0, %dma_start3A_170, %dma_start3A_171] : memref<2x10000x128xf32, #tpu.memory_space<hbm>> -> memref<1x16x128xf32, #tpu.memory_space<hbm>>
        %dma_start3A_173 = tpu.memref_squeeze %dma_start3A_172 : memref<1x16x128xf32, #tpu.memory_space<hbm>> -> memref<16x128xf32, #tpu.memory_space<hbm>>
        %dma_start3A_174 = arith.constant 9984 : i32
        %dma_start3A_175 = arith.constant 0 : i32
        %dma_start3A_176 = tpu.memref_slice %arg7[%dma_start3A_174, %dma_start3A_175] : memref<10000x128xf32, #tpu.memory_space<vmem_shared>> -> memref<16x128xf32, #tpu.memory_space<vmem_shared>>
        tpu.enqueue_dma source(%dma_start3A_176 : memref<16x128xf32, #tpu.memory_space<vmem_shared>>) target(%dma_start3A_173 : memref<16x128xf32, #tpu.memory_space<hbm>>) target_semaphore(%run_scoped3A : memref<!tpu.dma_semaphore, #tpu.memory_space<semaphore_mem>>)
        %dma_wait3A_177 = arith.constant 9984 : i32
        %dma_wait3A_178 = arith.constant 0 : i32
        %dma_wait3A_179 = tpu.memref_slice %arg5[%arg0, %dma_wait3A_177, %dma_wait3A_178] : memref<2x10000x128xf32, #tpu.memory_space<hbm>> -> memref<1x16x128xf32, #tpu.memory_space<hbm>>
        %dma_wait3A_180 = tpu.memref_squeeze %dma_wait3A_179 : memref<1x16x128xf32, #tpu.memory_space<hbm>> -> memref<16x128xf32, #tpu.memory_space<hbm>>
        %dma_wait3A_181 = arith.constant 9984 : i32
        %dma_wait3A_182 = arith.constant 0 : i32
        %dma_wait3A_183 = tpu.memref_slice %arg7[%dma_wait3A_181, %dma_wait3A_182] : memref<10000x128xf32, #tpu.memory_space<vmem_shared>> -> memref<16x128xf32, #tpu.memory_space<vmem_shared>>
        tpu.wait_dma2 semaphore(%run_scoped3A : memref<!tpu.dma_semaphore, #tpu.memory_space<semaphore_mem>>) src(%dma_wait3A_183 : memref<16x128xf32, #tpu.memory_space<vmem_shared>>) dst(%dma_wait3A_180 : memref<16x128xf32, #tpu.memory_space<hbm>>)
        tpu.yield
      }) : () -> ()
      "tpu.region"() ({
        %run_scoped3A = tpu.sem_alloc : memref<!tpu.dma_semaphore, #tpu.memory_space<semaphore_mem>>
        %dma_start3A_170 = arith.constant 0 : i32
        %dma_start3A_171 = arith.constant 0 : i32
        %dma_start3A_172 = tpu.memref_slice %arg6[%arg0, %dma_start3A_170, %dma_start3A_171] : memref<2x80x128xf32, #tpu.memory_space<hbm>> -> memref<1x80x128xf32, #tpu.memory_space<hbm>>
        %dma_start3A_173 = tpu.memref_squeeze %dma_start3A_172 : memref<1x80x128xf32, #tpu.memory_space<hbm>> -> memref<80x128xf32, #tpu.memory_space<hbm>>
        tpu.enqueue_dma source(%arg8 : memref<80x128xf32, #tpu.memory_space<vmem_shared>>) target(%dma_start3A_173 : memref<80x128xf32, #tpu.memory_space<hbm>>) target_semaphore(%run_scoped3A : memref<!tpu.dma_semaphore, #tpu.memory_space<semaphore_mem>>)
        %dma_wait3A_174 = arith.constant 0 : i32
        %dma_wait3A_175 = arith.constant 0 : i32
        %dma_wait3A_176 = tpu.memref_slice %arg6[%arg0, %dma_wait3A_174, %dma_wait3A_175] : memref<2x80x128xf32, #tpu.memory_space<hbm>> -> memref<1x80x128xf32, #tpu.memory_space<hbm>>
        %dma_wait3A_177 = tpu.memref_squeeze %dma_wait3A_176 : memref<1x80x128xf32, #tpu.memory_space<hbm>> -> memref<80x128xf32, #tpu.memory_space<hbm>>
        tpu.wait_dma2 semaphore(%run_scoped3A : memref<!tpu.dma_semaphore, #tpu.memory_space<semaphore_mem>>) src(%arg8 : memref<80x128xf32, #tpu.memory_space<vmem_shared>>) dst(%dma_wait3A_177 : memref<80x128xf32, #tpu.memory_space<hbm>>)
        tpu.yield
      }) : () -> ()
    } else {
    }
    return
  }
}

module attributes {stable_mosaic.version = 14 : i64} {
  func.func @_prep_body(%arg0: memref<10000x128xf32, #tpu.memory_space<vmem>>, %arg1: memref<500x9xf32, #tpu.memory_space<vmem>>, %arg2: memref<128x128xf32, #tpu.memory_space<vmem>>, %arg3: memref<128x128xf32, #tpu.memory_space<vmem>>, %arg4: memref<9x128xf32, #tpu.memory_space<vmem>>, %arg5: memref<1x128xf32, #tpu.memory_space<vmem>>, %arg6: memref<10000x128xf32, #tpu.memory_space<vmem>>, %arg7: memref<10000x128xf32, #tpu.memory_space<vmem>>, %arg8: memref<16000x128xf32, #tpu.memory_space<vmem>>) attributes {dimension_semantics = [], scalar_prefetch = 0 : i64, scratch_operands = 0 : i64, tpu.core_type = #tpu.core_type<tc>} {
    %get3A = arith.constant 0 : index
    %get3A_0 = arith.constant 0 : index
    %get3A_1 = vector.load %arg0[%get3A, %get3A_0] : memref<10000x128xf32, #tpu.memory_space<vmem>>, vector<10000x128xf32>
    %get3A_2 = arith.constant 0 : index
    %get3A_3 = arith.constant 0 : index
    %get3A_4 = vector.load %arg2[%get3A_2, %get3A_3] : memref<128x128xf32, #tpu.memory_space<vmem>>, vector<128x128xf32>
    %dot_general3A = arith.constant dense<0.000000e+00> : vector<10000x128xf32>
    %dot_general3A_5 = tpu.matmul %get3A_1, %get3A_4, %dot_general3A {dimension_numbers = #tpu.dot_dimension_numbers<[1], [0], [0], [1], [0, 0, 1, 1], [], []>, transpose_lhs_hint = false} : vector<10000x128xf32>, vector<128x128xf32>, vector<10000x128xf32> -> vector<10000x128xf32>
    %swap3A = arith.constant 0 : index
    %swap3A_6 = arith.constant 0 : index
    %swap3A_7 = vector.load %arg6[%swap3A, %swap3A_6] : memref<10000x128xf32, #tpu.memory_space<vmem>>, vector<10000x128xf32>
    tpu.vector_store %arg6[%swap3A, %swap3A_6], %dot_general3A_5 {strides = array<i32>} : memref<10000x128xf32, #tpu.memory_space<vmem>>, vector<10000x128xf32>,
    %get3A_8 = arith.constant 0 : index
    %get3A_9 = arith.constant 0 : index
    %get3A_10 = vector.load %arg3[%get3A_8, %get3A_9] : memref<128x128xf32, #tpu.memory_space<vmem>>, vector<128x128xf32>
    %dot_general3A_11 = arith.constant dense<0.000000e+00> : vector<10000x128xf32>
    %dot_general3A_12 = tpu.matmul %get3A_1, %get3A_10, %dot_general3A_11 {dimension_numbers = #tpu.dot_dimension_numbers<[1], [0], [0], [1], [0, 0, 1, 1], [], []>, transpose_lhs_hint = false} : vector<10000x128xf32>, vector<128x128xf32>, vector<10000x128xf32> -> vector<10000x128xf32>
    %swap3A_13 = arith.constant 0 : index
    %swap3A_14 = arith.constant 0 : index
    %swap3A_15 = vector.load %arg7[%swap3A_13, %swap3A_14] : memref<10000x128xf32, #tpu.memory_space<vmem>>, vector<10000x128xf32>
    tpu.vector_store %arg7[%swap3A_13, %swap3A_14], %dot_general3A_12 {strides = array<i32>} : memref<10000x128xf32, #tpu.memory_space<vmem>>, vector<10000x128xf32>,
    %get3A_16 = arith.constant 0 : index
    %get3A_17 = arith.constant 0 : index
    %get3A_18 = vector.load %arg1[%get3A_16, %get3A_17] : memref<500x9xf32, #tpu.memory_space<vmem>>, vector<500x9xf32>
    %get3A_19 = arith.constant 0 : index
    %get3A_20 = arith.constant 0 : index
    %get3A_21 = vector.load %arg5[%get3A_19, %get3A_20] : memref<1x128xf32, #tpu.memory_space<vmem>>, vector<1x128xf32>
    %slice3A = vector.extract_strided_slice %get3A_18 {offsets = [0, 0], sizes = [500, 3], strides = [1, 1]} : vector<500x9xf32> to vector<500x3xf32>
    %slice3A_22 = vector.extract_strided_slice %get3A_18 {offsets = [0, 0], sizes = [500, 3], strides = [1, 1]} : vector<500x9xf32> to vector<500x3xf32>
    %mul3A = arith.mulf %slice3A, %slice3A_22 : vector<500x3xf32>
    %reduce_sum3A = arith.constant dense<0.000000e+00> : vector<500xf32>
    %reduce_sum3A_23 = vector.multi_reduction <add>, %mul3A, %reduce_sum3A [1] : vector<500x3xf32> to vector<500xf32>
    %broadcast_in_dim3A = vector.shape_cast %reduce_sum3A_23 : vector<500xf32> to vector<500x1xf32>
    %get3A_24 = arith.constant 0 : index
    %get3A_25 = arith.constant 0 : index
    %get3A_26 = vector.load %arg4[%get3A_24, %get3A_25] : memref<9x128xf32, #tpu.memory_space<vmem>>, vector<1x128xf32>
    %mul3A_27 = vector.broadcast %broadcast_in_dim3A : vector<500x1xf32> to vector<500x128xf32>
    %mul3A_28 = vector.broadcast %get3A_26 : vector<1x128xf32> to vector<500x128xf32>
    %mul3A_29 = arith.mulf %mul3A_27, %mul3A_28 : vector<500x128xf32>
    %add3A = vector.broadcast %get3A_21 : vector<1x128xf32> to vector<500x128xf32>
    %add3A_30 = arith.addf %add3A, %mul3A_29 : vector<500x128xf32>
    %slice3A_31 = vector.extract_strided_slice %get3A_18 {offsets = [0, 0], sizes = [500, 3], strides = [1, 1]} : vector<500x9xf32> to vector<500x3xf32>
    %slice3A_32 = vector.extract_strided_slice %get3A_18 {offsets = [0, 3], sizes = [500, 3], strides = [1, 1]} : vector<500x9xf32> to vector<500x3xf32>
    %mul3A_33 = arith.mulf %slice3A_31, %slice3A_32 : vector<500x3xf32>
    %reduce_sum3A_34 = arith.constant dense<0.000000e+00> : vector<500xf32>
    %reduce_sum3A_35 = vector.multi_reduction <add>, %mul3A_33, %reduce_sum3A_34 [1] : vector<500x3xf32> to vector<500xf32>
    %broadcast_in_dim3A_36 = vector.shape_cast %reduce_sum3A_35 : vector<500xf32> to vector<500x1xf32>
    %get3A_37 = arith.constant 1 : index
    %get3A_38 = arith.constant 0 : index
    %get3A_39 = vector.load %arg4[%get3A_37, %get3A_38] : memref<9x128xf32, #tpu.memory_space<vmem>>, vector<1x128xf32>
    %mul3A_40 = vector.broadcast %broadcast_in_dim3A_36 : vector<500x1xf32> to vector<500x128xf32>
    %mul3A_41 = vector.broadcast %get3A_39 : vector<1x128xf32> to vector<500x128xf32>
    %mul3A_42 = arith.mulf %mul3A_40, %mul3A_41 : vector<500x128xf32>
    %add3A_43 = arith.addf %add3A_30, %mul3A_42 : vector<500x128xf32>
    %slice3A_44 = vector.extract_strided_slice %get3A_18 {offsets = [0, 0], sizes = [500, 3], strides = [1, 1]} : vector<500x9xf32> to vector<500x3xf32>
    %slice3A_45 = vector.extract_strided_slice %get3A_18 {offsets = [0, 6], sizes = [500, 3], strides = [1, 1]} : vector<500x9xf32> to vector<500x3xf32>
    %mul3A_46 = arith.mulf %slice3A_44, %slice3A_45 : vector<500x3xf32>
    %reduce_sum3A_47 = arith.constant dense<0.000000e+00> : vector<500xf32>
    %reduce_sum3A_48 = vector.multi_reduction <add>, %mul3A_46, %reduce_sum3A_47 [1] : vector<500x3xf32> to vector<500xf32>
    %broadcast_in_dim3A_49 = vector.shape_cast %reduce_sum3A_48 : vector<500xf32> to vector<500x1xf32>
    %get3A_50 = arith.constant 2 : index
    %get3A_51 = arith.constant 0 : index
    %get3A_52 = vector.load %arg4[%get3A_50, %get3A_51] : memref<9x128xf32, #tpu.memory_space<vmem>>, vector<1x128xf32>
    %mul3A_53 = vector.broadcast %broadcast_in_dim3A_49 : vector<500x1xf32> to vector<500x128xf32>
    %mul3A_54 = vector.broadcast %get3A_52 : vector<1x128xf32> to vector<500x128xf32>
    %mul3A_55 = arith.mulf %mul3A_53, %mul3A_54 : vector<500x128xf32>
    %add3A_56 = arith.addf %add3A_43, %mul3A_55 : vector<500x128xf32>
    %slice3A_57 = vector.extract_strided_slice %get3A_18 {offsets = [0, 3], sizes = [500, 3], strides = [1, 1]} : vector<500x9xf32> to vector<500x3xf32>
    %slice3A_58 = vector.extract_strided_slice %get3A_18 {offsets = [0, 0], sizes = [500, 3], strides = [1, 1]} : vector<500x9xf32> to vector<500x3xf32>
    %mul3A_59 = arith.mulf %slice3A_57, %slice3A_58 : vector<500x3xf32>
    %reduce_sum3A_60 = arith.constant dense<0.000000e+00> : vector<500xf32>
    %reduce_sum3A_61 = vector.multi_reduction <add>, %mul3A_59, %reduce_sum3A_60 [1] : vector<500x3xf32> to vector<500xf32>
    %broadcast_in_dim3A_62 = vector.shape_cast %reduce_sum3A_61 : vector<500xf32> to vector<500x1xf32>
    %get3A_63 = arith.constant 3 : index
    %get3A_64 = arith.constant 0 : index
    %get3A_65 = vector.load %arg4[%get3A_63, %get3A_64] : memref<9x128xf32, #tpu.memory_space<vmem>>, vector<1x128xf32>
    %mul3A_66 = vector.broadcast %broadcast_in_dim3A_62 : vector<500x1xf32> to vector<500x128xf32>
    %mul3A_67 = vector.broadcast %get3A_65 : vector<1x128xf32> to vector<500x128xf32>
    %mul3A_68 = arith.mulf %mul3A_66, %mul3A_67 : vector<500x128xf32>
    %add3A_69 = arith.addf %add3A_56, %mul3A_68 : vector<500x128xf32>
    %slice3A_70 = vector.extract_strided_slice %get3A_18 {offsets = [0, 3], sizes = [500, 3], strides = [1, 1]} : vector<500x9xf32> to vector<500x3xf32>
    %slice3A_71 = vector.extract_strided_slice %get3A_18 {offsets = [0, 3], sizes = [500, 3], strides = [1, 1]} : vector<500x9xf32> to vector<500x3xf32>
    %mul3A_72 = arith.mulf %slice3A_70, %slice3A_71 : vector<500x3xf32>
    %reduce_sum3A_73 = arith.constant dense<0.000000e+00> : vector<500xf32>
    %reduce_sum3A_74 = vector.multi_reduction <add>, %mul3A_72, %reduce_sum3A_73 [1] : vector<500x3xf32> to vector<500xf32>
    %broadcast_in_dim3A_75 = vector.shape_cast %reduce_sum3A_74 : vector<500xf32> to vector<500x1xf32>
    %get3A_76 = arith.constant 4 : index
    %get3A_77 = arith.constant 0 : index
    %get3A_78 = vector.load %arg4[%get3A_76, %get3A_77] : memref<9x128xf32, #tpu.memory_space<vmem>>, vector<1x128xf32>
    %mul3A_79 = vector.broadcast %broadcast_in_dim3A_75 : vector<500x1xf32> to vector<500x128xf32>
    %mul3A_80 = vector.broadcast %get3A_78 : vector<1x128xf32> to vector<500x128xf32>
    %mul3A_81 = arith.mulf %mul3A_79, %mul3A_80 : vector<500x128xf32>
    %add3A_82 = arith.addf %add3A_69, %mul3A_81 : vector<500x128xf32>
    %slice3A_83 = vector.extract_strided_slice %get3A_18 {offsets = [0, 3], sizes = [500, 3], strides = [1, 1]} : vector<500x9xf32> to vector<500x3xf32>
    %slice3A_84 = vector.extract_strided_slice %get3A_18 {offsets = [0, 6], sizes = [500, 3], strides = [1, 1]} : vector<500x9xf32> to vector<500x3xf32>
    %mul3A_85 = arith.mulf %slice3A_83, %slice3A_84 : vector<500x3xf32>
    %reduce_sum3A_86 = arith.constant dense<0.000000e+00> : vector<500xf32>
    %reduce_sum3A_87 = vector.multi_reduction <add>, %mul3A_85, %reduce_sum3A_86 [1] : vector<500x3xf32> to vector<500xf32>
    %broadcast_in_dim3A_88 = vector.shape_cast %reduce_sum3A_87 : vector<500xf32> to vector<500x1xf32>
    %get3A_89 = arith.constant 5 : index
    %get3A_90 = arith.constant 0 : index
    %get3A_91 = vector.load %arg4[%get3A_89, %get3A_90] : memref<9x128xf32, #tpu.memory_space<vmem>>, vector<1x128xf32>
    %mul3A_92 = vector.broadcast %broadcast_in_dim3A_88 : vector<500x1xf32> to vector<500x128xf32>
    %mul3A_93 = vector.broadcast %get3A_91 : vector<1x128xf32> to vector<500x128xf32>
    %mul3A_94 = arith.mulf %mul3A_92, %mul3A_93 : vector<500x128xf32>
    %add3A_95 = arith.addf %add3A_82, %mul3A_94 : vector<500x128xf32>
    %slice3A_96 = vector.extract_strided_slice %get3A_18 {offsets = [0, 6], sizes = [500, 3], strides = [1, 1]} : vector<500x9xf32> to vector<500x3xf32>
    %slice3A_97 = vector.extract_strided_slice %get3A_18 {offsets = [0, 0], sizes = [500, 3], strides = [1, 1]} : vector<500x9xf32> to vector<500x3xf32>
    %mul3A_98 = arith.mulf %slice3A_96, %slice3A_97 : vector<500x3xf32>
    %reduce_sum3A_99 = arith.constant dense<0.000000e+00> : vector<500xf32>
    %reduce_sum3A_100 = vector.multi_reduction <add>, %mul3A_98, %reduce_sum3A_99 [1] : vector<500x3xf32> to vector<500xf32>
    %broadcast_in_dim3A_101 = vector.shape_cast %reduce_sum3A_100 : vector<500xf32> to vector<500x1xf32>
    %get3A_102 = arith.constant 6 : index
    %get3A_103 = arith.constant 0 : index
    %get3A_104 = vector.load %arg4[%get3A_102, %get3A_103] : memref<9x128xf32, #tpu.memory_space<vmem>>, vector<1x128xf32>
    %mul3A_105 = vector.broadcast %broadcast_in_dim3A_101 : vector<500x1xf32> to vector<500x128xf32>
    %mul3A_106 = vector.broadcast %get3A_104 : vector<1x128xf32> to vector<500x128xf32>
    %mul3A_107 = arith.mulf %mul3A_105, %mul3A_106 : vector<500x128xf32>
    %add3A_108 = arith.addf %add3A_95, %mul3A_107 : vector<500x128xf32>
    %slice3A_109 = vector.extract_strided_slice %get3A_18 {offsets = [0, 6], sizes = [500, 3], strides = [1, 1]} : vector<500x9xf32> to vector<500x3xf32>
    %slice3A_110 = vector.extract_strided_slice %get3A_18 {offsets = [0, 3], sizes = [500, 3], strides = [1, 1]} : vector<500x9xf32> to vector<500x3xf32>
    %mul3A_111 = arith.mulf %slice3A_109, %slice3A_110 : vector<500x3xf32>
    %reduce_sum3A_112 = arith.constant dense<0.000000e+00> : vector<500xf32>
    %reduce_sum3A_113 = vector.multi_reduction <add>, %mul3A_111, %reduce_sum3A_112 [1] : vector<500x3xf32> to vector<500xf32>
    %broadcast_in_dim3A_114 = vector.shape_cast %reduce_sum3A_113 : vector<500xf32> to vector<500x1xf32>
    %get3A_115 = arith.constant 7 : index
    %get3A_116 = arith.constant 0 : index
    %get3A_117 = vector.load %arg4[%get3A_115, %get3A_116] : memref<9x128xf32, #tpu.memory_space<vmem>>, vector<1x128xf32>
    %mul3A_118 = vector.broadcast %broadcast_in_dim3A_114 : vector<500x1xf32> to vector<500x128xf32>
    %mul3A_119 = vector.broadcast %get3A_117 : vector<1x128xf32> to vector<500x128xf32>
    %mul3A_120 = arith.mulf %mul3A_118, %mul3A_119 : vector<500x128xf32>
    %add3A_121 = arith.addf %add3A_108, %mul3A_120 : vector<500x128xf32>
    %slice3A_122 = vector.extract_strided_slice %get3A_18 {offsets = [0, 6], sizes = [500, 3], strides = [1, 1]} : vector<500x9xf32> to vector<500x3xf32>
    %slice3A_123 = vector.extract_strided_slice %get3A_18 {offsets = [0, 6], sizes = [500, 3], strides = [1, 1]} : vector<500x9xf32> to vector<500x3xf32>
    %mul3A_124 = arith.mulf %slice3A_122, %slice3A_123 : vector<500x3xf32>
    %reduce_sum3A_125 = arith.constant dense<0.000000e+00> : vector<500xf32>
    %reduce_sum3A_126 = vector.multi_reduction <add>, %mul3A_124, %reduce_sum3A_125 [1] : vector<500x3xf32> to vector<500xf32>
    %broadcast_in_dim3A_127 = vector.shape_cast %reduce_sum3A_126 : vector<500xf32> to vector<500x1xf32>
    %get3A_128 = arith.constant 8 : index
    %get3A_129 = arith.constant 0 : index
    %get3A_130 = vector.load %arg4[%get3A_128, %get3A_129] : memref<9x128xf32, #tpu.memory_space<vmem>>, vector<1x128xf32>
    %mul3A_131 = vector.broadcast %broadcast_in_dim3A_127 : vector<500x1xf32> to vector<500x128xf32>
    %mul3A_132 = vector.broadcast %get3A_130 : vector<1x128xf32> to vector<500x128xf32>
    %mul3A_133 = arith.mulf %mul3A_131, %mul3A_132 : vector<500x128xf32>
    %add3A_134 = arith.addf %add3A_121, %mul3A_133 : vector<500x128xf32>
    %broadcast_in_dim3A_135 = vector.shape_cast %add3A_134 : vector<500x128xf32> to vector<500x1x128xf32>
    %broadcast_in_dim3A_136 = vector.shape_cast %broadcast_in_dim3A_135 : vector<500x1x128xf32> to vector<500x1x128xf32>
    %broadcast_in_dim3A_137 = vector.broadcast %broadcast_in_dim3A_136 : vector<500x1x128xf32> to vector<500x32x128xf32>
    %reshape3A = vector.shape_cast %broadcast_in_dim3A_137 : vector<500x32x128xf32> to vector<16000x128xf32>
    %swap3A_138 = arith.constant 0 : index
    %swap3A_139 = arith.constant 0 : index
    %swap3A_140 = vector.load %arg8[%swap3A_138, %swap3A_139] : memref<16000x128xf32, #tpu.memory_space<vmem>>, vector<16000x128xf32>
    tpu.vector_store %arg8[%swap3A_138, %swap3A_139], %reshape3A {strides = array<i32>} : memref<16000x128xf32, #tpu.memory_space<vmem>>, vector<16000x128xf32>,
    return
  }
}

module attributes {stable_mosaic.version = 14 : i64} {
  func.func @_emlp_body(%arg0: i32, %arg1: memref<2000x128xf32, #tpu.memory_space<vmem>>, %arg2: memref<128x128xf32, #tpu.memory_space<vmem>>, %arg3: memref<1x128xf32, #tpu.memory_space<vmem>>, %arg4: memref<2000x128xf32, #tpu.memory_space<vmem>>) attributes {dimension_semantics = [#tpu.dimension_semantics<arbitrary>], iteration_bounds = array<i64: 160>, scalar_prefetch = 0 : i64, scratch_operands = 0 : i64, tpu.core_type = #tpu.core_type<tc>, window_params = [{transform_indices = @transform_0, window_bounds = array<i64: 2000, 128>}, {pipeline_mode = #tpu.pipeline_mode<synchronous>, transform_indices = @transform_1, window_bounds = array<i64: 128, 128>}, {pipeline_mode = #tpu.pipeline_mode<synchronous>, transform_indices = @transform_2, window_bounds = array<i64: 1, 128>}, {transform_indices = @transform_3, window_bounds = array<i64: 2000, 128>}]} {
    %get3A = arith.constant 0 : index
    %get3A_0 = arith.constant 0 : index
    %get3A_1 = vector.load %arg1[%get3A, %get3A_0] : memref<2000x128xf32, #tpu.memory_space<vmem>>, vector<2000x128xf32>
    %logistic3A = arith.negf %get3A_1 : vector<2000x128xf32>
    %logistic3A_2 = math.exp %logistic3A : vector<2000x128xf32>
    %logistic3A_3 = arith.constant 1.000000e+00 : f32
    %logistic3A_4 = vector.broadcast %logistic3A_3 : f32 to vector<2000x128xf32>
    %logistic3A_5 = arith.addf %logistic3A_4, %logistic3A_2 : vector<2000x128xf32>
    %logistic3A_6 = arith.divf %logistic3A_4, %logistic3A_5 : vector<2000x128xf32>
    %mul3A = arith.mulf %get3A_1, %logistic3A_6 : vector<2000x128xf32>
    %convert_element_type3A = arith.truncf %mul3A : vector<2000x128xf32> to vector<2000x128xbf16>
    %get3A_7 = arith.constant 0 : index
    %get3A_8 = arith.constant 0 : index
    %get3A_9 = vector.load %arg2[%get3A_7, %get3A_8] : memref<128x128xf32, #tpu.memory_space<vmem>>, vector<128x128xf32>
    %convert_element_type3A_10 = arith.truncf %get3A_9 : vector<128x128xf32> to vector<128x128xbf16>
    %dot_general3A = arith.constant dense<0.000000e+00> : vector<2000x128xf32>
    %dot_general3A_11 = tpu.matmul %convert_element_type3A, %convert_element_type3A_10, %dot_general3A {dimension_numbers = #tpu.dot_dimension_numbers<[1], [0], [0], [1], [0, 0, 1, 1], [], []>, transpose_lhs_hint = false} : vector<2000x128xbf16>, vector<128x128xbf16>, vector<2000x128xf32> -> vector<2000x128xf32>
    %get3A_12 = arith.constant 0 : index
    %get3A_13 = arith.constant 0 : index
    %get3A_14 = vector.load %arg3[%get3A_12, %get3A_13] : memref<1x128xf32, #tpu.memory_space<vmem>>, vector<1x128xf32>
    %add3A = vector.broadcast %get3A_14 : vector<1x128xf32> to vector<2000x128xf32>
    %add3A_15 = arith.addf %dot_general3A_11, %add3A : vector<2000x128xf32>
    %logistic3A_16 = arith.negf %add3A_15 : vector<2000x128xf32>
    %logistic3A_17 = math.exp %logistic3A_16 : vector<2000x128xf32>
    %logistic3A_18 = arith.constant 1.000000e+00 : f32
    %logistic3A_19 = vector.broadcast %logistic3A_18 : f32 to vector<2000x128xf32>
    %logistic3A_20 = arith.addf %logistic3A_19, %logistic3A_17 : vector<2000x128xf32>
    %logistic3A_21 = arith.divf %logistic3A_19, %logistic3A_20 : vector<2000x128xf32>
    %mul3A_22 = arith.mulf %add3A_15, %logistic3A_21 : vector<2000x128xf32>
    %swap3A = arith.constant 0 : index
    %swap3A_23 = arith.constant 0 : index
    %swap3A_24 = vector.load %arg4[%swap3A, %swap3A_23] : memref<2000x128xf32, #tpu.memory_space<vmem>>, vector<2000x128xf32>
    tpu.vector_store %arg4[%swap3A, %swap3A_23], %mul3A_22 {strides = array<i32>} : memref<2000x128xf32, #tpu.memory_space<vmem>>, vector<2000x128xf32>,
    return
  }
  func.func @transform_0(%arg0: i32) -> (i32, i32) {
    %c0_i32 = arith.constant 0 : i32
    %c0_i32_0 = arith.constant 0 : i32
    return %arg0, %c0_i32 : i32, i32
  }
  func.func @transform_1(%arg0: i32) -> (i32, i32) {
    %c0_i32 = arith.constant 0 : i32
    %c0_i32_0 = arith.constant 0 : i32
    %c0_i32_1 = arith.constant 0 : i32
    return %c0_i32, %c0_i32_0 : i32, i32
  }
  func.func @transform_2(%arg0: i32) -> (i32, i32) {
    %c0_i32 = arith.constant 0 : i32
    %c0_i32_0 = arith.constant 0 : i32
    %c0_i32_1 = arith.constant 0 : i32
    return %c0_i32, %c0_i32_0 : i32, i32
  }
  func.func @transform_3(%arg0: i32) -> (i32, i32) {
    %c0_i32 = arith.constant 0 : i32
    %c0_i32_0 = arith.constant 0 : i32
    return %arg0, %c0_i32 : i32, i32
  }
}

module attributes {stable_mosaic.version = 14 : i64} {
  func.func @_nmlp_body(%arg0: memref<10000x128xf32, #tpu.memory_space<vmem>>, %arg1: memref<2x10000x128xf32, #tpu.memory_space<vmem>>, %arg2: memref<2x80x128xf32, #tpu.memory_space<vmem>>, %arg3: memref<128x128xf32, #tpu.memory_space<vmem>>, %arg4: memref<128x128xf32, #tpu.memory_space<vmem>>, %arg5: memref<1x128xf32, #tpu.memory_space<vmem>>, %arg6: memref<128x128xf32, #tpu.memory_space<vmem>>, %arg7: memref<1x128xf32, #tpu.memory_space<vmem>>, %arg8: memref<10000x128xf32, #tpu.memory_space<vmem>>) attributes {dimension_semantics = [], scalar_prefetch = 0 : i64, scratch_operands = 0 : i64, tpu.core_type = #tpu.core_type<tc>} {
    %get3A = arith.constant 0 : index
    %get3A_0 = arith.constant 0 : index
    %get3A_1 = vector.load %arg0[%get3A, %get3A_0] : memref<10000x128xf32, #tpu.memory_space<vmem>>, vector<10000x128xf32>
    %get3A_2 = arith.constant 0 : index
    %get3A_3 = arith.constant 0 : index
    %get3A_4 = arith.constant 0 : index
    %get3A_5 = vector.load %arg1[%get3A_2, %get3A_3, %get3A_4] : memref<2x10000x128xf32, #tpu.memory_space<vmem>>, vector<1x10000x128xf32>
    %get3A_6 = vector.shape_cast %get3A_5 : vector<1x10000x128xf32> to vector<10000x128xf32>
    %get3A_7 = arith.constant 1 : index
    %get3A_8 = arith.constant 0 : index
    %get3A_9 = arith.constant 0 : index
    %get3A_10 = vector.load %arg1[%get3A_7, %get3A_8, %get3A_9] : memref<2x10000x128xf32, #tpu.memory_space<vmem>>, vector<1x10000x128xf32>
    %get3A_11 = vector.shape_cast %get3A_10 : vector<1x10000x128xf32> to vector<10000x128xf32>
    %add3A = arith.addf %get3A_6, %get3A_11 : vector<10000x128xf32>
    %get3A_12 = arith.constant 0 : index
    %get3A_13 = arith.constant 0 : index
    %get3A_14 = arith.constant 0 : index
    %get3A_15 = vector.load %arg2[%get3A_12, %get3A_13, %get3A_14] : memref<2x80x128xf32, #tpu.memory_space<vmem>>, vector<1x80x128xf32>
    %get3A_16 = vector.shape_cast %get3A_15 : vector<1x80x128xf32> to vector<80x128xf32>
    %get3A_17 = arith.constant 1 : index
    %get3A_18 = arith.constant 0 : index
    %get3A_19 = arith.constant 0 : index
    %get3A_20 = vector.load %arg2[%get3A_17, %get3A_18, %get3A_19] : memref<2x80x128xf32, #tpu.memory_space<vmem>>, vector<1x80x128xf32>
    %get3A_21 = vector.shape_cast %get3A_20 : vector<1x80x128xf32> to vector<80x128xf32>
    %add3A_22 = arith.addf %get3A_16, %get3A_21 : vector<80x128xf32>
    %broadcast_in_dim3A = vector.shape_cast %add3A_22 : vector<80x128xf32> to vector<80x1x128xf32>
    %broadcast_in_dim3A_23 = vector.shape_cast %broadcast_in_dim3A : vector<80x1x128xf32> to vector<80x1x128xf32>
    %broadcast_in_dim3A_24 = vector.broadcast %broadcast_in_dim3A_23 : vector<80x1x128xf32> to vector<80x128x128xf32>
    %reshape3A = vector.shape_cast %broadcast_in_dim3A_24 : vector<80x128x128xf32> to vector<10240x128xf32>
    %iota3A = tpu.iota {dimensions = array<i32: 1>} : vector<10240x128xi32>
    %iota3A_25 = tpu.iota {dimensions = array<i32: 0>} : vector<10240x128xi32>
    %jit3A = arith.constant 128 : i32
    %eq3A = arith.constant 0 : i32
    %eq3A_26 = arith.cmpi eq, %jit3A, %eq3A : i32
    %jit3A_27 = arith.constant 1 : i32
    %select_n3A = arith.select %eq3A_26, %jit3A_27, %jit3A : i32
    %rem3A = vector.broadcast %select_n3A : i32 to vector<10240x128xi32>
    %rem3A_28 = arith.remsi %iota3A_25, %rem3A : vector<10240x128xi32>
    %ne3A = arith.constant 0 : i32
    %ne3A_29 = vector.broadcast %ne3A : i32 to vector<10240x128xi32>
    %ne3A_30 = arith.cmpi ne, %rem3A_28, %ne3A_29 : vector<10240x128xi32>
    %lt3A = arith.constant 0 : i32
    %lt3A_31 = vector.broadcast %lt3A : i32 to vector<10240x128xi32>
    %lt3A_32 = arith.cmpi slt, %rem3A_28, %lt3A_31 : vector<10240x128xi32>
    %lt3A_33 = arith.constant 0 : i32
    %lt3A_34 = arith.cmpi slt, %select_n3A, %lt3A_33 : i32
    %ne3A_35 = vector.broadcast %lt3A_34 : i1 to vector<10240x128xi1>
    %ne3A_36 = vector.broadcast %ne3A_35 : vector<10240x128xi1> to vector<10240x128xi1>
    %ne3A_37 = arith.xori %lt3A_32, %ne3A_36 : vector<10240x128xi1>
    %and3A = arith.andi %ne3A_37, %ne3A_30 : vector<10240x128xi1>
    %add3A_38 = vector.broadcast %select_n3A : i32 to vector<10240x128xi32>
    %add3A_39 = arith.addi %rem3A_28, %add3A_38 : vector<10240x128xi32>
    %select_n3A_40 = arith.select %and3A, %add3A_39, %rem3A_28 : vector<10240x128xi1>, vector<10240x128xi32>
    %eq3A_41 = arith.cmpi eq, %iota3A, %select_n3A_40 : vector<10240x128xi32>
    %jit3A_42 = arith.constant 0.000000e+00 : f32
    %broadcast_in_dim3A_43 = vector.broadcast %jit3A_42 : f32 to vector<10240x128xf32>
    %select_n3A_44 = arith.select %eq3A_41, %reshape3A, %broadcast_in_dim3A_43 : vector<10240x128xi1>, vector<10240x128xf32>
    %reduce_sum3A = arith.constant dense<0.000000e+00> : vector<10240xf32>
    %reduce_sum3A_45 = vector.multi_reduction <add>, %select_n3A_44, %reduce_sum3A [1] : vector<10240x128xf32> to vector<10240xf32>
    %broadcast_in_dim3A_46 = vector.shape_cast %reduce_sum3A_45 : vector<10240xf32> to vector<10240x1xf32>
    %slice3A = vector.extract_strided_slice %broadcast_in_dim3A_46 {offsets = [0, 0], sizes = [10000, 1], strides = [1, 1]} : vector<10240x1xf32> to vector<10000x1xf32>
    %max3A = arith.constant 1.000000e+00 : f32
    %max3A_47 = vector.broadcast %max3A : f32 to vector<10000x1xf32>
    %max3A_48 = arith.maximumf %slice3A, %max3A_47 : vector<10000x1xf32>
    %div3A = vector.broadcast %max3A_48 : vector<10000x1xf32> to vector<10000x128xf32>
    %div3A_49 = arith.divf %add3A, %div3A : vector<10000x128xf32>
    %convert_element_type3A = arith.truncf %get3A_1 : vector<10000x128xf32> to vector<10000x128xbf16>
    %get3A_50 = arith.constant 0 : index
    %get3A_51 = arith.constant 0 : index
    %get3A_52 = vector.load %arg3[%get3A_50, %get3A_51] : memref<128x128xf32, #tpu.memory_space<vmem>>, vector<128x128xf32>
    %convert_element_type3A_53 = arith.truncf %get3A_52 : vector<128x128xf32> to vector<128x128xbf16>
    %dot_general3A = arith.constant dense<0.000000e+00> : vector<10000x128xf32>
    %dot_general3A_54 = tpu.matmul %convert_element_type3A, %convert_element_type3A_53, %dot_general3A {dimension_numbers = #tpu.dot_dimension_numbers<[1], [0], [0], [1], [0, 0, 1, 1], [], []>, transpose_lhs_hint = false} : vector<10000x128xbf16>, vector<128x128xbf16>, vector<10000x128xf32> -> vector<10000x128xf32>
    %convert_element_type3A_55 = arith.truncf %div3A_49 : vector<10000x128xf32> to vector<10000x128xbf16>
    %get3A_56 = arith.constant 0 : index
    %get3A_57 = arith.constant 0 : index
    %get3A_58 = vector.load %arg4[%get3A_56, %get3A_57] : memref<128x128xf32, #tpu.memory_space<vmem>>, vector<128x128xf32>
    %convert_element_type3A_59 = arith.truncf %get3A_58 : vector<128x128xf32> to vector<128x128xbf16>
    %dot_general3A_60 = arith.constant dense<0.000000e+00> : vector<10000x128xf32>
    %dot_general3A_61 = tpu.matmul %convert_element_type3A_55, %convert_element_type3A_59, %dot_general3A_60 {dimension_numbers = #tpu.dot_dimension_numbers<[1], [0], [0], [1], [0, 0, 1, 1], [], []>, transpose_lhs_hint = false} : vector<10000x128xbf16>, vector<128x128xbf16>, vector<10000x128xf32> -> vector<10000x128xf32>
    %add3A_62 = arith.addf %dot_general3A_54, %dot_general3A_61 : vector<10000x128xf32>
    %get3A_63 = arith.constant 0 : index
    %get3A_64 = arith.constant 0 : index
    %get3A_65 = vector.load %arg5[%get3A_63, %get3A_64] : memref<1x128xf32, #tpu.memory_space<vmem>>, vector<1x128xf32>
    %add3A_66 = vector.broadcast %get3A_65 : vector<1x128xf32> to vector<10000x128xf32>
    %add3A_67 = arith.addf %add3A_62, %add3A_66 : vector<10000x128xf32>
    %logistic3A = arith.negf %add3A_67 : vector<10000x128xf32>
    %logistic3A_68 = math.exp %logistic3A : vector<10000x128xf32>
    %logistic3A_69 = arith.constant 1.000000e+00 : f32
    %logistic3A_70 = vector.broadcast %logistic3A_69 : f32 to vector<10000x128xf32>
    %logistic3A_71 = arith.addf %logistic3A_70, %logistic3A_68 : vector<10000x128xf32>
    %logistic3A_72 = arith.divf %logistic3A_70, %logistic3A_71 : vector<10000x128xf32>
    %mul3A = arith.mulf %add3A_67, %logistic3A_72 : vector<10000x128xf32>
    %convert_element_type3A_73 = arith.truncf %mul3A : vector<10000x128xf32> to vector<10000x128xbf16>
    %get3A_74 = arith.constant 0 : index
    %get3A_75 = arith.constant 0 : index
    %get3A_76 = vector.load %arg6[%get3A_74, %get3A_75] : memref<128x128xf32, #tpu.memory_space<vmem>>, vector<128x128xf32>
    %convert_element_type3A_77 = arith.truncf %get3A_76 : vector<128x128xf32> to vector<128x128xbf16>
    %dot_general3A_78 = arith.constant dense<0.000000e+00> : vector<10000x128xf32>
    %dot_general3A_79 = tpu.matmul %convert_element_type3A_73, %convert_element_type3A_77, %dot_general3A_78 {dimension_numbers = #tpu.dot_dimension_numbers<[1], [0], [0], [1], [0, 0, 1, 1], [], []>, transpose_lhs_hint = false} : vector<10000x128xbf16>, vector<128x128xbf16>, vector<10000x128xf32> -> vector<10000x128xf32>
    %get3A_80 = arith.constant 0 : index
    %get3A_81 = arith.constant 0 : index
    %get3A_82 = vector.load %arg7[%get3A_80, %get3A_81] : memref<1x128xf32, #tpu.memory_space<vmem>>, vector<1x128xf32>
    %add3A_83 = vector.broadcast %get3A_82 : vector<1x128xf32> to vector<10000x128xf32>
    %add3A_84 = arith.addf %dot_general3A_79, %add3A_83 : vector<10000x128xf32>
    %logistic3A_85 = arith.negf %add3A_84 : vector<10000x128xf32>
    %logistic3A_86 = math.exp %logistic3A_85 : vector<10000x128xf32>
    %logistic3A_87 = arith.constant 1.000000e+00 : f32
    %logistic3A_88 = vector.broadcast %logistic3A_87 : f32 to vector<10000x128xf32>
    %logistic3A_89 = arith.addf %logistic3A_88, %logistic3A_86 : vector<10000x128xf32>
    %logistic3A_90 = arith.divf %logistic3A_88, %logistic3A_89 : vector<10000x128xf32>
    %mul3A_91 = arith.mulf %add3A_84, %logistic3A_90 : vector<10000x128xf32>
    %add3A_92 = arith.addf %get3A_1, %mul3A_91 : vector<10000x128xf32>
    %swap3A = arith.constant 0 : index
    %swap3A_93 = arith.constant 0 : index
    %swap3A_94 = vector.load %arg8[%swap3A, %swap3A_93] : memref<10000x128xf32, #tpu.memory_space<vmem>>, vector<10000x128xf32>
    tpu.vector_store %arg8[%swap3A, %swap3A_93], %add3A_92 {strides = array<i32>} : memref<10000x128xf32, #tpu.memory_space<vmem>>, vector<10000x128xf32>,
    return
  }
}

</mosaic_0001>

<sc_bundles>
// kernel: kernel.10.cloned.1.call-start
scs
__scs_entry_jumppad:
0x0: {  	(pc) =	sbr.rel $0x88, $3  }
0x1: {  	(tag) =	ssettag $0x0;
	lr =	simm.s32 $0x1  }
0x2: {  	[smem:$0x3F95] =	sst lr;
	_ =	strace $0xD0000000  }
0x3: {  	_ = 	snop  }
0x4: {  	_ = 	snop  }
0x5: {  	_ = 	snop  }
0x6: {  	_ = 	snop  }
0x7: {  	_ = 	snop  }
__scs_overlays_trampoline_lowered:
0x8: {  	[smem:$0x3FA4] =	sst s0  }
0x9: {  	[smem:$0x3FA5] =	sst s1  }
0xa: {  	[smem:$0x3FA6] =	sst s2  }
0xb: {  	[smem:$0x3FA7] =	sst s3  }
0xc: {  	[smem:$0x3FA8] =	sst s4  }
0xd: {  	[smem:$0x3FA9] =	sst s5  }
0xe: {  	[smem:$0x3FAA] =	sst s6  }
0xf: {  	[smem:$0x3FAB] =	sst s7  }
0x10: {  	[smem:$0x3FAC] =	sst s8  }
0x11: {  	[smem:$0x3FAD] =	sst s9;
	s0 =	simm.s32 @!p0 $0x0  }
0x12: {  	s1 =	sld [smem:$0x3F93];
	s0 =	simm.s32 @p0 $0x1  }
0x13: {  	[smem:$0x3FAE] =	sst s0;
	s0 =	simm.s32 @!p1 $0x0  }
0x14: {  	s2 =	sld [smem:$0x3F92];
	s0 =	simm.s32 @p1 $0x1  }
0x15: {  	[smem:$0x3FAF] =	sst s0;
	s0 =	simm.s32 @!p2 $0x0  }
0x16: {  	s3 =	sld [smem:$0x3FDB];
	s0 =	simm.s32 @p2 $0x1  }
0x17: {  	s4 =	simm.s32 $0x1BF5;
	[smem:$0x3FB1] =	sst s0  }
0x18: {  	s0 =	sld [smem:$0x3F94];
	_ =	swait.ge [sflag:s4], $0x0  }
0x19: {  	s7 =	sld [smem:$0x3F95]  }
0x1a: {  	s8 =	sadd.s32 $0xFFFFE003, lr  }
0x1b: {  	s9 =	sadd.s32 $0xFFFFFEF7, lr;
	s5 =	simm.s32 $0xFFFFFFFF;
	p2 =	slt.u32 s8, $0xFFFFF086  }
0x1c: {  	p1 =	slt.u32 s9, $0xF7A;
	s5 =	simm.s32 @!p2 $0x0  }
0x1d: {  	s5 =	simm.s32 @p1 $0x1;
	p0 =	seq.s32 s7, s2  }
0x1e: {  	s7 =	smul.u32 @!p0 $0xF7A, s2;
	p2 =	seq.s32 @!p0 s5, $0x0  }
0x1f: {  	s9 =	smul.u32 $0xF7A, s1;
	s8 =	simm.s32 @!p0 $0x1BF5;
	p2 =	por !p2, p0  }
0x20: {  	[sflag:s8] =	ssyncset.s32 @!p0 $0xFFFFF086;
	s6 =	sadd.s32 @!p0 s3, s7;
	s7 =	simm.s32 @!p0 $0x108  }
0x21: {  	s3 =	sadd.s32 s3, s9;
	s6 =	sadd.s32 @!p0 $0x88, s6;
	s7 =	simm.s32 @p2 $0x1082  }
0x22: {  	[simem:s7], [sflag:s8] =	dma.local @!p0 [hbm:s6], $0xF7A  }
0x23: {  	s9 =	sor.u32 $0xD0000000, s2;
	s6 =	simm.s32 $0x108;
	_ =	swait.ge @!p0 [sflag:s8], $0x0  }
0x24: {  	s3 =	sadd.s32 $0x88, s3;
	s6 =	simm.s32 @!p1 $0x1082;
	[sflag:s4] =	ssyncset.s32 $0xFFFFF086  }
0x25: {  	[simem:s6], [sflag:s4] =	dma.local [hbm:s3], $0xF7A  }
0x26: {  	[smem:$0x3F95] =	sst s1;
	(tag) =	ssettag s2;
	_ =	strace s9  }
0x27: {  	s1 =	sld [smem:$0x3FA5]  }
0x28: {  	s2 =	sld [smem:$0x3FA6]  }
0x29: {  	s4 =	sld [smem:$0x3FA8]  }
0x2a: {  	p0 =	seq.s32 s5, $0x0;
	s5 =	sld [smem:$0x3FA9]  }
0x2b: {  	s6 =	sld [smem:$0x3FAA]  }
0x2c: {  	s7 =	sld [smem:$0x3FAB]  }
0x2d: {  	s3 =	simm.s32 $0x108;
	s8 =	sld [smem:$0x3FAC]  }
0x2e: {  	s3 =	simm.s32 @!p0 $0x1082;
	s9 =	sld [smem:$0x3FAD]  }
0x2f: {  	lr =	sadd.s32 s0, s3;
	s0 =	sld [smem:$0x3FA4]  }
0x30: {  	s3 =	sld [smem:$0x3FA7]  }
0x31: {  	[smem:$0x3FB0] =	sst s10  }
0x32: {  	s10 =	sld [smem:$0x3FAE];
	_ =	sdelay $0x3  }
0x33: {  	p0 =	seq.s32 s10, $0x1;
	s10 =	sld [smem:$0x3FB0];
	_ =	sdelay $0x3  }
0x34: {  	[smem:$0x3FB0] =	sst s10  }
0x35: {  	s10 =	sld [smem:$0x3FAF];
	_ =	sdelay $0x3  }
0x36: {  	p1 =	seq.s32 s10, $0x1;
	s10 =	sld [smem:$0x3FB0];
	_ =	sdelay $0x3  }
0x37: {  	[smem:$0x3FB0] =	sst s10  }
0x38: {  	s10 =	sld [smem:$0x3FB1]  }
0x39: {  	_ = 	snop;
	(pc) =	sbr.ind lr, $3  }
0x3a: {  	_ = 	snop  }
0x3b: {  	_ = 	snop  }
0x3c: {  	p2 =	seq.s32 s10, $0x1;
	s10 =	sld [smem:$0x3FB0]  }
0x3d: {  	_ =	shalt  }
0x3e: {  	_ =	shalt  }
0x3f: {  	_ =	shalt  }
0x40: {  	_ =	shalt  }
0x41: {  	_ =	shalt  }
0x42: {  	_ =	shalt  }
0x43: {  	_ =	shalt  }
0x44: {  	_ =	shalt  }
0x45: {  	_ =	shalt  }
0x46: {  	_ =	shalt  }
0x47: {  	_ =	shalt  }
0x48: {  	_ =	shalt  }
0x49: {  	_ =	shalt  }
0x4a: {  	_ =	shalt  }
0x4b: {  	_ =	shalt  }
0x4c: {  	_ =	shalt  }
0x4d: {  	_ =	shalt  }
0x4e: {  	_ =	shalt  }
0x4f: {  	_ =	shalt  }
0x50: {  	_ =	shalt  }
0x51: {  	_ =	shalt  }
0x52: {  	_ =	shalt  }
0x53: {  	_ =	shalt  }
0x54: {  	_ =	shalt  }
0x55: {  	_ =	shalt  }
0x56: {  	_ =	shalt  }
0x57: {  	_ =	shalt  }
0x58: {  	_ =	shalt  }
0x59: {  	_ =	shalt  }
0x5a: {  	_ =	shalt  }
0x5b: {  	_ =	shalt  }
0x5c: {  	_ =	shalt  }
0x5d: {  	_ =	shalt  }
0x5e: {  	_ =	shalt  }
0x5f: {  	_ =	shalt  }
0x60: {  	_ =	shalt  }
0x61: {  	_ =	shalt  }
0x62: {  	_ =	shalt  }
0x63: {  	_ =	shalt  }
0x64: {  	_ =	shalt  }
0x65: {  	_ =	shalt  }
0x66: {  	_ =	shalt  }
0x67: {  	_ =	shalt  }
0x68: {  	_ =	shalt  }
0x69: {  	_ =	shalt  }
0x6a: {  	_ =	shalt  }
0x6b: {  	_ =	shalt  }
0x6c: {  	_ =	shalt  }
0x6d: {  	_ =	shalt  }
0x6e: {  	_ =	shalt  }
0x6f: {  	_ =	shalt  }
0x70: {  	_ =	shalt  }
0x71: {  	_ =	shalt  }
0x72: {  	_ =	shalt  }
0x73: {  	_ =	shalt  }
0x74: {  	_ =	shalt  }
0x75: {  	_ =	shalt  }
0x76: {  	_ =	shalt  }
0x77: {  	_ =	shalt  }
0x78: {  	_ =	shalt  }
0x79: {  	_ =	shalt  }
0x7a: {  	_ =	shalt  }
0x7b: {  	_ =	shalt  }
0x7c: {  	_ =	shalt  }
0x7d: {  	_ =	shalt  }
0x7e: {  	_ =	shalt  }
0x7f: {  	_ =	shalt  }
0x80: {  	_ =	shalt  }
0x81: {  	_ =	shalt  }
0x82: {  	_ =	shalt  }
0x83: {  	_ =	shalt  }
0x84: {  	_ =	shalt  }
0x85: {  	_ =	shalt  }
0x86: {  	_ =	shalt  }
0x87: {  	_ =	shalt  }
.Lfunc_end0:
.L_simem_size_0:
called_computation.1_lowered:
.L_overlay_start_0:
0x88: {  	s2 =	sld [smem:$0x3FD9]  }
0x89: {  	s3 =	sld [smem:$0x3FFE];
	_ =	sdelay $0x1  }
0x8a: {  	s1 =	srdreg.scid  }
0x8b: {  	s0 =	sand.u32 $0x1, s1  }
0x8c: {  	s17 =	sshll.u32 s0, $0xA;
	s2 =	sadd.s32 s3, s2  }
0x8d: {  	s2 =	sadd.s32 s2, s17  }
0x8e: {  	[smem:$0x3FBC] =	sst s2  }
0x8f: {  	_ = 	snop  }
0x90: {  	s2 =	sld [smem:$0x3FD0];
	(tm) =	ssettm $0x1  }
0x91: {  	s18 =	sld [smem:$0x3FFB];
	_ =	sdelay $0x3  }
0x92: {  	_ =	strace s18  }
0x93: {  	s3 =	sld [smem:$0x3FFC];
	_ =	sdelay $0x3  }
0x94: {  	_ =	strace s3  }
0x95: {  	s3 =	sld [smem:$0x3FFD];
	_ =	sdelay $0x3  }
0x96: {  	_ =	strace s3  }
0x97: {  	_ =	strace $0x8FFFFFFF  }
0x98: {  	s19 =	sld [smem:$0x3FDB];
	_ =	sdelay $0x1  }
0x99: {  	s4 =	simm.s32 $_scs_section_size  }
0x9a: {  	s5 =	simm.s32 $_size__tile_overlayer_lowered;
	s6 =	simm.s32 $_tile_overlayer_lowered  }
0x9b: {  	s22 =	simm.s32 $0x1BFF;
	s21 =	sshll.u32 s6, $0x1;
	s3 =	sadd.s32 s4, s19  }
0x9c: {  	s7 =	simm.s32 $0x0;
	s20 =	sshll.u32 s5, $0x1;
	s5 =	sadd.s32 s21, s3  }
0x9d: {  	[timem:s7], [sflag:s22] =	dma.local [hbm:s5], s20  }
0x9e: {  	_ =	swait.ge [sflag:s22], s20  }
0x9f: {  	s4 =	ssub.s32 $0x0, s20;
	[sflag:s22] =	ssyncset.done $0x0  }
0xa0: {  	[sflag:s22] =	ssyncadd.s32 s4;
	_ =	sdelay $0x1  }
0xa1: {  	s23 =	simm.s32 $0x1B8B  }
0xa2: {  	_ =	swait.ge [sflag:s23], $0x1  }
0xa3: {  	[sflag:s23] =	ssyncset.done $0x0  }
0xa4: {  	s25 =	simm.s32 $0x1B8E;
	s24 =	sld [smem:$0x3FFE];
	[sflag:s23] =	ssyncadd.s32 $0xFFFFFFFF  }
0xa5: {  	s26 =	simm.s32 $execute0_lowered;
	[smem:$0x3FD2] =	sst s25  }
0xa6: {  	s5 =	sshll.u32 s26, $0x1;
	_ =	strace $0x80000049;
	[dreg:$0x1] =	wrdreg $0xFFFFFFFF  }
0xa7: {  	s28 =	simm.s32 $_size_execute0_lowered;
	s3 =	sadd.s32 s3, s5;
	[dreg:$0x0] =	wrdreg $0x0  }
0xa8: {  	s5 =	sshll.u32 s28, $0x1;
	[dreg:$0x2] =	wrdreg s3  }
0xa9: {  	[dreg:$0x3] =	wrdreg s5  }
0xaa: {  	[dreg:$0x4] =	wrdreg $0xC0  }
0xab: {  	_ =	task [dreg:s7], $0x5FFFF  }
0xac: {  	[dreg:$0x1] =	wrdreg $0xFFFFFFFF  }
0xad: {  	[dreg:$0x0] =	wrdreg $0x60  }
0xae: {  	[dreg:$0x2] =	wrdreg s24  }
0xaf: {  	[dreg:$0x3] =	wrdreg s2  }
0xb0: {  	[dreg:$0x4] =	wrdreg $0x0  }
0xb1: {  	[dreg:$0x5] =	wrdreg $0x138800  }
0xb2: {  	[dreg:$0x6] =	wrdreg $0x9  }
0xb3: {  	_ =	task.clear_ibuf [dreg:s7], $0x7FFFF;
	_ =	strace $0x90000049  }
0xb4: {  	s29 =	simm.s32 $0x9;
	_ =	strace $0x8000004B  }
0xb5: {  	_ =	swait.ge [sflag:s29], $0x1  }
0xb6: {  	[sflag:s29] =	ssyncadd.s32 $0xFFFFFFFF  }
0xb7: {  	_ =	strace $0x9000004B  }
0xb8: {  	_ =	sfence  }
0xb9: {  	s30 =	sld [smem:$0x0];
	_ =	sdelay $0x2  }
0xba: {  	s31 =	sshll.u32 s1, $0xD;
	s1 =	sshrl.u32 s1, $0x2  }
0xbb: {  	s3 =	sand.u32 $0x4000, s31;
	s1 =	sadd.s32 s1, s30  }
0xbc: {  	s0 =	sor.u32 s3, s0;
	s1 =	sshll.u32 s1, $0x11  }
0xbd: {  	s0 =	sor.u32 s1, s0  }
0xbe: {  	s0 =	sadd.s32 $0x8F2B, s0  }
0xbf: {  	[sflag:s0] =	ssyncadd.remote.s32 $0x1  }
0xc0: {  	_ =	sfence.sel $0xFFFF  }
0xc1: {  	[dreg:$0x0] =	wrdreg $0xFFFFFFFF;
	(pc) =	sbr.abs _section_cstart, $3  }
0xc2: {  	[dreg:$0x1] =	wrdreg $0xFFFFFFFF  }
0xc3: {  	_ =	task.clear_ibuf [dreg:s7], $0x2FFFF;
	_ =	strace $0x9FFFFFFF  }
0xc4: {  	(tm) =	ssettm $0x7FFFFFFF  }
0xc5: {  	_ =	shalt  }
tec
execute0_lowered:
.L_overlay_start_1:
0x0: {  	(tag) =	ssettag $0x1  }
0x1: {  	s0 =	rddreg [dreg:$0x0]  }
0x2: {  	s1 =	rddreg [dreg:$0x1]  }
0x3: {  	s2 =	rddreg [dreg:$0x2]  }
0x4: {  	s3 =	rddreg [dreg:$0x3];
	s4 =	simm.s32 $0x0;
	s5 =	srdreg.scid  }
0x5: {  	s8 =	stileid.u32;
	s28 =	simm.s32 $0x1;
	s29 =	simm.s32 $0x50  }
0x6: {  	s30 =	simm.s32 $0x13C00;
	s31 =	simm.s32 $0x2;
	s10 =	smul.u32 $0x4E000, s8  }
0x7: {  	[smem:$0x7FF] =	sst s4;
	s6 =	sand.u32 $0x1, s5;
	s13 =	smul.u32 $0x13800, s8  }
0x8: {  	s9 =	sadd.s32 $0x55DA00, s0;
	s5 =	sadd.s32 $0xC200, s0;
	s26 =	smul.u32 $0x2710, s8  }
0x9: {  	s11 =	sadd.s32 $0x16000, s0;
	s15 =	sshll.u32 s8, $0x6;
	s7 =	smul.u32 $0x500, s6  }
0xa: {  	s18 =	sadd.s32 $0x138000, s2;
	p0 =	sne.s32 s8, $0x0;
	s14 =	smul.u32 $0x27100, s6  }
0xb: {  	_ =	strace $0x8000004A;
	s12 =	ssub.s32 $0x2, s6;
	s20 =	smul.u32 $0x138800, s6  }
0xc: {  	[dreg:$0x6] =	wrdreg s18;
	s6 =	smul.u32 $0x271000, s6;
	s24 =	sshrl.u32 s12, $0x1  }
0xd: {  	s25 =	sshrl.u32 s10, $0x2;
	s17 =	sshrl.u32 s13, $0x3;
	s0 =	sadd.s32 s7, s0  }
0xe: {  	s12 =	ssub.s32 s12, s24;
	s16 =	sadd.s32 s25, s2;
	s7 =	sadd.s32 s1, s17  }
0xf: {  	s10 =	sadd.s32 s26, s14;
	s17 =	sadd.s32 $0x27000, s1;
	s13 =	sadd.s32 s13, s20  }
0x10: {  	s22 =	sshrl.u32 s20, $0x3;
	s24 =	smul.u32 $0x27100, s8;
	s25 =	sadd.s32 s6, s9  }
0x11: {  	s20 =	simm.s32 $0x3;
	[dreg:$0x5] =	wrdreg s7;
	s7 =	sor.u32 $0x1C03, s15  }
0x12: {  	s19 =	sshrl.u32 s10, $0x3;
	[dreg:$0x7] =	wrdreg s17;
	s21 =	sshll.u32 s10, $0x4  }
0x13: {  	s13 =	sshrl.u32 s13, $0x3;
	s26 =	sadd.s32 $0x50, s10;
	s15 =	smax.u32 s12, $0x1  }
0x14: {  	s10 =	sadd.s32 $0xA0, s10;
	s14 =	sadd.s32 s5, s19;
	s6 =	sshrl.u32 s26, $0x3  }
0x15: {  	s19 =	sshrl.u32 s16, $0x3;
	s26 =	simm.s32 $0x16500;
	[dreg:$0x8] =	wrdreg s14  }
0x16: {  	s14 =	sadd.s32 s9, s21;
	s18 =	sadd.s32 s6, s5;
	s21 =	simm.s32 $0x18D00  }
0x17: {  	v0 =	vlaneseq.u32;
	[dreg:$0x9] =	wrdreg s14;
	s14 =	sadd.s32 s11, s22;
	s11 =	sadd.s32 s11, s13  }
0x18: {  	v0 =	vmul.u32 $0x80, v0;
	s6 =	simm.s32 $0x0;
	s22 =	simm.s32 $0x1B500;
	[dreg:$0xa] =	wrdreg s11  }
0x19: {  	s23 =	sadd.s32 $0x27000, s14;
	s14 =	sadd.s32 $0x2400, s0;
	s0 =	sadd.s32 s24, s25  }
0x1a: {  	v1 =	vimm.f32 $1.000000000e+00;
	v6 =	vimm.f32 $0.0e+00;
	v2 =	vor.u32 $0x800, v0;
	s24 =	simm.s32 $0x13D00;
	s25 =	simm.s32 $0x13B80;
	[dreg:$0xb] =	wrdreg s23  }
0x1b: {  	v3 =	vor.u32 $0x1000, v0;
	v4 =	vor.u32 $0x1800, v0;
	v5 =	vor.u32 $0x2000, v0;
	s11 =	sadd.s32 $0xA00, s0;
	s23 =	simm.s32 $0x13B00;
	s0 =	simm.s32 $0x13C80  }
.LBB2_1:
0x1c: {  	s8 =	rddreg [dreg:$0x5]  }
0x1d: {  	[spmem:s19], [sflag:s7] =	dma.local [hbm:s8], $0x2700  }
0x1e: {  	_ =	swait.ge [sflag:s20], $0x2700  }
0x1f: {  	s12 =	simm.s32 @!p0 $0x3;
	[sflag:s20] =	ssyncset.done $0x0;
	s8 =	rddreg [dreg:$0x6]  }
0x20: {  	s9 =	rddreg [dreg:$0x7];
	[sflag:s20] =	ssyncadd.s32 $0xFFFFD900;
	s8 =	sshrl.u32 @!p0 s8, $0x3  }
0x21: {  	[spmem:s8], [sflag:s7] =	dma.local @!p0 [hbm:s9], $0x100  }
0x22: {  	_ =	swait.ge @!p0 [sflag:s12], $0x100  }
0x23: {  	[sflag:s12] =	ssyncset.done @!p0 $0x0  }
0x24: {  	s9 =	sshrl.u32 @!p0 s3, $0x3;
	[sflag:s12] =	ssyncadd.s32 @!p0 $0xFFFFFF00  }
0x25: {  	[spmem:s9], [sflag:s7] =	dma.local @!p0 [hbm:s1], $0x500  }
0x26: {  	_ =	swait.ge @!p0 [sflag:s12], $0x500  }
0x27: {  	[sflag:s12] =	ssyncset.done @!p0 $0x0  }
0x28: {  	[sflag:s12] =	ssyncadd.s32 @!p0 $0xFFFFFB00  }
0x29: {  	[tilespmem:s21], [sflag:$0x3] =	stream.linear.gather [hbm4b:s1+s4], $0x2800, $0x38;
	[tilespmem:$0x1DD00] =	vst v63  }
0x2a: {  	_ =	swait.ge [sflag:s20], $0x2800  }
0x2b: {  	[sflag:s20] =	ssyncset.done $0x0  }
0x2c: {  	[sflag:s20] =	ssyncadd.s32 $0xFFFFD800  }
0x2d: {  	[tilespmem:s22], [sflag:$0x3] =	stream.linear.gather [hbm4b:s1+s4], $0x2800, $0x38;
	[tilespmem:$0x1DD00] =	vst v63  }
0x2e: {  	_ =	swait.ge [sflag:s20], $0x2800  }
0x2f: {  	[sflag:s20] =	ssyncset.done $0x0  }
0x30: {  	[sflag:s20] =	ssyncadd.s32 $0xFFFFD800  }
0x31: {  	[bflag:$0x0] =	sbarrier.arrive $0xFFFF  }
0x32: {  	s16 =	rddreg [dreg:$0x8]  }
0x33: {  	[tilespmem:s23], [sflag:$0x1] =	stream.linear.gather [hbm4b:s16+s4], $0x50, $0x38;
	[tilespmem:$0x1DD00] =	vst v63  }
0x34: {  	s17 =	rddreg [dreg:$0x9]  }
0x35: {  	[tilespmem:s24], [sflag:$0x1] =	stream.linear.gather [hbm4b:s17+s4], $0x2800, $0x38;
	[tilespmem:$0x1DD00] =	vst v63  }
0x36: {  	s12 =	simm.s32 $0x0;
	s16 =	smov.u32 s11;
	s17 =	smov.u32 s10  }
.LBB2_2:
0x37: {  	s13 =	sadd.s32 s12, s18  }
0x38: {  	[tilespmem:s25], [sflag:$0x2] =	stream.linear.gather [hbm4b:s13+s4], $0x50, $0x38;
	[tilespmem:$0x1DD00] =	vst v63  }
0x39: {  	s13 =	sadd.s32 $0xFFFFFB00, s16  }
0x3a: {  	[tilespmem:s26], [sflag:$0x2] =	stream.linear.gather [hbm4b:s13+s4], $0x2800, $0x38;
	[tilespmem:$0x1DD00] =	vst v63  }
0x3b: {  	_ =	swait.ge [sflag:s28], $0x50  }
0x3c: {  	[sflag:s28] =	ssyncset.done $0x0  }
0x3d: {  	[sflag:s28] =	ssyncadd.s32 $0xFFFFFFB0  }
0x3e: {  	_ =	swait.ge [sflag:s28], $0x2800  }
0x3f: {  	[sflag:s28] =	ssyncset.done $0x0  }
0x40: {  	[sflag:s28] =	ssyncadd.s32 $0xFFFFD800  }
0x41: {  	[spmem:s2] =	stream.indirect.scatter.add.f32 [tilespmem:s24], [sflag:$0x3], $0x80, s23, s29, $0xb8;
	[tilespmem:$0x1DD00] =	vst v63  }
0x42: {  	_ =	swait.ge [sflag:s20], $0x2800  }
0x43: {  	[sflag:s20] =	ssyncset.done $0x0  }
0x44: {  	[sflag:s20] =	ssyncadd.s32 $0xFFFFD800  }
0x45: {  	v7 =	vld [tilespmem:$0x13B00];
	_ =	sdelay $0x4  }
0x46: {  	v8 =	vand.u32 $0x7F, v7  }
0x47: {  	v8 =	vor.u32 v0, v8;
	_ =	sdelay $0x4  }
0x48: {  	[tilespmem:v8+s21+$0x0] =	vst.idx.msk $0xffff, v1  }
0x49: {  	v8 =	vld [tilespmem:$0x13B10];
	_ =	sdelay $0x4  }
0x4a: {  	v9 =	vand.u32 $0x7F, v8  }
0x4b: {  	v9 =	vor.u32 v2, v9;
	_ =	sdelay $0x2  }
0x4c: {  	v7 =	vshrl.u32 v7, $0x7  }
0x4d: {  	[tilespmem:$0x13C00] =	vst v7  }
0x4e: {  	[tilespmem:v9+s21+$0x0] =	vst.idx.msk $0xffff, v1  }
0x4f: {  	v7 =	vld [tilespmem:$0x13B20];
	_ =	sdelay $0x4  }
0x50: {  	v57 =	vand.u32 $0x7F, v7  }
0x51: {  	v9 =	vor.u32 v3, v57;
	_ =	sdelay $0x2  }
0x52: {  	v8 =	vshrl.u32 v8, $0x7  }
0x53: {  	[tilespmem:$0x13C10] =	vst v8  }
0x54: {  	[tilespmem:v9+s21+$0x0] =	vst.idx.msk $0xffff, v1  }
0x55: {  	v8 =	vld [tilespmem:$0x13B30];
	_ =	sdelay $0x4  }
0x56: {  	v58 =	vand.u32 $0x7F, v8  }
0x57: {  	v9 =	vor.u32 v4, v58;
	_ =	sdelay $0x2  }
0x58: {  	v7 =	vshrl.u32 v7, $0x7  }
0x59: {  	[tilespmem:$0x13C20] =	vst v7  }
0x5a: {  	[tilespmem:v9+s21+$0x0] =	vst.idx.msk $0xffff, v1  }
0x5b: {  	v7 =	vld [tilespmem:$0x13B40];
	_ =	sdelay $0x4  }
0x5c: {  	v59 =	vand.u32 $0x7F, v7  }
0x5d: {  	v9 =	vor.u32 v5, v59;
	_ =	sdelay $0x2  }
0x5e: {  	v8 =	vshrl.u32 v8, $0x7  }
0x5f: {  	[tilespmem:$0x13C30] =	vst v8  }
0x60: {  	v7 =	vshrl.u32 v7, $0x7;
	[tilespmem:v9+s21+$0x0] =	vst.idx.msk $0xffff, v1  }
0x61: {  	[tilespmem:$0x13C40] =	vst v7  }
0x62: {  	[spmem:s3] =	stream.indirect.scatter.add.f32 [tilespmem:s21], [sflag:$0x3], $0x80, s30, s29, $0xb8;
	[tilespmem:$0x1DD00] =	vst v63  }
0x63: {  	_ =	swait.ge [sflag:s20], $0x2800  }
0x64: {  	[sflag:s20] =	ssyncset.done $0x0  }
0x65: {  	[sflag:s20] =	ssyncadd.s32 $0xFFFFD800  }
0x66: {  	v7 =	vld [tilespmem:$0x13B00];
	_ =	sdelay $0x4  }
0x67: {  	v7 =	vand.u32 $0x7F, v7  }
0x68: {  	v7 =	vor.u32 v0, v7;
	_ =	sdelay $0x4  }
0x69: {  	[tilespmem:v7+s21+$0x0] =	vst.idx.msk $0xffff, v6  }
0x6a: {  	v7 =	vld [tilespmem:$0x13B10];
	_ =	sdelay $0x4  }
0x6b: {  	v7 =	vand.u32 $0x7F, v7  }
0x6c: {  	v7 =	vor.u32 v2, v7;
	_ =	sdelay $0x4  }
0x6d: {  	[tilespmem:v7+s21+$0x0] =	vst.idx.msk $0xffff, v6  }
0x6e: {  	v7 =	vld [tilespmem:$0x13B20];
	_ =	sdelay $0x4  }
0x6f: {  	v7 =	vand.u32 $0x7F, v7  }
0x70: {  	v7 =	vor.u32 v3, v7;
	_ =	sdelay $0x4  }
0x71: {  	[tilespmem:v7+s21+$0x0] =	vst.idx.msk $0xffff, v6  }
0x72: {  	v7 =	vld [tilespmem:$0x13B30];
	_ =	sdelay $0x4  }
0x73: {  	v7 =	vand.u32 $0x7F, v7  }
0x74: {  	v7 =	vor.u32 v4, v7;
	_ =	sdelay $0x4  }
0x75: {  	[tilespmem:v7+s21+$0x0] =	vst.idx.msk $0xffff, v6  }
0x76: {  	v7 =	vld [tilespmem:$0x13B40];
	_ =	sdelay $0x4  }
0x77: {  	v7 =	vand.u32 $0x7F, v7  }
0x78: {  	v7 =	vor.u32 v5, v7;
	_ =	sdelay $0x3  }
0x79: {  	s13 =	sshrl.u32 s17, $0x3  }
0x7a: {  	s13 =	sadd.s32 s5, s13;
	[tilespmem:v7+s21+$0x0] =	vst.idx.msk $0xffff, v6  }
0x7b: {  	[tilespmem:s23], [sflag:$0x1] =	stream.linear.gather [hbm4b:s13+s4], $0x50, $0x38;
	[tilespmem:$0x1DD00] =	vst v63  }
0x7c: {  	_ = 	snop  }
0x7d: {  	[tilespmem:s24], [sflag:$0x1] =	stream.linear.gather [hbm4b:s16+s4], $0x2800, $0x38;
	[tilespmem:$0x1DD00] =	vst v63  }
0x7e: {  	_ =	swait.ge [sflag:s31], $0x50  }
0x7f: {  	[sflag:s31] =	ssyncset.done $0x0  }
0x80: {  	[sflag:s31] =	ssyncadd.s32 $0xFFFFFFB0  }
0x81: {  	_ =	swait.ge [sflag:s31], $0x2800  }
0x82: {  	[sflag:s31] =	ssyncset.done $0x0  }
0x83: {  	[sflag:s31] =	ssyncadd.s32 $0xFFFFD800  }
0x84: {  	[spmem:s2] =	stream.indirect.scatter.add.f32 [tilespmem:s26], [sflag:$0x3], $0x80, s25, s29, $0xb8;
	[tilespmem:$0x1DD00] =	vst v63  }
0x85: {  	_ =	swait.ge [sflag:s20], $0x2800  }
0x86: {  	[sflag:s20] =	ssyncset.done $0x0  }
0x87: {  	[sflag:s20] =	ssyncadd.s32 $0xFFFFD800  }
0x88: {  	v7 =	vld [tilespmem:$0x13B80];
	_ =	sdelay $0x4  }
0x89: {  	v8 =	vand.u32 $0x7F, v7  }
0x8a: {  	v8 =	vor.u32 v0, v8;
	_ =	sdelay $0x4  }
0x8b: {  	[tilespmem:v8+s22+$0x0] =	vst.idx.msk $0xffff, v1  }
0x8c: {  	v8 =	vld [tilespmem:$0x13B90];
	_ =	sdelay $0x4  }
0x8d: {  	v60 =	vand.u32 $0x7F, v8  }
0x8e: {  	v9 =	vor.u32 v2, v60;
	_ =	sdelay $0x2  }
0x8f: {  	v7 =	vshrl.u32 v7, $0x7  }
0x90: {  	[tilespmem:$0x13C80] =	vst v7  }
0x91: {  	[tilespmem:v9+s22+$0x0] =	vst.idx.msk $0xffff, v1  }
0x92: {  	v7 =	vld [tilespmem:$0x13BA0];
	_ =	sdelay $0x4  }
0x93: {  	v61 =	vand.u32 $0x7F, v7  }
0x94: {  	v9 =	vor.u32 v3, v61;
	_ =	sdelay $0x2  }
0x95: {  	v8 =	vshrl.u32 v8, $0x7  }
0x96: {  	[tilespmem:$0x13C90] =	vst v8  }
0x97: {  	[tilespmem:v9+s22+$0x0] =	vst.idx.msk $0xffff, v1  }
0x98: {  	v8 =	vld [tilespmem:$0x13BB0];
	_ =	sdelay $0x4  }
0x99: {  	v62 =	vand.u32 $0x7F, v8  }
0x9a: {  	v9 =	vor.u32 v4, v62;
	_ =	sdelay $0x2  }
0x9b: {  	v7 =	vshrl.u32 v7, $0x7  }
0x9c: {  	[tilespmem:$0x13CA0] =	vst v7  }
0x9d: {  	[tilespmem:v9+s22+$0x0] =	vst.idx.msk $0xffff, v1  }
0x9e: {  	v7 =	vld [tilespmem:$0x13BC0];
	_ =	sdelay $0x4  }
0x9f: {  	v63 =	vand.u32 $0x7F, v7  }
0xa0: {  	v9 =	vor.u32 v5, v63;
	_ =	sdelay $0x2  }
0xa1: {  	v8 =	vshrl.u32 v8, $0x7  }
0xa2: {  	[tilespmem:$0x13CB0] =	vst v8  }
0xa3: {  	v7 =	vshrl.u32 v7, $0x7;
	[tilespmem:v9+s22+$0x0] =	vst.idx.msk $0xffff, v1  }
0xa4: {  	[tilespmem:$0x13CC0] =	vst v7  }
0xa5: {  	[spmem:s3] =	stream.indirect.scatter.add.f32 [tilespmem:s22], [sflag:$0x3], $0x80, s0, s29, $0xb8;
	[tilespmem:$0x1DD00] =	vst v63  }
0xa6: {  	_ =	swait.ge [sflag:s20], $0x2800  }
0xa7: {  	[sflag:s20] =	ssyncset.done $0x0  }
0xa8: {  	[sflag:s20] =	ssyncadd.s32 $0xFFFFD800  }
0xa9: {  	v7 =	vld [tilespmem:$0x13B80];
	_ =	sdelay $0x4  }
0xaa: {  	v7 =	vand.u32 $0x7F, v7  }
0xab: {  	v7 =	vor.u32 v0, v7;
	_ =	sdelay $0x4  }
0xac: {  	[tilespmem:v7+s22+$0x0] =	vst.idx.msk $0xffff, v6  }
0xad: {  	v7 =	vld [tilespmem:$0x13B90];
	_ =	sdelay $0x4  }
0xae: {  	v7 =	vand.u32 $0x7F, v7  }
0xaf: {  	v7 =	vor.u32 v2, v7;
	_ =	sdelay $0x4  }
0xb0: {  	[tilespmem:v7+s22+$0x0] =	vst.idx.msk $0xffff, v6  }
0xb1: {  	v7 =	vld [tilespmem:$0x13BA0];
	_ =	sdelay $0x4  }
0xb2: {  	v7 =	vand.u32 $0x7F, v7  }
0xb3: {  	v7 =	vor.u32 v3, v7;
	_ =	sdelay $0x4  }
0xb4: {  	[tilespmem:v7+s22+$0x0] =	vst.idx.msk $0xffff, v6  }
0xb5: {  	v7 =	vld [tilespmem:$0x13BB0];
	_ =	sdelay $0x4  }
0xb6: {  	v7 =	vand.u32 $0x7F, v7  }
0xb7: {  	v7 =	vor.u32 v4, v7;
	_ =	sdelay $0x4  }
0xb8: {  	[tilespmem:v7+s22+$0x0] =	vst.idx.msk $0xffff, v6  }
0xb9: {  	v7 =	vld [tilespmem:$0x13BC0];
	_ =	sdelay $0x4  }
0xba: {  	v7 =	vand.u32 $0x7F, v7  }
0xbb: {  	p1 =	sne.s32 s12, $0x4C4;
	v7 =	vor.u32 v5, v7  }
.Ltmp0:
0xbc: {  	_ = 	snop;
	(pc) =	sbr.rel @p1 .LBB2_2-.Ltmp0, $2  }
0xbd: {  	_ =	sdelay $0x2  }
0xbe: {  	s12 =	sadd.s32 $0x14, s12;
	s17 =	sadd.s32 $0xA0, s17;
	s16 =	sadd.s32 $0xA00, s16;
	[tilespmem:v7+s22+$0x0] =	vst.idx.msk $0xffff, v6  }
0xbf: {  	_ =	swait.ge [sflag:s28], $0x50  }
0xc0: {  	[sflag:s28] =	ssyncset.done $0x0  }
0xc1: {  	[sflag:s28] =	ssyncadd.s32 $0xFFFFFFB0  }
0xc2: {  	_ =	swait.ge [sflag:s28], $0x2800  }
0xc3: {  	[sflag:s28] =	ssyncset.done $0x0  }
0xc4: {  	[sflag:s28] =	ssyncadd.s32 $0xFFFFD800  }
0xc5: {  	[spmem:s2] =	stream.indirect.scatter.add.f32 [tilespmem:s24], [sflag:$0x3], $0x80, s23, s29, $0xb8;
	[tilespmem:$0x1DD00] =	vst v63  }
0xc6: {  	_ =	swait.ge [sflag:s20], $0x2800  }
0xc7: {  	[sflag:s20] =	ssyncset.done $0x0  }
0xc8: {  	[sflag:s20] =	ssyncadd.s32 $0xFFFFD800  }
0xc9: {  	v7 =	vld [tilespmem:$0x13B00];
	_ =	sdelay $0x4  }
0xca: {  	v8 =	vand.u32 $0x7F, v7  }
0xcb: {  	v8 =	vor.u32 v0, v8;
	_ =	sdelay $0x4  }
0xcc: {  	[tilespmem:v8+s21+$0x0] =	vst.idx.msk $0xffff, v1  }
0xcd: {  	v8 =	vld [tilespmem:$0x13B10];
	_ =	sdelay $0x4  }
0xce: {  	v9 =	vand.u32 $0x7F, v8  }
0xcf: {  	v9 =	vor.u32 v2, v9;
	_ =	sdelay $0x2  }
0xd0: {  	v7 =	vshrl.u32 v7, $0x7  }
0xd1: {  	[tilespmem:$0x13C00] =	vst v7  }
0xd2: {  	[tilespmem:v9+s21+$0x0] =	vst.idx.msk $0xffff, v1  }
0xd3: {  	v7 =	vld [tilespmem:$0x13B20];
	_ =	sdelay $0x4  }
0xd4: {  	v61 =	vand.u32 $0x7F, v7  }
0xd5: {  	v9 =	vor.u32 v3, v61;
	_ =	sdelay $0x2  }
0xd6: {  	v8 =	vshrl.u32 v8, $0x7  }
0xd7: {  	[tilespmem:$0x13C10] =	vst v8  }
0xd8: {  	[tilespmem:v9+s21+$0x0] =	vst.idx.msk $0xffff, v1  }
0xd9: {  	v8 =	vld [tilespmem:$0x13B30];
	_ =	sdelay $0x4  }
0xda: {  	v62 =	vand.u32 $0x7F, v8  }
0xdb: {  	v9 =	vor.u32 v4, v62;
	_ =	sdelay $0x2  }
0xdc: {  	v7 =	vshrl.u32 v7, $0x7  }
0xdd: {  	[tilespmem:$0x13C20] =	vst v7  }
0xde: {  	[tilespmem:v9+s21+$0x0] =	vst.idx.msk $0xffff, v1  }
0xdf: {  	v7 =	vld [tilespmem:$0x13B40];
	_ =	sdelay $0x4  }
0xe0: {  	v63 =	vand.u32 $0x7F, v7  }
0xe1: {  	v9 =	vor.u32 v5, v63;
	_ =	sdelay $0x2  }
0xe2: {  	v8 =	vshrl.u32 v8, $0x7  }
0xe3: {  	[tilespmem:$0x13C30] =	vst v8  }
0xe4: {  	v7 =	vshrl.u32 v7, $0x7;
	[tilespmem:v9+s21+$0x0] =	vst.idx.msk $0xffff, v1  }
0xe5: {  	[tilespmem:$0x13C40] =	vst v7  }
0xe6: {  	[spmem:s3] =	stream.indirect.scatter.add.f32 [tilespmem:s21], [sflag:$0x3], $0x80, s30, s29, $0xb8;
	[tilespmem:$0x1DD00] =	vst v63  }
0xe7: {  	_ =	swait.ge [sflag:s20], $0x2800  }
0xe8: {  	[sflag:s20] =	ssyncset.done $0x0  }
0xe9: {  	[sflag:s20] =	ssyncadd.s32 $0xFFFFD800  }
0xea: {  	v7 =	vld [tilespmem:$0x13B00];
	_ =	sdelay $0x4  }
0xeb: {  	v7 =	vand.u32 $0x7F, v7  }
0xec: {  	v7 =	vor.u32 v0, v7;
	_ =	sdelay $0x4  }
0xed: {  	[tilespmem:v7+s21+$0x0] =	vst.idx.msk $0xffff, v6  }
0xee: {  	v7 =	vld [tilespmem:$0x13B10];
	_ =	sdelay $0x4  }
0xef: {  	v7 =	vand.u32 $0x7F, v7  }
0xf0: {  	v7 =	vor.u32 v2, v7;
	_ =	sdelay $0x4  }
0xf1: {  	[tilespmem:v7+s21+$0x0] =	vst.idx.msk $0xffff, v6  }
0xf2: {  	v7 =	vld [tilespmem:$0x13B20];
	_ =	sdelay $0x4  }
0xf3: {  	v7 =	vand.u32 $0x7F, v7  }
0xf4: {  	v7 =	vor.u32 v3, v7;
	_ =	sdelay $0x4  }
0xf5: {  	[tilespmem:v7+s21+$0x0] =	vst.idx.msk $0xffff, v6  }
0xf6: {  	v7 =	vld [tilespmem:$0x13B30];
	_ =	sdelay $0x4  }
0xf7: {  	v7 =	vand.u32 $0x7F, v7  }
0xf8: {  	v7 =	vor.u32 v4, v7;
	_ =	sdelay $0x4  }
0xf9: {  	[tilespmem:v7+s21+$0x0] =	vst.idx.msk $0xffff, v6  }
0xfa: {  	v7 =	vld [tilespmem:$0x13B40];
	_ =	sdelay $0x4  }
0xfb: {  	v7 =	vand.u32 $0x7F, v7  }
0xfc: {  	v7 =	vor.u32 v5, v7;
	_ =	sdelay $0x4  }
0xfd: {  	[tilespmem:v7+s21+$0x0] =	vst.idx.msk $0xffff, v6  }
0xfe: {  	[bflag:$0x0] =	sbarrier.arrive $0xFFFF  }
0xff: {  	s12 =	rddreg [dreg:$0xa]  }
0x100: {  	[hbm:s12], [sflag:s7] =	dma.local [spmem:s19], $0x2700  }
0x101: {  	_ =	swait.ge [sflag:s20], $0x2700  }
0x102: {  	[sflag:s20] =	ssyncset.done $0x0  }
0x103: {  	s12 =	rddreg [dreg:$0xb];
	[sflag:s20] =	ssyncadd.s32 $0xFFFFD900  }
0x104: {  	[hbm:s12], [sflag:s7] =	dma.local @!p0 [spmem:s8], $0x100  }
0x105: {  	s8 =	simm.s32 @!p0 $0x3  }
0x106: {  	s6 =	sadd.s32 $0x1, s6;
	_ =	swait.ge @!p0 [sflag:s8], $0x100  }
0x107: {  	p1 =	sne.s32 s6, s15;
	[sflag:s8] =	ssyncset.done @!p0 $0x0  }
.Ltmp1:
0x108: {  	[sflag:s8] =	ssyncadd.s32 @!p0 $0xFFFFFF00;
	(pc) =	sbr.rel @p1 .LBB2_1-.Ltmp1, $4  }
0x109: {  	[hbm:s14], [sflag:s7] =	dma.local @!p0 [spmem:s9], $0x500  }
0x10a: {  	_ =	swait.ge @!p0 [sflag:s8], $0x500  }
0x10b: {  	[sflag:s8] =	ssyncset.done @!p0 $0x0  }
0x10c: {  	[sflag:s8] =	ssyncadd.s32 @!p0 $0xFFFFFB00  }
0x10d: {  	_ =	sfence.sel $0x180000  }
0x10e: {  	[bflag:$0x0] =	sbarrier.arrive $0xFFFF  }
0x10f: {  	_ =	strace $0x9000004A  }
0x110: {  	[bflag:$0x2] =	sbarrier.arrive $0xFFFF  }
0x111: {  	s0 =	rddreg [dreg:$0x4]  }
0x112: {  	s0 =	sadd.s32 @!p0 $0x100000, s0  }
0x113: {  	[sflag:s0] =	ssyncadd.tile.s32 @!p0 $0x1;
	_ =	shalt  }
.Lfunc_end2:
_tile_overlayer_lowered:
.L_overlay_start_2:
0x114: {  	(tag) =	ssettag $0x2  }
0x115: {  	s0 =	rddreg [dreg:$0x0];
	s2 =	stileid.u32  }
0x116: {  	s1 =	rddreg [dreg:$0x1];
	p0 =	sne.s32 s2, $0x0  }
0x117: {  	s3 =	rddreg [dreg:$0x2];
	[bflag:$0x3] =	sbarrier.arrive $0xFFFF;
	s2 =	simm.s32 @!p0 $0x1C03  }
0x118: {  	[timem:s3], [sflag:s2] =	dma.local @!p0 [hbm:s0], s1  }
0x119: {  	s0 =	simm.s32 @!p0 $0x3  }
0x11a: {  	_ =	swait.ge @!p0 [sflag:s0], s1  }
0x11b: {  	s1 =	ssub.s32 @!p0 $0x0, s1;
	[sflag:s0] =	ssyncset.done @!p0 $0x0  }
0x11c: {  	[sflag:s0] =	ssyncadd.s32 @!p0 s1  }
0x11d: {  	[bflag:$0x3] =	sbarrier.arrive $0xFFFF  }
0x11e: {  	_ =	shalt  }

// kernel: kernel.7.cloned.1.call-start
scs
__scs_entry_jumppad:
0x0: {  	(pc) =	sbr.rel $0x88, $3  }
0x1: {  	(tag) =	ssettag $0x0;
	lr =	simm.s32 $0x1  }
0x2: {  	[smem:$0x3F95] =	sst lr;
	_ =	strace $0xD0000000  }
0x3: {  	_ = 	snop  }
0x4: {  	_ = 	snop  }
0x5: {  	_ = 	snop  }
0x6: {  	_ = 	snop  }
0x7: {  	_ = 	snop  }
__scs_overlays_trampoline_lowered:
0x8: {  	[smem:$0x3FA4] =	sst s0  }
0x9: {  	[smem:$0x3FA5] =	sst s1  }
0xa: {  	[smem:$0x3FA6] =	sst s2  }
0xb: {  	[smem:$0x3FA7] =	sst s3  }
0xc: {  	[smem:$0x3FA8] =	sst s4  }
0xd: {  	[smem:$0x3FA9] =	sst s5  }
0xe: {  	[smem:$0x3FAA] =	sst s6  }
0xf: {  	[smem:$0x3FAB] =	sst s7  }
0x10: {  	[smem:$0x3FAC] =	sst s8  }
0x11: {  	[smem:$0x3FAD] =	sst s9;
	s0 =	simm.s32 @!p0 $0x0  }
0x12: {  	s1 =	sld [smem:$0x3F93];
	s0 =	simm.s32 @p0 $0x1  }
0x13: {  	[smem:$0x3FAE] =	sst s0;
	s0 =	simm.s32 @!p1 $0x0  }
0x14: {  	s2 =	sld [smem:$0x3F92];
	s0 =	simm.s32 @p1 $0x1  }
0x15: {  	[smem:$0x3FAF] =	sst s0;
	s0 =	simm.s32 @!p2 $0x0  }
0x16: {  	s3 =	sld [smem:$0x3FDB];
	s0 =	simm.s32 @p2 $0x1  }
0x17: {  	s4 =	simm.s32 $0x1BF5;
	[smem:$0x3FB1] =	sst s0  }
0x18: {  	s0 =	sld [smem:$0x3F94];
	_ =	swait.ge [sflag:s4], $0x0  }
0x19: {  	s7 =	sld [smem:$0x3F95]  }
0x1a: {  	s8 =	sadd.s32 $0xFFFFE003, lr  }
0x1b: {  	s9 =	sadd.s32 $0xFFFFFEF7, lr;
	s5 =	simm.s32 $0xFFFFFFFF;
	p2 =	slt.u32 s8, $0xFFFFF086  }
0x1c: {  	p1 =	slt.u32 s9, $0xF7A;
	s5 =	simm.s32 @!p2 $0x0  }
0x1d: {  	s5 =	simm.s32 @p1 $0x1;
	p0 =	seq.s32 s7, s2  }
0x1e: {  	s7 =	smul.u32 @!p0 $0xF7A, s2;
	p2 =	seq.s32 @!p0 s5, $0x0  }
0x1f: {  	s9 =	smul.u32 $0xF7A, s1;
	s8 =	simm.s32 @!p0 $0x1BF5;
	p2 =	por !p2, p0  }
0x20: {  	[sflag:s8] =	ssyncset.s32 @!p0 $0xFFFFF086;
	s6 =	sadd.s32 @!p0 s3, s7;
	s7 =	simm.s32 @!p0 $0x108  }
0x21: {  	s3 =	sadd.s32 s3, s9;
	s6 =	sadd.s32 @!p0 $0x88, s6;
	s7 =	simm.s32 @p2 $0x1082  }
0x22: {  	[simem:s7], [sflag:s8] =	dma.local @!p0 [hbm:s6], $0xF7A  }
0x23: {  	s9 =	sor.u32 $0xD0000000, s2;
	s6 =	simm.s32 $0x108;
	_ =	swait.ge @!p0 [sflag:s8], $0x0  }
0x24: {  	s3 =	sadd.s32 $0x88, s3;
	s6 =	simm.s32 @!p1 $0x1082;
	[sflag:s4] =	ssyncset.s32 $0xFFFFF086  }
0x25: {  	[simem:s6], [sflag:s4] =	dma.local [hbm:s3], $0xF7A  }
0x26: {  	[smem:$0x3F95] =	sst s1;
	(tag) =	ssettag s2;
	_ =	strace s9  }
0x27: {  	s1 =	sld [smem:$0x3FA5]  }
0x28: {  	s2 =	sld [smem:$0x3FA6]  }
0x29: {  	s4 =	sld [smem:$0x3FA8]  }
0x2a: {  	p0 =	seq.s32 s5, $0x0;
	s5 =	sld [smem:$0x3FA9]  }
0x2b: {  	s6 =	sld [smem:$0x3FAA]  }
0x2c: {  	s7 =	sld [smem:$0x3FAB]  }
0x2d: {  	s3 =	simm.s32 $0x108;
	s8 =	sld [smem:$0x3FAC]  }
0x2e: {  	s3 =	simm.s32 @!p0 $0x1082;
	s9 =	sld [smem:$0x3FAD]  }
0x2f: {  	lr =	sadd.s32 s0, s3;
	s0 =	sld [smem:$0x3FA4]  }
0x30: {  	s3 =	sld [smem:$0x3FA7]  }
0x31: {  	[smem:$0x3FB0] =	sst s10  }
0x32: {  	s10 =	sld [smem:$0x3FAE];
	_ =	sdelay $0x3  }
0x33: {  	p0 =	seq.s32 s10, $0x1;
	s10 =	sld [smem:$0x3FB0];
	_ =	sdelay $0x3  }
0x34: {  	[smem:$0x3FB0] =	sst s10  }
0x35: {  	s10 =	sld [smem:$0x3FAF];
	_ =	sdelay $0x3  }
0x36: {  	p1 =	seq.s32 s10, $0x1;
	s10 =	sld [smem:$0x3FB0];
	_ =	sdelay $0x3  }
0x37: {  	[smem:$0x3FB0] =	sst s10  }
0x38: {  	s10 =	sld [smem:$0x3FB1]  }
0x39: {  	_ = 	snop;
	(pc) =	sbr.ind lr, $3  }
0x3a: {  	_ = 	snop  }
0x3b: {  	_ = 	snop  }
0x3c: {  	p2 =	seq.s32 s10, $0x1;
	s10 =	sld [smem:$0x3FB0]  }
0x3d: {  	_ =	shalt  }
0x3e: {  	_ =	shalt  }
0x3f: {  	_ =	shalt  }
0x40: {  	_ =	shalt  }
0x41: {  	_ =	shalt  }
0x42: {  	_ =	shalt  }
0x43: {  	_ =	shalt  }
0x44: {  	_ =	shalt  }
0x45: {  	_ =	shalt  }
0x46: {  	_ =	shalt  }
0x47: {  	_ =	shalt  }
0x48: {  	_ =	shalt  }
0x49: {  	_ =	shalt  }
0x4a: {  	_ =	shalt  }
0x4b: {  	_ =	shalt  }
0x4c: {  	_ =	shalt  }
0x4d: {  	_ =	shalt  }
0x4e: {  	_ =	shalt  }
0x4f: {  	_ =	shalt  }
0x50: {  	_ =	shalt  }
0x51: {  	_ =	shalt  }
0x52: {  	_ =	shalt  }
0x53: {  	_ =	shalt  }
0x54: {  	_ =	shalt  }
0x55: {  	_ =	shalt  }
0x56: {  	_ =	shalt  }
0x57: {  	_ =	shalt  }
0x58: {  	_ =	shalt  }
0x59: {  	_ =	shalt  }
0x5a: {  	_ =	shalt  }
0x5b: {  	_ =	shalt  }
0x5c: {  	_ =	shalt  }
0x5d: {  	_ =	shalt  }
0x5e: {  	_ =	shalt  }
0x5f: {  	_ =	shalt  }
0x60: {  	_ =	shalt  }
0x61: {  	_ =	shalt  }
0x62: {  	_ =	shalt  }
0x63: {  	_ =	shalt  }
0x64: {  	_ =	shalt  }
0x65: {  	_ =	shalt  }
0x66: {  	_ =	shalt  }
0x67: {  	_ =	shalt  }
0x68: {  	_ =	shalt  }
0x69: {  	_ =	shalt  }
0x6a: {  	_ =	shalt  }
0x6b: {  	_ =	shalt  }
0x6c: {  	_ =	shalt  }
0x6d: {  	_ =	shalt  }
0x6e: {  	_ =	shalt  }
0x6f: {  	_ =	shalt  }
0x70: {  	_ =	shalt  }
0x71: {  	_ =	shalt  }
0x72: {  	_ =	shalt  }
0x73: {  	_ =	shalt  }
0x74: {  	_ =	shalt  }
0x75: {  	_ =	shalt  }
0x76: {  	_ =	shalt  }
0x77: {  	_ =	shalt  }
0x78: {  	_ =	shalt  }
0x79: {  	_ =	shalt  }
0x7a: {  	_ =	shalt  }
0x7b: {  	_ =	shalt  }
0x7c: {  	_ =	shalt  }
0x7d: {  	_ =	shalt  }
0x7e: {  	_ =	shalt  }
0x7f: {  	_ =	shalt  }
0x80: {  	_ =	shalt  }
0x81: {  	_ =	shalt  }
0x82: {  	_ =	shalt  }
0x83: {  	_ =	shalt  }
0x84: {  	_ =	shalt  }
0x85: {  	_ =	shalt  }
0x86: {  	_ =	shalt  }
0x87: {  	_ =	shalt  }
.Lfunc_end0:
.L_simem_size_0:
called_computation_lowered:
.L_overlay_start_0:
0x88: {  	s2 =	sld [smem:$0x3FD9]  }
0x89: {  	s3 =	sld [smem:$0x3FFE];
	_ =	sdelay $0x1  }
0x8a: {  	s1 =	srdreg.scid  }
0x8b: {  	s0 =	sand.u32 $0x1, s1  }
0x8c: {  	s17 =	sshll.u32 s0, $0xA;
	s2 =	sadd.s32 s3, s2  }
0x8d: {  	s2 =	sadd.s32 s2, s17  }
0x8e: {  	[smem:$0x3FBC] =	sst s2  }
0x8f: {  	_ = 	snop  }
0x90: {  	s2 =	sld [smem:$0x3FC6]  }
0x91: {  	s18 =	sld [smem:$0x3FD0];
	(tm) =	ssettm $0x1  }
0x92: {  	s4 =	sld [smem:$0x3FFB];
	_ =	sdelay $0x3  }
0x93: {  	_ =	strace s4  }
0x94: {  	s4 =	sld [smem:$0x3FFC];
	_ =	sdelay $0x3  }
0x95: {  	_ =	strace s4  }
0x96: {  	s4 =	sld [smem:$0x3FFD];
	_ =	sdelay $0x3  }
0x97: {  	_ =	strace s4  }
0x98: {  	_ =	strace $0x8FFFFFFF  }
0x99: {  	s19 =	sld [smem:$0x3FDB];
	_ =	sdelay $0x1  }
0x9a: {  	s5 =	simm.s32 $_scs_section_size  }
0x9b: {  	s6 =	simm.s32 $_size__tile_overlayer_lowered;
	s7 =	simm.s32 $_tile_overlayer_lowered  }
0x9c: {  	s22 =	simm.s32 $0x1BFF;
	s21 =	sshll.u32 s7, $0x1;
	s4 =	sadd.s32 s5, s19  }
0x9d: {  	s8 =	simm.s32 $0x0;
	s20 =	sshll.u32 s6, $0x1;
	s6 =	sadd.s32 s21, s4  }
0x9e: {  	[timem:s8], [sflag:s22] =	dma.local [hbm:s6], s20  }
0x9f: {  	_ =	swait.ge [sflag:s22], s20  }
0xa0: {  	s5 =	ssub.s32 $0x0, s20;
	[sflag:s22] =	ssyncset.done $0x0  }
0xa1: {  	[sflag:s22] =	ssyncadd.s32 s5;
	_ =	sdelay $0x1  }
0xa2: {  	s23 =	simm.s32 $0x1B8B  }
0xa3: {  	_ =	swait.ge [sflag:s23], $0x1  }
0xa4: {  	[sflag:s23] =	ssyncset.done $0x0  }
0xa5: {  	s25 =	simm.s32 $0x1B8E;
	s24 =	sld [smem:$0x3FFE];
	[sflag:s23] =	ssyncadd.s32 $0xFFFFFFFF  }
0xa6: {  	s26 =	simm.s32 $execute0_lowered;
	[smem:$0x3FD2] =	sst s25  }
0xa7: {  	s6 =	sshll.u32 s26, $0x1;
	_ =	strace $0x80000046;
	[dreg:$0x1] =	wrdreg $0xFFFFFFFF  }
0xa8: {  	s28 =	simm.s32 $_size_execute0_lowered;
	s4 =	sadd.s32 s4, s6;
	[dreg:$0x0] =	wrdreg $0x0  }
0xa9: {  	s6 =	sshll.u32 s28, $0x1;
	[dreg:$0x2] =	wrdreg s4  }
0xaa: {  	[dreg:$0x3] =	wrdreg s6  }
0xab: {  	[dreg:$0x4] =	wrdreg $0xC0  }
0xac: {  	_ =	task [dreg:s8], $0x5FFFF  }
0xad: {  	[dreg:$0x1] =	wrdreg $0xFFFFFFFF  }
0xae: {  	[dreg:$0x0] =	wrdreg $0x60  }
0xaf: {  	[dreg:$0x2] =	wrdreg s18  }
0xb0: {  	[dreg:$0x3] =	wrdreg s24  }
0xb1: {  	[dreg:$0x4] =	wrdreg s2  }
0xb2: {  	[dreg:$0x5] =	wrdreg $0x9  }
0xb3: {  	_ =	task.clear_ibuf [dreg:s8], $0x6FFFF;
	_ =	strace $0x90000046  }
0xb4: {  	s29 =	simm.s32 $0x9;
	_ =	strace $0x80000048  }
0xb5: {  	_ =	swait.ge [sflag:s29], $0x1  }
0xb6: {  	[sflag:s29] =	ssyncadd.s32 $0xFFFFFFFF  }
0xb7: {  	_ =	strace $0x90000048  }
0xb8: {  	_ =	sfence  }
0xb9: {  	s30 =	sld [smem:$0x0];
	_ =	sdelay $0x2  }
0xba: {  	s31 =	sshll.u32 s1, $0xD;
	s1 =	sshrl.u32 s1, $0x2  }
0xbb: {  	s3 =	sand.u32 $0x4000, s31;
	s1 =	sadd.s32 s1, s30  }
0xbc: {  	s0 =	sor.u32 s3, s0;
	s1 =	sshll.u32 s1, $0x11  }
0xbd: {  	s0 =	sor.u32 s1, s0  }
0xbe: {  	s0 =	sadd.s32 $0x8F2B, s0  }
0xbf: {  	[sflag:s0] =	ssyncadd.remote.s32 $0x1  }
0xc0: {  	_ =	sfence.sel $0xFFFF  }
0xc1: {  	[dreg:$0x0] =	wrdreg $0xFFFFFFFF;
	(pc) =	sbr.abs _section_cstart, $3  }
0xc2: {  	[dreg:$0x1] =	wrdreg $0xFFFFFFFF  }
0xc3: {  	_ =	task.clear_ibuf [dreg:s8], $0x2FFFF;
	_ =	strace $0x9FFFFFFF  }
0xc4: {  	(tm) =	ssettm $0x7FFFFFFF  }
0xc5: {  	_ =	shalt  }
tec
execute0_lowered:
.L_overlay_start_1:
0x0: {  	(tag) =	ssettag $0x1  }
0x1: {  	s1 =	rddreg [dreg:$0x0]  }
0x2: {  	s0 =	rddreg [dreg:$0x1]  }
0x3: {  	s3 =	rddreg [dreg:$0x2];
	s4 =	simm.s32 $0x0  }
0x4: {  	s2 =	srdreg.scid;
	s5 =	stileid.u32;
	s28 =	simm.s32 $0xA300  }
0x5: {  	s29 =	simm.s32 $0x80;
	s30 =	simm.s32 $0x180;
	s31 =	simm.s32 $0x280  }
0x6: {  	s14 =	simm.s32 $0x5;
	s15 =	simm.s32 $0x4;
	[smem:$0x7FF] =	sst s4  }
0x7: {  	s2 =	sand.u32 $0x1, s2;
	s6 =	sshll.u32 s5, $0x1;
	s5 =	sadd.s32 $0x54800, s0  }
0x8: {  	s8 =	sadd.s32 $0xC200, s0;
	s9 =	sadd.s32 $0x2400, s0;
	s11 =	sor.u32 s2, s6  }
0x9: {  	s10 =	sadd.s32 $0x7BA00, s0;
	s2 =	ssub.s32 $0x2, s2;
	s7 =	smul.u32 $0x2710, s11  }
0xa: {  	_ =	strace $0x80000047;
	s12 =	sshrl.u32 s2, $0x1;
	s11 =	smul.u32 $0x138800, s11  }
0xb: {  	s6 =	sadd.s32 $0x16000, s0;
	s19 =	ssub.s32 s2, s12;
	s12 =	simm.s32 $0x0  }
0xc: {  	s20 =	sshrl.u32 s7, $0x3;
	s26 =	sshrl.u32 s11, $0x3;
	s0 =	smax.u32 s19, $0x1  }
0xd: {  	s17 =	sadd.s32 $0xA0, s7;
	s21 =	sadd.s32 s8, s20;
	[dreg:$0xb] =	wrdreg s0  }
0xe: {  	s18 =	sadd.s32 $0xF0, s7;
	s13 =	sadd.s32 s9, s20;
	[dreg:$0x4] =	wrdreg s21  }
0xf: {  	s22 =	sadd.s32 $0xA, s20;
	s2 =	sadd.s32 s3, s20;
	[dreg:$0x5] =	wrdreg s13  }
0x10: {  	s0 =	simm.s32 $0x2;
	[dreg:$0x6] =	wrdreg s2;
	s23 =	sadd.s32 s8, s22  }
0x11: {  	s24 =	sadd.s32 s9, s22;
	s25 =	sadd.s32 s3, s22;
	[dreg:$0x7] =	wrdreg s23  }
0x12: {  	s2 =	sadd.s32 s10, s26;
	s21 =	simm.s32 $0x100;
	[dreg:$0x8] =	wrdreg s24  }
0x13: {  	s22 =	simm.s32 $0x200;
	s13 =	simm.s32 $0x3;
	[dreg:$0x9] =	wrdreg s25  }
0x14: {  	v0 =	vlaneseq.u32;
	s2 =	sadd.s32 $0x26C00, s2;
	s23 =	simm.s32 $0x1;
	s24 =	simm.s32 $0x50  }
0x15: {  	v1 =	vor.u32 $0x10, v0;
	s25 =	simm.s32 $0x300;
	[dreg:$0xa] =	wrdreg s2;
	s2 =	simm.s32 $0x2B00  }
.LBB2_1:
0x16: {  	[dreg:$0xc] =	wrdreg s12  }
0x17: {  	s11 =	rddreg [dreg:$0x4]  }
0x18: {  	[tilespmem:s4], [sflag:$0x1] =	stream.linear.gather [hbm4b:s11+s4], $0x50, $0x38;
	[tilespmem:$0xF300] =	vst v63  }
0x19: {  	s26 =	rddreg [dreg:$0x5]  }
0x1a: {  	[tilespmem:s21], [sflag:$0x1] =	stream.linear.gather [hbm4b:s26+s4], $0x50, $0x38;
	[tilespmem:$0xF300] =	vst v63  }
0x1b: {  	s12 =	rddreg [dreg:$0x6]  }
0x1c: {  	[tilespmem:s22], [sflag:$0x1] =	stream.linear.gather [hbm4b:s12+s4], $0x50, $0x38;
	[tilespmem:$0xF300] =	vst v63  }
0x1d: {  	_ =	swait.ge [sflag:s23], $0x50  }
0x1e: {  	[sflag:s23] =	ssyncset.done $0x0  }
0x1f: {  	[sflag:s23] =	ssyncadd.s32 $0xFFFFFFB0  }
0x20: {  	_ =	swait.ge [sflag:s23], $0x50  }
0x21: {  	[sflag:s23] =	ssyncset.done $0x0  }
0x22: {  	[sflag:s23] =	ssyncadd.s32 $0xFFFFFFB0  }
0x23: {  	_ =	swait.ge [sflag:s23], $0x50  }
0x24: {  	[sflag:s23] =	ssyncset.done $0x0  }
0x25: {  	[sflag:s23] =	ssyncadd.s32 $0xFFFFFFB0  }
0x26: {  	v2 =	vld [tilespmem:$0x200]  }
0x27: {  	v3 =	vld [tilespmem:$0x210]  }
0x28: {  	v4 =	vld [tilespmem:$0x220]  }
0x29: {  	v5 =	vld [tilespmem:$0x230]  }
0x2a: {  	v6 =	vld [tilespmem:$0x240]  }
0x2b: {  	v2 =	vshll.u32 v2, $0x5  }
0x2c: {  	v3 =	vshll.u32 v3, $0x5;
	v2 =	vor.u32 v0, v2  }
0x2d: {  	[tilespmem:$0x200] =	vst v2;
	v2 =	vor.u32 v1, v3;
	v3 =	vshll.u32 v4, $0x5  }
0x2e: {  	[tilespmem:$0x210] =	vst v2;
	v2 =	vor.u32 v0, v3;
	v3 =	vshll.u32 v5, $0x5  }
0x2f: {  	[tilespmem:$0x220] =	vst v2;
	v2 =	vor.u32 v1, v3;
	v3 =	vshll.u32 v6, $0x5  }
0x30: {  	[tilespmem:$0x230] =	vst v2;
	v2 =	vor.u32 v0, v3  }
0x31: {  	[tilespmem:$0x240] =	vst v2  }
0x32: {  	[tilespmem:s25], [sflag:$0x3] =	stream.indirect.gather [hbm4b:s1+s24], $0x80, s4, s24, $0xb8;
	[tilespmem:$0xF300] =	vst v63  }
0x33: {  	s16 =	simm.s32 $0x5300  }
0x34: {  	[tilespmem:s16], [sflag:$0x3] =	stream.indirect.gather [hbm4b:s5+s24], $0x80, s21, s24, $0xb8;
	[tilespmem:$0xF300] =	vst v63  }
0x35: {  	_ = 	snop  }
0x36: {  	[tilespmem:s28], [sflag:$0x3] =	stream.indirect.gather [hbm4b:s6+s24], $0x80, s22, s24, $0xb8;
	[tilespmem:$0xF300] =	vst v63  }
0x37: {  	s19 =	rddreg [dreg:$0x7]  }
0x38: {  	[tilespmem:s29], [sflag:$0x2] =	stream.linear.gather [hbm4b:s19+s4], $0x50, $0x38;
	[tilespmem:$0xF300] =	vst v63  }
0x39: {  	s20 =	rddreg [dreg:$0x8]  }
0x3a: {  	[tilespmem:s30], [sflag:$0x2] =	stream.linear.gather [hbm4b:s20+s4], $0x50, $0x38;
	[tilespmem:$0xF300] =	vst v63  }
0x3b: {  	s26 =	rddreg [dreg:$0x9];
	s20 =	simm.s32 $0x0  }
0x3c: {  	[tilespmem:s31], [sflag:$0x2] =	stream.linear.gather [hbm4b:s26+s4], $0x50, $0x38;
	[tilespmem:$0xF300] =	vst v63  }
.LBB2_2:
0x3d: {  	p0 =	seq.s32 s20, $0x0  }
0x3e: {  	s11 =	simm.s32 @!p0 $0x6  }
0x3f: {  	_ =	swait.ge @!p0 [sflag:s11], $0x2800  }
0x40: {  	[sflag:s11] =	ssyncset.done @!p0 $0x0  }
0x41: {  	[sflag:s11] =	ssyncadd.s32 @!p0 $0xFFFFD800  }
0x42: {  	_ =	swait.ge [sflag:s0], $0x50  }
0x43: {  	[sflag:s0] =	ssyncset.done $0x0  }
0x44: {  	[sflag:s0] =	ssyncadd.s32 $0xFFFFFFB0  }
0x45: {  	_ =	swait.ge [sflag:s0], $0x50  }
0x46: {  	[sflag:s0] =	ssyncset.done $0x0  }
0x47: {  	[sflag:s0] =	ssyncadd.s32 $0xFFFFFFB0  }
0x48: {  	_ =	swait.ge [sflag:s0], $0x50  }
0x49: {  	[sflag:s0] =	ssyncset.done $0x0  }
0x4a: {  	[sflag:s0] =	ssyncadd.s32 $0xFFFFFFB0  }
0x4b: {  	v2 =	vld [tilespmem:$0x280]  }
0x4c: {  	v3 =	vld [tilespmem:$0x290]  }
0x4d: {  	v4 =	vld [tilespmem:$0x2A0]  }
0x4e: {  	v5 =	vld [tilespmem:$0x2B0]  }
0x4f: {  	v6 =	vld [tilespmem:$0x2C0]  }
0x50: {  	v2 =	vshll.u32 v2, $0x5  }
0x51: {  	v3 =	vshll.u32 v3, $0x5;
	v2 =	vor.u32 v0, v2  }
0x52: {  	[tilespmem:$0x280] =	vst v2;
	v2 =	vor.u32 v1, v3;
	v3 =	vshll.u32 v4, $0x5  }
0x53: {  	[tilespmem:$0x290] =	vst v2;
	v2 =	vor.u32 v0, v3;
	v3 =	vshll.u32 v5, $0x5  }
0x54: {  	[tilespmem:$0x2A0] =	vst v2;
	v2 =	vor.u32 v1, v3;
	v3 =	vshll.u32 v6, $0x5  }
0x55: {  	[tilespmem:$0x2B0] =	vst v2;
	v2 =	vor.u32 v0, v3  }
0x56: {  	[tilespmem:$0x2C0] =	vst v2  }
0x57: {  	[tilespmem:s2], [sflag:$0x4] =	stream.indirect.gather [hbm4b:s1+s24], $0x80, s29, s24, $0xb8;
	[tilespmem:$0xF300] =	vst v63  }
0x58: {  	s12 =	simm.s32 $0x7B00  }
0x59: {  	[tilespmem:s12], [sflag:$0x4] =	stream.indirect.gather [hbm4b:s5+s24], $0x80, s30, s24, $0xb8;
	[tilespmem:$0xF300] =	vst v63  }
0x5a: {  	s16 =	simm.s32 $0xCB00  }
0x5b: {  	[tilespmem:s16], [sflag:$0x4] =	stream.indirect.gather [hbm4b:s6+s24], $0x80, s31, s24, $0xb8;
	[tilespmem:$0xF300] =	vst v63  }
0x5c: {  	_ =	swait.ge [sflag:s13], $0x2800  }
0x5d: {  	[sflag:s13] =	ssyncset.done $0x0  }
0x5e: {  	[sflag:s13] =	ssyncadd.s32 $0xFFFFD800  }
0x5f: {  	_ =	swait.ge [sflag:s13], $0x2800  }
0x60: {  	s16 =	smul.u32 $0xA0, s20;
	[sflag:s13] =	ssyncset.done $0x0  }
0x61: {  	[sflag:s13] =	ssyncadd.s32 $0xFFFFD800  }
0x62: {  	s19 =	sadd.s32 s16, s17;
	_ =	swait.ge [sflag:s13], $0x2800  }
0x63: {  	s11 =	sshrl.u32 s19, $0x3;
	[sflag:s13] =	ssyncset.done $0x0  }
0x64: {  	s12 =	sadd.s32 s8, s11;
	[sflag:s13] =	ssyncadd.s32 $0xFFFFD800  }
0x65: {  	[tilespmem:s4], [sflag:$0x1] =	stream.linear.gather [hbm4b:s12+s4], $0x50, $0x38;
	[tilespmem:$0xF300] =	vst v63  }
0x66: {  	s26 =	sadd.s32 s9, s11  }
0x67: {  	[tilespmem:s21], [sflag:$0x1] =	stream.linear.gather [hbm4b:s26+s4], $0x50, $0x38;
	[tilespmem:$0xF300] =	vst v63  }
0x68: {  	s19 =	simm.s32 $0xF0;
	s11 =	sadd.s32 s3, s11  }
0x69: {  	[tilespmem:s22], [sflag:$0x1] =	stream.linear.gather [hbm4b:s11+s4], $0x50, $0x38;
	[tilespmem:$0xF300] =	vst v63  }
0x6a: {  	v14 =	vld [tilespmem:s19+$0xA210]  }
0x6b: {  	v15 =	vld [tilespmem:s19+$0xA220]  }
0x6c: {  	v16 =	vld [tilespmem:s19+$0xA230]  }
0x6d: {  	v17 =	vld [tilespmem:s19+$0xA240]  }
0x6e: {  	v18 =	vld [tilespmem:s19+$0xA250]  }
0x6f: {  	v19 =	vld [tilespmem:s19+$0xA260]  }
0x70: {  	v20 =	vld [tilespmem:s19+$0xA270]  }
0x71: {  	v22 =	vld [tilespmem:s19+$0xA280]  }
0x72: {  	v7 =	vld [tilespmem:s19+$0xA290]  }
0x73: {  	v6 =	vld [tilespmem:s19+$0xA2A0]  }
0x74: {  	v5 =	vld [tilespmem:s19+$0xA2B0]  }
0x75: {  	v4 =	vld [tilespmem:s19+$0xA2C0]  }
0x76: {  	v3 =	vld [tilespmem:s19+$0xA2D0]  }
0x77: {  	v2 =	vld [tilespmem:s19+$0xA2E0]  }
0x78: {  	v21 =	vld [tilespmem:s19+$0x5210]  }
0x79: {  	v23 =	vld [tilespmem:s19+$0x5220]  }
0x7a: {  	v24 =	vld [tilespmem:s19+$0x5230]  }
0x7b: {  	v25 =	vld [tilespmem:s19+$0x5240]  }
0x7c: {  	v26 =	vld [tilespmem:s19+$0x5250]  }
0x7d: {  	v27 =	vld [tilespmem:s19+$0x5260]  }
0x7e: {  	v28 =	vld [tilespmem:s19+$0x5270]  }
0x7f: {  	v29 =	vld [tilespmem:s19+$0x5280]  }
0x80: {  	v30 =	vld [tilespmem:s19+$0x5290]  }
0x81: {  	v31 =	vld [tilespmem:s19+$0x52A0]  }
0x82: {  	v13 =	vld [tilespmem:s19+$0x52B0]  }
0x83: {  	v12 =	vld [tilespmem:s19+$0x52C0]  }
0x84: {  	v11 =	vld [tilespmem:s19+$0x52D0]  }
0x85: {  	v10 =	vld [tilespmem:s19+$0x52E0]  }
0x86: {  	v9 =	vld [tilespmem:s19+$0x52F0]  }
0x87: {  	v8 =	vld [tilespmem:s19+$0x5300]  }
0x88: {  	v32 =	vld [tilespmem:s19+$0x210]  }
0x89: {  	v33 =	vld [tilespmem:s19+$0x220]  }
0x8a: {  	v34 =	vld [tilespmem:s19+$0x230]  }
0x8b: {  	v36 =	vld [tilespmem:s19+$0x250]  }
0x8c: {  	v35 =	vld [tilespmem:s19+$0x240]  }
0x8d: {  	v59 =	vld [tilespmem:s19+$0x260];
	v21 =	vadd.f32 v21, v32  }
0x8e: {  	v37 =	vld [tilespmem:s19+$0x270];
	v23 =	vadd.f32 v23, v33  }
0x8f: {  	v24 =	vadd.f32 v24, v34;
	v14 =	vadd.f32 v14, v21;
	v21 =	vld [tilespmem:s19+$0x280]  }
0x90: {  	v60 =	vld [tilespmem:s19+$0x290];
	v61 =	vadd.f32 v26, v36;
	v15 =	vadd.f32 v15, v23  }
0x91: {  	v25 =	vadd.f32 v25, v35;
	v23 =	vld [tilespmem:s19+$0x2A0];
	v16 =	vadd.f32 v16, v24;
	[tilespmem:s19+$0x210] =	vst v14  }
0x92: {  	v62 =	vadd.f32 v27, v59;
	v18 =	vadd.f32 v18, v61;
	[tilespmem:s19+$0x220] =	vst v15;
	v14 =	vld [tilespmem:s19+$0x2B0]  }
0x93: {  	v63 =	vadd.f32 v28, v37;
	v17 =	vadd.f32 v17, v25;
	[tilespmem:s19+$0x230] =	vst v16;
	v15 =	vld [tilespmem:s19+$0x2C0]  }
0x94: {  	v25 =	vadd.f32 v19, v62;
	v16 =	vld [tilespmem:s19+$0x2D0];
	[tilespmem:s19+$0x250] =	vst v18;
	v18 =	vadd.f32 v29, v21  }
0x95: {  	v19 =	vadd.f32 v30, v60;
	[tilespmem:s19+$0x240] =	vst v17;
	v17 =	vld [tilespmem:s19+$0x2E0];
	v21 =	vadd.f32 v20, v63  }
0x96: {  	s12 =	simm.s32 $0x7C0;
	s11 =	sshll.u32 s20, $0x1;
	[tilespmem:s19+$0x260] =	vst v25;
	v20 =	vadd.f32 v31, v23;
	v22 =	vadd.f32 v22, v18;
	v18 =	vld [tilespmem:s19+$0x2F0]  }
.LBB2_3:
0x97: {  	p0 =	sne.s32 s12, $0x9FC0;
	[tilespmem:s19+$0x270] =	vst v21;
	v7 =	vadd.f32 v7, v19;
	v13 =	vadd.f32 v13, v14;
	v14 =	vld [tilespmem:s19+$0x300]  }
0x98: {  	[tilespmem:s19+$0x280] =	vst v22;
	v6 =	vadd.f32 v6, v20;
	v12 =	vadd.f32 v12, v15;
	v15 =	vld [tilespmem:s19+$0xA2F0]  }
0x99: {  	s26 =	sshra.s32 s12, $0x2;
	[tilespmem:s19+$0x290] =	vst v7;
	v5 =	vadd.f32 v5, v13;
	v7 =	vadd.f32 v11, v16;
	v11 =	vld [tilespmem:s19+$0xA300]  }
0x9a: {  	v16 =	vld [tilespmem:s26+$0xA210];
	[tilespmem:s19+$0x2A0] =	vst v6;
	v4 =	vadd.f32 v4, v12;
	v6 =	vadd.f32 v10, v17  }
0x9b: {  	v17 =	vld [tilespmem:s26+$0xA220];
	[tilespmem:s19+$0x2B0] =	vst v5;
	v3 =	vadd.f32 v3, v7;
	v5 =	vadd.f32 v9, v18  }
0x9c: {  	v18 =	vld [tilespmem:s26+$0xA230];
	[tilespmem:s19+$0x2C0] =	vst v4;
	v2 =	vadd.f32 v2, v6;
	v4 =	vadd.f32 v8, v14  }
0x9d: {  	v14 =	vld [tilespmem:s26+$0xA240];
	[tilespmem:s19+$0x2D0] =	vst v3;
	v3 =	vadd.f32 v15, v5  }
0x9e: {  	v15 =	vld [tilespmem:s26+$0xA250];
	[tilespmem:s19+$0x2E0] =	vst v2;
	v2 =	vadd.f32 v11, v4  }
0x9f: {  	v19 =	vld [tilespmem:s26+$0xA260];
	[tilespmem:s19+$0x2F0] =	vst v3  }
0xa0: {  	v20 =	vld [tilespmem:s26+$0xA270];
	[tilespmem:s19+$0x300] =	vst v2;
	s19 =	smov.u32 s26  }
0xa1: {  	v22 =	vld [tilespmem:s19+$0xA280]  }
0xa2: {  	v7 =	vld [tilespmem:s19+$0xA290]  }
0xa3: {  	v6 =	vld [tilespmem:s19+$0xA2A0]  }
0xa4: {  	v5 =	vld [tilespmem:s19+$0xA2B0]  }
0xa5: {  	v4 =	vld [tilespmem:s19+$0xA2C0]  }
0xa6: {  	v3 =	vld [tilespmem:s19+$0xA2D0]  }
0xa7: {  	v2 =	vld [tilespmem:s19+$0xA2E0]  }
0xa8: {  	v21 =	vld [tilespmem:s19+$0x5210]  }
0xa9: {  	v23 =	vld [tilespmem:s19+$0x5220]  }
0xaa: {  	v24 =	vld [tilespmem:s19+$0x5230]  }
0xab: {  	v25 =	vld [tilespmem:s19+$0x5240]  }
0xac: {  	v26 =	vld [tilespmem:s19+$0x5250]  }
0xad: {  	v27 =	vld [tilespmem:s19+$0x5260]  }
0xae: {  	v28 =	vld [tilespmem:s19+$0x5270]  }
0xaf: {  	v29 =	vld [tilespmem:s19+$0x5280]  }
0xb0: {  	v30 =	vld [tilespmem:s19+$0x5290]  }
0xb1: {  	v31 =	vld [tilespmem:s19+$0x52A0]  }
0xb2: {  	v13 =	vld [tilespmem:s19+$0x52B0]  }
0xb3: {  	v12 =	vld [tilespmem:s19+$0x52C0]  }
0xb4: {  	v11 =	vld [tilespmem:s19+$0x52D0]  }
0xb5: {  	v10 =	vld [tilespmem:s19+$0x52E0]  }
0xb6: {  	v9 =	vld [tilespmem:s19+$0x52F0]  }
0xb7: {  	v8 =	vld [tilespmem:s19+$0x5300]  }
0xb8: {  	v32 =	vld [tilespmem:s19+$0x210]  }
0xb9: {  	v33 =	vld [tilespmem:s19+$0x220]  }
0xba: {  	v34 =	vld [tilespmem:s19+$0x230]  }
0xbb: {  	v35 =	vld [tilespmem:s19+$0x240]  }
0xbc: {  	v36 =	vld [tilespmem:s19+$0x250]  }
0xbd: {  	v21 =	vadd.f32 v21, v32;
	v32 =	vld [tilespmem:s19+$0x260]  }
0xbe: {  	v23 =	vadd.f32 v23, v33;
	v33 =	vld [tilespmem:s19+$0x270]  }
0xbf: {  	v16 =	vadd.f32 v16, v21;
	v21 =	vadd.f32 v24, v34;
	v24 =	vld [tilespmem:s19+$0x280]  }
0xc0: {  	v17 =	vadd.f32 v17, v23;
	v23 =	vadd.f32 v25, v35;
	v25 =	vld [tilespmem:s19+$0x290]  }
0xc1: {  	[tilespmem:s19+$0x210] =	vst v16;
	v16 =	vadd.f32 v18, v21;
	v18 =	vadd.f32 v26, v36;
	v26 =	vld [tilespmem:s19+$0x2A0]  }
.Ltmp0:
0xc2: {  	[tilespmem:s19+$0x220] =	vst v17;
	v17 =	vadd.f32 v14, v23;
	v21 =	vadd.f32 v27, v32;
	v14 =	vld [tilespmem:s19+$0x2B0];
	(pc) =	sbr.rel @p0 .LBB2_3-.Ltmp0, $4  }
0xc3: {  	[tilespmem:s19+$0x230] =	vst v16;
	v18 =	vadd.f32 v15, v18;
	v23 =	vadd.f32 v28, v33;
	v15 =	vld [tilespmem:s19+$0x2C0]  }
0xc4: {  	[tilespmem:s19+$0x240] =	vst v17;
	v27 =	vadd.f32 v19, v21;
	v24 =	vadd.f32 v29, v24;
	v16 =	vld [tilespmem:s19+$0x2D0]  }
0xc5: {  	[tilespmem:s19+$0x250] =	vst v18;
	v21 =	vadd.f32 v20, v23;
	v19 =	vadd.f32 v30, v25;
	v17 =	vld [tilespmem:s19+$0x2E0]  }
0xc6: {  	s12 =	sadd.s32 $0x400, s12;
	[tilespmem:s19+$0x260] =	vst v27;
	v22 =	vadd.f32 v22, v24;
	v20 =	vadd.f32 v31, v26;
	v18 =	vld [tilespmem:s19+$0x2F0]  }
0xc7: {  	[tilespmem:s19+$0x270] =	vst v21;
	v21 =	vld [tilespmem:s19+$0x300];
	v7 =	vadd.f32 v7, v19;
	v13 =	vadd.f32 v13, v14  }
0xc8: {  	v14 =	vld [tilespmem:s19+$0xA2F0];
	[tilespmem:s19+$0x280] =	vst v22;
	v6 =	vadd.f32 v6, v20;
	v12 =	vadd.f32 v12, v15  }
0xc9: {  	[tilespmem:s19+$0x290] =	vst v7;
	v5 =	vadd.f32 v5, v13;
	v7 =	vadd.f32 v11, v16;
	v11 =	vld [tilespmem:s19+$0xA300]  }
0xca: {  	[tilespmem:s19+$0x2A0] =	vst v6;
	v4 =	vadd.f32 v4, v12;
	v6 =	vadd.f32 v10, v17  }
0xcb: {  	[tilespmem:s19+$0x2B0] =	vst v5;
	v3 =	vadd.f32 v3, v7;
	v5 =	vadd.f32 v9, v18  }
0xcc: {  	[tilespmem:s19+$0x2C0] =	vst v4;
	v2 =	vadd.f32 v2, v6;
	v4 =	vadd.f32 v8, v21  }
0xcd: {  	[tilespmem:s19+$0x2D0] =	vst v3;
	v3 =	vadd.f32 v14, v5  }
0xce: {  	s12 =	sadd.s32 s7, s16;
	[tilespmem:s19+$0x2E0] =	vst v2;
	v2 =	vadd.f32 v11, v4  }
0xcf: {  	s12 =	sshll.u32 s12, $0x4;
	[tilespmem:s19+$0x2F0] =	vst v3  }
0xd0: {  	s12 =	sadd.s32 s10, s12;
	[tilespmem:s19+$0x300] =	vst v2  }
0xd1: {  	[hbm4b:s12+s4] =	stream.linear.scatter [tilespmem:s25], [sflag:$0x5], $0x2800, $0x38;
	[tilespmem:$0xF300] =	vst v63  }
0xd2: {  	_ =	swait.ge [sflag:s14], $0x2800  }
0xd3: {  	[sflag:s14] =	ssyncset.done $0x0  }
0xd4: {  	[sflag:s14] =	ssyncadd.s32 $0xFFFFD800  }
0xd5: {  	_ =	swait.ge [sflag:s23], $0x50  }
0xd6: {  	[sflag:s23] =	ssyncset.done $0x0  }
0xd7: {  	[sflag:s23] =	ssyncadd.s32 $0xFFFFFFB0  }
0xd8: {  	_ =	swait.ge [sflag:s23], $0x50  }
0xd9: {  	[sflag:s23] =	ssyncset.done $0x0  }
0xda: {  	[sflag:s23] =	ssyncadd.s32 $0xFFFFFFB0  }
0xdb: {  	_ =	swait.ge [sflag:s23], $0x50  }
0xdc: {  	[sflag:s23] =	ssyncset.done $0x0  }
0xdd: {  	[sflag:s23] =	ssyncadd.s32 $0xFFFFFFB0  }
0xde: {  	v2 =	vld [tilespmem:$0x200]  }
0xdf: {  	v3 =	vld [tilespmem:$0x210]  }
0xe0: {  	v4 =	vld [tilespmem:$0x220]  }
0xe1: {  	v5 =	vld [tilespmem:$0x230]  }
0xe2: {  	v6 =	vld [tilespmem:$0x240]  }
0xe3: {  	v2 =	vshll.u32 v2, $0x5  }
0xe4: {  	v3 =	vshll.u32 v3, $0x5;
	v2 =	vor.u32 v0, v2  }
0xe5: {  	[tilespmem:$0x200] =	vst v2;
	v2 =	vor.u32 v1, v3;
	v3 =	vshll.u32 v4, $0x5  }
0xe6: {  	[tilespmem:$0x210] =	vst v2;
	v2 =	vor.u32 v0, v3;
	v3 =	vshll.u32 v5, $0x5  }
0xe7: {  	[tilespmem:$0x220] =	vst v2;
	v2 =	vor.u32 v1, v3;
	v3 =	vshll.u32 v6, $0x5  }
0xe8: {  	[tilespmem:$0x230] =	vst v2;
	v2 =	vor.u32 v0, v3  }
0xe9: {  	[tilespmem:$0x240] =	vst v2  }
0xea: {  	[tilespmem:s25], [sflag:$0x3] =	stream.indirect.gather [hbm4b:s1+s24], $0x80, s4, s24, $0xb8;
	[tilespmem:$0xF300] =	vst v63  }
0xeb: {  	s26 =	simm.s32 $0x5300  }
0xec: {  	[tilespmem:s26], [sflag:$0x3] =	stream.indirect.gather [hbm4b:s5+s24], $0x80, s21, s24, $0xb8;
	[tilespmem:$0xF300] =	vst v63  }
0xed: {  	_ = 	snop  }
0xee: {  	[tilespmem:s28], [sflag:$0x3] =	stream.indirect.gather [hbm4b:s6+s24], $0x80, s22, s24, $0xb8;
	[tilespmem:$0xF300] =	vst v63  }
0xef: {  	_ =	swait.ge [sflag:s15], $0x2800  }
0xf0: {  	[sflag:s15] =	ssyncset.done $0x0  }
0xf1: {  	[sflag:s15] =	ssyncadd.s32 $0xFFFFD800  }
0xf2: {  	_ =	swait.ge [sflag:s15], $0x2800  }
0xf3: {  	s11 =	sor.u32 $0x1, s11;
	[sflag:s15] =	ssyncset.done $0x0  }
0xf4: {  	p0 =	sgt.u32 s11, $0x7A;
	[sflag:s15] =	ssyncadd.s32 $0xFFFFD800  }
0xf5: {  	s12 =	sadd.s32 @!p0 s16, s18;
	_ =	swait.ge [sflag:s15], $0x2800  }
0xf6: {  	s19 =	simm.s32 @!p0 $0x0;
	s12 =	sshrl.u32 @!p0 s12, $0x3;
	[sflag:s15] =	ssyncset.done $0x0  }
0xf7: {  	s16 =	sadd.s32 @!p0 s8, s12;
	s26 =	simm.s32 @!p0 $0x80;
	[sflag:s15] =	ssyncadd.s32 $0xFFFFD800  }
0xf8: {  	[tilespmem:s26], [sflag:$0x2] =	stream.linear.gather @!p0 [hbm4b:s16+s19], $0x50, $0x38;
	[tilespmem:$0xF300] =	vst v63  }
0xf9: {  	s16 =	sadd.s32 @!p0 s9, s12;
	s26 =	simm.s32 @!p0 $0x180  }
0xfa: {  	[tilespmem:s26], [sflag:$0x2] =	stream.linear.gather @!p0 [hbm4b:s16+s19], $0x50, $0x38;
	[tilespmem:$0xF300] =	vst v63  }
0xfb: {  	s12 =	sadd.s32 @!p0 s3, s12;
	s16 =	simm.s32 @!p0 $0x280  }
0xfc: {  	[tilespmem:s16], [sflag:$0x2] =	stream.linear.gather @!p0 [hbm4b:s12+s19], $0x50, $0x38;
	[tilespmem:$0xF300] =	vst v63  }
0xfd: {  	s16 =	simm.s32 $0xF0  }
0xfe: {  	v14 =	vld [tilespmem:s16+$0xCA10]  }
0xff: {  	v15 =	vld [tilespmem:s16+$0xCA20]  }
0x100: {  	v16 =	vld [tilespmem:s16+$0xCA30]  }
0x101: {  	v17 =	vld [tilespmem:s16+$0xCA40]  }
0x102: {  	v18 =	vld [tilespmem:s16+$0xCA50]  }
0x103: {  	v19 =	vld [tilespmem:s16+$0xCA60]  }
0x104: {  	v20 =	vld [tilespmem:s16+$0xCA70]  }
0x105: {  	v22 =	vld [tilespmem:s16+$0xCA80]  }
0x106: {  	v7 =	vld [tilespmem:s16+$0xCA90]  }
0x107: {  	v6 =	vld [tilespmem:s16+$0xCAA0]  }
0x108: {  	v5 =	vld [tilespmem:s16+$0xCAB0]  }
0x109: {  	v4 =	vld [tilespmem:s16+$0xCAC0]  }
0x10a: {  	v3 =	vld [tilespmem:s16+$0xCAD0]  }
0x10b: {  	v2 =	vld [tilespmem:s16+$0xCAE0]  }
0x10c: {  	v21 =	vld [tilespmem:s16+$0x7A10]  }
0x10d: {  	v23 =	vld [tilespmem:s16+$0x7A20]  }
0x10e: {  	v24 =	vld [tilespmem:s16+$0x7A30]  }
0x10f: {  	v25 =	vld [tilespmem:s16+$0x7A40]  }
0x110: {  	v26 =	vld [tilespmem:s16+$0x7A50]  }
0x111: {  	v27 =	vld [tilespmem:s16+$0x7A60]  }
0x112: {  	v28 =	vld [tilespmem:s16+$0x7A70]  }
0x113: {  	v29 =	vld [tilespmem:s16+$0x7A80]  }
0x114: {  	v30 =	vld [tilespmem:s16+$0x7A90]  }
0x115: {  	v31 =	vld [tilespmem:s16+$0x7AA0]  }
0x116: {  	v13 =	vld [tilespmem:s16+$0x7AB0]  }
0x117: {  	v12 =	vld [tilespmem:s16+$0x7AC0]  }
0x118: {  	v11 =	vld [tilespmem:s16+$0x7AD0]  }
0x119: {  	v10 =	vld [tilespmem:s16+$0x7AE0]  }
0x11a: {  	v9 =	vld [tilespmem:s16+$0x7AF0]  }
0x11b: {  	v8 =	vld [tilespmem:s16+$0x7B00]  }
0x11c: {  	v32 =	vld [tilespmem:s16+$0x2A10]  }
0x11d: {  	v33 =	vld [tilespmem:s16+$0x2A20]  }
0x11e: {  	v34 =	vld [tilespmem:s16+$0x2A30]  }
0x11f: {  	v36 =	vld [tilespmem:s16+$0x2A50]  }
0x120: {  	v35 =	vld [tilespmem:s16+$0x2A40]  }
0x121: {  	v59 =	vld [tilespmem:s16+$0x2A60];
	v21 =	vadd.f32 v21, v32  }
0x122: {  	v37 =	vld [tilespmem:s16+$0x2A70];
	v23 =	vadd.f32 v23, v33  }
0x123: {  	v24 =	vadd.f32 v24, v34;
	v14 =	vadd.f32 v14, v21;
	v21 =	vld [tilespmem:s16+$0x2A80]  }
0x124: {  	v60 =	vld [tilespmem:s16+$0x2A90];
	v61 =	vadd.f32 v26, v36;
	v15 =	vadd.f32 v15, v23  }
0x125: {  	v25 =	vadd.f32 v25, v35;
	v23 =	vld [tilespmem:s16+$0x2AA0];
	v16 =	vadd.f32 v16, v24;
	[tilespmem:s16+$0x2A10] =	vst v14  }
0x126: {  	v62 =	vadd.f32 v27, v59;
	v18 =	vadd.f32 v18, v61;
	[tilespmem:s16+$0x2A20] =	vst v15;
	v14 =	vld [tilespmem:s16+$0x2AB0]  }
0x127: {  	v63 =	vadd.f32 v28, v37;
	v17 =	vadd.f32 v17, v25;
	[tilespmem:s16+$0x2A30] =	vst v16;
	v15 =	vld [tilespmem:s16+$0x2AC0]  }
0x128: {  	s11 =	smul.u32 $0x50, s11;
	v25 =	vadd.f32 v19, v62;
	v16 =	vld [tilespmem:s16+$0x2AD0];
	[tilespmem:s16+$0x2A50] =	vst v18;
	v18 =	vadd.f32 v29, v21  }
0x129: {  	v19 =	vadd.f32 v30, v60;
	[tilespmem:s16+$0x2A40] =	vst v17;
	v17 =	vld [tilespmem:s16+$0x2AE0];
	v21 =	vadd.f32 v20, v63  }
0x12a: {  	s11 =	sadd.s32 s7, s11;
	s12 =	simm.s32 $0x7C0;
	[tilespmem:s16+$0x2A60] =	vst v25;
	v20 =	vadd.f32 v31, v23;
	v22 =	vadd.f32 v22, v18;
	v18 =	vld [tilespmem:s16+$0x2AF0]  }
.LBB2_5:
0x12b: {  	p0 =	sne.s32 s12, $0x9FC0;
	[tilespmem:s16+$0x2A70] =	vst v21;
	v7 =	vadd.f32 v7, v19;
	v13 =	vadd.f32 v13, v14;
	v14 =	vld [tilespmem:s16+$0x2B00]  }
0x12c: {  	[tilespmem:s16+$0x2A80] =	vst v22;
	v6 =	vadd.f32 v6, v20;
	v12 =	vadd.f32 v12, v15;
	v15 =	vld [tilespmem:s16+$0xCAF0]  }
0x12d: {  	s19 =	sshra.s32 s12, $0x2;
	[tilespmem:s16+$0x2A90] =	vst v7;
	v5 =	vadd.f32 v5, v13;
	v7 =	vadd.f32 v11, v16;
	v11 =	vld [tilespmem:s16+$0xCB00]  }
0x12e: {  	v16 =	vld [tilespmem:s19+$0xCA10];
	[tilespmem:s16+$0x2AA0] =	vst v6;
	v4 =	vadd.f32 v4, v12;
	v6 =	vadd.f32 v10, v17  }
0x12f: {  	v17 =	vld [tilespmem:s19+$0xCA20];
	[tilespmem:s16+$0x2AB0] =	vst v5;
	v3 =	vadd.f32 v3, v7;
	v5 =	vadd.f32 v9, v18  }
0x130: {  	v18 =	vld [tilespmem:s19+$0xCA30];
	[tilespmem:s16+$0x2AC0] =	vst v4;
	v2 =	vadd.f32 v2, v6;
	v4 =	vadd.f32 v8, v14  }
0x131: {  	v14 =	vld [tilespmem:s19+$0xCA40];
	[tilespmem:s16+$0x2AD0] =	vst v3;
	v3 =	vadd.f32 v15, v5  }
0x132: {  	v15 =	vld [tilespmem:s19+$0xCA50];
	[tilespmem:s16+$0x2AE0] =	vst v2;
	v2 =	vadd.f32 v11, v4  }
0x133: {  	v19 =	vld [tilespmem:s19+$0xCA60];
	[tilespmem:s16+$0x2AF0] =	vst v3  }
0x134: {  	v20 =	vld [tilespmem:s19+$0xCA70];
	[tilespmem:s16+$0x2B00] =	vst v2;
	s16 =	smov.u32 s19  }
0x135: {  	v22 =	vld [tilespmem:s16+$0xCA80]  }
0x136: {  	v7 =	vld [tilespmem:s16+$0xCA90]  }
0x137: {  	v6 =	vld [tilespmem:s16+$0xCAA0]  }
0x138: {  	v5 =	vld [tilespmem:s16+$0xCAB0]  }
0x139: {  	v4 =	vld [tilespmem:s16+$0xCAC0]  }
0x13a: {  	v3 =	vld [tilespmem:s16+$0xCAD0]  }
0x13b: {  	v2 =	vld [tilespmem:s16+$0xCAE0]  }
0x13c: {  	v21 =	vld [tilespmem:s16+$0x7A10]  }
0x13d: {  	v23 =	vld [tilespmem:s16+$0x7A20]  }
0x13e: {  	v24 =	vld [tilespmem:s16+$0x7A30]  }
0x13f: {  	v25 =	vld [tilespmem:s16+$0x7A40]  }
0x140: {  	v26 =	vld [tilespmem:s16+$0x7A50]  }
0x141: {  	v27 =	vld [tilespmem:s16+$0x7A60]  }
0x142: {  	v28 =	vld [tilespmem:s16+$0x7A70]  }
0x143: {  	v29 =	vld [tilespmem:s16+$0x7A80]  }
0x144: {  	v30 =	vld [tilespmem:s16+$0x7A90]  }
0x145: {  	v31 =	vld [tilespmem:s16+$0x7AA0]  }
0x146: {  	v13 =	vld [tilespmem:s16+$0x7AB0]  }
0x147: {  	v12 =	vld [tilespmem:s16+$0x7AC0]  }
0x148: {  	v11 =	vld [tilespmem:s16+$0x7AD0]  }
0x149: {  	v10 =	vld [tilespmem:s16+$0x7AE0]  }
0x14a: {  	v9 =	vld [tilespmem:s16+$0x7AF0]  }
0x14b: {  	v8 =	vld [tilespmem:s16+$0x7B00]  }
0x14c: {  	v32 =	vld [tilespmem:s16+$0x2A10]  }
0x14d: {  	v33 =	vld [tilespmem:s16+$0x2A20]  }
0x14e: {  	v34 =	vld [tilespmem:s16+$0x2A30]  }
0x14f: {  	v35 =	vld [tilespmem:s16+$0x2A40]  }
0x150: {  	v36 =	vld [tilespmem:s16+$0x2A50]  }
0x151: {  	v21 =	vadd.f32 v21, v32;
	v32 =	vld [tilespmem:s16+$0x2A60]  }
0x152: {  	v23 =	vadd.f32 v23, v33;
	v33 =	vld [tilespmem:s16+$0x2A70]  }
0x153: {  	v16 =	vadd.f32 v16, v21;
	v21 =	vadd.f32 v24, v34;
	v24 =	vld [tilespmem:s16+$0x2A80]  }
0x154: {  	v17 =	vadd.f32 v17, v23;
	v23 =	vadd.f32 v25, v35;
	v25 =	vld [tilespmem:s16+$0x2A90]  }
0x155: {  	[tilespmem:s16+$0x2A10] =	vst v16;
	v16 =	vadd.f32 v18, v21;
	v18 =	vadd.f32 v26, v36;
	v26 =	vld [tilespmem:s16+$0x2AA0]  }
.Ltmp1:
0x156: {  	[tilespmem:s16+$0x2A20] =	vst v17;
	v17 =	vadd.f32 v14, v23;
	v21 =	vadd.f32 v27, v32;
	v14 =	vld [tilespmem:s16+$0x2AB0];
	(pc) =	sbr.rel @p0 .LBB2_5-.Ltmp1, $4  }
0x157: {  	[tilespmem:s16+$0x2A30] =	vst v16;
	v18 =	vadd.f32 v15, v18;
	v23 =	vadd.f32 v28, v33;
	v15 =	vld [tilespmem:s16+$0x2AC0]  }
0x158: {  	[tilespmem:s16+$0x2A40] =	vst v17;
	v27 =	vadd.f32 v19, v21;
	v24 =	vadd.f32 v29, v24;
	v16 =	vld [tilespmem:s16+$0x2AD0]  }
0x159: {  	[tilespmem:s16+$0x2A50] =	vst v18;
	v21 =	vadd.f32 v20, v23;
	v19 =	vadd.f32 v30, v25;
	v17 =	vld [tilespmem:s16+$0x2AE0]  }
0x15a: {  	s12 =	sadd.s32 $0x400, s12;
	[tilespmem:s16+$0x2A60] =	vst v27;
	v22 =	vadd.f32 v22, v24;
	v20 =	vadd.f32 v31, v26;
	v18 =	vld [tilespmem:s16+$0x2AF0]  }
0x15b: {  	[tilespmem:s16+$0x2A70] =	vst v21;
	v57 =	vld [tilespmem:s16+$0x2B00];
	v7 =	vadd.f32 v7, v19;
	v13 =	vadd.f32 v13, v14  }
0x15c: {  	v58 =	vld [tilespmem:s16+$0xCAF0];
	[tilespmem:s16+$0x2A80] =	vst v22;
	v6 =	vadd.f32 v6, v20;
	v12 =	vadd.f32 v12, v15  }
0x15d: {  	v60 =	vld [tilespmem:s16+$0xCB00];
	[tilespmem:s16+$0x2A90] =	vst v7;
	v5 =	vadd.f32 v5, v13;
	v59 =	vadd.f32 v11, v16  }
0x15e: {  	[tilespmem:s16+$0x2AA0] =	vst v6;
	v4 =	vadd.f32 v4, v12;
	v61 =	vadd.f32 v10, v17  }
0x15f: {  	s20 =	sadd.s32 $0x1, s20;
	[tilespmem:s16+$0x2AB0] =	vst v5;
	v3 =	vadd.f32 v3, v59;
	v62 =	vadd.f32 v9, v18  }
0x160: {  	p0 =	sne.s32 s20, $0x3E;
	[tilespmem:s16+$0x2AC0] =	vst v4;
	v2 =	vadd.f32 v2, v61;
	v63 =	vadd.f32 v8, v57  }
.Ltmp2:
0x161: {  	[tilespmem:s16+$0x2AD0] =	vst v3;
	v3 =	vadd.f32 v58, v62;
	(pc) =	sbr.rel @p0 .LBB2_2-.Ltmp2, $4  }
0x162: {  	[tilespmem:s16+$0x2AE0] =	vst v2;
	v2 =	vadd.f32 v60, v63  }
0x163: {  	s11 =	sshll.u32 s11, $0x4;
	[tilespmem:s16+$0x2AF0] =	vst v3  }
0x164: {  	s11 =	sadd.s32 s10, s11;
	[tilespmem:s16+$0x2B00] =	vst v2  }
0x165: {  	[hbm4b:s11+s4] =	stream.linear.scatter [tilespmem:s2], [sflag:$0x6], $0x2800, $0x38;
	[tilespmem:$0xF300] =	vst v63  }
0x166: {  	s11 =	simm.s32 $0x6  }
0x167: {  	_ =	swait.ge [sflag:s11], $0x2800  }
0x168: {  	[sflag:s11] =	ssyncset.done $0x0  }
0x169: {  	[sflag:s11] =	ssyncadd.s32 $0xFFFFD800  }
0x16a: {  	_ =	swait.ge [sflag:s13], $0x2800  }
0x16b: {  	[sflag:s13] =	ssyncset.done $0x0  }
0x16c: {  	[sflag:s13] =	ssyncadd.s32 $0xFFFFD800  }
0x16d: {  	_ =	swait.ge [sflag:s13], $0x2800  }
0x16e: {  	[sflag:s13] =	ssyncset.done $0x0  }
0x16f: {  	[sflag:s13] =	ssyncadd.s32 $0xFFFFD800  }
0x170: {  	_ =	swait.ge [sflag:s13], $0x2800  }
0x171: {  	[sflag:s13] =	ssyncset.done $0x0  }
0x172: {  	s16 =	simm.s32 $0xF0;
	[sflag:s13] =	ssyncadd.s32 $0xFFFFD800  }
0x173: {  	v14 =	vld [tilespmem:s16+$0xA210]  }
0x174: {  	v15 =	vld [tilespmem:s16+$0xA220]  }
0x175: {  	v16 =	vld [tilespmem:s16+$0xA230]  }
0x176: {  	v17 =	vld [tilespmem:s16+$0xA240]  }
0x177: {  	v18 =	vld [tilespmem:s16+$0xA250]  }
0x178: {  	v19 =	vld [tilespmem:s16+$0xA260]  }
0x179: {  	v20 =	vld [tilespmem:s16+$0xA270]  }
0x17a: {  	v22 =	vld [tilespmem:s16+$0xA280]  }
0x17b: {  	v7 =	vld [tilespmem:s16+$0xA290]  }
0x17c: {  	v6 =	vld [tilespmem:s16+$0xA2A0]  }
0x17d: {  	v5 =	vld [tilespmem:s16+$0xA2B0]  }
0x17e: {  	v4 =	vld [tilespmem:s16+$0xA2C0]  }
0x17f: {  	v3 =	vld [tilespmem:s16+$0xA2D0]  }
0x180: {  	v2 =	vld [tilespmem:s16+$0xA2E0]  }
0x181: {  	v21 =	vld [tilespmem:s16+$0x5210]  }
0x182: {  	v23 =	vld [tilespmem:s16+$0x5220]  }
0x183: {  	v24 =	vld [tilespmem:s16+$0x5230]  }
0x184: {  	v25 =	vld [tilespmem:s16+$0x5240]  }
0x185: {  	v26 =	vld [tilespmem:s16+$0x5250]  }
0x186: {  	v27 =	vld [tilespmem:s16+$0x5260]  }
0x187: {  	v28 =	vld [tilespmem:s16+$0x5270]  }
0x188: {  	v29 =	vld [tilespmem:s16+$0x5280]  }
0x189: {  	v30 =	vld [tilespmem:s16+$0x5290]  }
0x18a: {  	v31 =	vld [tilespmem:s16+$0x52A0]  }
0x18b: {  	v13 =	vld [tilespmem:s16+$0x52B0]  }
0x18c: {  	v12 =	vld [tilespmem:s16+$0x52C0]  }
0x18d: {  	v11 =	vld [tilespmem:s16+$0x52D0]  }
0x18e: {  	v10 =	vld [tilespmem:s16+$0x52E0]  }
0x18f: {  	v9 =	vld [tilespmem:s16+$0x52F0]  }
0x190: {  	v8 =	vld [tilespmem:s16+$0x5300]  }
0x191: {  	v32 =	vld [tilespmem:s16+$0x210]  }
0x192: {  	v33 =	vld [tilespmem:s16+$0x220]  }
0x193: {  	v34 =	vld [tilespmem:s16+$0x230]  }
0x194: {  	v36 =	vld [tilespmem:s16+$0x250]  }
0x195: {  	v35 =	vld [tilespmem:s16+$0x240]  }
0x196: {  	v59 =	vld [tilespmem:s16+$0x260];
	v21 =	vadd.f32 v21, v32  }
0x197: {  	v37 =	vld [tilespmem:s16+$0x270];
	v23 =	vadd.f32 v23, v33  }
0x198: {  	v24 =	vadd.f32 v24, v34;
	v14 =	vadd.f32 v14, v21;
	v21 =	vld [tilespmem:s16+$0x280]  }
0x199: {  	v60 =	vld [tilespmem:s16+$0x290];
	v61 =	vadd.f32 v26, v36;
	v15 =	vadd.f32 v15, v23  }
0x19a: {  	v25 =	vadd.f32 v25, v35;
	v23 =	vld [tilespmem:s16+$0x2A0];
	v16 =	vadd.f32 v16, v24;
	[tilespmem:s16+$0x210] =	vst v14  }
0x19b: {  	v62 =	vadd.f32 v27, v59;
	v18 =	vadd.f32 v18, v61;
	[tilespmem:s16+$0x220] =	vst v15;
	v14 =	vld [tilespmem:s16+$0x2B0]  }
0x19c: {  	v63 =	vadd.f32 v28, v37;
	v17 =	vadd.f32 v17, v25;
	[tilespmem:s16+$0x230] =	vst v16;
	v15 =	vld [tilespmem:s16+$0x2C0]  }
0x19d: {  	v19 =	vadd.f32 v19, v62;
	v16 =	vld [tilespmem:s16+$0x2D0];
	[tilespmem:s16+$0x250] =	vst v18;
	v18 =	vadd.f32 v29, v21  }
0x19e: {  	[tilespmem:s16+$0x240] =	vst v17;
	v17 =	vld [tilespmem:s16+$0x2E0];
	v21 =	vadd.f32 v20, v63;
	v20 =	vadd.f32 v30, v60  }
0x19f: {  	s11 =	simm.s32 $0x7C0;
	[tilespmem:s16+$0x260] =	vst v19;
	v19 =	vadd.f32 v31, v23;
	v22 =	vadd.f32 v22, v18;
	v18 =	vld [tilespmem:s16+$0x2F0]  }
.LBB2_8:
0x1a0: {  	p0 =	sne.s32 s11, $0x9FC0;
	[tilespmem:s16+$0x270] =	vst v21;
	v7 =	vadd.f32 v7, v20;
	v13 =	vadd.f32 v13, v14;
	v14 =	vld [tilespmem:s16+$0x300]  }
0x1a1: {  	[tilespmem:s16+$0x280] =	vst v22;
	v6 =	vadd.f32 v6, v19;
	v12 =	vadd.f32 v12, v15;
	v15 =	vld [tilespmem:s16+$0xA2F0]  }
0x1a2: {  	s12 =	sshra.s32 s11, $0x2;
	[tilespmem:s16+$0x290] =	vst v7;
	v5 =	vadd.f32 v5, v13;
	v7 =	vadd.f32 v11, v16;
	v11 =	vld [tilespmem:s16+$0xA300]  }
0x1a3: {  	v16 =	vld [tilespmem:s12+$0xA210];
	[tilespmem:s16+$0x2A0] =	vst v6;
	v4 =	vadd.f32 v4, v12;
	v6 =	vadd.f32 v10, v17  }
0x1a4: {  	v17 =	vld [tilespmem:s12+$0xA220];
	[tilespmem:s16+$0x2B0] =	vst v5;
	v3 =	vadd.f32 v3, v7;
	v5 =	vadd.f32 v9, v18  }
0x1a5: {  	v18 =	vld [tilespmem:s12+$0xA230];
	[tilespmem:s16+$0x2C0] =	vst v4;
	v2 =	vadd.f32 v2, v6;
	v4 =	vadd.f32 v8, v14  }
0x1a6: {  	v14 =	vld [tilespmem:s12+$0xA240];
	[tilespmem:s16+$0x2D0] =	vst v3;
	v3 =	vadd.f32 v15, v5  }
0x1a7: {  	v15 =	vld [tilespmem:s12+$0xA250];
	[tilespmem:s16+$0x2E0] =	vst v2;
	v2 =	vadd.f32 v11, v4  }
0x1a8: {  	v19 =	vld [tilespmem:s12+$0xA260];
	[tilespmem:s16+$0x2F0] =	vst v3  }
0x1a9: {  	v20 =	vld [tilespmem:s12+$0xA270];
	[tilespmem:s16+$0x300] =	vst v2;
	s16 =	smov.u32 s12  }
0x1aa: {  	v22 =	vld [tilespmem:s16+$0xA280]  }
0x1ab: {  	v7 =	vld [tilespmem:s16+$0xA290]  }
0x1ac: {  	v6 =	vld [tilespmem:s16+$0xA2A0]  }
0x1ad: {  	v5 =	vld [tilespmem:s16+$0xA2B0]  }
0x1ae: {  	v4 =	vld [tilespmem:s16+$0xA2C0]  }
0x1af: {  	v3 =	vld [tilespmem:s16+$0xA2D0]  }
0x1b0: {  	v2 =	vld [tilespmem:s16+$0xA2E0]  }
0x1b1: {  	v21 =	vld [tilespmem:s16+$0x5210]  }
0x1b2: {  	v23 =	vld [tilespmem:s16+$0x5220]  }
0x1b3: {  	v24 =	vld [tilespmem:s16+$0x5230]  }
0x1b4: {  	v25 =	vld [tilespmem:s16+$0x5240]  }
0x1b5: {  	v26 =	vld [tilespmem:s16+$0x5250]  }
0x1b6: {  	v27 =	vld [tilespmem:s16+$0x5260]  }
0x1b7: {  	v28 =	vld [tilespmem:s16+$0x5270]  }
0x1b8: {  	v29 =	vld [tilespmem:s16+$0x5280]  }
0x1b9: {  	v30 =	vld [tilespmem:s16+$0x5290]  }
0x1ba: {  	v31 =	vld [tilespmem:s16+$0x52A0]  }
0x1bb: {  	v13 =	vld [tilespmem:s16+$0x52B0]  }
0x1bc: {  	v12 =	vld [tilespmem:s16+$0x52C0]  }
0x1bd: {  	v11 =	vld [tilespmem:s16+$0x52D0]  }
0x1be: {  	v10 =	vld [tilespmem:s16+$0x52E0]  }
0x1bf: {  	v9 =	vld [tilespmem:s16+$0x52F0]  }
0x1c0: {  	v8 =	vld [tilespmem:s16+$0x5300]  }
0x1c1: {  	v32 =	vld [tilespmem:s16+$0x210]  }
0x1c2: {  	v33 =	vld [tilespmem:s16+$0x220]  }
0x1c3: {  	v34 =	vld [tilespmem:s16+$0x230]  }
0x1c4: {  	v35 =	vld [tilespmem:s16+$0x240]  }
0x1c5: {  	v36 =	vld [tilespmem:s16+$0x250]  }
0x1c6: {  	v21 =	vadd.f32 v21, v32;
	v32 =	vld [tilespmem:s16+$0x260]  }
0x1c7: {  	v23 =	vadd.f32 v23, v33;
	v33 =	vld [tilespmem:s16+$0x270]  }
0x1c8: {  	v16 =	vadd.f32 v16, v21;
	v21 =	vadd.f32 v24, v34;
	v24 =	vld [tilespmem:s16+$0x280]  }
0x1c9: {  	v17 =	vadd.f32 v17, v23;
	v23 =	vadd.f32 v25, v35;
	v25 =	vld [tilespmem:s16+$0x290]  }
0x1ca: {  	[tilespmem:s16+$0x210] =	vst v16;
	v16 =	vadd.f32 v18, v21;
	v18 =	vadd.f32 v26, v36;
	v26 =	vld [tilespmem:s16+$0x2A0]  }
.Ltmp3:
0x1cb: {  	[tilespmem:s16+$0x220] =	vst v17;
	v17 =	vadd.f32 v14, v23;
	v21 =	vadd.f32 v27, v32;
	v14 =	vld [tilespmem:s16+$0x2B0];
	(pc) =	sbr.rel @p0 .LBB2_8-.Ltmp3, $4  }
0x1cc: {  	[tilespmem:s16+$0x230] =	vst v16;
	v18 =	vadd.f32 v15, v18;
	v23 =	vadd.f32 v28, v33;
	v15 =	vld [tilespmem:s16+$0x2C0]  }
0x1cd: {  	[tilespmem:s16+$0x240] =	vst v17;
	v19 =	vadd.f32 v19, v21;
	v24 =	vadd.f32 v29, v24;
	v16 =	vld [tilespmem:s16+$0x2D0]  }
0x1ce: {  	[tilespmem:s16+$0x250] =	vst v18;
	v21 =	vadd.f32 v20, v23;
	v20 =	vadd.f32 v30, v25;
	v17 =	vld [tilespmem:s16+$0x2E0]  }
0x1cf: {  	s11 =	sadd.s32 $0x400, s11;
	[tilespmem:s16+$0x260] =	vst v19;
	v22 =	vadd.f32 v22, v24;
	v19 =	vadd.f32 v31, v26;
	v18 =	vld [tilespmem:s16+$0x2F0]  }
0x1d0: {  	[tilespmem:s16+$0x270] =	vst v21;
	v57 =	vld [tilespmem:s16+$0x300];
	v7 =	vadd.f32 v7, v20;
	v13 =	vadd.f32 v13, v14  }
0x1d1: {  	v58 =	vld [tilespmem:s16+$0xA2F0];
	[tilespmem:s16+$0x280] =	vst v22;
	v6 =	vadd.f32 v6, v19;
	v12 =	vadd.f32 v12, v15  }
0x1d2: {  	v60 =	vld [tilespmem:s16+$0xA300];
	[tilespmem:s16+$0x290] =	vst v7;
	v5 =	vadd.f32 v5, v13;
	v59 =	vadd.f32 v11, v16  }
0x1d3: {  	[tilespmem:s16+$0x2A0] =	vst v6;
	v4 =	vadd.f32 v4, v12;
	v61 =	vadd.f32 v10, v17  }
0x1d4: {  	[tilespmem:s16+$0x2B0] =	vst v5;
	v3 =	vadd.f32 v3, v59;
	v62 =	vadd.f32 v9, v18  }
0x1d5: {  	[tilespmem:s16+$0x2C0] =	vst v4;
	v2 =	vadd.f32 v2, v61;
	v63 =	vadd.f32 v8, v57  }
0x1d6: {  	[tilespmem:s16+$0x2D0] =	vst v3;
	v3 =	vadd.f32 v58, v62  }
0x1d7: {  	[tilespmem:s16+$0x2E0] =	vst v2;
	v2 =	vadd.f32 v60, v63  }
0x1d8: {  	[tilespmem:s16+$0x2F0] =	vst v3  }
0x1d9: {  	s11 =	rddreg [dreg:$0xa];
	[tilespmem:s16+$0x300] =	vst v2  }
0x1da: {  	[hbm4b:s11+s4] =	stream.linear.scatter [tilespmem:s25], [sflag:$0x5], $0x2800, $0x38;
	[tilespmem:$0xF300] =	vst v63  }
0x1db: {  	_ =	swait.ge [sflag:s14], $0x2800  }
0x1dc: {  	s12 =	rddreg [dreg:$0xc]  }
0x1dd: {  	s26 =	rddreg [dreg:$0xb];
	s12 =	sadd.s32 $0x1, s12  }
0x1de: {  	p0 =	sne.s32 s12, s26  }
.Ltmp4:
0x1df: {  	_ = 	snop;
	(pc) =	sbr.rel @p0 .LBB2_1-.Ltmp4, $3  }
0x1e0: {  	_ =	sdelay $0x1  }
0x1e1: {  	[sflag:s14] =	ssyncset.done $0x0  }
0x1e2: {  	[sflag:s14] =	ssyncadd.s32 $0xFFFFD800  }
0x1e3: {  	_ =	sfence.sel $0x180000  }
0x1e4: {  	[bflag:$0x0] =	sbarrier.arrive $0xFFFF  }
0x1e5: {  	_ =	strace $0x90000047  }
0x1e6: {  	s0 =	stileid.u32;
	[bflag:$0x2] =	sbarrier.arrive $0xFFFF  }
0x1e7: {  	p0 =	sne.s32 s0, $0x0;
	s0 =	rddreg [dreg:$0x3]  }
0x1e8: {  	s0 =	sadd.s32 @!p0 $0x100000, s0  }
0x1e9: {  	[sflag:s0] =	ssyncadd.tile.s32 @!p0 $0x1;
	_ =	shalt  }
.Lfunc_end2:
_tile_overlayer_lowered:
.L_overlay_start_2:
0x1ea: {  	(tag) =	ssettag $0x2  }
0x1eb: {  	s0 =	rddreg [dreg:$0x0];
	s2 =	stileid.u32  }
0x1ec: {  	s1 =	rddreg [dreg:$0x1];
	p0 =	sne.s32 s2, $0x0  }
0x1ed: {  	s3 =	rddreg [dreg:$0x2];
	[bflag:$0x3] =	sbarrier.arrive $0xFFFF;
	s2 =	simm.s32 @!p0 $0x1C07  }
0x1ee: {  	[timem:s3], [sflag:s2] =	dma.local @!p0 [hbm:s0], s1  }
0x1ef: {  	s0 =	simm.s32 @!p0 $0x7  }
0x1f0: {  	_ =	swait.ge @!p0 [sflag:s0], s1  }
0x1f1: {  	s1 =	ssub.s32 @!p0 $0x0, s1;
	[sflag:s0] =	ssyncset.done @!p0 $0x0  }
0x1f2: {  	[sflag:s0] =	ssyncadd.s32 @!p0 s1  }
0x1f3: {  	[bflag:$0x3] =	sbarrier.arrive $0xFFFF  }
0x1f4: {  	_ =	shalt  }

</sc_bundles>
